<compile_context>
chip_gen: v7x
topology: tpu7x:2x2x1
jax: 0.10.2.dev20260603
libtpu: 0.0.44.dev20260713+nightly
codegen_flags: <defaults>
</compile_context>

<pallas_src>
import functools

import jax
import jax.numpy as jnp
from jax import lax
from jax.experimental import pallas as pl
from jax.experimental.pallas import tpu as pltpu
from jax.experimental.pallas import tpu_sc as plsc

N = 10000
E = 320000
H = 128
G = 64

NC = 2
NS = 16
NW = NC * NS
EPW = E // NW
CH = 80
NCH = EPW // CH
NPAIR = (NCH - 1) // 2
TAIL = 2 * NPAIR

S = 5
ES = E // S
EPWS = ES // NW
NCHS = EPWS // CH
PAIRS_S = (NCHS - 1) // 2
TAIL_S = 2 * PAIRS_S
NP = 10240
TR = NP // NS
CW = 128

BN = 1000
NB = N // BN
BE = 2000
NEB = E // BE

_PREC = lax.Precision.DEFAULT


def _sp(x):
    return jnp.maximum(x, 0.0) + jnp.log1p(jnp.exp(-jnp.abs(x)))


def _dot(a, b):
    return jnp.dot(a, b, preferred_element_type=jnp.float32, precision=_PREC)


def _dot0(a, b):
    return lax.dot_general(a, b, (((0,), (0,)), ((), ())),
                           preferred_element_type=jnp.float32, precision=_PREC)



def _prep_body(x_ref, b_ref, u_ref, wr_ref, wc_ref, wu_ref, be0_ref,
               xrb_ref, xc_ref):
    ue = _dot(u_ref[...], wu_ref[...])
    b = b_ref[0]
    ohT = (lax.broadcasted_iota(jnp.int32, (G, BN), 0) == b).astype(jnp.float32)
    ubn = _dot0(ohT, ue)
    xb = x_ref[...]
    xrb_ref[...] = _dot(xb, wr_ref[...]) + ubn + be0_ref[...]
    xc_ref[...] = _dot(xb, wc_ref[...])


def _prep(x, batch3, u, wr, wc, wu, be0):
    full = lambda r, c: pl.BlockSpec((r, c), lambda i: (0, 0))
    return pl.pallas_call(
        _prep_body,
        grid=(NB,),
        in_specs=[
            pl.BlockSpec((BN, H), lambda i: (i, 0)),
            pl.BlockSpec((1, 1, BN), lambda i: (i, 0, 0)),
            full(G, H), full(H, H), full(H, H), full(H, H), full(1, H),
        ],
        out_specs=[pl.BlockSpec((BN, H), lambda i: (i, 0)),
                   pl.BlockSpec((BN, H), lambda i: (i, 0))],
        out_shape=[jax.ShapeDtypeStruct((N, H), jnp.float32)] * 2,
    )(x, batch3, u, wr, wc, wu, be0)



_MESH = plsc.VectorSubcoreMesh(core_axis_name="c", subcore_axis_name="s",
                               num_cores=NC, num_subcores=NS)


@functools.partial(
    pl.kernel,
    out_type=jax.ShapeDtypeStruct((ES, H), jnp.float32),
    mesh=_MESH,
    scratch_types=[
        pltpu.VMEM((NCHS, CH), jnp.int32),
        pltpu.VMEM((NCHS, CH), jnp.int32),
        pltpu.VMEM((CH, H), jnp.float32),
        pltpu.VMEM((CH, H), jnp.float32),
        pltpu.SemaphoreType.DMA,
        pltpu.SemaphoreType.DMA,
    ],
)
def _sc_gather(xrb_hbm, xc_hbm, row_hbm, col_hbm, base_hbm,
               idx_r, idx_c, buf_a, buf_b, sem_a, sem_b):
    c = lax.axis_index("c")
    s = lax.axis_index("s")
    wid = s * NC + c
    ebase = wid * EPWS
    pltpu.sync_copy(row_hbm.at[wid], idx_r)
    pltpu.sync_copy(col_hbm.at[wid], idx_c)

    def pair(i, carry):
        j0 = 2 * i
        j1 = j0 + 1
        a = pltpu.async_copy(xrb_hbm.at[idx_r.at[j0]], buf_a, sem_a)
        b = pltpu.async_copy(xrb_hbm.at[idx_r.at[j1]], buf_b, sem_b)
        a.wait()
        a2 = pltpu.async_copy(xc_hbm.at[idx_c.at[j0]], buf_a, sem_a, add=True)
        b.wait()
        b2 = pltpu.async_copy(xc_hbm.at[idx_c.at[j1]], buf_b, sem_b, add=True)
        a2.wait()
        a3 = pltpu.async_copy(buf_a, base_hbm.at[pl.ds(ebase + j0 * CH, CH)],
                              sem_a)
        b2.wait()
        b3 = pltpu.async_copy(buf_b, base_hbm.at[pl.ds(ebase + j1 * CH, CH)],
                              sem_b)
        a3.wait()
        b3.wait()
        return carry

    lax.fori_loop(0, PAIRS_S, pair, 0)
    t = pltpu.async_copy(xrb_hbm.at[idx_r.at[TAIL_S]], buf_a, sem_a)
    t.wait()
    t2 = pltpu.async_copy(xc_hbm.at[idx_c.at[TAIL_S]], buf_a, sem_a, add=True)
    t2.wait()
    t3 = pltpu.async_copy(buf_a, base_hbm.at[pl.ds(ebase + TAIL_S * CH, CH)],
                          sem_a)
    t3.wait()



def _edge_body(ea_ref, base_ref, wea_ref, w1_ref, b1_ref, out_ref):
    h = _sp(_dot(ea_ref[...], wea_ref[...]) + base_ref[...])
    out_ref[...] = _sp(_dot(h, w1_ref[...]) + b1_ref[...])


NEBS = ES // BE


def _edge_mlp_seg(seg, edge_attr, base, wea, w1, b1):
    off = seg * NEBS
    full = lambda r, c: pl.BlockSpec((r, c), lambda i: (0, 0))
    return pl.pallas_call(
        _edge_body,
        grid=(NEBS,),
        in_specs=[
            pl.BlockSpec((BE, H), lambda i, _o=off: (_o + i, 0)),
            pl.BlockSpec((BE, H), lambda i: (i, 0)),
            full(H, H), full(H, H), full(1, H),
        ],
        out_specs=pl.BlockSpec((BE, H), lambda i: (i, 0)),
        out_shape=jax.ShapeDtypeStruct((ES, H), jnp.float32),
    )(edge_attr, base, wea, w1, b1)



@functools.partial(
    pl.kernel,
    out_type=jax.ShapeDtypeStruct((NC, NP, H), jnp.float32),
    mesh=_MESH,
    scratch_types=[
        pltpu.VMEM_SHARED((NP, H), jnp.float32),
        pltpu.VMEM((NCH, CH), jnp.int32),
        pltpu.VMEM((CH, H), jnp.float32),
        pltpu.VMEM((CH, H), jnp.float32),
        pltpu.SemaphoreType.DMA,
        pltpu.SemaphoreType.DMA,
    ],
)
def _sc_scatter(vals_hbm, row_hbm, zrow_hbm, esum_hbm,
                acc, idx_r, buf_a, buf_b, sem_a, sem_b):
    c = lax.axis_index("c")
    s = lax.axis_index("s")
    wid = s * NC + c
    ebase = wid * EPW

    za = pltpu.async_copy(zrow_hbm, acc.at[pl.ds(s * TR, TR)], sem_a)
    pltpu.sync_copy(row_hbm.at[wid], idx_r)
    za.wait()
    plsc.subcore_barrier()

    def pair(i, carry):
        j0 = 2 * i
        j1 = j0 + 1
        a = pltpu.async_copy(vals_hbm.at[pl.ds(ebase + j0 * CH, CH)],
                             buf_a, sem_a)
        b = pltpu.async_copy(vals_hbm.at[pl.ds(ebase + j1 * CH, CH)],
                             buf_b, sem_b)
        a.wait()
        a2 = pltpu.async_copy(buf_a, acc.at[idx_r.at[j0]], sem_a, add=True)
        b.wait()
        b2 = pltpu.async_copy(buf_b, acc.at[idx_r.at[j1]], sem_b, add=True)
        a2.wait()
        b2.wait()
        return carry

    lax.fori_loop(0, NPAIR, pair, 0)
    t = pltpu.async_copy(vals_hbm.at[pl.ds(ebase + TAIL * CH, CH)],
                         buf_a, sem_a)
    t.wait()
    t2 = pltpu.async_copy(buf_a, acc.at[idx_r.at[TAIL]], sem_a, add=True)
    t2.wait()
    plsc.subcore_barrier()

    oa = pltpu.async_copy(acc.at[pl.ds(s * TR, TR)],
                          esum_hbm.at[c, pl.ds(s * TR, TR)], sem_a)
    oa.wait()



@functools.partial(
    pl.kernel,
    out_type=jax.ShapeDtypeStruct((NC, NP, CW), jnp.float32),
    mesh=_MESH,
    scratch_types=[
        pltpu.VMEM_SHARED((NP, CW), jnp.float32),
        pltpu.VMEM((NCH, CH), jnp.int32),
        pltpu.VMEM((CH, CW), jnp.float32),
        pltpu.SemaphoreType.DMA,
        pltpu.SemaphoreType.DMA,
    ],
)
def _sc_count(row_hbm, zcnt_hbm, cnt_hbm, acc_cnt, idx_r, ones_v,
              sem_a, sem_b):
    c = lax.axis_index("c")
    s = lax.axis_index("s")
    wid = s * NC + c

    za = pltpu.async_copy(zcnt_hbm, acc_cnt.at[pl.ds(s * TR, TR)], sem_a)
    pltpu.sync_copy(row_hbm.at[wid], idx_r)

    def fill(i, carry):
        ones_v[i, pl.ds(0, CW)] = jnp.ones((CW,), jnp.float32)
        return carry

    lax.fori_loop(0, CH, fill, 0)
    za.wait()
    plsc.subcore_barrier()

    def pair(i, carry):
        j0 = 2 * i
        j1 = j0 + 1
        a = pltpu.async_copy(ones_v, acc_cnt.at[idx_r.at[j0]], sem_a,
                             add=True)
        b = pltpu.async_copy(ones_v, acc_cnt.at[idx_r.at[j1]], sem_b,
                             add=True)
        a.wait()
        b.wait()
        return carry

    lax.fori_loop(0, NPAIR, pair, 0)
    t = pltpu.async_copy(ones_v, acc_cnt.at[idx_r.at[TAIL]], sem_a, add=True)
    t.wait()
    plsc.subcore_barrier()

    oa = pltpu.async_copy(acc_cnt.at[pl.ds(s * TR, TR)],
                          cnt_hbm.at[c, pl.ds(s * TR, TR)], sem_a)
    oa.wait()



def _node_body(x_ref, es_ref, cn_ref, u_ref, b_ref,
               wvx_ref, wve_ref, wvu_ref, bv0_ref, wv1_ref, bv1_ref,
               wuu_ref, wue_ref, wuv_ref, bu0_ref, wu1_ref, bu1_ref,
               xnew_ref, unew_ref,
               aes_ref, aec_ref, avs_ref, avc_ref):
    i = pl.program_id(0)

    @pl.when(i == 0)
    def _():
        aes_ref[...] = jnp.zeros((G, H), jnp.float32)
        aec_ref[...] = jnp.zeros((G, CW), jnp.float32)
        avs_ref[...] = jnp.zeros((G, H), jnp.float32)
        avc_ref[...] = jnp.zeros((G, CW), jnp.float32)

    esum = es_ref[0] + es_ref[1]
    cnt16 = cn_ref[0] + cn_ref[1]
    cnt1 = cnt16[:, 0:1]
    e_aggr = esum / jnp.maximum(cnt1, 1.0)
    b = b_ref[0]
    ohT = (lax.broadcasted_iota(jnp.int32, (G, BN), 0) == b).astype(jnp.float32)
    uv = _dot(u_ref[...], wvu_ref[...])
    h0 = (_dot(x_ref[...], wvx_ref[...]) + _dot(e_aggr, wve_ref[...])
          + _dot0(ohT, uv) + bv0_ref[...])
    xnew = _sp(_dot(_sp(h0), wv1_ref[...]) + bv1_ref[...])
    xnew_ref[...] = xnew

    aes_ref[...] += _dot(ohT, esum)
    aec_ref[...] += _dot(ohT, cnt16)
    avs_ref[...] += _dot(ohT, xnew)
    avc_ref[...] += _dot(ohT, jnp.ones((BN, CW), jnp.float32))

    @pl.when(i == NB - 1)
    def _():
        e_mean = aes_ref[...] / jnp.maximum(aec_ref[:, 0:1], 1.0)
        v_mean = avs_ref[...] / jnp.maximum(avc_ref[:, 0:1], 1.0)
        h0u = (_dot(u_ref[...], wuu_ref[...]) + _dot(e_mean, wue_ref[...])
               + _dot(v_mean, wuv_ref[...]) + bu0_ref[...])
        unew_ref[...] = _sp(_dot(_sp(h0u), wu1_ref[...]) + bu1_ref[...])


def _node(x, esum, cnt, u, batch3, wvx, wve, wvu, bv0, wv1, bv1,
          wuu, wue, wuv, bu0, wu1, bu1):
    full = lambda r, c: pl.BlockSpec((r, c), lambda i: (0, 0))
    return pl.pallas_call(
        _node_body,
        grid=(NB,),
        in_specs=[
            pl.BlockSpec((BN, H), lambda i: (i, 0)),
            pl.BlockSpec((NC, BN, H), lambda i: (0, i, 0)),
            pl.BlockSpec((NC, BN, CW), lambda i: (0, i, 0)),
            full(G, H),
            pl.BlockSpec((1, 1, BN), lambda i: (i, 0, 0)),
            full(H, H), full(H, H), full(H, H), full(1, H), full(H, H),
            full(1, H),
            full(H, H), full(H, H), full(H, H), full(1, H), full(H, H),
            full(1, H),
        ],
        out_specs=[pl.BlockSpec((BN, H), lambda i: (i, 0)),
                   pl.BlockSpec((G, H), lambda i: (0, 0))],
        out_shape=[jax.ShapeDtypeStruct((N, H), jnp.float32),
                   jax.ShapeDtypeStruct((G, H), jnp.float32)],
        scratch_shapes=[
            pltpu.VMEM((G, H), jnp.float32),
            pltpu.VMEM((G, CW), jnp.float32),
            pltpu.VMEM((G, H), jnp.float32),
            pltpu.VMEM((G, CW), jnp.float32),
        ],
    )(x, esum, cnt, u, batch3, wvx, wve, wvu, bv0, wv1, bv1,
      wuu, wue, wuv, bu0, wu1, bu1)



def kernel(x, edge_index, edge_attr, u, batch,
           phi_e_W0, phi_e_b0, phi_e_W1, phi_e_b1,
           phi_v_W0, phi_v_b0, phi_v_W1, phi_v_b1,
           phi_u_W0, phi_u_b0, phi_u_W1, phi_u_b1):
    row = edge_index[0].astype(jnp.int32)
    col = edge_index[1].astype(jnp.int32)
    batch3 = batch.astype(jnp.int32).reshape(NB, 1, BN)
    row3 = row.reshape(NW, NCH, CH)
    row5 = row.reshape(S, NW, NCHS, CH)
    col5 = col.reshape(S, NW, NCHS, CH)

    wr, wc, wea, wu = (phi_e_W0[0:H], phi_e_W0[H:2 * H],
                       phi_e_W0[2 * H:3 * H], phi_e_W0[3 * H:4 * H])
    wvx, wve, wvu = phi_v_W0[0:H], phi_v_W0[H:2 * H], phi_v_W0[2 * H:3 * H]
    wuu, wue, wuv = phi_u_W0[0:H], phi_u_W0[H:2 * H], phi_u_W0[2 * H:3 * H]
    be0 = phi_e_b0.reshape(1, H)
    be1 = phi_e_b1.reshape(1, H)
    bv0 = phi_v_b0.reshape(1, H)
    bv1 = phi_v_b1.reshape(1, H)
    bu0 = phi_u_b0.reshape(1, H)
    bu1 = phi_u_b1.reshape(1, H)

    xrb, xc = _prep(x, batch3, u, wr, wc, wu, be0)
    bases = [_sc_gather(xrb, xc, row5[s], col5[s]) for s in range(S)]
    zcnt = jnp.zeros((TR, CW), jnp.float32)
    cnt = _sc_count(row3, zcnt)
    es = [_edge_mlp_seg(s, edge_attr, bases[s], wea, phi_e_W1, be1)
          for s in range(S)]
    enew = jnp.concatenate(es, axis=0)
    zrow = jnp.zeros((TR, H), jnp.float32)
    esum = _sc_scatter(enew, row3, zrow)
    xnew, unew = _node(x, esum, cnt, u, batch3, wvx, wve, wvu, bv0,
                       phi_v_W1, bv1, wuu, wue, wuv, bu0, phi_u_W1, bu1)
    return xnew, enew, unew

# --- scband reference (transcript-rebuilt; emitter-appended) ---
"""Pipeline reference for scband-megnet-block-66005057405562 (READ-ONLY COPY).

The authoritative reference and input builder live on the scoring server;
editing this copy changes nothing except your own understanding.
"""

import jax, jax.numpy as jnp
import numpy as np

N = 10000
E = 320000
H = 128
G = 64


def _mlp(x, W0, b0, W1, b1):
    h = jax.nn.softplus(x @ W0 + b0)
    return jax.nn.softplus(h @ W1 + b1)


def _seg_mean(vals, idx, num):
    s = jax.ops.segment_sum(vals, idx, num_segments=num)
    c = jax.ops.segment_sum(jnp.ones((vals.shape[0], 1), dtype=vals.dtype), idx, num_segments=num)
    c = jnp.maximum(c, 1.0)
    return s / c


def setup_inputs(seed: int = 0) -> dict:
    key = jax.random.key(seed)
    ks = jax.random.split(key, 20)
    x = jax.random.normal(ks[0], (N, H), dtype=jnp.float32)
    edge_index = jax.random.randint(ks[1], (2, E), 0, N, dtype=jnp.int64)
    edge_attr = jax.random.normal(ks[2], (E, H), dtype=jnp.float32)
    u = jax.random.normal(ks[3], (G, H), dtype=jnp.float32)
    batch = jnp.sort(jax.random.randint(ks[4], (N,), 0, G, dtype=jnp.int64))

    def lin(k, fan_in, fan_out):
        bound = 1.0 / np.sqrt(fan_in)
        kw, kb = jax.random.split(k)
        W = jax.random.uniform(kw, (fan_in, fan_out), minval=-bound, maxval=bound, dtype=jnp.float32)
        b = jax.random.uniform(kb, (fan_out,), minval=-bound, maxval=bound, dtype=jnp.float32)
        return W, b

    phi_e_W0, phi_e_b0 = lin(ks[5], 4 * H, H)
    phi_e_W1, phi_e_b1 = lin(ks[6], H, H)
    phi_v_W0, phi_v_b0 = lin(ks[7], 3 * H, H)
    phi_v_W1, phi_v_b1 = lin(ks[8], H, H)
    phi_u_W0, phi_u_b0 = lin(ks[9], 3 * H, H)
    phi_u_W1, phi_u_b1 = lin(ks[10], H, H)

    return {
        "x": x, "edge_index": edge_index, "edge_attr": edge_attr, "u": u, "batch": batch,
        "phi_e_W0": phi_e_W0, "phi_e_b0": phi_e_b0, "phi_e_W1": phi_e_W1, "phi_e_b1": phi_e_b1,
        "phi_v_W0": phi_v_W0, "phi_v_b0": phi_v_b0, "phi_v_W1": phi_v_W1, "phi_v_b1": phi_v_b1,
        "phi_u_W0": phi_u_W0, "phi_u_b0": phi_u_b0, "phi_u_W1": phi_u_W1, "phi_u_b1": phi_u_b1,
    }


def reference(x, edge_index, edge_attr, u, batch,
              phi_e_W0, phi_e_b0, phi_e_W1, phi_e_b1,
              phi_v_W0, phi_v_b0, phi_v_W1, phi_v_b1,
              phi_u_W0, phi_u_b0, phi_u_W1, phi_u_b1):
    row = edge_index[0]
    col = edge_index[1]
    e_in = jnp.concatenate([x[row], x[col], edge_attr, u[batch[row]]], axis=-1)
    edge_attr_new = _mlp(e_in, phi_e_W0, phi_e_b0, phi_e_W1, phi_e_b1)
    e_aggr = _seg_mean(edge_attr_new, row, N)
    v_in = jnp.concatenate([x, e_aggr, u[batch]], axis=-1)
    x_new = _mlp(v_in, phi_v_W0, phi_v_b0, phi_v_W1, phi_v_b1)
    e_mean = _seg_mean(edge_attr_new, batch[row], G)
    v_mean = _seg_mean(x_new, batch, G)
    u_in = jnp.concatenate([u, e_mean, v_mean], axis=-1)
    u_new = _mlp(u_in, phi_u_W0, phi_u_b0, phi_u_W1, phi_u_b1)
    return (x_new, edge_attr_new, u_new)

if __name__ == "__main__":
    import jax
    _d = setup_inputs()
    print(jax.jit(kernel)(*tuple(_d.values())))

</pallas_src>

<mosaic_0001>
#map = affine_map<(d0, d1) -> (0, 0)>
#map1 = affine_map<(d0, d1) -> (0, 0, 0)>
module attributes {stable_mosaic.version = 14 : i64} {
  func.func @_sc_gather(%arg0: i32, %arg1: i32, %arg2: memref<10000x128xf32, #tpu.memory_space<hbm>>, %arg3: memref<10000x128xf32, #tpu.memory_space<hbm>>, %arg4: memref<32x25x80xi32, #tpu.memory_space<hbm>>, %arg5: memref<32x25x80xi32, #tpu.memory_space<hbm>>, %arg6: memref<64000x128xf32, #tpu.memory_space<hbm>>, %arg7: memref<25x80xi32, #tpu.memory_space<vmem>>, %arg8: memref<25x80xi32, #tpu.memory_space<vmem>>, %arg9: memref<80x128xf32, #tpu.memory_space<vmem>>, %arg10: memref<80x128xf32, #tpu.memory_space<vmem>>, %arg11: memref<!tpu.dma_semaphore, #tpu.memory_space<semaphore_mem>>, %arg12: memref<!tpu.dma_semaphore, #tpu.memory_space<semaphore_mem>>) attributes {dimension_semantics = [#tpu.dimension_semantics<core_parallel>, #tpu.dimension_semantics<subcore_parallel>], iteration_bounds = array<i64: 2, 16>, scalar_prefetch = 0 : i64, scratch_operands = 6 : i64, tpu.core_type = #tpu.core_type<sc_vector_subcore>, window_params = [{transform_indices = #map}, {transform_indices = #map}, {transform_indices = #map1}, {transform_indices = #map1}, {transform_indices = #map}]} {
    %mul3A = arith.constant 2 : i32
    %mul3A_0 = arith.muli %arg1, %mul3A : i32
    %add3A = arith.addi %mul3A_0, %arg0 : i32
    %mul3A_1 = arith.constant 2000 : i32
    %mul3A_2 = arith.muli %add3A, %mul3A_1 : i32
    "tpu.region"() ({
      %run_scoped3A = tpu.sem_alloc : memref<!tpu.dma_semaphore, #tpu.memory_space<semaphore_mem>>
      %dma_start3A_44 = arith.constant 0 : i32
      %dma_start3A_45 = arith.constant 0 : i32
      %dma_start3A_46 = tpu.memref_slice %arg4[%add3A, %dma_start3A_44, %dma_start3A_45] : memref<32x25x80xi32, #tpu.memory_space<hbm>> -> memref<1x25x80xi32, #tpu.memory_space<hbm>>
      %dma_start3A_47 = tpu.memref_squeeze %dma_start3A_46 : memref<1x25x80xi32, #tpu.memory_space<hbm>> -> memref<25x80xi32, #tpu.memory_space<hbm>>
      %dma_start3A_48 = arith.constant 0 : i32
      %dma_start3A_49 = arith.constant 0 : i32
      %dma_start3A_50 = tpu.memref_slice %arg4[%add3A, %dma_start3A_48, %dma_start3A_49] : memref<32x25x80xi32, #tpu.memory_space<hbm>> -> memref<1x25x80xi32, #tpu.memory_space<hbm>>
      %dma_start3A_51 = tpu.memref_squeeze %dma_start3A_50 : memref<1x25x80xi32, #tpu.memory_space<hbm>> -> memref<25x80xi32, #tpu.memory_space<hbm>>
      tpu.enqueue_dma source(%dma_start3A_51 : memref<25x80xi32, #tpu.memory_space<hbm>>) target(%arg7 : memref<25x80xi32, #tpu.memory_space<vmem>>) target_semaphore(%run_scoped3A : memref<!tpu.dma_semaphore, #tpu.memory_space<semaphore_mem>>)
      %dma_wait3A_52 = arith.constant 0 : i32
      %dma_wait3A_53 = arith.constant 0 : i32
      %dma_wait3A_54 = tpu.memref_slice %arg4[%add3A, %dma_wait3A_52, %dma_wait3A_53] : memref<32x25x80xi32, #tpu.memory_space<hbm>> -> memref<1x25x80xi32, #tpu.memory_space<hbm>>
      %dma_wait3A_55 = tpu.memref_squeeze %dma_wait3A_54 : memref<1x25x80xi32, #tpu.memory_space<hbm>> -> memref<25x80xi32, #tpu.memory_space<hbm>>
      %dma_wait3A_56 = arith.constant 0 : i32
      %dma_wait3A_57 = arith.constant 0 : i32
      %dma_wait3A_58 = tpu.memref_slice %arg4[%add3A, %dma_wait3A_56, %dma_wait3A_57] : memref<32x25x80xi32, #tpu.memory_space<hbm>> -> memref<1x25x80xi32, #tpu.memory_space<hbm>>
      %dma_wait3A_59 = tpu.memref_squeeze %dma_wait3A_58 : memref<1x25x80xi32, #tpu.memory_space<hbm>> -> memref<25x80xi32, #tpu.memory_space<hbm>>
      tpu.wait_dma2 semaphore(%run_scoped3A : memref<!tpu.dma_semaphore, #tpu.memory_space<semaphore_mem>>) src(%dma_wait3A_59 : memref<25x80xi32, #tpu.memory_space<hbm>>) dst(%arg7 : memref<25x80xi32, #tpu.memory_space<vmem>>)
      tpu.yield
    }) : () -> ()
    "tpu.region"() ({
      %run_scoped3A = tpu.sem_alloc : memref<!tpu.dma_semaphore, #tpu.memory_space<semaphore_mem>>
      %dma_start3A_44 = arith.constant 0 : i32
      %dma_start3A_45 = arith.constant 0 : i32
      %dma_start3A_46 = tpu.memref_slice %arg5[%add3A, %dma_start3A_44, %dma_start3A_45] : memref<32x25x80xi32, #tpu.memory_space<hbm>> -> memref<1x25x80xi32, #tpu.memory_space<hbm>>
      %dma_start3A_47 = tpu.memref_squeeze %dma_start3A_46 : memref<1x25x80xi32, #tpu.memory_space<hbm>> -> memref<25x80xi32, #tpu.memory_space<hbm>>
      %dma_start3A_48 = arith.constant 0 : i32
      %dma_start3A_49 = arith.constant 0 : i32
      %dma_start3A_50 = tpu.memref_slice %arg5[%add3A, %dma_start3A_48, %dma_start3A_49] : memref<32x25x80xi32, #tpu.memory_space<hbm>> -> memref<1x25x80xi32, #tpu.memory_space<hbm>>
      %dma_start3A_51 = tpu.memref_squeeze %dma_start3A_50 : memref<1x25x80xi32, #tpu.memory_space<hbm>> -> memref<25x80xi32, #tpu.memory_space<hbm>>
      tpu.enqueue_dma source(%dma_start3A_51 : memref<25x80xi32, #tpu.memory_space<hbm>>) target(%arg8 : memref<25x80xi32, #tpu.memory_space<vmem>>) target_semaphore(%run_scoped3A : memref<!tpu.dma_semaphore, #tpu.memory_space<semaphore_mem>>)
      %dma_wait3A_52 = arith.constant 0 : i32
      %dma_wait3A_53 = arith.constant 0 : i32
      %dma_wait3A_54 = tpu.memref_slice %arg5[%add3A, %dma_wait3A_52, %dma_wait3A_53] : memref<32x25x80xi32, #tpu.memory_space<hbm>> -> memref<1x25x80xi32, #tpu.memory_space<hbm>>
      %dma_wait3A_55 = tpu.memref_squeeze %dma_wait3A_54 : memref<1x25x80xi32, #tpu.memory_space<hbm>> -> memref<25x80xi32, #tpu.memory_space<hbm>>
      %dma_wait3A_56 = arith.constant 0 : i32
      %dma_wait3A_57 = arith.constant 0 : i32
      %dma_wait3A_58 = tpu.memref_slice %arg5[%add3A, %dma_wait3A_56, %dma_wait3A_57] : memref<32x25x80xi32, #tpu.memory_space<hbm>> -> memref<1x25x80xi32, #tpu.memory_space<hbm>>
      %dma_wait3A_59 = tpu.memref_squeeze %dma_wait3A_58 : memref<1x25x80xi32, #tpu.memory_space<hbm>> -> memref<25x80xi32, #tpu.memory_space<hbm>>
      tpu.wait_dma2 semaphore(%run_scoped3A : memref<!tpu.dma_semaphore, #tpu.memory_space<semaphore_mem>>) src(%dma_wait3A_59 : memref<25x80xi32, #tpu.memory_space<hbm>>) dst(%arg8 : memref<25x80xi32, #tpu.memory_space<vmem>>)
      tpu.yield
    }) : () -> ()
    %scan3A = arith.constant 0 : i32
    %scan3A_3 = arith.constant 0 : i32
    %scan3A_4 = arith.constant 12 : i32
    %scan3A_5 = arith.addi %scan3A_3, %scan3A_4 : i32
    %scan3A_6 = arith.constant 1 : i32
    scf.for %scan3A_44 = %scan3A_3 to %scan3A_5 step %scan3A_6  : i32 {
      %mul3A_45 = arith.constant 2 : i32
      %mul3A_46 = arith.muli %mul3A_45, %scan3A_44 : i32
      %add3A_47 = arith.constant 1 : i32
      %add3A_48 = arith.addi %mul3A_46, %add3A_47 : i32
      %dma_start3A_49 = arith.constant 0 : i32
      %dma_start3A_50 = tpu.memref_slice %arg7[%mul3A_46, %dma_start3A_49] : memref<25x80xi32, #tpu.memory_space<vmem>> -> memref<1x80xi32, #tpu.memory_space<vmem>>
      %dma_start3A_51 = tpu.memref_squeeze %dma_start3A_50 : memref<1x80xi32, #tpu.memory_space<vmem>> -> memref<80xi32, #tpu.memory_space<vmem>>
      %dma_start3A_52 = arith.constant 0 : i32
      %dma_start3A_53 = arith.constant 0 : i32
      %dma_start3A_54 = tpu.memref_slice %arg2[%dma_start3A_52, %dma_start3A_53] : memref<10000x128xf32, #tpu.memory_space<hbm>> -> memref<10000x128xf32, #tpu.memory_space<hbm>>
      tpu.enqueue_indirect_dma source(%dma_start3A_54 : memref<10000x128xf32, #tpu.memory_space<hbm>>) target(%arg9 : memref<80x128xf32, #tpu.memory_space<vmem>>) offsets(%dma_start3A_51 : memref<80xi32, #tpu.memory_space<vmem>>) semaphore(%arg11 : memref<!tpu.dma_semaphore, #tpu.memory_space<semaphore_mem>>)
      %dma_start3A_55 = arith.constant 0 : i32
      %dma_start3A_56 = tpu.memref_slice %arg7[%add3A_48, %dma_start3A_55] : memref<25x80xi32, #tpu.memory_space<vmem>> -> memref<1x80xi32, #tpu.memory_space<vmem>>
      %dma_start3A_57 = tpu.memref_squeeze %dma_start3A_56 : memref<1x80xi32, #tpu.memory_space<vmem>> -> memref<80xi32, #tpu.memory_space<vmem>>
      %dma_start3A_58 = arith.constant 0 : i32
      %dma_start3A_59 = arith.constant 0 : i32
      %dma_start3A_60 = tpu.memref_slice %arg2[%dma_start3A_58, %dma_start3A_59] : memref<10000x128xf32, #tpu.memory_space<hbm>> -> memref<10000x128xf32, #tpu.memory_space<hbm>>
      tpu.enqueue_indirect_dma source(%dma_start3A_60 : memref<10000x128xf32, #tpu.memory_space<hbm>>) target(%arg10 : memref<80x128xf32, #tpu.memory_space<vmem>>) offsets(%dma_start3A_57 : memref<80xi32, #tpu.memory_space<vmem>>) semaphore(%arg12 : memref<!tpu.dma_semaphore, #tpu.memory_space<semaphore_mem>>)
      %dma_wait3A_61 = arith.constant 0 : i32
      %dma_wait3A_62 = tpu.memref_slice %arg7[%mul3A_46, %dma_wait3A_61] : memref<25x80xi32, #tpu.memory_space<vmem>> -> memref<1x80xi32, #tpu.memory_space<vmem>>
      %dma_wait3A_63 = tpu.memref_squeeze %dma_wait3A_62 : memref<1x80xi32, #tpu.memory_space<vmem>> -> memref<80xi32, #tpu.memory_space<vmem>>
      %dma_wait3A_64 = arith.constant 0 : i32
      %dma_wait3A_65 = arith.constant 0 : i32
      %dma_wait3A_66 = tpu.memref_slice %arg2[%dma_wait3A_64, %dma_wait3A_65] : memref<10000x128xf32, #tpu.memory_space<hbm>> -> memref<10000x128xf32, #tpu.memory_space<hbm>>
      tpu.wait_indirect_dma semaphore(%arg11 : memref<!tpu.dma_semaphore, #tpu.memory_space<semaphore_mem>>) src(%dma_wait3A_66 : memref<10000x128xf32, #tpu.memory_space<hbm>>) dst(%arg9 : memref<80x128xf32, #tpu.memory_space<vmem>>)
      %dma_start3A_67 = arith.constant 0 : i32
      %dma_start3A_68 = tpu.memref_slice %arg8[%mul3A_46, %dma_start3A_67] : memref<25x80xi32, #tpu.memory_space<vmem>> -> memref<1x80xi32, #tpu.memory_space<vmem>>
      %dma_start3A_69 = tpu.memref_squeeze %dma_start3A_68 : memref<1x80xi32, #tpu.memory_space<vmem>> -> memref<80xi32, #tpu.memory_space<vmem>>
      %dma_start3A_70 = arith.constant 0 : i32
      %dma_start3A_71 = arith.constant 0 : i32
      %dma_start3A_72 = tpu.memref_slice %arg3[%dma_start3A_70, %dma_start3A_71] : memref<10000x128xf32, #tpu.memory_space<hbm>> -> memref<10000x128xf32, #tpu.memory_space<hbm>>
      tpu.enqueue_indirect_dma source(%dma_start3A_72 : memref<10000x128xf32, #tpu.memory_space<hbm>>) target(%arg9 : memref<80x128xf32, #tpu.memory_space<vmem>>) offsets(%dma_start3A_69 : memref<80xi32, #tpu.memory_space<vmem>>) semaphore(%arg11 : memref<!tpu.dma_semaphore, #tpu.memory_space<semaphore_mem>>) {add = true}
      %dma_wait3A_73 = arith.constant 0 : i32
      %dma_wait3A_74 = tpu.memref_slice %arg7[%add3A_48, %dma_wait3A_73] : memref<25x80xi32, #tpu.memory_space<vmem>> -> memref<1x80xi32, #tpu.memory_space<vmem>>
      %dma_wait3A_75 = tpu.memref_squeeze %dma_wait3A_74 : memref<1x80xi32, #tpu.memory_space<vmem>> -> memref<80xi32, #tpu.memory_space<vmem>>
      %dma_wait3A_76 = arith.constant 0 : i32
      %dma_wait3A_77 = arith.constant 0 : i32
      %dma_wait3A_78 = tpu.memref_slice %arg2[%dma_wait3A_76, %dma_wait3A_77] : memref<10000x128xf32, #tpu.memory_space<hbm>> -> memref<10000x128xf32, #tpu.memory_space<hbm>>
      tpu.wait_indirect_dma semaphore(%arg12 : memref<!tpu.dma_semaphore, #tpu.memory_space<semaphore_mem>>) src(%dma_wait3A_78 : memref<10000x128xf32, #tpu.memory_space<hbm>>) dst(%arg10 : memref<80x128xf32, #tpu.memory_space<vmem>>)
      %dma_start3A_79 = arith.constant 0 : i32
      %dma_start3A_80 = tpu.memref_slice %arg8[%add3A_48, %dma_start3A_79] : memref<25x80xi32, #tpu.memory_space<vmem>> -> memref<1x80xi32, #tpu.memory_space<vmem>>
      %dma_start3A_81 = tpu.memref_squeeze %dma_start3A_80 : memref<1x80xi32, #tpu.memory_space<vmem>> -> memref<80xi32, #tpu.memory_space<vmem>>
      %dma_start3A_82 = arith.constant 0 : i32
      %dma_start3A_83 = arith.constant 0 : i32
      %dma_start3A_84 = tpu.memref_slice %arg3[%dma_start3A_82, %dma_start3A_83] : memref<10000x128xf32, #tpu.memory_space<hbm>> -> memref<10000x128xf32, #tpu.memory_space<hbm>>
      tpu.enqueue_indirect_dma source(%dma_start3A_84 : memref<10000x128xf32, #tpu.memory_space<hbm>>) target(%arg10 : memref<80x128xf32, #tpu.memory_space<vmem>>) offsets(%dma_start3A_81 : memref<80xi32, #tpu.memory_space<vmem>>) semaphore(%arg12 : memref<!tpu.dma_semaphore, #tpu.memory_space<semaphore_mem>>) {add = true}
      %dma_wait3A_85 = arith.constant 0 : i32
      %dma_wait3A_86 = tpu.memref_slice %arg8[%mul3A_46, %dma_wait3A_85] : memref<25x80xi32, #tpu.memory_space<vmem>> -> memref<1x80xi32, #tpu.memory_space<vmem>>
      %dma_wait3A_87 = tpu.memref_squeeze %dma_wait3A_86 : memref<1x80xi32, #tpu.memory_space<vmem>> -> memref<80xi32, #tpu.memory_space<vmem>>
      %dma_wait3A_88 = arith.constant 0 : i32
      %dma_wait3A_89 = arith.constant 0 : i32
      %dma_wait3A_90 = tpu.memref_slice %arg3[%dma_wait3A_88, %dma_wait3A_89] : memref<10000x128xf32, #tpu.memory_space<hbm>> -> memref<10000x128xf32, #tpu.memory_space<hbm>>
      tpu.wait_indirect_dma semaphore(%arg11 : memref<!tpu.dma_semaphore, #tpu.memory_space<semaphore_mem>>) src(%dma_wait3A_90 : memref<10000x128xf32, #tpu.memory_space<hbm>>) dst(%arg9 : memref<80x128xf32, #tpu.memory_space<vmem>>)
      %mul3A_91 = arith.constant 80 : i32
      %mul3A_92 = arith.muli %mul3A_46, %mul3A_91 : i32
      %add3A_93 = arith.addi %mul3A_2, %mul3A_92 : i32
      %dma_start3A_94 = arith.constant 0 : i32
      %dma_start3A_95 = tpu.memref_slice %arg6[%add3A_93, %dma_start3A_94] : memref<64000x128xf32, #tpu.memory_space<hbm>> -> memref<80x128xf32, #tpu.memory_space<hbm>>
      %dma_start3A_96 = arith.constant 0 : i32
      %dma_start3A_97 = tpu.memref_slice %arg6[%add3A_93, %dma_start3A_96] : memref<64000x128xf32, #tpu.memory_space<hbm>> -> memref<80x128xf32, #tpu.memory_space<hbm>>
      tpu.enqueue_dma source(%arg9 : memref<80x128xf32, #tpu.memory_space<vmem>>) target(%dma_start3A_97 : memref<80x128xf32, #tpu.memory_space<hbm>>) target_semaphore(%arg11 : memref<!tpu.dma_semaphore, #tpu.memory_space<semaphore_mem>>)
      %dma_wait3A_98 = arith.constant 0 : i32
      %dma_wait3A_99 = tpu.memref_slice %arg8[%add3A_48, %dma_wait3A_98] : memref<25x80xi32, #tpu.memory_space<vmem>> -> memref<1x80xi32, #tpu.memory_space<vmem>>
      %dma_wait3A_100 = tpu.memref_squeeze %dma_wait3A_99 : memref<1x80xi32, #tpu.memory_space<vmem>> -> memref<80xi32, #tpu.memory_space<vmem>>
      %dma_wait3A_101 = arith.constant 0 : i32
      %dma_wait3A_102 = arith.constant 0 : i32
      %dma_wait3A_103 = tpu.memref_slice %arg3[%dma_wait3A_101, %dma_wait3A_102] : memref<10000x128xf32, #tpu.memory_space<hbm>> -> memref<10000x128xf32, #tpu.memory_space<hbm>>
      tpu.wait_indirect_dma semaphore(%arg12 : memref<!tpu.dma_semaphore, #tpu.memory_space<semaphore_mem>>) src(%dma_wait3A_103 : memref<10000x128xf32, #tpu.memory_space<hbm>>) dst(%arg10 : memref<80x128xf32, #tpu.memory_space<vmem>>)
      %mul3A_104 = arith.constant 80 : i32
      %mul3A_105 = arith.muli %add3A_48, %mul3A_104 : i32
      %add3A_106 = arith.addi %mul3A_2, %mul3A_105 : i32
      %dma_start3A_107 = arith.constant 0 : i32
      %dma_start3A_108 = tpu.memref_slice %arg6[%add3A_106, %dma_start3A_107] : memref<64000x128xf32, #tpu.memory_space<hbm>> -> memref<80x128xf32, #tpu.memory_space<hbm>>
      %dma_start3A_109 = arith.constant 0 : i32
      %dma_start3A_110 = tpu.memref_slice %arg6[%add3A_106, %dma_start3A_109] : memref<64000x128xf32, #tpu.memory_space<hbm>> -> memref<80x128xf32, #tpu.memory_space<hbm>>
      tpu.enqueue_dma source(%arg10 : memref<80x128xf32, #tpu.memory_space<vmem>>) target(%dma_start3A_110 : memref<80x128xf32, #tpu.memory_space<hbm>>) target_semaphore(%arg12 : memref<!tpu.dma_semaphore, #tpu.memory_space<semaphore_mem>>)
      %dma_wait3A_111 = arith.constant 0 : i32
      %dma_wait3A_112 = tpu.memref_slice %arg6[%add3A_93, %dma_wait3A_111] : memref<64000x128xf32, #tpu.memory_space<hbm>> -> memref<80x128xf32, #tpu.memory_space<hbm>>
      %dma_wait3A_113 = arith.constant 0 : i32
      %dma_wait3A_114 = tpu.memref_slice %arg6[%add3A_93, %dma_wait3A_113] : memref<64000x128xf32, #tpu.memory_space<hbm>> -> memref<80x128xf32, #tpu.memory_space<hbm>>
      tpu.wait_dma2 semaphore(%arg11 : memref<!tpu.dma_semaphore, #tpu.memory_space<semaphore_mem>>) src(%arg9 : memref<80x128xf32, #tpu.memory_space<vmem>>) dst(%dma_wait3A_114 : memref<80x128xf32, #tpu.memory_space<hbm>>)
      %dma_wait3A_115 = arith.constant 0 : i32
      %dma_wait3A_116 = tpu.memref_slice %arg6[%add3A_106, %dma_wait3A_115] : memref<64000x128xf32, #tpu.memory_space<hbm>> -> memref<80x128xf32, #tpu.memory_space<hbm>>
      %dma_wait3A_117 = arith.constant 0 : i32
      %dma_wait3A_118 = tpu.memref_slice %arg6[%add3A_106, %dma_wait3A_117] : memref<64000x128xf32, #tpu.memory_space<hbm>> -> memref<80x128xf32, #tpu.memory_space<hbm>>
      tpu.wait_dma2 semaphore(%arg12 : memref<!tpu.dma_semaphore, #tpu.memory_space<semaphore_mem>>) src(%arg10 : memref<80x128xf32, #tpu.memory_space<vmem>>) dst(%dma_wait3A_118 : memref<80x128xf32, #tpu.memory_space<hbm>>)
    }
    %scan3A_7 = arith.constant 12 : i32
    %dma_start3A = arith.constant 24 : i32
    %dma_start3A_8 = arith.constant 0 : i32
    %dma_start3A_9 = tpu.memref_slice %arg7[%dma_start3A, %dma_start3A_8] : memref<25x80xi32, #tpu.memory_space<vmem>> -> memref<1x80xi32, #tpu.memory_space<vmem>>
    %dma_start3A_10 = tpu.memref_squeeze %dma_start3A_9 : memref<1x80xi32, #tpu.memory_space<vmem>> -> memref<80xi32, #tpu.memory_space<vmem>>
    %dma_start3A_11 = arith.constant 0 : i32
    %dma_start3A_12 = arith.constant 0 : i32
    %dma_start3A_13 = tpu.memref_slice %arg2[%dma_start3A_11, %dma_start3A_12] : memref<10000x128xf32, #tpu.memory_space<hbm>> -> memref<10000x128xf32, #tpu.memory_space<hbm>>
    tpu.enqueue_indirect_dma source(%dma_start3A_13 : memref<10000x128xf32, #tpu.memory_space<hbm>>) target(%arg9 : memref<80x128xf32, #tpu.memory_space<vmem>>) offsets(%dma_start3A_10 : memref<80xi32, #tpu.memory_space<vmem>>) semaphore(%arg11 : memref<!tpu.dma_semaphore, #tpu.memory_space<semaphore_mem>>)
    %dma_wait3A = arith.constant 24 : i32
    %dma_wait3A_14 = arith.constant 0 : i32
    %dma_wait3A_15 = tpu.memref_slice %arg7[%dma_wait3A, %dma_wait3A_14] : memref<25x80xi32, #tpu.memory_space<vmem>> -> memref<1x80xi32, #tpu.memory_space<vmem>>
    %dma_wait3A_16 = tpu.memref_squeeze %dma_wait3A_15 : memref<1x80xi32, #tpu.memory_space<vmem>> -> memref<80xi32, #tpu.memory_space<vmem>>
    %dma_wait3A_17 = arith.constant 0 : i32
    %dma_wait3A_18 = arith.constant 0 : i32
    %dma_wait3A_19 = tpu.memref_slice %arg2[%dma_wait3A_17, %dma_wait3A_18] : memref<10000x128xf32, #tpu.memory_space<hbm>> -> memref<10000x128xf32, #tpu.memory_space<hbm>>
    tpu.wait_indirect_dma semaphore(%arg11 : memref<!tpu.dma_semaphore, #tpu.memory_space<semaphore_mem>>) src(%dma_wait3A_19 : memref<10000x128xf32, #tpu.memory_space<hbm>>) dst(%arg9 : memref<80x128xf32, #tpu.memory_space<vmem>>)
    %dma_start3A_20 = arith.constant 24 : i32
    %dma_start3A_21 = arith.constant 0 : i32
    %dma_start3A_22 = tpu.memref_slice %arg8[%dma_start3A_20, %dma_start3A_21] : memref<25x80xi32, #tpu.memory_space<vmem>> -> memref<1x80xi32, #tpu.memory_space<vmem>>
    %dma_start3A_23 = tpu.memref_squeeze %dma_start3A_22 : memref<1x80xi32, #tpu.memory_space<vmem>> -> memref<80xi32, #tpu.memory_space<vmem>>
    %dma_start3A_24 = arith.constant 0 : i32
    %dma_start3A_25 = arith.constant 0 : i32
    %dma_start3A_26 = tpu.memref_slice %arg3[%dma_start3A_24, %dma_start3A_25] : memref<10000x128xf32, #tpu.memory_space<hbm>> -> memref<10000x128xf32, #tpu.memory_space<hbm>>
    tpu.enqueue_indirect_dma source(%dma_start3A_26 : memref<10000x128xf32, #tpu.memory_space<hbm>>) target(%arg9 : memref<80x128xf32, #tpu.memory_space<vmem>>) offsets(%dma_start3A_23 : memref<80xi32, #tpu.memory_space<vmem>>) semaphore(%arg11 : memref<!tpu.dma_semaphore, #tpu.memory_space<semaphore_mem>>) {add = true}
    %dma_wait3A_27 = arith.constant 24 : i32
    %dma_wait3A_28 = arith.constant 0 : i32
    %dma_wait3A_29 = tpu.memref_slice %arg8[%dma_wait3A_27, %dma_wait3A_28] : memref<25x80xi32, #tpu.memory_space<vmem>> -> memref<1x80xi32, #tpu.memory_space<vmem>>
    %dma_wait3A_30 = tpu.memref_squeeze %dma_wait3A_29 : memref<1x80xi32, #tpu.memory_space<vmem>> -> memref<80xi32, #tpu.memory_space<vmem>>
    %dma_wait3A_31 = arith.constant 0 : i32
    %dma_wait3A_32 = arith.constant 0 : i32
    %dma_wait3A_33 = tpu.memref_slice %arg3[%dma_wait3A_31, %dma_wait3A_32] : memref<10000x128xf32, #tpu.memory_space<hbm>> -> memref<10000x128xf32, #tpu.memory_space<hbm>>
    tpu.wait_indirect_dma semaphore(%arg11 : memref<!tpu.dma_semaphore, #tpu.memory_space<semaphore_mem>>) src(%dma_wait3A_33 : memref<10000x128xf32, #tpu.memory_space<hbm>>) dst(%arg9 : memref<80x128xf32, #tpu.memory_space<vmem>>)
    %add3A_34 = arith.constant 1920 : i32
    %add3A_35 = arith.addi %mul3A_2, %add3A_34 : i32
    %dma_start3A_36 = arith.constant 0 : i32
    %dma_start3A_37 = tpu.memref_slice %arg6[%add3A_35, %dma_start3A_36] : memref<64000x128xf32, #tpu.memory_space<hbm>> -> memref<80x128xf32, #tpu.memory_space<hbm>>
    %dma_start3A_38 = arith.constant 0 : i32
    %dma_start3A_39 = tpu.memref_slice %arg6[%add3A_35, %dma_start3A_38] : memref<64000x128xf32, #tpu.memory_space<hbm>> -> memref<80x128xf32, #tpu.memory_space<hbm>>
    tpu.enqueue_dma source(%arg9 : memref<80x128xf32, #tpu.memory_space<vmem>>) target(%dma_start3A_39 : memref<80x128xf32, #tpu.memory_space<hbm>>) target_semaphore(%arg11 : memref<!tpu.dma_semaphore, #tpu.memory_space<semaphore_mem>>)
    %dma_wait3A_40 = arith.constant 0 : i32
    %dma_wait3A_41 = tpu.memref_slice %arg6[%add3A_35, %dma_wait3A_40] : memref<64000x128xf32, #tpu.memory_space<hbm>> -> memref<80x128xf32, #tpu.memory_space<hbm>>
    %dma_wait3A_42 = arith.constant 0 : i32
    %dma_wait3A_43 = tpu.memref_slice %arg6[%add3A_35, %dma_wait3A_42] : memref<64000x128xf32, #tpu.memory_space<hbm>> -> memref<80x128xf32, #tpu.memory_space<hbm>>
    tpu.wait_dma2 semaphore(%arg11 : memref<!tpu.dma_semaphore, #tpu.memory_space<semaphore_mem>>) src(%arg9 : memref<80x128xf32, #tpu.memory_space<vmem>>) dst(%dma_wait3A_43 : memref<80x128xf32, #tpu.memory_space<hbm>>)
    return
  }
}

#map = affine_map<(d0, d1) -> (0, 0)>
#map1 = affine_map<(d0, d1) -> (0, 0, 0)>
module attributes {stable_mosaic.version = 14 : i64} {
  func.func @_sc_gather(%arg0: i32, %arg1: i32, %arg2: memref<10000x128xf32, #tpu.memory_space<hbm>>, %arg3: memref<10000x128xf32, #tpu.memory_space<hbm>>, %arg4: memref<32x25x80xi32, #tpu.memory_space<hbm>>, %arg5: memref<32x25x80xi32, #tpu.memory_space<hbm>>, %arg6: memref<64000x128xf32, #tpu.memory_space<hbm>>, %arg7: memref<25x80xi32, #tpu.memory_space<vmem>>, %arg8: memref<25x80xi32, #tpu.memory_space<vmem>>, %arg9: memref<80x128xf32, #tpu.memory_space<vmem>>, %arg10: memref<80x128xf32, #tpu.memory_space<vmem>>, %arg11: memref<!tpu.dma_semaphore, #tpu.memory_space<semaphore_mem>>, %arg12: memref<!tpu.dma_semaphore, #tpu.memory_space<semaphore_mem>>) attributes {dimension_semantics = [#tpu.dimension_semantics<core_parallel>, #tpu.dimension_semantics<subcore_parallel>], iteration_bounds = array<i64: 2, 16>, scalar_prefetch = 0 : i64, scratch_operands = 6 : i64, tpu.core_type = #tpu.core_type<sc_vector_subcore>, window_params = [{transform_indices = #map}, {transform_indices = #map}, {transform_indices = #map1}, {transform_indices = #map1}, {transform_indices = #map}]} {
    %mul3A = arith.constant 2 : i32
    %mul3A_0 = arith.muli %arg1, %mul3A : i32
    %add3A = arith.addi %mul3A_0, %arg0 : i32
    %mul3A_1 = arith.constant 2000 : i32
    %mul3A_2 = arith.muli %add3A, %mul3A_1 : i32
    "tpu.region"() ({
      %run_scoped3A = tpu.sem_alloc : memref<!tpu.dma_semaphore, #tpu.memory_space<semaphore_mem>>
      %dma_start3A_44 = arith.constant 0 : i32
      %dma_start3A_45 = arith.constant 0 : i32
      %dma_start3A_46 = tpu.memref_slice %arg4[%add3A, %dma_start3A_44, %dma_start3A_45] : memref<32x25x80xi32, #tpu.memory_space<hbm>> -> memref<1x25x80xi32, #tpu.memory_space<hbm>>
      %dma_start3A_47 = tpu.memref_squeeze %dma_start3A_46 : memref<1x25x80xi32, #tpu.memory_space<hbm>> -> memref<25x80xi32, #tpu.memory_space<hbm>>
      %dma_start3A_48 = arith.constant 0 : i32
      %dma_start3A_49 = arith.constant 0 : i32
      %dma_start3A_50 = tpu.memref_slice %arg4[%add3A, %dma_start3A_48, %dma_start3A_49] : memref<32x25x80xi32, #tpu.memory_space<hbm>> -> memref<1x25x80xi32, #tpu.memory_space<hbm>>
      %dma_start3A_51 = tpu.memref_squeeze %dma_start3A_50 : memref<1x25x80xi32, #tpu.memory_space<hbm>> -> memref<25x80xi32, #tpu.memory_space<hbm>>
      tpu.enqueue_dma source(%dma_start3A_51 : memref<25x80xi32, #tpu.memory_space<hbm>>) target(%arg7 : memref<25x80xi32, #tpu.memory_space<vmem>>) target_semaphore(%run_scoped3A : memref<!tpu.dma_semaphore, #tpu.memory_space<semaphore_mem>>)
      %dma_wait3A_52 = arith.constant 0 : i32
      %dma_wait3A_53 = arith.constant 0 : i32
      %dma_wait3A_54 = tpu.memref_slice %arg4[%add3A, %dma_wait3A_52, %dma_wait3A_53] : memref<32x25x80xi32, #tpu.memory_space<hbm>> -> memref<1x25x80xi32, #tpu.memory_space<hbm>>
      %dma_wait3A_55 = tpu.memref_squeeze %dma_wait3A_54 : memref<1x25x80xi32, #tpu.memory_space<hbm>> -> memref<25x80xi32, #tpu.memory_space<hbm>>
      %dma_wait3A_56 = arith.constant 0 : i32
      %dma_wait3A_57 = arith.constant 0 : i32
      %dma_wait3A_58 = tpu.memref_slice %arg4[%add3A, %dma_wait3A_56, %dma_wait3A_57] : memref<32x25x80xi32, #tpu.memory_space<hbm>> -> memref<1x25x80xi32, #tpu.memory_space<hbm>>
      %dma_wait3A_59 = tpu.memref_squeeze %dma_wait3A_58 : memref<1x25x80xi32, #tpu.memory_space<hbm>> -> memref<25x80xi32, #tpu.memory_space<hbm>>
      tpu.wait_dma2 semaphore(%run_scoped3A : memref<!tpu.dma_semaphore, #tpu.memory_space<semaphore_mem>>) src(%dma_wait3A_59 : memref<25x80xi32, #tpu.memory_space<hbm>>) dst(%arg7 : memref<25x80xi32, #tpu.memory_space<vmem>>)
      tpu.yield
    }) : () -> ()
    "tpu.region"() ({
      %run_scoped3A = tpu.sem_alloc : memref<!tpu.dma_semaphore, #tpu.memory_space<semaphore_mem>>
      %dma_start3A_44 = arith.constant 0 : i32
      %dma_start3A_45 = arith.constant 0 : i32
      %dma_start3A_46 = tpu.memref_slice %arg5[%add3A, %dma_start3A_44, %dma_start3A_45] : memref<32x25x80xi32, #tpu.memory_space<hbm>> -> memref<1x25x80xi32, #tpu.memory_space<hbm>>
      %dma_start3A_47 = tpu.memref_squeeze %dma_start3A_46 : memref<1x25x80xi32, #tpu.memory_space<hbm>> -> memref<25x80xi32, #tpu.memory_space<hbm>>
      %dma_start3A_48 = arith.constant 0 : i32
      %dma_start3A_49 = arith.constant 0 : i32
      %dma_start3A_50 = tpu.memref_slice %arg5[%add3A, %dma_start3A_48, %dma_start3A_49] : memref<32x25x80xi32, #tpu.memory_space<hbm>> -> memref<1x25x80xi32, #tpu.memory_space<hbm>>
      %dma_start3A_51 = tpu.memref_squeeze %dma_start3A_50 : memref<1x25x80xi32, #tpu.memory_space<hbm>> -> memref<25x80xi32, #tpu.memory_space<hbm>>
      tpu.enqueue_dma source(%dma_start3A_51 : memref<25x80xi32, #tpu.memory_space<hbm>>) target(%arg8 : memref<25x80xi32, #tpu.memory_space<vmem>>) target_semaphore(%run_scoped3A : memref<!tpu.dma_semaphore, #tpu.memory_space<semaphore_mem>>)
      %dma_wait3A_52 = arith.constant 0 : i32
      %dma_wait3A_53 = arith.constant 0 : i32
      %dma_wait3A_54 = tpu.memref_slice %arg5[%add3A, %dma_wait3A_52, %dma_wait3A_53] : memref<32x25x80xi32, #tpu.memory_space<hbm>> -> memref<1x25x80xi32, #tpu.memory_space<hbm>>
      %dma_wait3A_55 = tpu.memref_squeeze %dma_wait3A_54 : memref<1x25x80xi32, #tpu.memory_space<hbm>> -> memref<25x80xi32, #tpu.memory_space<hbm>>
      %dma_wait3A_56 = arith.constant 0 : i32
      %dma_wait3A_57 = arith.constant 0 : i32
      %dma_wait3A_58 = tpu.memref_slice %arg5[%add3A, %dma_wait3A_56, %dma_wait3A_57] : memref<32x25x80xi32, #tpu.memory_space<hbm>> -> memref<1x25x80xi32, #tpu.memory_space<hbm>>
      %dma_wait3A_59 = tpu.memref_squeeze %dma_wait3A_58 : memref<1x25x80xi32, #tpu.memory_space<hbm>> -> memref<25x80xi32, #tpu.memory_space<hbm>>
      tpu.wait_dma2 semaphore(%run_scoped3A : memref<!tpu.dma_semaphore, #tpu.memory_space<semaphore_mem>>) src(%dma_wait3A_59 : memref<25x80xi32, #tpu.memory_space<hbm>>) dst(%arg8 : memref<25x80xi32, #tpu.memory_space<vmem>>)
      tpu.yield
    }) : () -> ()
    %scan3A = arith.constant 0 : i32
    %scan3A_3 = arith.constant 0 : i32
    %scan3A_4 = arith.constant 12 : i32
    %scan3A_5 = arith.addi %scan3A_3, %scan3A_4 : i32
    %scan3A_6 = arith.constant 1 : i32
    scf.for %scan3A_44 = %scan3A_3 to %scan3A_5 step %scan3A_6  : i32 {
      %mul3A_45 = arith.constant 2 : i32
      %mul3A_46 = arith.muli %mul3A_45, %scan3A_44 : i32
      %add3A_47 = arith.constant 1 : i32
      %add3A_48 = arith.addi %mul3A_46, %add3A_47 : i32
      %dma_start3A_49 = arith.constant 0 : i32
      %dma_start3A_50 = tpu.memref_slice %arg7[%mul3A_46, %dma_start3A_49] : memref<25x80xi32, #tpu.memory_space<vmem>> -> memref<1x80xi32, #tpu.memory_space<vmem>>
      %dma_start3A_51 = tpu.memref_squeeze %dma_start3A_50 : memref<1x80xi32, #tpu.memory_space<vmem>> -> memref<80xi32, #tpu.memory_space<vmem>>
      %dma_start3A_52 = arith.constant 0 : i32
      %dma_start3A_53 = arith.constant 0 : i32
      %dma_start3A_54 = tpu.memref_slice %arg2[%dma_start3A_52, %dma_start3A_53] : memref<10000x128xf32, #tpu.memory_space<hbm>> -> memref<10000x128xf32, #tpu.memory_space<hbm>>
      tpu.enqueue_indirect_dma source(%dma_start3A_54 : memref<10000x128xf32, #tpu.memory_space<hbm>>) target(%arg9 : memref<80x128xf32, #tpu.memory_space<vmem>>) offsets(%dma_start3A_51 : memref<80xi32, #tpu.memory_space<vmem>>) semaphore(%arg11 : memref<!tpu.dma_semaphore, #tpu.memory_space<semaphore_mem>>)
      %dma_start3A_55 = arith.constant 0 : i32
      %dma_start3A_56 = tpu.memref_slice %arg7[%add3A_48, %dma_start3A_55] : memref<25x80xi32, #tpu.memory_space<vmem>> -> memref<1x80xi32, #tpu.memory_space<vmem>>
      %dma_start3A_57 = tpu.memref_squeeze %dma_start3A_56 : memref<1x80xi32, #tpu.memory_space<vmem>> -> memref<80xi32, #tpu.memory_space<vmem>>
      %dma_start3A_58 = arith.constant 0 : i32
      %dma_start3A_59 = arith.constant 0 : i32
      %dma_start3A_60 = tpu.memref_slice %arg2[%dma_start3A_58, %dma_start3A_59] : memref<10000x128xf32, #tpu.memory_space<hbm>> -> memref<10000x128xf32, #tpu.memory_space<hbm>>
      tpu.enqueue_indirect_dma source(%dma_start3A_60 : memref<10000x128xf32, #tpu.memory_space<hbm>>) target(%arg10 : memref<80x128xf32, #tpu.memory_space<vmem>>) offsets(%dma_start3A_57 : memref<80xi32, #tpu.memory_space<vmem>>) semaphore(%arg12 : memref<!tpu.dma_semaphore, #tpu.memory_space<semaphore_mem>>)
      %dma_wait3A_61 = arith.constant 0 : i32
      %dma_wait3A_62 = tpu.memref_slice %arg7[%mul3A_46, %dma_wait3A_61] : memref<25x80xi32, #tpu.memory_space<vmem>> -> memref<1x80xi32, #tpu.memory_space<vmem>>
      %dma_wait3A_63 = tpu.memref_squeeze %dma_wait3A_62 : memref<1x80xi32, #tpu.memory_space<vmem>> -> memref<80xi32, #tpu.memory_space<vmem>>
      %dma_wait3A_64 = arith.constant 0 : i32
      %dma_wait3A_65 = arith.constant 0 : i32
      %dma_wait3A_66 = tpu.memref_slice %arg2[%dma_wait3A_64, %dma_wait3A_65] : memref<10000x128xf32, #tpu.memory_space<hbm>> -> memref<10000x128xf32, #tpu.memory_space<hbm>>
      tpu.wait_indirect_dma semaphore(%arg11 : memref<!tpu.dma_semaphore, #tpu.memory_space<semaphore_mem>>) src(%dma_wait3A_66 : memref<10000x128xf32, #tpu.memory_space<hbm>>) dst(%arg9 : memref<80x128xf32, #tpu.memory_space<vmem>>)
      %dma_start3A_67 = arith.constant 0 : i32
      %dma_start3A_68 = tpu.memref_slice %arg8[%mul3A_46, %dma_start3A_67] : memref<25x80xi32, #tpu.memory_space<vmem>> -> memref<1x80xi32, #tpu.memory_space<vmem>>
      %dma_start3A_69 = tpu.memref_squeeze %dma_start3A_68 : memref<1x80xi32, #tpu.memory_space<vmem>> -> memref<80xi32, #tpu.memory_space<vmem>>
      %dma_start3A_70 = arith.constant 0 : i32
      %dma_start3A_71 = arith.constant 0 : i32
      %dma_start3A_72 = tpu.memref_slice %arg3[%dma_start3A_70, %dma_start3A_71] : memref<10000x128xf32, #tpu.memory_space<hbm>> -> memref<10000x128xf32, #tpu.memory_space<hbm>>
      tpu.enqueue_indirect_dma source(%dma_start3A_72 : memref<10000x128xf32, #tpu.memory_space<hbm>>) target(%arg9 : memref<80x128xf32, #tpu.memory_space<vmem>>) offsets(%dma_start3A_69 : memref<80xi32, #tpu.memory_space<vmem>>) semaphore(%arg11 : memref<!tpu.dma_semaphore, #tpu.memory_space<semaphore_mem>>) {add = true}
      %dma_wait3A_73 = arith.constant 0 : i32
      %dma_wait3A_74 = tpu.memref_slice %arg7[%add3A_48, %dma_wait3A_73] : memref<25x80xi32, #tpu.memory_space<vmem>> -> memref<1x80xi32, #tpu.memory_space<vmem>>
      %dma_wait3A_75 = tpu.memref_squeeze %dma_wait3A_74 : memref<1x80xi32, #tpu.memory_space<vmem>> -> memref<80xi32, #tpu.memory_space<vmem>>
      %dma_wait3A_76 = arith.constant 0 : i32
      %dma_wait3A_77 = arith.constant 0 : i32
      %dma_wait3A_78 = tpu.memref_slice %arg2[%dma_wait3A_76, %dma_wait3A_77] : memref<10000x128xf32, #tpu.memory_space<hbm>> -> memref<10000x128xf32, #tpu.memory_space<hbm>>
      tpu.wait_indirect_dma semaphore(%arg12 : memref<!tpu.dma_semaphore, #tpu.memory_space<semaphore_mem>>) src(%dma_wait3A_78 : memref<10000x128xf32, #tpu.memory_space<hbm>>) dst(%arg10 : memref<80x128xf32, #tpu.memory_space<vmem>>)
      %dma_start3A_79 = arith.constant 0 : i32
      %dma_start3A_80 = tpu.memref_slice %arg8[%add3A_48, %dma_start3A_79] : memref<25x80xi32, #tpu.memory_space<vmem>> -> memref<1x80xi32, #tpu.memory_space<vmem>>
      %dma_start3A_81 = tpu.memref_squeeze %dma_start3A_80 : memref<1x80xi32, #tpu.memory_space<vmem>> -> memref<80xi32, #tpu.memory_space<vmem>>
      %dma_start3A_82 = arith.constant 0 : i32
      %dma_start3A_83 = arith.constant 0 : i32
      %dma_start3A_84 = tpu.memref_slice %arg3[%dma_start3A_82, %dma_start3A_83] : memref<10000x128xf32, #tpu.memory_space<hbm>> -> memref<10000x128xf32, #tpu.memory_space<hbm>>
      tpu.enqueue_indirect_dma source(%dma_start3A_84 : memref<10000x128xf32, #tpu.memory_space<hbm>>) target(%arg10 : memref<80x128xf32, #tpu.memory_space<vmem>>) offsets(%dma_start3A_81 : memref<80xi32, #tpu.memory_space<vmem>>) semaphore(%arg12 : memref<!tpu.dma_semaphore, #tpu.memory_space<semaphore_mem>>) {add = true}
      %dma_wait3A_85 = arith.constant 0 : i32
      %dma_wait3A_86 = tpu.memref_slice %arg8[%mul3A_46, %dma_wait3A_85] : memref<25x80xi32, #tpu.memory_space<vmem>> -> memref<1x80xi32, #tpu.memory_space<vmem>>
      %dma_wait3A_87 = tpu.memref_squeeze %dma_wait3A_86 : memref<1x80xi32, #tpu.memory_space<vmem>> -> memref<80xi32, #tpu.memory_space<vmem>>
      %dma_wait3A_88 = arith.constant 0 : i32
      %dma_wait3A_89 = arith.constant 0 : i32
      %dma_wait3A_90 = tpu.memref_slice %arg3[%dma_wait3A_88, %dma_wait3A_89] : memref<10000x128xf32, #tpu.memory_space<hbm>> -> memref<10000x128xf32, #tpu.memory_space<hbm>>
      tpu.wait_indirect_dma semaphore(%arg11 : memref<!tpu.dma_semaphore, #tpu.memory_space<semaphore_mem>>) src(%dma_wait3A_90 : memref<10000x128xf32, #tpu.memory_space<hbm>>) dst(%arg9 : memref<80x128xf32, #tpu.memory_space<vmem>>)
      %mul3A_91 = arith.constant 80 : i32
      %mul3A_92 = arith.muli %mul3A_46, %mul3A_91 : i32
      %add3A_93 = arith.addi %mul3A_2, %mul3A_92 : i32
      %dma_start3A_94 = arith.constant 0 : i32
      %dma_start3A_95 = tpu.memref_slice %arg6[%add3A_93, %dma_start3A_94] : memref<64000x128xf32, #tpu.memory_space<hbm>> -> memref<80x128xf32, #tpu.memory_space<hbm>>
      %dma_start3A_96 = arith.constant 0 : i32
      %dma_start3A_97 = tpu.memref_slice %arg6[%add3A_93, %dma_start3A_96] : memref<64000x128xf32, #tpu.memory_space<hbm>> -> memref<80x128xf32, #tpu.memory_space<hbm>>
      tpu.enqueue_dma source(%arg9 : memref<80x128xf32, #tpu.memory_space<vmem>>) target(%dma_start3A_97 : memref<80x128xf32, #tpu.memory_space<hbm>>) target_semaphore(%arg11 : memref<!tpu.dma_semaphore, #tpu.memory_space<semaphore_mem>>)
      %dma_wait3A_98 = arith.constant 0 : i32
      %dma_wait3A_99 = tpu.memref_slice %arg8[%add3A_48, %dma_wait3A_98] : memref<25x80xi32, #tpu.memory_space<vmem>> -> memref<1x80xi32, #tpu.memory_space<vmem>>
      %dma_wait3A_100 = tpu.memref_squeeze %dma_wait3A_99 : memref<1x80xi32, #tpu.memory_space<vmem>> -> memref<80xi32, #tpu.memory_space<vmem>>
      %dma_wait3A_101 = arith.constant 0 : i32
      %dma_wait3A_102 = arith.constant 0 : i32
      %dma_wait3A_103 = tpu.memref_slice %arg3[%dma_wait3A_101, %dma_wait3A_102] : memref<10000x128xf32, #tpu.memory_space<hbm>> -> memref<10000x128xf32, #tpu.memory_space<hbm>>
      tpu.wait_indirect_dma semaphore(%arg12 : memref<!tpu.dma_semaphore, #tpu.memory_space<semaphore_mem>>) src(%dma_wait3A_103 : memref<10000x128xf32, #tpu.memory_space<hbm>>) dst(%arg10 : memref<80x128xf32, #tpu.memory_space<vmem>>)
      %mul3A_104 = arith.constant 80 : i32
      %mul3A_105 = arith.muli %add3A_48, %mul3A_104 : i32
      %add3A_106 = arith.addi %mul3A_2, %mul3A_105 : i32
      %dma_start3A_107 = arith.constant 0 : i32
      %dma_start3A_108 = tpu.memref_slice %arg6[%add3A_106, %dma_start3A_107] : memref<64000x128xf32, #tpu.memory_space<hbm>> -> memref<80x128xf32, #tpu.memory_space<hbm>>
      %dma_start3A_109 = arith.constant 0 : i32
      %dma_start3A_110 = tpu.memref_slice %arg6[%add3A_106, %dma_start3A_109] : memref<64000x128xf32, #tpu.memory_space<hbm>> -> memref<80x128xf32, #tpu.memory_space<hbm>>
      tpu.enqueue_dma source(%arg10 : memref<80x128xf32, #tpu.memory_space<vmem>>) target(%dma_start3A_110 : memref<80x128xf32, #tpu.memory_space<hbm>>) target_semaphore(%arg12 : memref<!tpu.dma_semaphore, #tpu.memory_space<semaphore_mem>>)
      %dma_wait3A_111 = arith.constant 0 : i32
      %dma_wait3A_112 = tpu.memref_slice %arg6[%add3A_93, %dma_wait3A_111] : memref<64000x128xf32, #tpu.memory_space<hbm>> -> memref<80x128xf32, #tpu.memory_space<hbm>>
      %dma_wait3A_113 = arith.constant 0 : i32
      %dma_wait3A_114 = tpu.memref_slice %arg6[%add3A_93, %dma_wait3A_113] : memref<64000x128xf32, #tpu.memory_space<hbm>> -> memref<80x128xf32, #tpu.memory_space<hbm>>
      tpu.wait_dma2 semaphore(%arg11 : memref<!tpu.dma_semaphore, #tpu.memory_space<semaphore_mem>>) src(%arg9 : memref<80x128xf32, #tpu.memory_space<vmem>>) dst(%dma_wait3A_114 : memref<80x128xf32, #tpu.memory_space<hbm>>)
      %dma_wait3A_115 = arith.constant 0 : i32
      %dma_wait3A_116 = tpu.memref_slice %arg6[%add3A_106, %dma_wait3A_115] : memref<64000x128xf32, #tpu.memory_space<hbm>> -> memref<80x128xf32, #tpu.memory_space<hbm>>
      %dma_wait3A_117 = arith.constant 0 : i32
      %dma_wait3A_118 = tpu.memref_slice %arg6[%add3A_106, %dma_wait3A_117] : memref<64000x128xf32, #tpu.memory_space<hbm>> -> memref<80x128xf32, #tpu.memory_space<hbm>>
      tpu.wait_dma2 semaphore(%arg12 : memref<!tpu.dma_semaphore, #tpu.memory_space<semaphore_mem>>) src(%arg10 : memref<80x128xf32, #tpu.memory_space<vmem>>) dst(%dma_wait3A_118 : memref<80x128xf32, #tpu.memory_space<hbm>>)
    }
    %scan3A_7 = arith.constant 12 : i32
    %dma_start3A = arith.constant 24 : i32
    %dma_start3A_8 = arith.constant 0 : i32
    %dma_start3A_9 = tpu.memref_slice %arg7[%dma_start3A, %dma_start3A_8] : memref<25x80xi32, #tpu.memory_space<vmem>> -> memref<1x80xi32, #tpu.memory_space<vmem>>
    %dma_start3A_10 = tpu.memref_squeeze %dma_start3A_9 : memref<1x80xi32, #tpu.memory_space<vmem>> -> memref<80xi32, #tpu.memory_space<vmem>>
    %dma_start3A_11 = arith.constant 0 : i32
    %dma_start3A_12 = arith.constant 0 : i32
    %dma_start3A_13 = tpu.memref_slice %arg2[%dma_start3A_11, %dma_start3A_12] : memref<10000x128xf32, #tpu.memory_space<hbm>> -> memref<10000x128xf32, #tpu.memory_space<hbm>>
    tpu.enqueue_indirect_dma source(%dma_start3A_13 : memref<10000x128xf32, #tpu.memory_space<hbm>>) target(%arg9 : memref<80x128xf32, #tpu.memory_space<vmem>>) offsets(%dma_start3A_10 : memref<80xi32, #tpu.memory_space<vmem>>) semaphore(%arg11 : memref<!tpu.dma_semaphore, #tpu.memory_space<semaphore_mem>>)
    %dma_wait3A = arith.constant 24 : i32
    %dma_wait3A_14 = arith.constant 0 : i32
    %dma_wait3A_15 = tpu.memref_slice %arg7[%dma_wait3A, %dma_wait3A_14] : memref<25x80xi32, #tpu.memory_space<vmem>> -> memref<1x80xi32, #tpu.memory_space<vmem>>
    %dma_wait3A_16 = tpu.memref_squeeze %dma_wait3A_15 : memref<1x80xi32, #tpu.memory_space<vmem>> -> memref<80xi32, #tpu.memory_space<vmem>>
    %dma_wait3A_17 = arith.constant 0 : i32
    %dma_wait3A_18 = arith.constant 0 : i32
    %dma_wait3A_19 = tpu.memref_slice %arg2[%dma_wait3A_17, %dma_wait3A_18] : memref<10000x128xf32, #tpu.memory_space<hbm>> -> memref<10000x128xf32, #tpu.memory_space<hbm>>
    tpu.wait_indirect_dma semaphore(%arg11 : memref<!tpu.dma_semaphore, #tpu.memory_space<semaphore_mem>>) src(%dma_wait3A_19 : memref<10000x128xf32, #tpu.memory_space<hbm>>) dst(%arg9 : memref<80x128xf32, #tpu.memory_space<vmem>>)
    %dma_start3A_20 = arith.constant 24 : i32
    %dma_start3A_21 = arith.constant 0 : i32
    %dma_start3A_22 = tpu.memref_slice %arg8[%dma_start3A_20, %dma_start3A_21] : memref<25x80xi32, #tpu.memory_space<vmem>> -> memref<1x80xi32, #tpu.memory_space<vmem>>
    %dma_start3A_23 = tpu.memref_squeeze %dma_start3A_22 : memref<1x80xi32, #tpu.memory_space<vmem>> -> memref<80xi32, #tpu.memory_space<vmem>>
    %dma_start3A_24 = arith.constant 0 : i32
    %dma_start3A_25 = arith.constant 0 : i32
    %dma_start3A_26 = tpu.memref_slice %arg3[%dma_start3A_24, %dma_start3A_25] : memref<10000x128xf32, #tpu.memory_space<hbm>> -> memref<10000x128xf32, #tpu.memory_space<hbm>>
    tpu.enqueue_indirect_dma source(%dma_start3A_26 : memref<10000x128xf32, #tpu.memory_space<hbm>>) target(%arg9 : memref<80x128xf32, #tpu.memory_space<vmem>>) offsets(%dma_start3A_23 : memref<80xi32, #tpu.memory_space<vmem>>) semaphore(%arg11 : memref<!tpu.dma_semaphore, #tpu.memory_space<semaphore_mem>>) {add = true}
    %dma_wait3A_27 = arith.constant 24 : i32
    %dma_wait3A_28 = arith.constant 0 : i32
    %dma_wait3A_29 = tpu.memref_slice %arg8[%dma_wait3A_27, %dma_wait3A_28] : memref<25x80xi32, #tpu.memory_space<vmem>> -> memref<1x80xi32, #tpu.memory_space<vmem>>
    %dma_wait3A_30 = tpu.memref_squeeze %dma_wait3A_29 : memref<1x80xi32, #tpu.memory_space<vmem>> -> memref<80xi32, #tpu.memory_space<vmem>>
    %dma_wait3A_31 = arith.constant 0 : i32
    %dma_wait3A_32 = arith.constant 0 : i32
    %dma_wait3A_33 = tpu.memref_slice %arg3[%dma_wait3A_31, %dma_wait3A_32] : memref<10000x128xf32, #tpu.memory_space<hbm>> -> memref<10000x128xf32, #tpu.memory_space<hbm>>
    tpu.wait_indirect_dma semaphore(%arg11 : memref<!tpu.dma_semaphore, #tpu.memory_space<semaphore_mem>>) src(%dma_wait3A_33 : memref<10000x128xf32, #tpu.memory_space<hbm>>) dst(%arg9 : memref<80x128xf32, #tpu.memory_space<vmem>>)
    %add3A_34 = arith.constant 1920 : i32
    %add3A_35 = arith.addi %mul3A_2, %add3A_34 : i32
    %dma_start3A_36 = arith.constant 0 : i32
    %dma_start3A_37 = tpu.memref_slice %arg6[%add3A_35, %dma_start3A_36] : memref<64000x128xf32, #tpu.memory_space<hbm>> -> memref<80x128xf32, #tpu.memory_space<hbm>>
    %dma_start3A_38 = arith.constant 0 : i32
    %dma_start3A_39 = tpu.memref_slice %arg6[%add3A_35, %dma_start3A_38] : memref<64000x128xf32, #tpu.memory_space<hbm>> -> memref<80x128xf32, #tpu.memory_space<hbm>>
    tpu.enqueue_dma source(%arg9 : memref<80x128xf32, #tpu.memory_space<vmem>>) target(%dma_start3A_39 : memref<80x128xf32, #tpu.memory_space<hbm>>) target_semaphore(%arg11 : memref<!tpu.dma_semaphore, #tpu.memory_space<semaphore_mem>>)
    %dma_wait3A_40 = arith.constant 0 : i32
    %dma_wait3A_41 = tpu.memref_slice %arg6[%add3A_35, %dma_wait3A_40] : memref<64000x128xf32, #tpu.memory_space<hbm>> -> memref<80x128xf32, #tpu.memory_space<hbm>>
    %dma_wait3A_42 = arith.constant 0 : i32
    %dma_wait3A_43 = tpu.memref_slice %arg6[%add3A_35, %dma_wait3A_42] : memref<64000x128xf32, #tpu.memory_space<hbm>> -> memref<80x128xf32, #tpu.memory_space<hbm>>
    tpu.wait_dma2 semaphore(%arg11 : memref<!tpu.dma_semaphore, #tpu.memory_space<semaphore_mem>>) src(%arg9 : memref<80x128xf32, #tpu.memory_space<vmem>>) dst(%dma_wait3A_43 : memref<80x128xf32, #tpu.memory_space<hbm>>)
    return
  }
}

#map = affine_map<(d0, d1) -> (0, 0)>
#map1 = affine_map<(d0, d1) -> (0, 0, 0)>
module attributes {stable_mosaic.version = 14 : i64} {
  func.func @_sc_gather(%arg0: i32, %arg1: i32, %arg2: memref<10000x128xf32, #tpu.memory_space<hbm>>, %arg3: memref<10000x128xf32, #tpu.memory_space<hbm>>, %arg4: memref<32x25x80xi32, #tpu.memory_space<hbm>>, %arg5: memref<32x25x80xi32, #tpu.memory_space<hbm>>, %arg6: memref<64000x128xf32, #tpu.memory_space<hbm>>, %arg7: memref<25x80xi32, #tpu.memory_space<vmem>>, %arg8: memref<25x80xi32, #tpu.memory_space<vmem>>, %arg9: memref<80x128xf32, #tpu.memory_space<vmem>>, %arg10: memref<80x128xf32, #tpu.memory_space<vmem>>, %arg11: memref<!tpu.dma_semaphore, #tpu.memory_space<semaphore_mem>>, %arg12: memref<!tpu.dma_semaphore, #tpu.memory_space<semaphore_mem>>) attributes {dimension_semantics = [#tpu.dimension_semantics<core_parallel>, #tpu.dimension_semantics<subcore_parallel>], iteration_bounds = array<i64: 2, 16>, scalar_prefetch = 0 : i64, scratch_operands = 6 : i64, tpu.core_type = #tpu.core_type<sc_vector_subcore>, window_params = [{transform_indices = #map}, {transform_indices = #map}, {transform_indices = #map1}, {transform_indices = #map1}, {transform_indices = #map}]} {
    %mul3A = arith.constant 2 : i32
    %mul3A_0 = arith.muli %arg1, %mul3A : i32
    %add3A = arith.addi %mul3A_0, %arg0 : i32
    %mul3A_1 = arith.constant 2000 : i32
    %mul3A_2 = arith.muli %add3A, %mul3A_1 : i32
    "tpu.region"() ({
      %run_scoped3A = tpu.sem_alloc : memref<!tpu.dma_semaphore, #tpu.memory_space<semaphore_mem>>
      %dma_start3A_44 = arith.constant 0 : i32
      %dma_start3A_45 = arith.constant 0 : i32
      %dma_start3A_46 = tpu.memref_slice %arg4[%add3A, %dma_start3A_44, %dma_start3A_45] : memref<32x25x80xi32, #tpu.memory_space<hbm>> -> memref<1x25x80xi32, #tpu.memory_space<hbm>>
      %dma_start3A_47 = tpu.memref_squeeze %dma_start3A_46 : memref<1x25x80xi32, #tpu.memory_space<hbm>> -> memref<25x80xi32, #tpu.memory_space<hbm>>
      %dma_start3A_48 = arith.constant 0 : i32
      %dma_start3A_49 = arith.constant 0 : i32
      %dma_start3A_50 = tpu.memref_slice %arg4[%add3A, %dma_start3A_48, %dma_start3A_49] : memref<32x25x80xi32, #tpu.memory_space<hbm>> -> memref<1x25x80xi32, #tpu.memory_space<hbm>>
      %dma_start3A_51 = tpu.memref_squeeze %dma_start3A_50 : memref<1x25x80xi32, #tpu.memory_space<hbm>> -> memref<25x80xi32, #tpu.memory_space<hbm>>
      tpu.enqueue_dma source(%dma_start3A_51 : memref<25x80xi32, #tpu.memory_space<hbm>>) target(%arg7 : memref<25x80xi32, #tpu.memory_space<vmem>>) target_semaphore(%run_scoped3A : memref<!tpu.dma_semaphore, #tpu.memory_space<semaphore_mem>>)
      %dma_wait3A_52 = arith.constant 0 : i32
      %dma_wait3A_53 = arith.constant 0 : i32
      %dma_wait3A_54 = tpu.memref_slice %arg4[%add3A, %dma_wait3A_52, %dma_wait3A_53] : memref<32x25x80xi32, #tpu.memory_space<hbm>> -> memref<1x25x80xi32, #tpu.memory_space<hbm>>
      %dma_wait3A_55 = tpu.memref_squeeze %dma_wait3A_54 : memref<1x25x80xi32, #tpu.memory_space<hbm>> -> memref<25x80xi32, #tpu.memory_space<hbm>>
      %dma_wait3A_56 = arith.constant 0 : i32
      %dma_wait3A_57 = arith.constant 0 : i32
      %dma_wait3A_58 = tpu.memref_slice %arg4[%add3A, %dma_wait3A_56, %dma_wait3A_57] : memref<32x25x80xi32, #tpu.memory_space<hbm>> -> memref<1x25x80xi32, #tpu.memory_space<hbm>>
      %dma_wait3A_59 = tpu.memref_squeeze %dma_wait3A_58 : memref<1x25x80xi32, #tpu.memory_space<hbm>> -> memref<25x80xi32, #tpu.memory_space<hbm>>
      tpu.wait_dma2 semaphore(%run_scoped3A : memref<!tpu.dma_semaphore, #tpu.memory_space<semaphore_mem>>) src(%dma_wait3A_59 : memref<25x80xi32, #tpu.memory_space<hbm>>) dst(%arg7 : memref<25x80xi32, #tpu.memory_space<vmem>>)
      tpu.yield
    }) : () -> ()
    "tpu.region"() ({
      %run_scoped3A = tpu.sem_alloc : memref<!tpu.dma_semaphore, #tpu.memory_space<semaphore_mem>>
      %dma_start3A_44 = arith.constant 0 : i32
      %dma_start3A_45 = arith.constant 0 : i32
      %dma_start3A_46 = tpu.memref_slice %arg5[%add3A, %dma_start3A_44, %dma_start3A_45] : memref<32x25x80xi32, #tpu.memory_space<hbm>> -> memref<1x25x80xi32, #tpu.memory_space<hbm>>
      %dma_start3A_47 = tpu.memref_squeeze %dma_start3A_46 : memref<1x25x80xi32, #tpu.memory_space<hbm>> -> memref<25x80xi32, #tpu.memory_space<hbm>>
      %dma_start3A_48 = arith.constant 0 : i32
      %dma_start3A_49 = arith.constant 0 : i32
      %dma_start3A_50 = tpu.memref_slice %arg5[%add3A, %dma_start3A_48, %dma_start3A_49] : memref<32x25x80xi32, #tpu.memory_space<hbm>> -> memref<1x25x80xi32, #tpu.memory_space<hbm>>
      %dma_start3A_51 = tpu.memref_squeeze %dma_start3A_50 : memref<1x25x80xi32, #tpu.memory_space<hbm>> -> memref<25x80xi32, #tpu.memory_space<hbm>>
      tpu.enqueue_dma source(%dma_start3A_51 : memref<25x80xi32, #tpu.memory_space<hbm>>) target(%arg8 : memref<25x80xi32, #tpu.memory_space<vmem>>) target_semaphore(%run_scoped3A : memref<!tpu.dma_semaphore, #tpu.memory_space<semaphore_mem>>)
      %dma_wait3A_52 = arith.constant 0 : i32
      %dma_wait3A_53 = arith.constant 0 : i32
      %dma_wait3A_54 = tpu.memref_slice %arg5[%add3A, %dma_wait3A_52, %dma_wait3A_53] : memref<32x25x80xi32, #tpu.memory_space<hbm>> -> memref<1x25x80xi32, #tpu.memory_space<hbm>>
      %dma_wait3A_55 = tpu.memref_squeeze %dma_wait3A_54 : memref<1x25x80xi32, #tpu.memory_space<hbm>> -> memref<25x80xi32, #tpu.memory_space<hbm>>
      %dma_wait3A_56 = arith.constant 0 : i32
      %dma_wait3A_57 = arith.constant 0 : i32
      %dma_wait3A_58 = tpu.memref_slice %arg5[%add3A, %dma_wait3A_56, %dma_wait3A_57] : memref<32x25x80xi32, #tpu.memory_space<hbm>> -> memref<1x25x80xi32, #tpu.memory_space<hbm>>
      %dma_wait3A_59 = tpu.memref_squeeze %dma_wait3A_58 : memref<1x25x80xi32, #tpu.memory_space<hbm>> -> memref<25x80xi32, #tpu.memory_space<hbm>>
      tpu.wait_dma2 semaphore(%run_scoped3A : memref<!tpu.dma_semaphore, #tpu.memory_space<semaphore_mem>>) src(%dma_wait3A_59 : memref<25x80xi32, #tpu.memory_space<hbm>>) dst(%arg8 : memref<25x80xi32, #tpu.memory_space<vmem>>)
      tpu.yield
    }) : () -> ()
    %scan3A = arith.constant 0 : i32
    %scan3A_3 = arith.constant 0 : i32
    %scan3A_4 = arith.constant 12 : i32
    %scan3A_5 = arith.addi %scan3A_3, %scan3A_4 : i32
    %scan3A_6 = arith.constant 1 : i32
    scf.for %scan3A_44 = %scan3A_3 to %scan3A_5 step %scan3A_6  : i32 {
      %mul3A_45 = arith.constant 2 : i32
      %mul3A_46 = arith.muli %mul3A_45, %scan3A_44 : i32
      %add3A_47 = arith.constant 1 : i32
      %add3A_48 = arith.addi %mul3A_46, %add3A_47 : i32
      %dma_start3A_49 = arith.constant 0 : i32
      %dma_start3A_50 = tpu.memref_slice %arg7[%mul3A_46, %dma_start3A_49] : memref<25x80xi32, #tpu.memory_space<vmem>> -> memref<1x80xi32, #tpu.memory_space<vmem>>
      %dma_start3A_51 = tpu.memref_squeeze %dma_start3A_50 : memref<1x80xi32, #tpu.memory_space<vmem>> -> memref<80xi32, #tpu.memory_space<vmem>>
      %dma_start3A_52 = arith.constant 0 : i32
      %dma_start3A_53 = arith.constant 0 : i32
      %dma_start3A_54 = tpu.memref_slice %arg2[%dma_start3A_52, %dma_start3A_53] : memref<10000x128xf32, #tpu.memory_space<hbm>> -> memref<10000x128xf32, #tpu.memory_space<hbm>>
      tpu.enqueue_indirect_dma source(%dma_start3A_54 : memref<10000x128xf32, #tpu.memory_space<hbm>>) target(%arg9 : memref<80x128xf32, #tpu.memory_space<vmem>>) offsets(%dma_start3A_51 : memref<80xi32, #tpu.memory_space<vmem>>) semaphore(%arg11 : memref<!tpu.dma_semaphore, #tpu.memory_space<semaphore_mem>>)
      %dma_start3A_55 = arith.constant 0 : i32
      %dma_start3A_56 = tpu.memref_slice %arg7[%add3A_48, %dma_start3A_55] : memref<25x80xi32, #tpu.memory_space<vmem>> -> memref<1x80xi32, #tpu.memory_space<vmem>>
      %dma_start3A_57 = tpu.memref_squeeze %dma_start3A_56 : memref<1x80xi32, #tpu.memory_space<vmem>> -> memref<80xi32, #tpu.memory_space<vmem>>
      %dma_start3A_58 = arith.constant 0 : i32
      %dma_start3A_59 = arith.constant 0 : i32
      %dma_start3A_60 = tpu.memref_slice %arg2[%dma_start3A_58, %dma_start3A_59] : memref<10000x128xf32, #tpu.memory_space<hbm>> -> memref<10000x128xf32, #tpu.memory_space<hbm>>
      tpu.enqueue_indirect_dma source(%dma_start3A_60 : memref<10000x128xf32, #tpu.memory_space<hbm>>) target(%arg10 : memref<80x128xf32, #tpu.memory_space<vmem>>) offsets(%dma_start3A_57 : memref<80xi32, #tpu.memory_space<vmem>>) semaphore(%arg12 : memref<!tpu.dma_semaphore, #tpu.memory_space<semaphore_mem>>)
      %dma_wait3A_61 = arith.constant 0 : i32
      %dma_wait3A_62 = tpu.memref_slice %arg7[%mul3A_46, %dma_wait3A_61] : memref<25x80xi32, #tpu.memory_space<vmem>> -> memref<1x80xi32, #tpu.memory_space<vmem>>
      %dma_wait3A_63 = tpu.memref_squeeze %dma_wait3A_62 : memref<1x80xi32, #tpu.memory_space<vmem>> -> memref<80xi32, #tpu.memory_space<vmem>>
      %dma_wait3A_64 = arith.constant 0 : i32
      %dma_wait3A_65 = arith.constant 0 : i32
      %dma_wait3A_66 = tpu.memref_slice %arg2[%dma_wait3A_64, %dma_wait3A_65] : memref<10000x128xf32, #tpu.memory_space<hbm>> -> memref<10000x128xf32, #tpu.memory_space<hbm>>
      tpu.wait_indirect_dma semaphore(%arg11 : memref<!tpu.dma_semaphore, #tpu.memory_space<semaphore_mem>>) src(%dma_wait3A_66 : memref<10000x128xf32, #tpu.memory_space<hbm>>) dst(%arg9 : memref<80x128xf32, #tpu.memory_space<vmem>>)
      %dma_start3A_67 = arith.constant 0 : i32
      %dma_start3A_68 = tpu.memref_slice %arg8[%mul3A_46, %dma_start3A_67] : memref<25x80xi32, #tpu.memory_space<vmem>> -> memref<1x80xi32, #tpu.memory_space<vmem>>
      %dma_start3A_69 = tpu.memref_squeeze %dma_start3A_68 : memref<1x80xi32, #tpu.memory_space<vmem>> -> memref<80xi32, #tpu.memory_space<vmem>>
      %dma_start3A_70 = arith.constant 0 : i32
      %dma_start3A_71 = arith.constant 0 : i32
      %dma_start3A_72 = tpu.memref_slice %arg3[%dma_start3A_70, %dma_start3A_71] : memref<10000x128xf32, #tpu.memory_space<hbm>> -> memref<10000x128xf32, #tpu.memory_space<hbm>>
      tpu.enqueue_indirect_dma source(%dma_start3A_72 : memref<10000x128xf32, #tpu.memory_space<hbm>>) target(%arg9 : memref<80x128xf32, #tpu.memory_space<vmem>>) offsets(%dma_start3A_69 : memref<80xi32, #tpu.memory_space<vmem>>) semaphore(%arg11 : memref<!tpu.dma_semaphore, #tpu.memory_space<semaphore_mem>>) {add = true}
      %dma_wait3A_73 = arith.constant 0 : i32
      %dma_wait3A_74 = tpu.memref_slice %arg7[%add3A_48, %dma_wait3A_73] : memref<25x80xi32, #tpu.memory_space<vmem>> -> memref<1x80xi32, #tpu.memory_space<vmem>>
      %dma_wait3A_75 = tpu.memref_squeeze %dma_wait3A_74 : memref<1x80xi32, #tpu.memory_space<vmem>> -> memref<80xi32, #tpu.memory_space<vmem>>
      %dma_wait3A_76 = arith.constant 0 : i32
      %dma_wait3A_77 = arith.constant 0 : i32
      %dma_wait3A_78 = tpu.memref_slice %arg2[%dma_wait3A_76, %dma_wait3A_77] : memref<10000x128xf32, #tpu.memory_space<hbm>> -> memref<10000x128xf32, #tpu.memory_space<hbm>>
      tpu.wait_indirect_dma semaphore(%arg12 : memref<!tpu.dma_semaphore, #tpu.memory_space<semaphore_mem>>) src(%dma_wait3A_78 : memref<10000x128xf32, #tpu.memory_space<hbm>>) dst(%arg10 : memref<80x128xf32, #tpu.memory_space<vmem>>)
      %dma_start3A_79 = arith.constant 0 : i32
      %dma_start3A_80 = tpu.memref_slice %arg8[%add3A_48, %dma_start3A_79] : memref<25x80xi32, #tpu.memory_space<vmem>> -> memref<1x80xi32, #tpu.memory_space<vmem>>
      %dma_start3A_81 = tpu.memref_squeeze %dma_start3A_80 : memref<1x80xi32, #tpu.memory_space<vmem>> -> memref<80xi32, #tpu.memory_space<vmem>>
      %dma_start3A_82 = arith.constant 0 : i32
      %dma_start3A_83 = arith.constant 0 : i32
      %dma_start3A_84 = tpu.memref_slice %arg3[%dma_start3A_82, %dma_start3A_83] : memref<10000x128xf32, #tpu.memory_space<hbm>> -> memref<10000x128xf32, #tpu.memory_space<hbm>>
      tpu.enqueue_indirect_dma source(%dma_start3A_84 : memref<10000x128xf32, #tpu.memory_space<hbm>>) target(%arg10 : memref<80x128xf32, #tpu.memory_space<vmem>>) offsets(%dma_start3A_81 : memref<80xi32, #tpu.memory_space<vmem>>) semaphore(%arg12 : memref<!tpu.dma_semaphore, #tpu.memory_space<semaphore_mem>>) {add = true}
      %dma_wait3A_85 = arith.constant 0 : i32
      %dma_wait3A_86 = tpu.memref_slice %arg8[%mul3A_46, %dma_wait3A_85] : memref<25x80xi32, #tpu.memory_space<vmem>> -> memref<1x80xi32, #tpu.memory_space<vmem>>
      %dma_wait3A_87 = tpu.memref_squeeze %dma_wait3A_86 : memref<1x80xi32, #tpu.memory_space<vmem>> -> memref<80xi32, #tpu.memory_space<vmem>>
      %dma_wait3A_88 = arith.constant 0 : i32
      %dma_wait3A_89 = arith.constant 0 : i32
      %dma_wait3A_90 = tpu.memref_slice %arg3[%dma_wait3A_88, %dma_wait3A_89] : memref<10000x128xf32, #tpu.memory_space<hbm>> -> memref<10000x128xf32, #tpu.memory_space<hbm>>
      tpu.wait_indirect_dma semaphore(%arg11 : memref<!tpu.dma_semaphore, #tpu.memory_space<semaphore_mem>>) src(%dma_wait3A_90 : memref<10000x128xf32, #tpu.memory_space<hbm>>) dst(%arg9 : memref<80x128xf32, #tpu.memory_space<vmem>>)
      %mul3A_91 = arith.constant 80 : i32
      %mul3A_92 = arith.muli %mul3A_46, %mul3A_91 : i32
      %add3A_93 = arith.addi %mul3A_2, %mul3A_92 : i32
      %dma_start3A_94 = arith.constant 0 : i32
      %dma_start3A_95 = tpu.memref_slice %arg6[%add3A_93, %dma_start3A_94] : memref<64000x128xf32, #tpu.memory_space<hbm>> -> memref<80x128xf32, #tpu.memory_space<hbm>>
      %dma_start3A_96 = arith.constant 0 : i32
      %dma_start3A_97 = tpu.memref_slice %arg6[%add3A_93, %dma_start3A_96] : memref<64000x128xf32, #tpu.memory_space<hbm>> -> memref<80x128xf32, #tpu.memory_space<hbm>>
      tpu.enqueue_dma source(%arg9 : memref<80x128xf32, #tpu.memory_space<vmem>>) target(%dma_start3A_97 : memref<80x128xf32, #tpu.memory_space<hbm>>) target_semaphore(%arg11 : memref<!tpu.dma_semaphore, #tpu.memory_space<semaphore_mem>>)
      %dma_wait3A_98 = arith.constant 0 : i32
      %dma_wait3A_99 = tpu.memref_slice %arg8[%add3A_48, %dma_wait3A_98] : memref<25x80xi32, #tpu.memory_space<vmem>> -> memref<1x80xi32, #tpu.memory_space<vmem>>
      %dma_wait3A_100 = tpu.memref_squeeze %dma_wait3A_99 : memref<1x80xi32, #tpu.memory_space<vmem>> -> memref<80xi32, #tpu.memory_space<vmem>>
      %dma_wait3A_101 = arith.constant 0 : i32
      %dma_wait3A_102 = arith.constant 0 : i32
      %dma_wait3A_103 = tpu.memref_slice %arg3[%dma_wait3A_101, %dma_wait3A_102] : memref<10000x128xf32, #tpu.memory_space<hbm>> -> memref<10000x128xf32, #tpu.memory_space<hbm>>
      tpu.wait_indirect_dma semaphore(%arg12 : memref<!tpu.dma_semaphore, #tpu.memory_space<semaphore_mem>>) src(%dma_wait3A_103 : memref<10000x128xf32, #tpu.memory_space<hbm>>) dst(%arg10 : memref<80x128xf32, #tpu.memory_space<vmem>>)
      %mul3A_104 = arith.constant 80 : i32
      %mul3A_105 = arith.muli %add3A_48, %mul3A_104 : i32
      %add3A_106 = arith.addi %mul3A_2, %mul3A_105 : i32
      %dma_start3A_107 = arith.constant 0 : i32
      %dma_start3A_108 = tpu.memref_slice %arg6[%add3A_106, %dma_start3A_107] : memref<64000x128xf32, #tpu.memory_space<hbm>> -> memref<80x128xf32, #tpu.memory_space<hbm>>
      %dma_start3A_109 = arith.constant 0 : i32
      %dma_start3A_110 = tpu.memref_slice %arg6[%add3A_106, %dma_start3A_109] : memref<64000x128xf32, #tpu.memory_space<hbm>> -> memref<80x128xf32, #tpu.memory_space<hbm>>
      tpu.enqueue_dma source(%arg10 : memref<80x128xf32, #tpu.memory_space<vmem>>) target(%dma_start3A_110 : memref<80x128xf32, #tpu.memory_space<hbm>>) target_semaphore(%arg12 : memref<!tpu.dma_semaphore, #tpu.memory_space<semaphore_mem>>)
      %dma_wait3A_111 = arith.constant 0 : i32
      %dma_wait3A_112 = tpu.memref_slice %arg6[%add3A_93, %dma_wait3A_111] : memref<64000x128xf32, #tpu.memory_space<hbm>> -> memref<80x128xf32, #tpu.memory_space<hbm>>
      %dma_wait3A_113 = arith.constant 0 : i32
      %dma_wait3A_114 = tpu.memref_slice %arg6[%add3A_93, %dma_wait3A_113] : memref<64000x128xf32, #tpu.memory_space<hbm>> -> memref<80x128xf32, #tpu.memory_space<hbm>>
      tpu.wait_dma2 semaphore(%arg11 : memref<!tpu.dma_semaphore, #tpu.memory_space<semaphore_mem>>) src(%arg9 : memref<80x128xf32, #tpu.memory_space<vmem>>) dst(%dma_wait3A_114 : memref<80x128xf32, #tpu.memory_space<hbm>>)
      %dma_wait3A_115 = arith.constant 0 : i32
      %dma_wait3A_116 = tpu.memref_slice %arg6[%add3A_106, %dma_wait3A_115] : memref<64000x128xf32, #tpu.memory_space<hbm>> -> memref<80x128xf32, #tpu.memory_space<hbm>>
      %dma_wait3A_117 = arith.constant 0 : i32
      %dma_wait3A_118 = tpu.memref_slice %arg6[%add3A_106, %dma_wait3A_117] : memref<64000x128xf32, #tpu.memory_space<hbm>> -> memref<80x128xf32, #tpu.memory_space<hbm>>
      tpu.wait_dma2 semaphore(%arg12 : memref<!tpu.dma_semaphore, #tpu.memory_space<semaphore_mem>>) src(%arg10 : memref<80x128xf32, #tpu.memory_space<vmem>>) dst(%dma_wait3A_118 : memref<80x128xf32, #tpu.memory_space<hbm>>)
    }
    %scan3A_7 = arith.constant 12 : i32
    %dma_start3A = arith.constant 24 : i32
    %dma_start3A_8 = arith.constant 0 : i32
    %dma_start3A_9 = tpu.memref_slice %arg7[%dma_start3A, %dma_start3A_8] : memref<25x80xi32, #tpu.memory_space<vmem>> -> memref<1x80xi32, #tpu.memory_space<vmem>>
    %dma_start3A_10 = tpu.memref_squeeze %dma_start3A_9 : memref<1x80xi32, #tpu.memory_space<vmem>> -> memref<80xi32, #tpu.memory_space<vmem>>
    %dma_start3A_11 = arith.constant 0 : i32
    %dma_start3A_12 = arith.constant 0 : i32
    %dma_start3A_13 = tpu.memref_slice %arg2[%dma_start3A_11, %dma_start3A_12] : memref<10000x128xf32, #tpu.memory_space<hbm>> -> memref<10000x128xf32, #tpu.memory_space<hbm>>
    tpu.enqueue_indirect_dma source(%dma_start3A_13 : memref<10000x128xf32, #tpu.memory_space<hbm>>) target(%arg9 : memref<80x128xf32, #tpu.memory_space<vmem>>) offsets(%dma_start3A_10 : memref<80xi32, #tpu.memory_space<vmem>>) semaphore(%arg11 : memref<!tpu.dma_semaphore, #tpu.memory_space<semaphore_mem>>)
    %dma_wait3A = arith.constant 24 : i32
    %dma_wait3A_14 = arith.constant 0 : i32
    %dma_wait3A_15 = tpu.memref_slice %arg7[%dma_wait3A, %dma_wait3A_14] : memref<25x80xi32, #tpu.memory_space<vmem>> -> memref<1x80xi32, #tpu.memory_space<vmem>>
    %dma_wait3A_16 = tpu.memref_squeeze %dma_wait3A_15 : memref<1x80xi32, #tpu.memory_space<vmem>> -> memref<80xi32, #tpu.memory_space<vmem>>
    %dma_wait3A_17 = arith.constant 0 : i32
    %dma_wait3A_18 = arith.constant 0 : i32
    %dma_wait3A_19 = tpu.memref_slice %arg2[%dma_wait3A_17, %dma_wait3A_18] : memref<10000x128xf32, #tpu.memory_space<hbm>> -> memref<10000x128xf32, #tpu.memory_space<hbm>>
    tpu.wait_indirect_dma semaphore(%arg11 : memref<!tpu.dma_semaphore, #tpu.memory_space<semaphore_mem>>) src(%dma_wait3A_19 : memref<10000x128xf32, #tpu.memory_space<hbm>>) dst(%arg9 : memref<80x128xf32, #tpu.memory_space<vmem>>)
    %dma_start3A_20 = arith.constant 24 : i32
    %dma_start3A_21 = arith.constant 0 : i32
    %dma_start3A_22 = tpu.memref_slice %arg8[%dma_start3A_20, %dma_start3A_21] : memref<25x80xi32, #tpu.memory_space<vmem>> -> memref<1x80xi32, #tpu.memory_space<vmem>>
    %dma_start3A_23 = tpu.memref_squeeze %dma_start3A_22 : memref<1x80xi32, #tpu.memory_space<vmem>> -> memref<80xi32, #tpu.memory_space<vmem>>
    %dma_start3A_24 = arith.constant 0 : i32
    %dma_start3A_25 = arith.constant 0 : i32
    %dma_start3A_26 = tpu.memref_slice %arg3[%dma_start3A_24, %dma_start3A_25] : memref<10000x128xf32, #tpu.memory_space<hbm>> -> memref<10000x128xf32, #tpu.memory_space<hbm>>
    tpu.enqueue_indirect_dma source(%dma_start3A_26 : memref<10000x128xf32, #tpu.memory_space<hbm>>) target(%arg9 : memref<80x128xf32, #tpu.memory_space<vmem>>) offsets(%dma_start3A_23 : memref<80xi32, #tpu.memory_space<vmem>>) semaphore(%arg11 : memref<!tpu.dma_semaphore, #tpu.memory_space<semaphore_mem>>) {add = true}
    %dma_wait3A_27 = arith.constant 24 : i32
    %dma_wait3A_28 = arith.constant 0 : i32
    %dma_wait3A_29 = tpu.memref_slice %arg8[%dma_wait3A_27, %dma_wait3A_28] : memref<25x80xi32, #tpu.memory_space<vmem>> -> memref<1x80xi32, #tpu.memory_space<vmem>>
    %dma_wait3A_30 = tpu.memref_squeeze %dma_wait3A_29 : memref<1x80xi32, #tpu.memory_space<vmem>> -> memref<80xi32, #tpu.memory_space<vmem>>
    %dma_wait3A_31 = arith.constant 0 : i32
    %dma_wait3A_32 = arith.constant 0 : i32
    %dma_wait3A_33 = tpu.memref_slice %arg3[%dma_wait3A_31, %dma_wait3A_32] : memref<10000x128xf32, #tpu.memory_space<hbm>> -> memref<10000x128xf32, #tpu.memory_space<hbm>>
    tpu.wait_indirect_dma semaphore(%arg11 : memref<!tpu.dma_semaphore, #tpu.memory_space<semaphore_mem>>) src(%dma_wait3A_33 : memref<10000x128xf32, #tpu.memory_space<hbm>>) dst(%arg9 : memref<80x128xf32, #tpu.memory_space<vmem>>)
    %add3A_34 = arith.constant 1920 : i32
    %add3A_35 = arith.addi %mul3A_2, %add3A_34 : i32
    %dma_start3A_36 = arith.constant 0 : i32
    %dma_start3A_37 = tpu.memref_slice %arg6[%add3A_35, %dma_start3A_36] : memref<64000x128xf32, #tpu.memory_space<hbm>> -> memref<80x128xf32, #tpu.memory_space<hbm>>
    %dma_start3A_38 = arith.constant 0 : i32
    %dma_start3A_39 = tpu.memref_slice %arg6[%add3A_35, %dma_start3A_38] : memref<64000x128xf32, #tpu.memory_space<hbm>> -> memref<80x128xf32, #tpu.memory_space<hbm>>
    tpu.enqueue_dma source(%arg9 : memref<80x128xf32, #tpu.memory_space<vmem>>) target(%dma_start3A_39 : memref<80x128xf32, #tpu.memory_space<hbm>>) target_semaphore(%arg11 : memref<!tpu.dma_semaphore, #tpu.memory_space<semaphore_mem>>)
    %dma_wait3A_40 = arith.constant 0 : i32
    %dma_wait3A_41 = tpu.memref_slice %arg6[%add3A_35, %dma_wait3A_40] : memref<64000x128xf32, #tpu.memory_space<hbm>> -> memref<80x128xf32, #tpu.memory_space<hbm>>
    %dma_wait3A_42 = arith.constant 0 : i32
    %dma_wait3A_43 = tpu.memref_slice %arg6[%add3A_35, %dma_wait3A_42] : memref<64000x128xf32, #tpu.memory_space<hbm>> -> memref<80x128xf32, #tpu.memory_space<hbm>>
    tpu.wait_dma2 semaphore(%arg11 : memref<!tpu.dma_semaphore, #tpu.memory_space<semaphore_mem>>) src(%arg9 : memref<80x128xf32, #tpu.memory_space<vmem>>) dst(%dma_wait3A_43 : memref<80x128xf32, #tpu.memory_space<hbm>>)
    return
  }
}

#map = affine_map<(d0, d1) -> (0, 0)>
#map1 = affine_map<(d0, d1) -> (0, 0, 0)>
module attributes {stable_mosaic.version = 14 : i64} {
  func.func @_sc_gather(%arg0: i32, %arg1: i32, %arg2: memref<10000x128xf32, #tpu.memory_space<hbm>>, %arg3: memref<10000x128xf32, #tpu.memory_space<hbm>>, %arg4: memref<32x25x80xi32, #tpu.memory_space<hbm>>, %arg5: memref<32x25x80xi32, #tpu.memory_space<hbm>>, %arg6: memref<64000x128xf32, #tpu.memory_space<hbm>>, %arg7: memref<25x80xi32, #tpu.memory_space<vmem>>, %arg8: memref<25x80xi32, #tpu.memory_space<vmem>>, %arg9: memref<80x128xf32, #tpu.memory_space<vmem>>, %arg10: memref<80x128xf32, #tpu.memory_space<vmem>>, %arg11: memref<!tpu.dma_semaphore, #tpu.memory_space<semaphore_mem>>, %arg12: memref<!tpu.dma_semaphore, #tpu.memory_space<semaphore_mem>>) attributes {dimension_semantics = [#tpu.dimension_semantics<core_parallel>, #tpu.dimension_semantics<subcore_parallel>], iteration_bounds = array<i64: 2, 16>, scalar_prefetch = 0 : i64, scratch_operands = 6 : i64, tpu.core_type = #tpu.core_type<sc_vector_subcore>, window_params = [{transform_indices = #map}, {transform_indices = #map}, {transform_indices = #map1}, {transform_indices = #map1}, {transform_indices = #map}]} {
    %mul3A = arith.constant 2 : i32
    %mul3A_0 = arith.muli %arg1, %mul3A : i32
    %add3A = arith.addi %mul3A_0, %arg0 : i32
    %mul3A_1 = arith.constant 2000 : i32
    %mul3A_2 = arith.muli %add3A, %mul3A_1 : i32
    "tpu.region"() ({
      %run_scoped3A = tpu.sem_alloc : memref<!tpu.dma_semaphore, #tpu.memory_space<semaphore_mem>>
      %dma_start3A_44 = arith.constant 0 : i32
      %dma_start3A_45 = arith.constant 0 : i32
      %dma_start3A_46 = tpu.memref_slice %arg4[%add3A, %dma_start3A_44, %dma_start3A_45] : memref<32x25x80xi32, #tpu.memory_space<hbm>> -> memref<1x25x80xi32, #tpu.memory_space<hbm>>
      %dma_start3A_47 = tpu.memref_squeeze %dma_start3A_46 : memref<1x25x80xi32, #tpu.memory_space<hbm>> -> memref<25x80xi32, #tpu.memory_space<hbm>>
      %dma_start3A_48 = arith.constant 0 : i32
      %dma_start3A_49 = arith.constant 0 : i32
      %dma_start3A_50 = tpu.memref_slice %arg4[%add3A, %dma_start3A_48, %dma_start3A_49] : memref<32x25x80xi32, #tpu.memory_space<hbm>> -> memref<1x25x80xi32, #tpu.memory_space<hbm>>
      %dma_start3A_51 = tpu.memref_squeeze %dma_start3A_50 : memref<1x25x80xi32, #tpu.memory_space<hbm>> -> memref<25x80xi32, #tpu.memory_space<hbm>>
      tpu.enqueue_dma source(%dma_start3A_51 : memref<25x80xi32, #tpu.memory_space<hbm>>) target(%arg7 : memref<25x80xi32, #tpu.memory_space<vmem>>) target_semaphore(%run_scoped3A : memref<!tpu.dma_semaphore, #tpu.memory_space<semaphore_mem>>)
      %dma_wait3A_52 = arith.constant 0 : i32
      %dma_wait3A_53 = arith.constant 0 : i32
      %dma_wait3A_54 = tpu.memref_slice %arg4[%add3A, %dma_wait3A_52, %dma_wait3A_53] : memref<32x25x80xi32, #tpu.memory_space<hbm>> -> memref<1x25x80xi32, #tpu.memory_space<hbm>>
      %dma_wait3A_55 = tpu.memref_squeeze %dma_wait3A_54 : memref<1x25x80xi32, #tpu.memory_space<hbm>> -> memref<25x80xi32, #tpu.memory_space<hbm>>
      %dma_wait3A_56 = arith.constant 0 : i32
      %dma_wait3A_57 = arith.constant 0 : i32
      %dma_wait3A_58 = tpu.memref_slice %arg4[%add3A, %dma_wait3A_56, %dma_wait3A_57] : memref<32x25x80xi32, #tpu.memory_space<hbm>> -> memref<1x25x80xi32, #tpu.memory_space<hbm>>
      %dma_wait3A_59 = tpu.memref_squeeze %dma_wait3A_58 : memref<1x25x80xi32, #tpu.memory_space<hbm>> -> memref<25x80xi32, #tpu.memory_space<hbm>>
      tpu.wait_dma2 semaphore(%run_scoped3A : memref<!tpu.dma_semaphore, #tpu.memory_space<semaphore_mem>>) src(%dma_wait3A_59 : memref<25x80xi32, #tpu.memory_space<hbm>>) dst(%arg7 : memref<25x80xi32, #tpu.memory_space<vmem>>)
      tpu.yield
    }) : () -> ()
    "tpu.region"() ({
      %run_scoped3A = tpu.sem_alloc : memref<!tpu.dma_semaphore, #tpu.memory_space<semaphore_mem>>
      %dma_start3A_44 = arith.constant 0 : i32
      %dma_start3A_45 = arith.constant 0 : i32
      %dma_start3A_46 = tpu.memref_slice %arg5[%add3A, %dma_start3A_44, %dma_start3A_45] : memref<32x25x80xi32, #tpu.memory_space<hbm>> -> memref<1x25x80xi32, #tpu.memory_space<hbm>>
      %dma_start3A_47 = tpu.memref_squeeze %dma_start3A_46 : memref<1x25x80xi32, #tpu.memory_space<hbm>> -> memref<25x80xi32, #tpu.memory_space<hbm>>
      %dma_start3A_48 = arith.constant 0 : i32
      %dma_start3A_49 = arith.constant 0 : i32
      %dma_start3A_50 = tpu.memref_slice %arg5[%add3A, %dma_start3A_48, %dma_start3A_49] : memref<32x25x80xi32, #tpu.memory_space<hbm>> -> memref<1x25x80xi32, #tpu.memory_space<hbm>>
      %dma_start3A_51 = tpu.memref_squeeze %dma_start3A_50 : memref<1x25x80xi32, #tpu.memory_space<hbm>> -> memref<25x80xi32, #tpu.memory_space<hbm>>
      tpu.enqueue_dma source(%dma_start3A_51 : memref<25x80xi32, #tpu.memory_space<hbm>>) target(%arg8 : memref<25x80xi32, #tpu.memory_space<vmem>>) target_semaphore(%run_scoped3A : memref<!tpu.dma_semaphore, #tpu.memory_space<semaphore_mem>>)
      %dma_wait3A_52 = arith.constant 0 : i32
      %dma_wait3A_53 = arith.constant 0 : i32
      %dma_wait3A_54 = tpu.memref_slice %arg5[%add3A, %dma_wait3A_52, %dma_wait3A_53] : memref<32x25x80xi32, #tpu.memory_space<hbm>> -> memref<1x25x80xi32, #tpu.memory_space<hbm>>
      %dma_wait3A_55 = tpu.memref_squeeze %dma_wait3A_54 : memref<1x25x80xi32, #tpu.memory_space<hbm>> -> memref<25x80xi32, #tpu.memory_space<hbm>>
      %dma_wait3A_56 = arith.constant 0 : i32
      %dma_wait3A_57 = arith.constant 0 : i32
      %dma_wait3A_58 = tpu.memref_slice %arg5[%add3A, %dma_wait3A_56, %dma_wait3A_57] : memref<32x25x80xi32, #tpu.memory_space<hbm>> -> memref<1x25x80xi32, #tpu.memory_space<hbm>>
      %dma_wait3A_59 = tpu.memref_squeeze %dma_wait3A_58 : memref<1x25x80xi32, #tpu.memory_space<hbm>> -> memref<25x80xi32, #tpu.memory_space<hbm>>
      tpu.wait_dma2 semaphore(%run_scoped3A : memref<!tpu.dma_semaphore, #tpu.memory_space<semaphore_mem>>) src(%dma_wait3A_59 : memref<25x80xi32, #tpu.memory_space<hbm>>) dst(%arg8 : memref<25x80xi32, #tpu.memory_space<vmem>>)
      tpu.yield
    }) : () -> ()
    %scan3A = arith.constant 0 : i32
    %scan3A_3 = arith.constant 0 : i32
    %scan3A_4 = arith.constant 12 : i32
    %scan3A_5 = arith.addi %scan3A_3, %scan3A_4 : i32
    %scan3A_6 = arith.constant 1 : i32
    scf.for %scan3A_44 = %scan3A_3 to %scan3A_5 step %scan3A_6  : i32 {
      %mul3A_45 = arith.constant 2 : i32
      %mul3A_46 = arith.muli %mul3A_45, %scan3A_44 : i32
      %add3A_47 = arith.constant 1 : i32
      %add3A_48 = arith.addi %mul3A_46, %add3A_47 : i32
      %dma_start3A_49 = arith.constant 0 : i32
      %dma_start3A_50 = tpu.memref_slice %arg7[%mul3A_46, %dma_start3A_49] : memref<25x80xi32, #tpu.memory_space<vmem>> -> memref<1x80xi32, #tpu.memory_space<vmem>>
      %dma_start3A_51 = tpu.memref_squeeze %dma_start3A_50 : memref<1x80xi32, #tpu.memory_space<vmem>> -> memref<80xi32, #tpu.memory_space<vmem>>
      %dma_start3A_52 = arith.constant 0 : i32
      %dma_start3A_53 = arith.constant 0 : i32
      %dma_start3A_54 = tpu.memref_slice %arg2[%dma_start3A_52, %dma_start3A_53] : memref<10000x128xf32, #tpu.memory_space<hbm>> -> memref<10000x128xf32, #tpu.memory_space<hbm>>
      tpu.enqueue_indirect_dma source(%dma_start3A_54 : memref<10000x128xf32, #tpu.memory_space<hbm>>) target(%arg9 : memref<80x128xf32, #tpu.memory_space<vmem>>) offsets(%dma_start3A_51 : memref<80xi32, #tpu.memory_space<vmem>>) semaphore(%arg11 : memref<!tpu.dma_semaphore, #tpu.memory_space<semaphore_mem>>)
      %dma_start3A_55 = arith.constant 0 : i32
      %dma_start3A_56 = tpu.memref_slice %arg7[%add3A_48, %dma_start3A_55] : memref<25x80xi32, #tpu.memory_space<vmem>> -> memref<1x80xi32, #tpu.memory_space<vmem>>
      %dma_start3A_57 = tpu.memref_squeeze %dma_start3A_56 : memref<1x80xi32, #tpu.memory_space<vmem>> -> memref<80xi32, #tpu.memory_space<vmem>>
      %dma_start3A_58 = arith.constant 0 : i32
      %dma_start3A_59 = arith.constant 0 : i32
      %dma_start3A_60 = tpu.memref_slice %arg2[%dma_start3A_58, %dma_start3A_59] : memref<10000x128xf32, #tpu.memory_space<hbm>> -> memref<10000x128xf32, #tpu.memory_space<hbm>>
      tpu.enqueue_indirect_dma source(%dma_start3A_60 : memref<10000x128xf32, #tpu.memory_space<hbm>>) target(%arg10 : memref<80x128xf32, #tpu.memory_space<vmem>>) offsets(%dma_start3A_57 : memref<80xi32, #tpu.memory_space<vmem>>) semaphore(%arg12 : memref<!tpu.dma_semaphore, #tpu.memory_space<semaphore_mem>>)
      %dma_wait3A_61 = arith.constant 0 : i32
      %dma_wait3A_62 = tpu.memref_slice %arg7[%mul3A_46, %dma_wait3A_61] : memref<25x80xi32, #tpu.memory_space<vmem>> -> memref<1x80xi32, #tpu.memory_space<vmem>>
      %dma_wait3A_63 = tpu.memref_squeeze %dma_wait3A_62 : memref<1x80xi32, #tpu.memory_space<vmem>> -> memref<80xi32, #tpu.memory_space<vmem>>
      %dma_wait3A_64 = arith.constant 0 : i32
      %dma_wait3A_65 = arith.constant 0 : i32
      %dma_wait3A_66 = tpu.memref_slice %arg2[%dma_wait3A_64, %dma_wait3A_65] : memref<10000x128xf32, #tpu.memory_space<hbm>> -> memref<10000x128xf32, #tpu.memory_space<hbm>>
      tpu.wait_indirect_dma semaphore(%arg11 : memref<!tpu.dma_semaphore, #tpu.memory_space<semaphore_mem>>) src(%dma_wait3A_66 : memref<10000x128xf32, #tpu.memory_space<hbm>>) dst(%arg9 : memref<80x128xf32, #tpu.memory_space<vmem>>)
      %dma_start3A_67 = arith.constant 0 : i32
      %dma_start3A_68 = tpu.memref_slice %arg8[%mul3A_46, %dma_start3A_67] : memref<25x80xi32, #tpu.memory_space<vmem>> -> memref<1x80xi32, #tpu.memory_space<vmem>>
      %dma_start3A_69 = tpu.memref_squeeze %dma_start3A_68 : memref<1x80xi32, #tpu.memory_space<vmem>> -> memref<80xi32, #tpu.memory_space<vmem>>
      %dma_start3A_70 = arith.constant 0 : i32
      %dma_start3A_71 = arith.constant 0 : i32
      %dma_start3A_72 = tpu.memref_slice %arg3[%dma_start3A_70, %dma_start3A_71] : memref<10000x128xf32, #tpu.memory_space<hbm>> -> memref<10000x128xf32, #tpu.memory_space<hbm>>
      tpu.enqueue_indirect_dma source(%dma_start3A_72 : memref<10000x128xf32, #tpu.memory_space<hbm>>) target(%arg9 : memref<80x128xf32, #tpu.memory_space<vmem>>) offsets(%dma_start3A_69 : memref<80xi32, #tpu.memory_space<vmem>>) semaphore(%arg11 : memref<!tpu.dma_semaphore, #tpu.memory_space<semaphore_mem>>) {add = true}
      %dma_wait3A_73 = arith.constant 0 : i32
      %dma_wait3A_74 = tpu.memref_slice %arg7[%add3A_48, %dma_wait3A_73] : memref<25x80xi32, #tpu.memory_space<vmem>> -> memref<1x80xi32, #tpu.memory_space<vmem>>
      %dma_wait3A_75 = tpu.memref_squeeze %dma_wait3A_74 : memref<1x80xi32, #tpu.memory_space<vmem>> -> memref<80xi32, #tpu.memory_space<vmem>>
      %dma_wait3A_76 = arith.constant 0 : i32
      %dma_wait3A_77 = arith.constant 0 : i32
      %dma_wait3A_78 = tpu.memref_slice %arg2[%dma_wait3A_76, %dma_wait3A_77] : memref<10000x128xf32, #tpu.memory_space<hbm>> -> memref<10000x128xf32, #tpu.memory_space<hbm>>
      tpu.wait_indirect_dma semaphore(%arg12 : memref<!tpu.dma_semaphore, #tpu.memory_space<semaphore_mem>>) src(%dma_wait3A_78 : memref<10000x128xf32, #tpu.memory_space<hbm>>) dst(%arg10 : memref<80x128xf32, #tpu.memory_space<vmem>>)
      %dma_start3A_79 = arith.constant 0 : i32
      %dma_start3A_80 = tpu.memref_slice %arg8[%add3A_48, %dma_start3A_79] : memref<25x80xi32, #tpu.memory_space<vmem>> -> memref<1x80xi32, #tpu.memory_space<vmem>>
      %dma_start3A_81 = tpu.memref_squeeze %dma_start3A_80 : memref<1x80xi32, #tpu.memory_space<vmem>> -> memref<80xi32, #tpu.memory_space<vmem>>
      %dma_start3A_82 = arith.constant 0 : i32
      %dma_start3A_83 = arith.constant 0 : i32
      %dma_start3A_84 = tpu.memref_slice %arg3[%dma_start3A_82, %dma_start3A_83] : memref<10000x128xf32, #tpu.memory_space<hbm>> -> memref<10000x128xf32, #tpu.memory_space<hbm>>
      tpu.enqueue_indirect_dma source(%dma_start3A_84 : memref<10000x128xf32, #tpu.memory_space<hbm>>) target(%arg10 : memref<80x128xf32, #tpu.memory_space<vmem>>) offsets(%dma_start3A_81 : memref<80xi32, #tpu.memory_space<vmem>>) semaphore(%arg12 : memref<!tpu.dma_semaphore, #tpu.memory_space<semaphore_mem>>) {add = true}
      %dma_wait3A_85 = arith.constant 0 : i32
      %dma_wait3A_86 = tpu.memref_slice %arg8[%mul3A_46, %dma_wait3A_85] : memref<25x80xi32, #tpu.memory_space<vmem>> -> memref<1x80xi32, #tpu.memory_space<vmem>>
      %dma_wait3A_87 = tpu.memref_squeeze %dma_wait3A_86 : memref<1x80xi32, #tpu.memory_space<vmem>> -> memref<80xi32, #tpu.memory_space<vmem>>
      %dma_wait3A_88 = arith.constant 0 : i32
      %dma_wait3A_89 = arith.constant 0 : i32
      %dma_wait3A_90 = tpu.memref_slice %arg3[%dma_wait3A_88, %dma_wait3A_89] : memref<10000x128xf32, #tpu.memory_space<hbm>> -> memref<10000x128xf32, #tpu.memory_space<hbm>>
      tpu.wait_indirect_dma semaphore(%arg11 : memref<!tpu.dma_semaphore, #tpu.memory_space<semaphore_mem>>) src(%dma_wait3A_90 : memref<10000x128xf32, #tpu.memory_space<hbm>>) dst(%arg9 : memref<80x128xf32, #tpu.memory_space<vmem>>)
      %mul3A_91 = arith.constant 80 : i32
      %mul3A_92 = arith.muli %mul3A_46, %mul3A_91 : i32
      %add3A_93 = arith.addi %mul3A_2, %mul3A_92 : i32
      %dma_start3A_94 = arith.constant 0 : i32
      %dma_start3A_95 = tpu.memref_slice %arg6[%add3A_93, %dma_start3A_94] : memref<64000x128xf32, #tpu.memory_space<hbm>> -> memref<80x128xf32, #tpu.memory_space<hbm>>
      %dma_start3A_96 = arith.constant 0 : i32
      %dma_start3A_97 = tpu.memref_slice %arg6[%add3A_93, %dma_start3A_96] : memref<64000x128xf32, #tpu.memory_space<hbm>> -> memref<80x128xf32, #tpu.memory_space<hbm>>
      tpu.enqueue_dma source(%arg9 : memref<80x128xf32, #tpu.memory_space<vmem>>) target(%dma_start3A_97 : memref<80x128xf32, #tpu.memory_space<hbm>>) target_semaphore(%arg11 : memref<!tpu.dma_semaphore, #tpu.memory_space<semaphore_mem>>)
      %dma_wait3A_98 = arith.constant 0 : i32
      %dma_wait3A_99 = tpu.memref_slice %arg8[%add3A_48, %dma_wait3A_98] : memref<25x80xi32, #tpu.memory_space<vmem>> -> memref<1x80xi32, #tpu.memory_space<vmem>>
      %dma_wait3A_100 = tpu.memref_squeeze %dma_wait3A_99 : memref<1x80xi32, #tpu.memory_space<vmem>> -> memref<80xi32, #tpu.memory_space<vmem>>
      %dma_wait3A_101 = arith.constant 0 : i32
      %dma_wait3A_102 = arith.constant 0 : i32
      %dma_wait3A_103 = tpu.memref_slice %arg3[%dma_wait3A_101, %dma_wait3A_102] : memref<10000x128xf32, #tpu.memory_space<hbm>> -> memref<10000x128xf32, #tpu.memory_space<hbm>>
      tpu.wait_indirect_dma semaphore(%arg12 : memref<!tpu.dma_semaphore, #tpu.memory_space<semaphore_mem>>) src(%dma_wait3A_103 : memref<10000x128xf32, #tpu.memory_space<hbm>>) dst(%arg10 : memref<80x128xf32, #tpu.memory_space<vmem>>)
      %mul3A_104 = arith.constant 80 : i32
      %mul3A_105 = arith.muli %add3A_48, %mul3A_104 : i32
      %add3A_106 = arith.addi %mul3A_2, %mul3A_105 : i32
      %dma_start3A_107 = arith.constant 0 : i32
      %dma_start3A_108 = tpu.memref_slice %arg6[%add3A_106, %dma_start3A_107] : memref<64000x128xf32, #tpu.memory_space<hbm>> -> memref<80x128xf32, #tpu.memory_space<hbm>>
      %dma_start3A_109 = arith.constant 0 : i32
      %dma_start3A_110 = tpu.memref_slice %arg6[%add3A_106, %dma_start3A_109] : memref<64000x128xf32, #tpu.memory_space<hbm>> -> memref<80x128xf32, #tpu.memory_space<hbm>>
      tpu.enqueue_dma source(%arg10 : memref<80x128xf32, #tpu.memory_space<vmem>>) target(%dma_start3A_110 : memref<80x128xf32, #tpu.memory_space<hbm>>) target_semaphore(%arg12 : memref<!tpu.dma_semaphore, #tpu.memory_space<semaphore_mem>>)
      %dma_wait3A_111 = arith.constant 0 : i32
      %dma_wait3A_112 = tpu.memref_slice %arg6[%add3A_93, %dma_wait3A_111] : memref<64000x128xf32, #tpu.memory_space<hbm>> -> memref<80x128xf32, #tpu.memory_space<hbm>>
      %dma_wait3A_113 = arith.constant 0 : i32
      %dma_wait3A_114 = tpu.memref_slice %arg6[%add3A_93, %dma_wait3A_113] : memref<64000x128xf32, #tpu.memory_space<hbm>> -> memref<80x128xf32, #tpu.memory_space<hbm>>
      tpu.wait_dma2 semaphore(%arg11 : memref<!tpu.dma_semaphore, #tpu.memory_space<semaphore_mem>>) src(%arg9 : memref<80x128xf32, #tpu.memory_space<vmem>>) dst(%dma_wait3A_114 : memref<80x128xf32, #tpu.memory_space<hbm>>)
      %dma_wait3A_115 = arith.constant 0 : i32
      %dma_wait3A_116 = tpu.memref_slice %arg6[%add3A_106, %dma_wait3A_115] : memref<64000x128xf32, #tpu.memory_space<hbm>> -> memref<80x128xf32, #tpu.memory_space<hbm>>
      %dma_wait3A_117 = arith.constant 0 : i32
      %dma_wait3A_118 = tpu.memref_slice %arg6[%add3A_106, %dma_wait3A_117] : memref<64000x128xf32, #tpu.memory_space<hbm>> -> memref<80x128xf32, #tpu.memory_space<hbm>>
      tpu.wait_dma2 semaphore(%arg12 : memref<!tpu.dma_semaphore, #tpu.memory_space<semaphore_mem>>) src(%arg10 : memref<80x128xf32, #tpu.memory_space<vmem>>) dst(%dma_wait3A_118 : memref<80x128xf32, #tpu.memory_space<hbm>>)
    }
    %scan3A_7 = arith.constant 12 : i32
    %dma_start3A = arith.constant 24 : i32
    %dma_start3A_8 = arith.constant 0 : i32
    %dma_start3A_9 = tpu.memref_slice %arg7[%dma_start3A, %dma_start3A_8] : memref<25x80xi32, #tpu.memory_space<vmem>> -> memref<1x80xi32, #tpu.memory_space<vmem>>
    %dma_start3A_10 = tpu.memref_squeeze %dma_start3A_9 : memref<1x80xi32, #tpu.memory_space<vmem>> -> memref<80xi32, #tpu.memory_space<vmem>>
    %dma_start3A_11 = arith.constant 0 : i32
    %dma_start3A_12 = arith.constant 0 : i32
    %dma_start3A_13 = tpu.memref_slice %arg2[%dma_start3A_11, %dma_start3A_12] : memref<10000x128xf32, #tpu.memory_space<hbm>> -> memref<10000x128xf32, #tpu.memory_space<hbm>>
    tpu.enqueue_indirect_dma source(%dma_start3A_13 : memref<10000x128xf32, #tpu.memory_space<hbm>>) target(%arg9 : memref<80x128xf32, #tpu.memory_space<vmem>>) offsets(%dma_start3A_10 : memref<80xi32, #tpu.memory_space<vmem>>) semaphore(%arg11 : memref<!tpu.dma_semaphore, #tpu.memory_space<semaphore_mem>>)
    %dma_wait3A = arith.constant 24 : i32
    %dma_wait3A_14 = arith.constant 0 : i32
    %dma_wait3A_15 = tpu.memref_slice %arg7[%dma_wait3A, %dma_wait3A_14] : memref<25x80xi32, #tpu.memory_space<vmem>> -> memref<1x80xi32, #tpu.memory_space<vmem>>
    %dma_wait3A_16 = tpu.memref_squeeze %dma_wait3A_15 : memref<1x80xi32, #tpu.memory_space<vmem>> -> memref<80xi32, #tpu.memory_space<vmem>>
    %dma_wait3A_17 = arith.constant 0 : i32
    %dma_wait3A_18 = arith.constant 0 : i32
    %dma_wait3A_19 = tpu.memref_slice %arg2[%dma_wait3A_17, %dma_wait3A_18] : memref<10000x128xf32, #tpu.memory_space<hbm>> -> memref<10000x128xf32, #tpu.memory_space<hbm>>
    tpu.wait_indirect_dma semaphore(%arg11 : memref<!tpu.dma_semaphore, #tpu.memory_space<semaphore_mem>>) src(%dma_wait3A_19 : memref<10000x128xf32, #tpu.memory_space<hbm>>) dst(%arg9 : memref<80x128xf32, #tpu.memory_space<vmem>>)
    %dma_start3A_20 = arith.constant 24 : i32
    %dma_start3A_21 = arith.constant 0 : i32
    %dma_start3A_22 = tpu.memref_slice %arg8[%dma_start3A_20, %dma_start3A_21] : memref<25x80xi32, #tpu.memory_space<vmem>> -> memref<1x80xi32, #tpu.memory_space<vmem>>
    %dma_start3A_23 = tpu.memref_squeeze %dma_start3A_22 : memref<1x80xi32, #tpu.memory_space<vmem>> -> memref<80xi32, #tpu.memory_space<vmem>>
    %dma_start3A_24 = arith.constant 0 : i32
    %dma_start3A_25 = arith.constant 0 : i32
    %dma_start3A_26 = tpu.memref_slice %arg3[%dma_start3A_24, %dma_start3A_25] : memref<10000x128xf32, #tpu.memory_space<hbm>> -> memref<10000x128xf32, #tpu.memory_space<hbm>>
    tpu.enqueue_indirect_dma source(%dma_start3A_26 : memref<10000x128xf32, #tpu.memory_space<hbm>>) target(%arg9 : memref<80x128xf32, #tpu.memory_space<vmem>>) offsets(%dma_start3A_23 : memref<80xi32, #tpu.memory_space<vmem>>) semaphore(%arg11 : memref<!tpu.dma_semaphore, #tpu.memory_space<semaphore_mem>>) {add = true}
    %dma_wait3A_27 = arith.constant 24 : i32
    %dma_wait3A_28 = arith.constant 0 : i32
    %dma_wait3A_29 = tpu.memref_slice %arg8[%dma_wait3A_27, %dma_wait3A_28] : memref<25x80xi32, #tpu.memory_space<vmem>> -> memref<1x80xi32, #tpu.memory_space<vmem>>
    %dma_wait3A_30 = tpu.memref_squeeze %dma_wait3A_29 : memref<1x80xi32, #tpu.memory_space<vmem>> -> memref<80xi32, #tpu.memory_space<vmem>>
    %dma_wait3A_31 = arith.constant 0 : i32
    %dma_wait3A_32 = arith.constant 0 : i32
    %dma_wait3A_33 = tpu.memref_slice %arg3[%dma_wait3A_31, %dma_wait3A_32] : memref<10000x128xf32, #tpu.memory_space<hbm>> -> memref<10000x128xf32, #tpu.memory_space<hbm>>
    tpu.wait_indirect_dma semaphore(%arg11 : memref<!tpu.dma_semaphore, #tpu.memory_space<semaphore_mem>>) src(%dma_wait3A_33 : memref<10000x128xf32, #tpu.memory_space<hbm>>) dst(%arg9 : memref<80x128xf32, #tpu.memory_space<vmem>>)
    %add3A_34 = arith.constant 1920 : i32
    %add3A_35 = arith.addi %mul3A_2, %add3A_34 : i32
    %dma_start3A_36 = arith.constant 0 : i32
    %dma_start3A_37 = tpu.memref_slice %arg6[%add3A_35, %dma_start3A_36] : memref<64000x128xf32, #tpu.memory_space<hbm>> -> memref<80x128xf32, #tpu.memory_space<hbm>>
    %dma_start3A_38 = arith.constant 0 : i32
    %dma_start3A_39 = tpu.memref_slice %arg6[%add3A_35, %dma_start3A_38] : memref<64000x128xf32, #tpu.memory_space<hbm>> -> memref<80x128xf32, #tpu.memory_space<hbm>>
    tpu.enqueue_dma source(%arg9 : memref<80x128xf32, #tpu.memory_space<vmem>>) target(%dma_start3A_39 : memref<80x128xf32, #tpu.memory_space<hbm>>) target_semaphore(%arg11 : memref<!tpu.dma_semaphore, #tpu.memory_space<semaphore_mem>>)
    %dma_wait3A_40 = arith.constant 0 : i32
    %dma_wait3A_41 = tpu.memref_slice %arg6[%add3A_35, %dma_wait3A_40] : memref<64000x128xf32, #tpu.memory_space<hbm>> -> memref<80x128xf32, #tpu.memory_space<hbm>>
    %dma_wait3A_42 = arith.constant 0 : i32
    %dma_wait3A_43 = tpu.memref_slice %arg6[%add3A_35, %dma_wait3A_42] : memref<64000x128xf32, #tpu.memory_space<hbm>> -> memref<80x128xf32, #tpu.memory_space<hbm>>
    tpu.wait_dma2 semaphore(%arg11 : memref<!tpu.dma_semaphore, #tpu.memory_space<semaphore_mem>>) src(%arg9 : memref<80x128xf32, #tpu.memory_space<vmem>>) dst(%dma_wait3A_43 : memref<80x128xf32, #tpu.memory_space<hbm>>)
    return
  }
}

#map = affine_map<(d0, d1) -> (0, 0)>
#map1 = affine_map<(d0, d1) -> (0, 0, 0)>
module attributes {stable_mosaic.version = 14 : i64} {
  func.func @_sc_gather(%arg0: i32, %arg1: i32, %arg2: memref<10000x128xf32, #tpu.memory_space<hbm>>, %arg3: memref<10000x128xf32, #tpu.memory_space<hbm>>, %arg4: memref<32x25x80xi32, #tpu.memory_space<hbm>>, %arg5: memref<32x25x80xi32, #tpu.memory_space<hbm>>, %arg6: memref<64000x128xf32, #tpu.memory_space<hbm>>, %arg7: memref<25x80xi32, #tpu.memory_space<vmem>>, %arg8: memref<25x80xi32, #tpu.memory_space<vmem>>, %arg9: memref<80x128xf32, #tpu.memory_space<vmem>>, %arg10: memref<80x128xf32, #tpu.memory_space<vmem>>, %arg11: memref<!tpu.dma_semaphore, #tpu.memory_space<semaphore_mem>>, %arg12: memref<!tpu.dma_semaphore, #tpu.memory_space<semaphore_mem>>) attributes {dimension_semantics = [#tpu.dimension_semantics<core_parallel>, #tpu.dimension_semantics<subcore_parallel>], iteration_bounds = array<i64: 2, 16>, scalar_prefetch = 0 : i64, scratch_operands = 6 : i64, tpu.core_type = #tpu.core_type<sc_vector_subcore>, window_params = [{transform_indices = #map}, {transform_indices = #map}, {transform_indices = #map1}, {transform_indices = #map1}, {transform_indices = #map}]} {
    %mul3A = arith.constant 2 : i32
    %mul3A_0 = arith.muli %arg1, %mul3A : i32
    %add3A = arith.addi %mul3A_0, %arg0 : i32
    %mul3A_1 = arith.constant 2000 : i32
    %mul3A_2 = arith.muli %add3A, %mul3A_1 : i32
    "tpu.region"() ({
      %run_scoped3A = tpu.sem_alloc : memref<!tpu.dma_semaphore, #tpu.memory_space<semaphore_mem>>
      %dma_start3A_44 = arith.constant 0 : i32
      %dma_start3A_45 = arith.constant 0 : i32
      %dma_start3A_46 = tpu.memref_slice %arg4[%add3A, %dma_start3A_44, %dma_start3A_45] : memref<32x25x80xi32, #tpu.memory_space<hbm>> -> memref<1x25x80xi32, #tpu.memory_space<hbm>>
      %dma_start3A_47 = tpu.memref_squeeze %dma_start3A_46 : memref<1x25x80xi32, #tpu.memory_space<hbm>> -> memref<25x80xi32, #tpu.memory_space<hbm>>
      %dma_start3A_48 = arith.constant 0 : i32
      %dma_start3A_49 = arith.constant 0 : i32
      %dma_start3A_50 = tpu.memref_slice %arg4[%add3A, %dma_start3A_48, %dma_start3A_49] : memref<32x25x80xi32, #tpu.memory_space<hbm>> -> memref<1x25x80xi32, #tpu.memory_space<hbm>>
      %dma_start3A_51 = tpu.memref_squeeze %dma_start3A_50 : memref<1x25x80xi32, #tpu.memory_space<hbm>> -> memref<25x80xi32, #tpu.memory_space<hbm>>
      tpu.enqueue_dma source(%dma_start3A_51 : memref<25x80xi32, #tpu.memory_space<hbm>>) target(%arg7 : memref<25x80xi32, #tpu.memory_space<vmem>>) target_semaphore(%run_scoped3A : memref<!tpu.dma_semaphore, #tpu.memory_space<semaphore_mem>>)
      %dma_wait3A_52 = arith.constant 0 : i32
      %dma_wait3A_53 = arith.constant 0 : i32
      %dma_wait3A_54 = tpu.memref_slice %arg4[%add3A, %dma_wait3A_52, %dma_wait3A_53] : memref<32x25x80xi32, #tpu.memory_space<hbm>> -> memref<1x25x80xi32, #tpu.memory_space<hbm>>
      %dma_wait3A_55 = tpu.memref_squeeze %dma_wait3A_54 : memref<1x25x80xi32, #tpu.memory_space<hbm>> -> memref<25x80xi32, #tpu.memory_space<hbm>>
      %dma_wait3A_56 = arith.constant 0 : i32
      %dma_wait3A_57 = arith.constant 0 : i32
      %dma_wait3A_58 = tpu.memref_slice %arg4[%add3A, %dma_wait3A_56, %dma_wait3A_57] : memref<32x25x80xi32, #tpu.memory_space<hbm>> -> memref<1x25x80xi32, #tpu.memory_space<hbm>>
      %dma_wait3A_59 = tpu.memref_squeeze %dma_wait3A_58 : memref<1x25x80xi32, #tpu.memory_space<hbm>> -> memref<25x80xi32, #tpu.memory_space<hbm>>
      tpu.wait_dma2 semaphore(%run_scoped3A : memref<!tpu.dma_semaphore, #tpu.memory_space<semaphore_mem>>) src(%dma_wait3A_59 : memref<25x80xi32, #tpu.memory_space<hbm>>) dst(%arg7 : memref<25x80xi32, #tpu.memory_space<vmem>>)
      tpu.yield
    }) : () -> ()
    "tpu.region"() ({
      %run_scoped3A = tpu.sem_alloc : memref<!tpu.dma_semaphore, #tpu.memory_space<semaphore_mem>>
      %dma_start3A_44 = arith.constant 0 : i32
      %dma_start3A_45 = arith.constant 0 : i32
      %dma_start3A_46 = tpu.memref_slice %arg5[%add3A, %dma_start3A_44, %dma_start3A_45] : memref<32x25x80xi32, #tpu.memory_space<hbm>> -> memref<1x25x80xi32, #tpu.memory_space<hbm>>
      %dma_start3A_47 = tpu.memref_squeeze %dma_start3A_46 : memref<1x25x80xi32, #tpu.memory_space<hbm>> -> memref<25x80xi32, #tpu.memory_space<hbm>>
      %dma_start3A_48 = arith.constant 0 : i32
      %dma_start3A_49 = arith.constant 0 : i32
      %dma_start3A_50 = tpu.memref_slice %arg5[%add3A, %dma_start3A_48, %dma_start3A_49] : memref<32x25x80xi32, #tpu.memory_space<hbm>> -> memref<1x25x80xi32, #tpu.memory_space<hbm>>
      %dma_start3A_51 = tpu.memref_squeeze %dma_start3A_50 : memref<1x25x80xi32, #tpu.memory_space<hbm>> -> memref<25x80xi32, #tpu.memory_space<hbm>>
      tpu.enqueue_dma source(%dma_start3A_51 : memref<25x80xi32, #tpu.memory_space<hbm>>) target(%arg8 : memref<25x80xi32, #tpu.memory_space<vmem>>) target_semaphore(%run_scoped3A : memref<!tpu.dma_semaphore, #tpu.memory_space<semaphore_mem>>)
      %dma_wait3A_52 = arith.constant 0 : i32
      %dma_wait3A_53 = arith.constant 0 : i32
      %dma_wait3A_54 = tpu.memref_slice %arg5[%add3A, %dma_wait3A_52, %dma_wait3A_53] : memref<32x25x80xi32, #tpu.memory_space<hbm>> -> memref<1x25x80xi32, #tpu.memory_space<hbm>>
      %dma_wait3A_55 = tpu.memref_squeeze %dma_wait3A_54 : memref<1x25x80xi32, #tpu.memory_space<hbm>> -> memref<25x80xi32, #tpu.memory_space<hbm>>
      %dma_wait3A_56 = arith.constant 0 : i32
      %dma_wait3A_57 = arith.constant 0 : i32
      %dma_wait3A_58 = tpu.memref_slice %arg5[%add3A, %dma_wait3A_56, %dma_wait3A_57] : memref<32x25x80xi32, #tpu.memory_space<hbm>> -> memref<1x25x80xi32, #tpu.memory_space<hbm>>
      %dma_wait3A_59 = tpu.memref_squeeze %dma_wait3A_58 : memref<1x25x80xi32, #tpu.memory_space<hbm>> -> memref<25x80xi32, #tpu.memory_space<hbm>>
      tpu.wait_dma2 semaphore(%run_scoped3A : memref<!tpu.dma_semaphore, #tpu.memory_space<semaphore_mem>>) src(%dma_wait3A_59 : memref<25x80xi32, #tpu.memory_space<hbm>>) dst(%arg8 : memref<25x80xi32, #tpu.memory_space<vmem>>)
      tpu.yield
    }) : () -> ()
    %scan3A = arith.constant 0 : i32
    %scan3A_3 = arith.constant 0 : i32
    %scan3A_4 = arith.constant 12 : i32
    %scan3A_5 = arith.addi %scan3A_3, %scan3A_4 : i32
    %scan3A_6 = arith.constant 1 : i32
    scf.for %scan3A_44 = %scan3A_3 to %scan3A_5 step %scan3A_6  : i32 {
      %mul3A_45 = arith.constant 2 : i32
      %mul3A_46 = arith.muli %mul3A_45, %scan3A_44 : i32
      %add3A_47 = arith.constant 1 : i32
      %add3A_48 = arith.addi %mul3A_46, %add3A_47 : i32
      %dma_start3A_49 = arith.constant 0 : i32
      %dma_start3A_50 = tpu.memref_slice %arg7[%mul3A_46, %dma_start3A_49] : memref<25x80xi32, #tpu.memory_space<vmem>> -> memref<1x80xi32, #tpu.memory_space<vmem>>
      %dma_start3A_51 = tpu.memref_squeeze %dma_start3A_50 : memref<1x80xi32, #tpu.memory_space<vmem>> -> memref<80xi32, #tpu.memory_space<vmem>>
      %dma_start3A_52 = arith.constant 0 : i32
      %dma_start3A_53 = arith.constant 0 : i32
      %dma_start3A_54 = tpu.memref_slice %arg2[%dma_start3A_52, %dma_start3A_53] : memref<10000x128xf32, #tpu.memory_space<hbm>> -> memref<10000x128xf32, #tpu.memory_space<hbm>>
      tpu.enqueue_indirect_dma source(%dma_start3A_54 : memref<10000x128xf32, #tpu.memory_space<hbm>>) target(%arg9 : memref<80x128xf32, #tpu.memory_space<vmem>>) offsets(%dma_start3A_51 : memref<80xi32, #tpu.memory_space<vmem>>) semaphore(%arg11 : memref<!tpu.dma_semaphore, #tpu.memory_space<semaphore_mem>>)
      %dma_start3A_55 = arith.constant 0 : i32
      %dma_start3A_56 = tpu.memref_slice %arg7[%add3A_48, %dma_start3A_55] : memref<25x80xi32, #tpu.memory_space<vmem>> -> memref<1x80xi32, #tpu.memory_space<vmem>>
      %dma_start3A_57 = tpu.memref_squeeze %dma_start3A_56 : memref<1x80xi32, #tpu.memory_space<vmem>> -> memref<80xi32, #tpu.memory_space<vmem>>
      %dma_start3A_58 = arith.constant 0 : i32
      %dma_start3A_59 = arith.constant 0 : i32
      %dma_start3A_60 = tpu.memref_slice %arg2[%dma_start3A_58, %dma_start3A_59] : memref<10000x128xf32, #tpu.memory_space<hbm>> -> memref<10000x128xf32, #tpu.memory_space<hbm>>
      tpu.enqueue_indirect_dma source(%dma_start3A_60 : memref<10000x128xf32, #tpu.memory_space<hbm>>) target(%arg10 : memref<80x128xf32, #tpu.memory_space<vmem>>) offsets(%dma_start3A_57 : memref<80xi32, #tpu.memory_space<vmem>>) semaphore(%arg12 : memref<!tpu.dma_semaphore, #tpu.memory_space<semaphore_mem>>)
      %dma_wait3A_61 = arith.constant 0 : i32
      %dma_wait3A_62 = tpu.memref_slice %arg7[%mul3A_46, %dma_wait3A_61] : memref<25x80xi32, #tpu.memory_space<vmem>> -> memref<1x80xi32, #tpu.memory_space<vmem>>
      %dma_wait3A_63 = tpu.memref_squeeze %dma_wait3A_62 : memref<1x80xi32, #tpu.memory_space<vmem>> -> memref<80xi32, #tpu.memory_space<vmem>>
      %dma_wait3A_64 = arith.constant 0 : i32
      %dma_wait3A_65 = arith.constant 0 : i32
      %dma_wait3A_66 = tpu.memref_slice %arg2[%dma_wait3A_64, %dma_wait3A_65] : memref<10000x128xf32, #tpu.memory_space<hbm>> -> memref<10000x128xf32, #tpu.memory_space<hbm>>
      tpu.wait_indirect_dma semaphore(%arg11 : memref<!tpu.dma_semaphore, #tpu.memory_space<semaphore_mem>>) src(%dma_wait3A_66 : memref<10000x128xf32, #tpu.memory_space<hbm>>) dst(%arg9 : memref<80x128xf32, #tpu.memory_space<vmem>>)
      %dma_start3A_67 = arith.constant 0 : i32
      %dma_start3A_68 = tpu.memref_slice %arg8[%mul3A_46, %dma_start3A_67] : memref<25x80xi32, #tpu.memory_space<vmem>> -> memref<1x80xi32, #tpu.memory_space<vmem>>
      %dma_start3A_69 = tpu.memref_squeeze %dma_start3A_68 : memref<1x80xi32, #tpu.memory_space<vmem>> -> memref<80xi32, #tpu.memory_space<vmem>>
      %dma_start3A_70 = arith.constant 0 : i32
      %dma_start3A_71 = arith.constant 0 : i32
      %dma_start3A_72 = tpu.memref_slice %arg3[%dma_start3A_70, %dma_start3A_71] : memref<10000x128xf32, #tpu.memory_space<hbm>> -> memref<10000x128xf32, #tpu.memory_space<hbm>>
      tpu.enqueue_indirect_dma source(%dma_start3A_72 : memref<10000x128xf32, #tpu.memory_space<hbm>>) target(%arg9 : memref<80x128xf32, #tpu.memory_space<vmem>>) offsets(%dma_start3A_69 : memref<80xi32, #tpu.memory_space<vmem>>) semaphore(%arg11 : memref<!tpu.dma_semaphore, #tpu.memory_space<semaphore_mem>>) {add = true}
      %dma_wait3A_73 = arith.constant 0 : i32
      %dma_wait3A_74 = tpu.memref_slice %arg7[%add3A_48, %dma_wait3A_73] : memref<25x80xi32, #tpu.memory_space<vmem>> -> memref<1x80xi32, #tpu.memory_space<vmem>>
      %dma_wait3A_75 = tpu.memref_squeeze %dma_wait3A_74 : memref<1x80xi32, #tpu.memory_space<vmem>> -> memref<80xi32, #tpu.memory_space<vmem>>
      %dma_wait3A_76 = arith.constant 0 : i32
      %dma_wait3A_77 = arith.constant 0 : i32
      %dma_wait3A_78 = tpu.memref_slice %arg2[%dma_wait3A_76, %dma_wait3A_77] : memref<10000x128xf32, #tpu.memory_space<hbm>> -> memref<10000x128xf32, #tpu.memory_space<hbm>>
      tpu.wait_indirect_dma semaphore(%arg12 : memref<!tpu.dma_semaphore, #tpu.memory_space<semaphore_mem>>) src(%dma_wait3A_78 : memref<10000x128xf32, #tpu.memory_space<hbm>>) dst(%arg10 : memref<80x128xf32, #tpu.memory_space<vmem>>)
      %dma_start3A_79 = arith.constant 0 : i32
      %dma_start3A_80 = tpu.memref_slice %arg8[%add3A_48, %dma_start3A_79] : memref<25x80xi32, #tpu.memory_space<vmem>> -> memref<1x80xi32, #tpu.memory_space<vmem>>
      %dma_start3A_81 = tpu.memref_squeeze %dma_start3A_80 : memref<1x80xi32, #tpu.memory_space<vmem>> -> memref<80xi32, #tpu.memory_space<vmem>>
      %dma_start3A_82 = arith.constant 0 : i32
      %dma_start3A_83 = arith.constant 0 : i32
      %dma_start3A_84 = tpu.memref_slice %arg3[%dma_start3A_82, %dma_start3A_83] : memref<10000x128xf32, #tpu.memory_space<hbm>> -> memref<10000x128xf32, #tpu.memory_space<hbm>>
      tpu.enqueue_indirect_dma source(%dma_start3A_84 : memref<10000x128xf32, #tpu.memory_space<hbm>>) target(%arg10 : memref<80x128xf32, #tpu.memory_space<vmem>>) offsets(%dma_start3A_81 : memref<80xi32, #tpu.memory_space<vmem>>) semaphore(%arg12 : memref<!tpu.dma_semaphore, #tpu.memory_space<semaphore_mem>>) {add = true}
      %dma_wait3A_85 = arith.constant 0 : i32
      %dma_wait3A_86 = tpu.memref_slice %arg8[%mul3A_46, %dma_wait3A_85] : memref<25x80xi32, #tpu.memory_space<vmem>> -> memref<1x80xi32, #tpu.memory_space<vmem>>
      %dma_wait3A_87 = tpu.memref_squeeze %dma_wait3A_86 : memref<1x80xi32, #tpu.memory_space<vmem>> -> memref<80xi32, #tpu.memory_space<vmem>>
      %dma_wait3A_88 = arith.constant 0 : i32
      %dma_wait3A_89 = arith.constant 0 : i32
      %dma_wait3A_90 = tpu.memref_slice %arg3[%dma_wait3A_88, %dma_wait3A_89] : memref<10000x128xf32, #tpu.memory_space<hbm>> -> memref<10000x128xf32, #tpu.memory_space<hbm>>
      tpu.wait_indirect_dma semaphore(%arg11 : memref<!tpu.dma_semaphore, #tpu.memory_space<semaphore_mem>>) src(%dma_wait3A_90 : memref<10000x128xf32, #tpu.memory_space<hbm>>) dst(%arg9 : memref<80x128xf32, #tpu.memory_space<vmem>>)
      %mul3A_91 = arith.constant 80 : i32
      %mul3A_92 = arith.muli %mul3A_46, %mul3A_91 : i32
      %add3A_93 = arith.addi %mul3A_2, %mul3A_92 : i32
      %dma_start3A_94 = arith.constant 0 : i32
      %dma_start3A_95 = tpu.memref_slice %arg6[%add3A_93, %dma_start3A_94] : memref<64000x128xf32, #tpu.memory_space<hbm>> -> memref<80x128xf32, #tpu.memory_space<hbm>>
      %dma_start3A_96 = arith.constant 0 : i32
      %dma_start3A_97 = tpu.memref_slice %arg6[%add3A_93, %dma_start3A_96] : memref<64000x128xf32, #tpu.memory_space<hbm>> -> memref<80x128xf32, #tpu.memory_space<hbm>>
      tpu.enqueue_dma source(%arg9 : memref<80x128xf32, #tpu.memory_space<vmem>>) target(%dma_start3A_97 : memref<80x128xf32, #tpu.memory_space<hbm>>) target_semaphore(%arg11 : memref<!tpu.dma_semaphore, #tpu.memory_space<semaphore_mem>>)
      %dma_wait3A_98 = arith.constant 0 : i32
      %dma_wait3A_99 = tpu.memref_slice %arg8[%add3A_48, %dma_wait3A_98] : memref<25x80xi32, #tpu.memory_space<vmem>> -> memref<1x80xi32, #tpu.memory_space<vmem>>
      %dma_wait3A_100 = tpu.memref_squeeze %dma_wait3A_99 : memref<1x80xi32, #tpu.memory_space<vmem>> -> memref<80xi32, #tpu.memory_space<vmem>>
      %dma_wait3A_101 = arith.constant 0 : i32
      %dma_wait3A_102 = arith.constant 0 : i32
      %dma_wait3A_103 = tpu.memref_slice %arg3[%dma_wait3A_101, %dma_wait3A_102] : memref<10000x128xf32, #tpu.memory_space<hbm>> -> memref<10000x128xf32, #tpu.memory_space<hbm>>
      tpu.wait_indirect_dma semaphore(%arg12 : memref<!tpu.dma_semaphore, #tpu.memory_space<semaphore_mem>>) src(%dma_wait3A_103 : memref<10000x128xf32, #tpu.memory_space<hbm>>) dst(%arg10 : memref<80x128xf32, #tpu.memory_space<vmem>>)
      %mul3A_104 = arith.constant 80 : i32
      %mul3A_105 = arith.muli %add3A_48, %mul3A_104 : i32
      %add3A_106 = arith.addi %mul3A_2, %mul3A_105 : i32
      %dma_start3A_107 = arith.constant 0 : i32
      %dma_start3A_108 = tpu.memref_slice %arg6[%add3A_106, %dma_start3A_107] : memref<64000x128xf32, #tpu.memory_space<hbm>> -> memref<80x128xf32, #tpu.memory_space<hbm>>
      %dma_start3A_109 = arith.constant 0 : i32
      %dma_start3A_110 = tpu.memref_slice %arg6[%add3A_106, %dma_start3A_109] : memref<64000x128xf32, #tpu.memory_space<hbm>> -> memref<80x128xf32, #tpu.memory_space<hbm>>
      tpu.enqueue_dma source(%arg10 : memref<80x128xf32, #tpu.memory_space<vmem>>) target(%dma_start3A_110 : memref<80x128xf32, #tpu.memory_space<hbm>>) target_semaphore(%arg12 : memref<!tpu.dma_semaphore, #tpu.memory_space<semaphore_mem>>)
      %dma_wait3A_111 = arith.constant 0 : i32
      %dma_wait3A_112 = tpu.memref_slice %arg6[%add3A_93, %dma_wait3A_111] : memref<64000x128xf32, #tpu.memory_space<hbm>> -> memref<80x128xf32, #tpu.memory_space<hbm>>
      %dma_wait3A_113 = arith.constant 0 : i32
      %dma_wait3A_114 = tpu.memref_slice %arg6[%add3A_93, %dma_wait3A_113] : memref<64000x128xf32, #tpu.memory_space<hbm>> -> memref<80x128xf32, #tpu.memory_space<hbm>>
      tpu.wait_dma2 semaphore(%arg11 : memref<!tpu.dma_semaphore, #tpu.memory_space<semaphore_mem>>) src(%arg9 : memref<80x128xf32, #tpu.memory_space<vmem>>) dst(%dma_wait3A_114 : memref<80x128xf32, #tpu.memory_space<hbm>>)
      %dma_wait3A_115 = arith.constant 0 : i32
      %dma_wait3A_116 = tpu.memref_slice %arg6[%add3A_106, %dma_wait3A_115] : memref<64000x128xf32, #tpu.memory_space<hbm>> -> memref<80x128xf32, #tpu.memory_space<hbm>>
      %dma_wait3A_117 = arith.constant 0 : i32
      %dma_wait3A_118 = tpu.memref_slice %arg6[%add3A_106, %dma_wait3A_117] : memref<64000x128xf32, #tpu.memory_space<hbm>> -> memref<80x128xf32, #tpu.memory_space<hbm>>
      tpu.wait_dma2 semaphore(%arg12 : memref<!tpu.dma_semaphore, #tpu.memory_space<semaphore_mem>>) src(%arg10 : memref<80x128xf32, #tpu.memory_space<vmem>>) dst(%dma_wait3A_118 : memref<80x128xf32, #tpu.memory_space<hbm>>)
    }
    %scan3A_7 = arith.constant 12 : i32
    %dma_start3A = arith.constant 24 : i32
    %dma_start3A_8 = arith.constant 0 : i32
    %dma_start3A_9 = tpu.memref_slice %arg7[%dma_start3A, %dma_start3A_8] : memref<25x80xi32, #tpu.memory_space<vmem>> -> memref<1x80xi32, #tpu.memory_space<vmem>>
    %dma_start3A_10 = tpu.memref_squeeze %dma_start3A_9 : memref<1x80xi32, #tpu.memory_space<vmem>> -> memref<80xi32, #tpu.memory_space<vmem>>
    %dma_start3A_11 = arith.constant 0 : i32
    %dma_start3A_12 = arith.constant 0 : i32
    %dma_start3A_13 = tpu.memref_slice %arg2[%dma_start3A_11, %dma_start3A_12] : memref<10000x128xf32, #tpu.memory_space<hbm>> -> memref<10000x128xf32, #tpu.memory_space<hbm>>
    tpu.enqueue_indirect_dma source(%dma_start3A_13 : memref<10000x128xf32, #tpu.memory_space<hbm>>) target(%arg9 : memref<80x128xf32, #tpu.memory_space<vmem>>) offsets(%dma_start3A_10 : memref<80xi32, #tpu.memory_space<vmem>>) semaphore(%arg11 : memref<!tpu.dma_semaphore, #tpu.memory_space<semaphore_mem>>)
    %dma_wait3A = arith.constant 24 : i32
    %dma_wait3A_14 = arith.constant 0 : i32
    %dma_wait3A_15 = tpu.memref_slice %arg7[%dma_wait3A, %dma_wait3A_14] : memref<25x80xi32, #tpu.memory_space<vmem>> -> memref<1x80xi32, #tpu.memory_space<vmem>>
    %dma_wait3A_16 = tpu.memref_squeeze %dma_wait3A_15 : memref<1x80xi32, #tpu.memory_space<vmem>> -> memref<80xi32, #tpu.memory_space<vmem>>
    %dma_wait3A_17 = arith.constant 0 : i32
    %dma_wait3A_18 = arith.constant 0 : i32
    %dma_wait3A_19 = tpu.memref_slice %arg2[%dma_wait3A_17, %dma_wait3A_18] : memref<10000x128xf32, #tpu.memory_space<hbm>> -> memref<10000x128xf32, #tpu.memory_space<hbm>>
    tpu.wait_indirect_dma semaphore(%arg11 : memref<!tpu.dma_semaphore, #tpu.memory_space<semaphore_mem>>) src(%dma_wait3A_19 : memref<10000x128xf32, #tpu.memory_space<hbm>>) dst(%arg9 : memref<80x128xf32, #tpu.memory_space<vmem>>)
    %dma_start3A_20 = arith.constant 24 : i32
    %dma_start3A_21 = arith.constant 0 : i32
    %dma_start3A_22 = tpu.memref_slice %arg8[%dma_start3A_20, %dma_start3A_21] : memref<25x80xi32, #tpu.memory_space<vmem>> -> memref<1x80xi32, #tpu.memory_space<vmem>>
    %dma_start3A_23 = tpu.memref_squeeze %dma_start3A_22 : memref<1x80xi32, #tpu.memory_space<vmem>> -> memref<80xi32, #tpu.memory_space<vmem>>
    %dma_start3A_24 = arith.constant 0 : i32
    %dma_start3A_25 = arith.constant 0 : i32
    %dma_start3A_26 = tpu.memref_slice %arg3[%dma_start3A_24, %dma_start3A_25] : memref<10000x128xf32, #tpu.memory_space<hbm>> -> memref<10000x128xf32, #tpu.memory_space<hbm>>
    tpu.enqueue_indirect_dma source(%dma_start3A_26 : memref<10000x128xf32, #tpu.memory_space<hbm>>) target(%arg9 : memref<80x128xf32, #tpu.memory_space<vmem>>) offsets(%dma_start3A_23 : memref<80xi32, #tpu.memory_space<vmem>>) semaphore(%arg11 : memref<!tpu.dma_semaphore, #tpu.memory_space<semaphore_mem>>) {add = true}
    %dma_wait3A_27 = arith.constant 24 : i32
    %dma_wait3A_28 = arith.constant 0 : i32
    %dma_wait3A_29 = tpu.memref_slice %arg8[%dma_wait3A_27, %dma_wait3A_28] : memref<25x80xi32, #tpu.memory_space<vmem>> -> memref<1x80xi32, #tpu.memory_space<vmem>>
    %dma_wait3A_30 = tpu.memref_squeeze %dma_wait3A_29 : memref<1x80xi32, #tpu.memory_space<vmem>> -> memref<80xi32, #tpu.memory_space<vmem>>
    %dma_wait3A_31 = arith.constant 0 : i32
    %dma_wait3A_32 = arith.constant 0 : i32
    %dma_wait3A_33 = tpu.memref_slice %arg3[%dma_wait3A_31, %dma_wait3A_32] : memref<10000x128xf32, #tpu.memory_space<hbm>> -> memref<10000x128xf32, #tpu.memory_space<hbm>>
    tpu.wait_indirect_dma semaphore(%arg11 : memref<!tpu.dma_semaphore, #tpu.memory_space<semaphore_mem>>) src(%dma_wait3A_33 : memref<10000x128xf32, #tpu.memory_space<hbm>>) dst(%arg9 : memref<80x128xf32, #tpu.memory_space<vmem>>)
    %add3A_34 = arith.constant 1920 : i32
    %add3A_35 = arith.addi %mul3A_2, %add3A_34 : i32
    %dma_start3A_36 = arith.constant 0 : i32
    %dma_start3A_37 = tpu.memref_slice %arg6[%add3A_35, %dma_start3A_36] : memref<64000x128xf32, #tpu.memory_space<hbm>> -> memref<80x128xf32, #tpu.memory_space<hbm>>
    %dma_start3A_38 = arith.constant 0 : i32
    %dma_start3A_39 = tpu.memref_slice %arg6[%add3A_35, %dma_start3A_38] : memref<64000x128xf32, #tpu.memory_space<hbm>> -> memref<80x128xf32, #tpu.memory_space<hbm>>
    tpu.enqueue_dma source(%arg9 : memref<80x128xf32, #tpu.memory_space<vmem>>) target(%dma_start3A_39 : memref<80x128xf32, #tpu.memory_space<hbm>>) target_semaphore(%arg11 : memref<!tpu.dma_semaphore, #tpu.memory_space<semaphore_mem>>)
    %dma_wait3A_40 = arith.constant 0 : i32
    %dma_wait3A_41 = tpu.memref_slice %arg6[%add3A_35, %dma_wait3A_40] : memref<64000x128xf32, #tpu.memory_space<hbm>> -> memref<80x128xf32, #tpu.memory_space<hbm>>
    %dma_wait3A_42 = arith.constant 0 : i32
    %dma_wait3A_43 = tpu.memref_slice %arg6[%add3A_35, %dma_wait3A_42] : memref<64000x128xf32, #tpu.memory_space<hbm>> -> memref<80x128xf32, #tpu.memory_space<hbm>>
    tpu.wait_dma2 semaphore(%arg11 : memref<!tpu.dma_semaphore, #tpu.memory_space<semaphore_mem>>) src(%arg9 : memref<80x128xf32, #tpu.memory_space<vmem>>) dst(%dma_wait3A_43 : memref<80x128xf32, #tpu.memory_space<hbm>>)
    return
  }
}

#map = affine_map<(d0, d1) -> (0, 0, 0)>
#map1 = affine_map<(d0, d1) -> (0, 0)>
module attributes {stable_mosaic.version = 14 : i64} {
  func.func @_sc_count(%arg0: i32, %arg1: i32, %arg2: memref<32x125x80xi32, #tpu.memory_space<hbm>>, %arg3: memref<640x128xf32, #tpu.memory_space<hbm>>, %arg4: memref<2x10240x128xf32, #tpu.memory_space<hbm>>, %arg5: memref<10240x128xf32, #tpu.memory_space<vmem_shared>>, %arg6: memref<125x80xi32, #tpu.memory_space<vmem>>, %arg7: memref<80x128xf32, #tpu.memory_space<vmem>>, %arg8: memref<!tpu.dma_semaphore, #tpu.memory_space<semaphore_mem>>, %arg9: memref<!tpu.dma_semaphore, #tpu.memory_space<semaphore_mem>>) attributes {dimension_semantics = [#tpu.dimension_semantics<core_parallel>, #tpu.dimension_semantics<subcore_parallel>], iteration_bounds = array<i64: 2, 16>, scalar_prefetch = 0 : i64, scratch_operands = 5 : i64, tpu.core_type = #tpu.core_type<sc_vector_subcore>, window_params = [{transform_indices = #map}, {transform_indices = #map1}, {transform_indices = #map}]} {
    %mul3A = arith.constant 2 : i32
    %mul3A_0 = arith.muli %arg1, %mul3A : i32
    %add3A = arith.addi %mul3A_0, %arg0 : i32
    %mul3A_1 = arith.constant 640 : i32
    %mul3A_2 = arith.muli %arg1, %mul3A_1 : i32
    %dma_start3A = arith.constant 0 : i32
    %dma_start3A_3 = tpu.memref_slice %arg5[%mul3A_2, %dma_start3A] : memref<10240x128xf32, #tpu.memory_space<vmem_shared>> -> memref<640x128xf32, #tpu.memory_space<vmem_shared>>
    tpu.enqueue_dma source(%arg3 : memref<640x128xf32, #tpu.memory_space<hbm>>) target(%dma_start3A_3 : memref<640x128xf32, #tpu.memory_space<vmem_shared>>) target_semaphore(%arg8 : memref<!tpu.dma_semaphore, #tpu.memory_space<semaphore_mem>>)
    "tpu.region"() ({
      %run_scoped3A = tpu.sem_alloc : memref<!tpu.dma_semaphore, #tpu.memory_space<semaphore_mem>>
      %dma_start3A_45 = arith.constant 0 : i32
      %dma_start3A_46 = arith.constant 0 : i32
      %dma_start3A_47 = tpu.memref_slice %arg2[%add3A, %dma_start3A_45, %dma_start3A_46] : memref<32x125x80xi32, #tpu.memory_space<hbm>> -> memref<1x125x80xi32, #tpu.memory_space<hbm>>
      %dma_start3A_48 = tpu.memref_squeeze %dma_start3A_47 : memref<1x125x80xi32, #tpu.memory_space<hbm>> -> memref<125x80xi32, #tpu.memory_space<hbm>>
      %dma_start3A_49 = arith.constant 0 : i32
      %dma_start3A_50 = arith.constant 0 : i32
      %dma_start3A_51 = tpu.memref_slice %arg2[%add3A, %dma_start3A_49, %dma_start3A_50] : memref<32x125x80xi32, #tpu.memory_space<hbm>> -> memref<1x125x80xi32, #tpu.memory_space<hbm>>
      %dma_start3A_52 = tpu.memref_squeeze %dma_start3A_51 : memref<1x125x80xi32, #tpu.memory_space<hbm>> -> memref<125x80xi32, #tpu.memory_space<hbm>>
      tpu.enqueue_dma source(%dma_start3A_52 : memref<125x80xi32, #tpu.memory_space<hbm>>) target(%arg6 : memref<125x80xi32, #tpu.memory_space<vmem>>) target_semaphore(%run_scoped3A : memref<!tpu.dma_semaphore, #tpu.memory_space<semaphore_mem>>)
      %dma_wait3A_53 = arith.constant 0 : i32
      %dma_wait3A_54 = arith.constant 0 : i32
      %dma_wait3A_55 = tpu.memref_slice %arg2[%add3A, %dma_wait3A_53, %dma_wait3A_54] : memref<32x125x80xi32, #tpu.memory_space<hbm>> -> memref<1x125x80xi32, #tpu.memory_space<hbm>>
      %dma_wait3A_56 = tpu.memref_squeeze %dma_wait3A_55 : memref<1x125x80xi32, #tpu.memory_space<hbm>> -> memref<125x80xi32, #tpu.memory_space<hbm>>
      %dma_wait3A_57 = arith.constant 0 : i32
      %dma_wait3A_58 = arith.constant 0 : i32
      %dma_wait3A_59 = tpu.memref_slice %arg2[%add3A, %dma_wait3A_57, %dma_wait3A_58] : memref<32x125x80xi32, #tpu.memory_space<hbm>> -> memref<1x125x80xi32, #tpu.memory_space<hbm>>
      %dma_wait3A_60 = tpu.memref_squeeze %dma_wait3A_59 : memref<1x125x80xi32, #tpu.memory_space<hbm>> -> memref<125x80xi32, #tpu.memory_space<hbm>>
      tpu.wait_dma2 semaphore(%run_scoped3A : memref<!tpu.dma_semaphore, #tpu.memory_space<semaphore_mem>>) src(%dma_wait3A_60 : memref<125x80xi32, #tpu.memory_space<hbm>>) dst(%arg6 : memref<125x80xi32, #tpu.memory_space<vmem>>)
      tpu.yield
    }) : () -> ()
    %scan3A = arith.constant 0 : i32
    %scan3A_4 = arith.constant 0 : i32
    %scan3A_5 = arith.constant 80 : i32
    %scan3A_6 = arith.addi %scan3A_4, %scan3A_5 : i32
    %scan3A_7 = arith.constant 1 : i32
    scf.for %scan3A_45 = %scan3A_4 to %scan3A_6 step %scan3A_7  : i32 {
      %broadcast_in_dim3A = arith.constant 1.000000e+00 : f32
      %broadcast_in_dim3A_46 = vector.broadcast %broadcast_in_dim3A : f32 to vector<128xf32>
      %swap3A = arith.index_cast %scan3A_45 : i32 to index
      %swap3A_47 = arith.constant 0 : index
      %swap3A_48 = tpu.vector_load %arg7[%swap3A, %swap3A_47] {strides = array<i32>} : memref<80x128xf32, #tpu.memory_space<vmem>>, vector<1x128xf32>,
      %swap3A_49 = vector.shape_cast %swap3A_48 : vector<1x128xf32> to vector<128xf32>
      %swap3A_50 = vector.shape_cast %broadcast_in_dim3A_46 : vector<128xf32> to vector<1x128xf32>
      tpu.vector_store %arg7[%swap3A, %swap3A_47], %swap3A_50 {strides = array<i32>} : memref<80x128xf32, #tpu.memory_space<vmem>>, vector<1x128xf32>,
    }
    %scan3A_8 = arith.constant 80 : i32
    %dma_wait3A = arith.constant 0 : i32
    %dma_wait3A_9 = tpu.memref_slice %arg5[%mul3A_2, %dma_wait3A] : memref<10240x128xf32, #tpu.memory_space<vmem_shared>> -> memref<640x128xf32, #tpu.memory_space<vmem_shared>>
    tpu.wait_dma2 semaphore(%arg8 : memref<!tpu.dma_semaphore, #tpu.memory_space<semaphore_mem>>) src(%arg3 : memref<640x128xf32, #tpu.memory_space<hbm>>) dst(%dma_wait3A_9 : memref<640x128xf32, #tpu.memory_space<vmem_shared>>)
    %barrier3A = arith.constant 0 : index
    tpu.barrier barrier_id(%barrier3A)
    %scan3A_10 = arith.constant 0 : i32
    %scan3A_11 = arith.constant 0 : i32
    %scan3A_12 = arith.constant 62 : i32
    %scan3A_13 = arith.addi %scan3A_11, %scan3A_12 : i32
    %scan3A_14 = arith.constant 1 : i32
    scf.for %scan3A_45 = %scan3A_11 to %scan3A_13 step %scan3A_14  : i32 {
      %mul3A_46 = arith.constant 2 : i32
      %mul3A_47 = arith.muli %mul3A_46, %scan3A_45 : i32
      %add3A_48 = arith.constant 1 : i32
      %add3A_49 = arith.addi %mul3A_47, %add3A_48 : i32
      %dma_start3A_50 = arith.constant 0 : i32
      %dma_start3A_51 = tpu.memref_slice %arg6[%mul3A_47, %dma_start3A_50] : memref<125x80xi32, #tpu.memory_space<vmem>> -> memref<1x80xi32, #tpu.memory_space<vmem>>
      %dma_start3A_52 = tpu.memref_squeeze %dma_start3A_51 : memref<1x80xi32, #tpu.memory_space<vmem>> -> memref<80xi32, #tpu.memory_space<vmem>>
      %dma_start3A_53 = arith.constant 0 : i32
      %dma_start3A_54 = arith.constant 0 : i32
      %dma_start3A_55 = tpu.memref_slice %arg5[%dma_start3A_53, %dma_start3A_54] : memref<10240x128xf32, #tpu.memory_space<vmem_shared>> -> memref<10240x128xf32, #tpu.memory_space<vmem_shared>>
      tpu.enqueue_indirect_dma source(%arg7 : memref<80x128xf32, #tpu.memory_space<vmem>>) target(%dma_start3A_55 : memref<10240x128xf32, #tpu.memory_space<vmem_shared>>) offsets(%dma_start3A_52 : memref<80xi32, #tpu.memory_space<vmem>>) semaphore(%arg8 : memref<!tpu.dma_semaphore, #tpu.memory_space<semaphore_mem>>) {add = true}
      %dma_start3A_56 = arith.constant 0 : i32
      %dma_start3A_57 = tpu.memref_slice %arg6[%add3A_49, %dma_start3A_56] : memref<125x80xi32, #tpu.memory_space<vmem>> -> memref<1x80xi32, #tpu.memory_space<vmem>>
      %dma_start3A_58 = tpu.memref_squeeze %dma_start3A_57 : memref<1x80xi32, #tpu.memory_space<vmem>> -> memref<80xi32, #tpu.memory_space<vmem>>
      %dma_start3A_59 = arith.constant 0 : i32
      %dma_start3A_60 = arith.constant 0 : i32
      %dma_start3A_61 = tpu.memref_slice %arg5[%dma_start3A_59, %dma_start3A_60] : memref<10240x128xf32, #tpu.memory_space<vmem_shared>> -> memref<10240x128xf32, #tpu.memory_space<vmem_shared>>
      tpu.enqueue_indirect_dma source(%arg7 : memref<80x128xf32, #tpu.memory_space<vmem>>) target(%dma_start3A_61 : memref<10240x128xf32, #tpu.memory_space<vmem_shared>>) offsets(%dma_start3A_58 : memref<80xi32, #tpu.memory_space<vmem>>) semaphore(%arg9 : memref<!tpu.dma_semaphore, #tpu.memory_space<semaphore_mem>>) {add = true}
      %dma_wait3A_62 = arith.constant 0 : i32
      %dma_wait3A_63 = tpu.memref_slice %arg6[%mul3A_47, %dma_wait3A_62] : memref<125x80xi32, #tpu.memory_space<vmem>> -> memref<1x80xi32, #tpu.memory_space<vmem>>
      %dma_wait3A_64 = tpu.memref_squeeze %dma_wait3A_63 : memref<1x80xi32, #tpu.memory_space<vmem>> -> memref<80xi32, #tpu.memory_space<vmem>>
      %dma_wait3A_65 = arith.constant 0 : i32
      %dma_wait3A_66 = arith.constant 0 : i32
      %dma_wait3A_67 = tpu.memref_slice %arg5[%dma_wait3A_65, %dma_wait3A_66] : memref<10240x128xf32, #tpu.memory_space<vmem_shared>> -> memref<10240x128xf32, #tpu.memory_space<vmem_shared>>
      tpu.wait_indirect_dma semaphore(%arg8 : memref<!tpu.dma_semaphore, #tpu.memory_space<semaphore_mem>>) src(%arg7 : memref<80x128xf32, #tpu.memory_space<vmem>>) dst(%dma_wait3A_67 : memref<10240x128xf32, #tpu.memory_space<vmem_shared>>)
      %dma_wait3A_68 = arith.constant 0 : i32
      %dma_wait3A_69 = tpu.memref_slice %arg6[%add3A_49, %dma_wait3A_68] : memref<125x80xi32, #tpu.memory_space<vmem>> -> memref<1x80xi32, #tpu.memory_space<vmem>>
      %dma_wait3A_70 = tpu.memref_squeeze %dma_wait3A_69 : memref<1x80xi32, #tpu.memory_space<vmem>> -> memref<80xi32, #tpu.memory_space<vmem>>
      %dma_wait3A_71 = arith.constant 0 : i32
      %dma_wait3A_72 = arith.constant 0 : i32
      %dma_wait3A_73 = tpu.memref_slice %arg5[%dma_wait3A_71, %dma_wait3A_72] : memref<10240x128xf32, #tpu.memory_space<vmem_shared>> -> memref<10240x128xf32, #tpu.memory_space<vmem_shared>>
      tpu.wait_indirect_dma semaphore(%arg9 : memref<!tpu.dma_semaphore, #tpu.memory_space<semaphore_mem>>) src(%arg7 : memref<80x128xf32, #tpu.memory_space<vmem>>) dst(%dma_wait3A_73 : memref<10240x128xf32, #tpu.memory_space<vmem_shared>>)
    }
    %scan3A_15 = arith.constant 62 : i32
    %dma_start3A_16 = arith.constant 124 : i32
    %dma_start3A_17 = arith.constant 0 : i32
    %dma_start3A_18 = tpu.memref_slice %arg6[%dma_start3A_16, %dma_start3A_17] : memref<125x80xi32, #tpu.memory_space<vmem>> -> memref<1x80xi32, #tpu.memory_space<vmem>>
    %dma_start3A_19 = tpu.memref_squeeze %dma_start3A_18 : memref<1x80xi32, #tpu.memory_space<vmem>> -> memref<80xi32, #tpu.memory_space<vmem>>
    %dma_start3A_20 = arith.constant 0 : i32
    %dma_start3A_21 = arith.constant 0 : i32
    %dma_start3A_22 = tpu.memref_slice %arg5[%dma_start3A_20, %dma_start3A_21] : memref<10240x128xf32, #tpu.memory_space<vmem_shared>> -> memref<10240x128xf32, #tpu.memory_space<vmem_shared>>
    tpu.enqueue_indirect_dma source(%arg7 : memref<80x128xf32, #tpu.memory_space<vmem>>) target(%dma_start3A_22 : memref<10240x128xf32, #tpu.memory_space<vmem_shared>>) offsets(%dma_start3A_19 : memref<80xi32, #tpu.memory_space<vmem>>) semaphore(%arg8 : memref<!tpu.dma_semaphore, #tpu.memory_space<semaphore_mem>>) {add = true}
    %dma_wait3A_23 = arith.constant 124 : i32
    %dma_wait3A_24 = arith.constant 0 : i32
    %dma_wait3A_25 = tpu.memref_slice %arg6[%dma_wait3A_23, %dma_wait3A_24] : memref<125x80xi32, #tpu.memory_space<vmem>> -> memref<1x80xi32, #tpu.memory_space<vmem>>
    %dma_wait3A_26 = tpu.memref_squeeze %dma_wait3A_25 : memref<1x80xi32, #tpu.memory_space<vmem>> -> memref<80xi32, #tpu.memory_space<vmem>>
    %dma_wait3A_27 = arith.constant 0 : i32
    %dma_wait3A_28 = arith.constant 0 : i32
    %dma_wait3A_29 = tpu.memref_slice %arg5[%dma_wait3A_27, %dma_wait3A_28] : memref<10240x128xf32, #tpu.memory_space<vmem_shared>> -> memref<10240x128xf32, #tpu.memory_space<vmem_shared>>
    tpu.wait_indirect_dma semaphore(%arg8 : memref<!tpu.dma_semaphore, #tpu.memory_space<semaphore_mem>>) src(%arg7 : memref<80x128xf32, #tpu.memory_space<vmem>>) dst(%dma_wait3A_29 : memref<10240x128xf32, #tpu.memory_space<vmem_shared>>)
    %barrier3A_30 = arith.constant 0 : index
    tpu.barrier barrier_id(%barrier3A_30)
    %mul3A_31 = arith.constant 640 : i32
    %mul3A_32 = arith.muli %arg1, %mul3A_31 : i32
    %mul3A_33 = arith.constant 640 : i32
    %mul3A_34 = arith.muli %arg1, %mul3A_33 : i32
    %dma_start3A_35 = arith.constant 0 : i32
    %dma_start3A_36 = tpu.memref_slice %arg4[%arg0, %mul3A_34, %dma_start3A_35] : memref<2x10240x128xf32, #tpu.memory_space<hbm>> -> memref<1x640x128xf32, #tpu.memory_space<hbm>>
    %dma_start3A_37 = tpu.memref_squeeze %dma_start3A_36 : memref<1x640x128xf32, #tpu.memory_space<hbm>> -> memref<640x128xf32, #tpu.memory_space<hbm>>
    %dma_start3A_38 = arith.constant 0 : i32
    %dma_start3A_39 = tpu.memref_slice %arg5[%mul3A_32, %dma_start3A_38] : memref<10240x128xf32, #tpu.memory_space<vmem_shared>> -> memref<640x128xf32, #tpu.memory_space<vmem_shared>>
    tpu.enqueue_dma source(%dma_start3A_39 : memref<640x128xf32, #tpu.memory_space<vmem_shared>>) target(%dma_start3A_37 : memref<640x128xf32, #tpu.memory_space<hbm>>) target_semaphore(%arg8 : memref<!tpu.dma_semaphore, #tpu.memory_space<semaphore_mem>>)
    %dma_wait3A_40 = arith.constant 0 : i32
    %dma_wait3A_41 = tpu.memref_slice %arg4[%arg0, %mul3A_34, %dma_wait3A_40] : memref<2x10240x128xf32, #tpu.memory_space<hbm>> -> memref<1x640x128xf32, #tpu.memory_space<hbm>>
    %dma_wait3A_42 = tpu.memref_squeeze %dma_wait3A_41 : memref<1x640x128xf32, #tpu.memory_space<hbm>> -> memref<640x128xf32, #tpu.memory_space<hbm>>
    %dma_wait3A_43 = arith.constant 0 : i32
    %dma_wait3A_44 = tpu.memref_slice %arg5[%mul3A_32, %dma_wait3A_43] : memref<10240x128xf32, #tpu.memory_space<vmem_shared>> -> memref<640x128xf32, #tpu.memory_space<vmem_shared>>
    tpu.wait_dma2 semaphore(%arg8 : memref<!tpu.dma_semaphore, #tpu.memory_space<semaphore_mem>>) src(%dma_wait3A_44 : memref<640x128xf32, #tpu.memory_space<vmem_shared>>) dst(%dma_wait3A_42 : memref<640x128xf32, #tpu.memory_space<hbm>>)
    return
  }
}

#map = affine_map<(d0, d1) -> (0, 0)>
#map1 = affine_map<(d0, d1) -> (0, 0, 0)>
module attributes {stable_mosaic.version = 14 : i64} {
  func.func @_sc_scatter(%arg0: i32, %arg1: i32, %arg2: memref<320000x128xf32, #tpu.memory_space<hbm>>, %arg3: memref<32x125x80xi32, #tpu.memory_space<hbm>>, %arg4: memref<640x128xf32, #tpu.memory_space<hbm>>, %arg5: memref<2x10240x128xf32, #tpu.memory_space<hbm>>, %arg6: memref<10240x128xf32, #tpu.memory_space<vmem_shared>>, %arg7: memref<125x80xi32, #tpu.memory_space<vmem>>, %arg8: memref<80x128xf32, #tpu.memory_space<vmem>>, %arg9: memref<80x128xf32, #tpu.memory_space<vmem>>, %arg10: memref<!tpu.dma_semaphore, #tpu.memory_space<semaphore_mem>>, %arg11: memref<!tpu.dma_semaphore, #tpu.memory_space<semaphore_mem>>) attributes {dimension_semantics = [#tpu.dimension_semantics<core_parallel>, #tpu.dimension_semantics<subcore_parallel>], iteration_bounds = array<i64: 2, 16>, scalar_prefetch = 0 : i64, scratch_operands = 6 : i64, tpu.core_type = #tpu.core_type<sc_vector_subcore>, window_params = [{transform_indices = #map}, {transform_indices = #map1}, {transform_indices = #map}, {transform_indices = #map1}]} {
    %mul3A = arith.constant 2 : i32
    %mul3A_0 = arith.muli %arg1, %mul3A : i32
    %add3A = arith.addi %mul3A_0, %arg0 : i32
    %mul3A_1 = arith.constant 10000 : i32
    %mul3A_2 = arith.muli %add3A, %mul3A_1 : i32
    %mul3A_3 = arith.constant 640 : i32
    %mul3A_4 = arith.muli %arg1, %mul3A_3 : i32
    %dma_start3A = arith.constant 0 : i32
    %dma_start3A_5 = tpu.memref_slice %arg6[%mul3A_4, %dma_start3A] : memref<10240x128xf32, #tpu.memory_space<vmem_shared>> -> memref<640x128xf32, #tpu.memory_space<vmem_shared>>
    tpu.enqueue_dma source(%arg4 : memref<640x128xf32, #tpu.memory_space<hbm>>) target(%dma_start3A_5 : memref<640x128xf32, #tpu.memory_space<vmem_shared>>) target_semaphore(%arg10 : memref<!tpu.dma_semaphore, #tpu.memory_space<semaphore_mem>>)
    "tpu.region"() ({
      %run_scoped3A = tpu.sem_alloc : memref<!tpu.dma_semaphore, #tpu.memory_space<semaphore_mem>>
      %dma_start3A_51 = arith.constant 0 : i32
      %dma_start3A_52 = arith.constant 0 : i32
      %dma_start3A_53 = tpu.memref_slice %arg3[%add3A, %dma_start3A_51, %dma_start3A_52] : memref<32x125x80xi32, #tpu.memory_space<hbm>> -> memref<1x125x80xi32, #tpu.memory_space<hbm>>
      %dma_start3A_54 = tpu.memref_squeeze %dma_start3A_53 : memref<1x125x80xi32, #tpu.memory_space<hbm>> -> memref<125x80xi32, #tpu.memory_space<hbm>>
      %dma_start3A_55 = arith.constant 0 : i32
      %dma_start3A_56 = arith.constant 0 : i32
      %dma_start3A_57 = tpu.memref_slice %arg3[%add3A, %dma_start3A_55, %dma_start3A_56] : memref<32x125x80xi32, #tpu.memory_space<hbm>> -> memref<1x125x80xi32, #tpu.memory_space<hbm>>
      %dma_start3A_58 = tpu.memref_squeeze %dma_start3A_57 : memref<1x125x80xi32, #tpu.memory_space<hbm>> -> memref<125x80xi32, #tpu.memory_space<hbm>>
      tpu.enqueue_dma source(%dma_start3A_58 : memref<125x80xi32, #tpu.memory_space<hbm>>) target(%arg7 : memref<125x80xi32, #tpu.memory_space<vmem>>) target_semaphore(%run_scoped3A : memref<!tpu.dma_semaphore, #tpu.memory_space<semaphore_mem>>)
      %dma_wait3A_59 = arith.constant 0 : i32
      %dma_wait3A_60 = arith.constant 0 : i32
      %dma_wait3A_61 = tpu.memref_slice %arg3[%add3A, %dma_wait3A_59, %dma_wait3A_60] : memref<32x125x80xi32, #tpu.memory_space<hbm>> -> memref<1x125x80xi32, #tpu.memory_space<hbm>>
      %dma_wait3A_62 = tpu.memref_squeeze %dma_wait3A_61 : memref<1x125x80xi32, #tpu.memory_space<hbm>> -> memref<125x80xi32, #tpu.memory_space<hbm>>
      %dma_wait3A_63 = arith.constant 0 : i32
      %dma_wait3A_64 = arith.constant 0 : i32
      %dma_wait3A_65 = tpu.memref_slice %arg3[%add3A, %dma_wait3A_63, %dma_wait3A_64] : memref<32x125x80xi32, #tpu.memory_space<hbm>> -> memref<1x125x80xi32, #tpu.memory_space<hbm>>
      %dma_wait3A_66 = tpu.memref_squeeze %dma_wait3A_65 : memref<1x125x80xi32, #tpu.memory_space<hbm>> -> memref<125x80xi32, #tpu.memory_space<hbm>>
      tpu.wait_dma2 semaphore(%run_scoped3A : memref<!tpu.dma_semaphore, #tpu.memory_space<semaphore_mem>>) src(%dma_wait3A_66 : memref<125x80xi32, #tpu.memory_space<hbm>>) dst(%arg7 : memref<125x80xi32, #tpu.memory_space<vmem>>)
      tpu.yield
    }) : () -> ()
    %dma_wait3A = arith.constant 0 : i32
    %dma_wait3A_6 = tpu.memref_slice %arg6[%mul3A_4, %dma_wait3A] : memref<10240x128xf32, #tpu.memory_space<vmem_shared>> -> memref<640x128xf32, #tpu.memory_space<vmem_shared>>
    tpu.wait_dma2 semaphore(%arg10 : memref<!tpu.dma_semaphore, #tpu.memory_space<semaphore_mem>>) src(%arg4 : memref<640x128xf32, #tpu.memory_space<hbm>>) dst(%dma_wait3A_6 : memref<640x128xf32, #tpu.memory_space<vmem_shared>>)
    %barrier3A = arith.constant 0 : index
    tpu.barrier barrier_id(%barrier3A)
    %scan3A = arith.constant 0 : i32
    %scan3A_7 = arith.constant 0 : i32
    %scan3A_8 = arith.constant 62 : i32
    %scan3A_9 = arith.addi %scan3A_7, %scan3A_8 : i32
    %scan3A_10 = arith.constant 1 : i32
    scf.for %scan3A_51 = %scan3A_7 to %scan3A_9 step %scan3A_10  : i32 {
      %mul3A_52 = arith.constant 2 : i32
      %mul3A_53 = arith.muli %mul3A_52, %scan3A_51 : i32
      %add3A_54 = arith.constant 1 : i32
      %add3A_55 = arith.addi %mul3A_53, %add3A_54 : i32
      %mul3A_56 = arith.constant 80 : i32
      %mul3A_57 = arith.muli %mul3A_53, %mul3A_56 : i32
      %add3A_58 = arith.addi %mul3A_2, %mul3A_57 : i32
      %dma_start3A_59 = arith.constant 0 : i32
      %dma_start3A_60 = tpu.memref_slice %arg2[%add3A_58, %dma_start3A_59] : memref<320000x128xf32, #tpu.memory_space<hbm>> -> memref<80x128xf32, #tpu.memory_space<hbm>>
      %dma_start3A_61 = arith.constant 0 : i32
      %dma_start3A_62 = tpu.memref_slice %arg2[%add3A_58, %dma_start3A_61] : memref<320000x128xf32, #tpu.memory_space<hbm>> -> memref<80x128xf32, #tpu.memory_space<hbm>>
      tpu.enqueue_dma source(%dma_start3A_62 : memref<80x128xf32, #tpu.memory_space<hbm>>) target(%arg8 : memref<80x128xf32, #tpu.memory_space<vmem>>) target_semaphore(%arg10 : memref<!tpu.dma_semaphore, #tpu.memory_space<semaphore_mem>>)
      %mul3A_63 = arith.constant 80 : i32
      %mul3A_64 = arith.muli %add3A_55, %mul3A_63 : i32
      %add3A_65 = arith.addi %mul3A_2, %mul3A_64 : i32
      %dma_start3A_66 = arith.constant 0 : i32
      %dma_start3A_67 = tpu.memref_slice %arg2[%add3A_65, %dma_start3A_66] : memref<320000x128xf32, #tpu.memory_space<hbm>> -> memref<80x128xf32, #tpu.memory_space<hbm>>
      %dma_start3A_68 = arith.constant 0 : i32
      %dma_start3A_69 = tpu.memref_slice %arg2[%add3A_65, %dma_start3A_68] : memref<320000x128xf32, #tpu.memory_space<hbm>> -> memref<80x128xf32, #tpu.memory_space<hbm>>
      tpu.enqueue_dma source(%dma_start3A_69 : memref<80x128xf32, #tpu.memory_space<hbm>>) target(%arg9 : memref<80x128xf32, #tpu.memory_space<vmem>>) target_semaphore(%arg11 : memref<!tpu.dma_semaphore, #tpu.memory_space<semaphore_mem>>)
      %dma_wait3A_70 = arith.constant 0 : i32
      %dma_wait3A_71 = tpu.memref_slice %arg2[%add3A_58, %dma_wait3A_70] : memref<320000x128xf32, #tpu.memory_space<hbm>> -> memref<80x128xf32, #tpu.memory_space<hbm>>
      %dma_wait3A_72 = arith.constant 0 : i32
      %dma_wait3A_73 = tpu.memref_slice %arg2[%add3A_58, %dma_wait3A_72] : memref<320000x128xf32, #tpu.memory_space<hbm>> -> memref<80x128xf32, #tpu.memory_space<hbm>>
      tpu.wait_dma2 semaphore(%arg10 : memref<!tpu.dma_semaphore, #tpu.memory_space<semaphore_mem>>) src(%dma_wait3A_73 : memref<80x128xf32, #tpu.memory_space<hbm>>) dst(%arg8 : memref<80x128xf32, #tpu.memory_space<vmem>>)
      %dma_start3A_74 = arith.constant 0 : i32
      %dma_start3A_75 = tpu.memref_slice %arg7[%mul3A_53, %dma_start3A_74] : memref<125x80xi32, #tpu.memory_space<vmem>> -> memref<1x80xi32, #tpu.memory_space<vmem>>
      %dma_start3A_76 = tpu.memref_squeeze %dma_start3A_75 : memref<1x80xi32, #tpu.memory_space<vmem>> -> memref<80xi32, #tpu.memory_space<vmem>>
      %dma_start3A_77 = arith.constant 0 : i32
      %dma_start3A_78 = arith.constant 0 : i32
      %dma_start3A_79 = tpu.memref_slice %arg6[%dma_start3A_77, %dma_start3A_78] : memref<10240x128xf32, #tpu.memory_space<vmem_shared>> -> memref<10240x128xf32, #tpu.memory_space<vmem_shared>>
      tpu.enqueue_indirect_dma source(%arg8 : memref<80x128xf32, #tpu.memory_space<vmem>>) target(%dma_start3A_79 : memref<10240x128xf32, #tpu.memory_space<vmem_shared>>) offsets(%dma_start3A_76 : memref<80xi32, #tpu.memory_space<vmem>>) semaphore(%arg10 : memref<!tpu.dma_semaphore, #tpu.memory_space<semaphore_mem>>) {add = true}
      %dma_wait3A_80 = arith.constant 0 : i32
      %dma_wait3A_81 = tpu.memref_slice %arg2[%add3A_65, %dma_wait3A_80] : memref<320000x128xf32, #tpu.memory_space<hbm>> -> memref<80x128xf32, #tpu.memory_space<hbm>>
      %dma_wait3A_82 = arith.constant 0 : i32
      %dma_wait3A_83 = tpu.memref_slice %arg2[%add3A_65, %dma_wait3A_82] : memref<320000x128xf32, #tpu.memory_space<hbm>> -> memref<80x128xf32, #tpu.memory_space<hbm>>
      tpu.wait_dma2 semaphore(%arg11 : memref<!tpu.dma_semaphore, #tpu.memory_space<semaphore_mem>>) src(%dma_wait3A_83 : memref<80x128xf32, #tpu.memory_space<hbm>>) dst(%arg9 : memref<80x128xf32, #tpu.memory_space<vmem>>)
      %dma_start3A_84 = arith.constant 0 : i32
      %dma_start3A_85 = tpu.memref_slice %arg7[%add3A_55, %dma_start3A_84] : memref<125x80xi32, #tpu.memory_space<vmem>> -> memref<1x80xi32, #tpu.memory_space<vmem>>
      %dma_start3A_86 = tpu.memref_squeeze %dma_start3A_85 : memref<1x80xi32, #tpu.memory_space<vmem>> -> memref<80xi32, #tpu.memory_space<vmem>>
      %dma_start3A_87 = arith.constant 0 : i32
      %dma_start3A_88 = arith.constant 0 : i32
      %dma_start3A_89 = tpu.memref_slice %arg6[%dma_start3A_87, %dma_start3A_88] : memref<10240x128xf32, #tpu.memory_space<vmem_shared>> -> memref<10240x128xf32, #tpu.memory_space<vmem_shared>>
      tpu.enqueue_indirect_dma source(%arg9 : memref<80x128xf32, #tpu.memory_space<vmem>>) target(%dma_start3A_89 : memref<10240x128xf32, #tpu.memory_space<vmem_shared>>) offsets(%dma_start3A_86 : memref<80xi32, #tpu.memory_space<vmem>>) semaphore(%arg11 : memref<!tpu.dma_semaphore, #tpu.memory_space<semaphore_mem>>) {add = true}
      %dma_wait3A_90 = arith.constant 0 : i32
      %dma_wait3A_91 = tpu.memref_slice %arg7[%mul3A_53, %dma_wait3A_90] : memref<125x80xi32, #tpu.memory_space<vmem>> -> memref<1x80xi32, #tpu.memory_space<vmem>>
      %dma_wait3A_92 = tpu.memref_squeeze %dma_wait3A_91 : memref<1x80xi32, #tpu.memory_space<vmem>> -> memref<80xi32, #tpu.memory_space<vmem>>
      %dma_wait3A_93 = arith.constant 0 : i32
      %dma_wait3A_94 = arith.constant 0 : i32
      %dma_wait3A_95 = tpu.memref_slice %arg6[%dma_wait3A_93, %dma_wait3A_94] : memref<10240x128xf32, #tpu.memory_space<vmem_shared>> -> memref<10240x128xf32, #tpu.memory_space<vmem_shared>>
      tpu.wait_indirect_dma semaphore(%arg10 : memref<!tpu.dma_semaphore, #tpu.memory_space<semaphore_mem>>) src(%arg8 : memref<80x128xf32, #tpu.memory_space<vmem>>) dst(%dma_wait3A_95 : memref<10240x128xf32, #tpu.memory_space<vmem_shared>>)
      %dma_wait3A_96 = arith.constant 0 : i32
      %dma_wait3A_97 = tpu.memref_slice %arg7[%add3A_55, %dma_wait3A_96] : memref<125x80xi32, #tpu.memory_space<vmem>> -> memref<1x80xi32, #tpu.memory_space<vmem>>
      %dma_wait3A_98 = tpu.memref_squeeze %dma_wait3A_97 : memref<1x80xi32, #tpu.memory_space<vmem>> -> memref<80xi32, #tpu.memory_space<vmem>>
      %dma_wait3A_99 = arith.constant 0 : i32
      %dma_wait3A_100 = arith.constant 0 : i32
      %dma_wait3A_101 = tpu.memref_slice %arg6[%dma_wait3A_99, %dma_wait3A_100] : memref<10240x128xf32, #tpu.memory_space<vmem_shared>> -> memref<10240x128xf32, #tpu.memory_space<vmem_shared>>
      tpu.wait_indirect_dma semaphore(%arg11 : memref<!tpu.dma_semaphore, #tpu.memory_space<semaphore_mem>>) src(%arg9 : memref<80x128xf32, #tpu.memory_space<vmem>>) dst(%dma_wait3A_101 : memref<10240x128xf32, #tpu.memory_space<vmem_shared>>)
    }
    %scan3A_11 = arith.constant 62 : i32
    %add3A_12 = arith.constant 9920 : i32
    %add3A_13 = arith.addi %mul3A_2, %add3A_12 : i32
    %dma_start3A_14 = arith.constant 0 : i32
    %dma_start3A_15 = tpu.memref_slice %arg2[%add3A_13, %dma_start3A_14] : memref<320000x128xf32, #tpu.memory_space<hbm>> -> memref<80x128xf32, #tpu.memory_space<hbm>>
    %dma_start3A_16 = arith.constant 0 : i32
    %dma_start3A_17 = tpu.memref_slice %arg2[%add3A_13, %dma_start3A_16] : memref<320000x128xf32, #tpu.memory_space<hbm>> -> memref<80x128xf32, #tpu.memory_space<hbm>>
    tpu.enqueue_dma source(%dma_start3A_17 : memref<80x128xf32, #tpu.memory_space<hbm>>) target(%arg8 : memref<80x128xf32, #tpu.memory_space<vmem>>) target_semaphore(%arg10 : memref<!tpu.dma_semaphore, #tpu.memory_space<semaphore_mem>>)
    %dma_wait3A_18 = arith.constant 0 : i32
    %dma_wait3A_19 = tpu.memref_slice %arg2[%add3A_13, %dma_wait3A_18] : memref<320000x128xf32, #tpu.memory_space<hbm>> -> memref<80x128xf32, #tpu.memory_space<hbm>>
    %dma_wait3A_20 = arith.constant 0 : i32
    %dma_wait3A_21 = tpu.memref_slice %arg2[%add3A_13, %dma_wait3A_20] : memref<320000x128xf32, #tpu.memory_space<hbm>> -> memref<80x128xf32, #tpu.memory_space<hbm>>
    tpu.wait_dma2 semaphore(%arg10 : memref<!tpu.dma_semaphore, #tpu.memory_space<semaphore_mem>>) src(%dma_wait3A_21 : memref<80x128xf32, #tpu.memory_space<hbm>>) dst(%arg8 : memref<80x128xf32, #tpu.memory_space<vmem>>)
    %dma_start3A_22 = arith.constant 124 : i32
    %dma_start3A_23 = arith.constant 0 : i32
    %dma_start3A_24 = tpu.memref_slice %arg7[%dma_start3A_22, %dma_start3A_23] : memref<125x80xi32, #tpu.memory_space<vmem>> -> memref<1x80xi32, #tpu.memory_space<vmem>>
    %dma_start3A_25 = tpu.memref_squeeze %dma_start3A_24 : memref<1x80xi32, #tpu.memory_space<vmem>> -> memref<80xi32, #tpu.memory_space<vmem>>
    %dma_start3A_26 = arith.constant 0 : i32
    %dma_start3A_27 = arith.constant 0 : i32
    %dma_start3A_28 = tpu.memref_slice %arg6[%dma_start3A_26, %dma_start3A_27] : memref<10240x128xf32, #tpu.memory_space<vmem_shared>> -> memref<10240x128xf32, #tpu.memory_space<vmem_shared>>
    tpu.enqueue_indirect_dma source(%arg8 : memref<80x128xf32, #tpu.memory_space<vmem>>) target(%dma_start3A_28 : memref<10240x128xf32, #tpu.memory_space<vmem_shared>>) offsets(%dma_start3A_25 : memref<80xi32, #tpu.memory_space<vmem>>) semaphore(%arg10 : memref<!tpu.dma_semaphore, #tpu.memory_space<semaphore_mem>>) {add = true}
    %dma_wait3A_29 = arith.constant 124 : i32
    %dma_wait3A_30 = arith.constant 0 : i32
    %dma_wait3A_31 = tpu.memref_slice %arg7[%dma_wait3A_29, %dma_wait3A_30] : memref<125x80xi32, #tpu.memory_space<vmem>> -> memref<1x80xi32, #tpu.memory_space<vmem>>
    %dma_wait3A_32 = tpu.memref_squeeze %dma_wait3A_31 : memref<1x80xi32, #tpu.memory_space<vmem>> -> memref<80xi32, #tpu.memory_space<vmem>>
    %dma_wait3A_33 = arith.constant 0 : i32
    %dma_wait3A_34 = arith.constant 0 : i32
    %dma_wait3A_35 = tpu.memref_slice %arg6[%dma_wait3A_33, %dma_wait3A_34] : memref<10240x128xf32, #tpu.memory_space<vmem_shared>> -> memref<10240x128xf32, #tpu.memory_space<vmem_shared>>
    tpu.wait_indirect_dma semaphore(%arg10 : memref<!tpu.dma_semaphore, #tpu.memory_space<semaphore_mem>>) src(%arg8 : memref<80x128xf32, #tpu.memory_space<vmem>>) dst(%dma_wait3A_35 : memref<10240x128xf32, #tpu.memory_space<vmem_shared>>)
    %barrier3A_36 = arith.constant 0 : index
    tpu.barrier barrier_id(%barrier3A_36)
    %mul3A_37 = arith.constant 640 : i32
    %mul3A_38 = arith.muli %arg1, %mul3A_37 : i32
    %mul3A_39 = arith.constant 640 : i32
    %mul3A_40 = arith.muli %arg1, %mul3A_39 : i32
    %dma_start3A_41 = arith.constant 0 : i32
    %dma_start3A_42 = tpu.memref_slice %arg5[%arg0, %mul3A_40, %dma_start3A_41] : memref<2x10240x128xf32, #tpu.memory_space<hbm>> -> memref<1x640x128xf32, #tpu.memory_space<hbm>>
    %dma_start3A_43 = tpu.memref_squeeze %dma_start3A_42 : memref<1x640x128xf32, #tpu.memory_space<hbm>> -> memref<640x128xf32, #tpu.memory_space<hbm>>
    %dma_start3A_44 = arith.constant 0 : i32
    %dma_start3A_45 = tpu.memref_slice %arg6[%mul3A_38, %dma_start3A_44] : memref<10240x128xf32, #tpu.memory_space<vmem_shared>> -> memref<640x128xf32, #tpu.memory_space<vmem_shared>>
    tpu.enqueue_dma source(%dma_start3A_45 : memref<640x128xf32, #tpu.memory_space<vmem_shared>>) target(%dma_start3A_43 : memref<640x128xf32, #tpu.memory_space<hbm>>) target_semaphore(%arg10 : memref<!tpu.dma_semaphore, #tpu.memory_space<semaphore_mem>>)
    %dma_wait3A_46 = arith.constant 0 : i32
    %dma_wait3A_47 = tpu.memref_slice %arg5[%arg0, %mul3A_40, %dma_wait3A_46] : memref<2x10240x128xf32, #tpu.memory_space<hbm>> -> memref<1x640x128xf32, #tpu.memory_space<hbm>>
    %dma_wait3A_48 = tpu.memref_squeeze %dma_wait3A_47 : memref<1x640x128xf32, #tpu.memory_space<hbm>> -> memref<640x128xf32, #tpu.memory_space<hbm>>
    %dma_wait3A_49 = arith.constant 0 : i32
    %dma_wait3A_50 = tpu.memref_slice %arg6[%mul3A_38, %dma_wait3A_49] : memref<10240x128xf32, #tpu.memory_space<vmem_shared>> -> memref<640x128xf32, #tpu.memory_space<vmem_shared>>
    tpu.wait_dma2 semaphore(%arg10 : memref<!tpu.dma_semaphore, #tpu.memory_space<semaphore_mem>>) src(%dma_wait3A_50 : memref<640x128xf32, #tpu.memory_space<vmem_shared>>) dst(%dma_wait3A_48 : memref<640x128xf32, #tpu.memory_space<hbm>>)
    return
  }
}

module attributes {stable_mosaic.version = 14 : i64} {
  func.func @_prep_body(%arg0: i32, %arg1: memref<1000x128xf32, #tpu.memory_space<vmem>>, %arg2: memref<1x1x1000xi32, #tpu.memory_space<vmem>>, %arg3: memref<64x128xf32, #tpu.memory_space<vmem>>, %arg4: memref<128x128xf32, #tpu.memory_space<vmem>>, %arg5: memref<128x128xf32, #tpu.memory_space<vmem>>, %arg6: memref<128x128xf32, #tpu.memory_space<vmem>>, %arg7: memref<1x128xf32, #tpu.memory_space<vmem>>, %arg8: memref<1000x128xf32, #tpu.memory_space<vmem>>, %arg9: memref<1000x128xf32, #tpu.memory_space<vmem>>) attributes {dimension_semantics = [#tpu.dimension_semantics<arbitrary>], iteration_bounds = array<i64: 10>, scalar_prefetch = 0 : i64, scratch_operands = 0 : i64, tpu.core_type = #tpu.core_type<tc>, window_params = [{transform_indices = @transform_0, window_bounds = array<i64: 1000, 128>}, {transform_indices = @transform_1, window_bounds = array<i64: 1, 1, 1000>}, {pipeline_mode = #tpu.pipeline_mode<synchronous>, transform_indices = @transform_2, window_bounds = array<i64: 64, 128>}, {pipeline_mode = #tpu.pipeline_mode<synchronous>, transform_indices = @transform_3, window_bounds = array<i64: 128, 128>}, {pipeline_mode = #tpu.pipeline_mode<synchronous>, transform_indices = @transform_4, window_bounds = array<i64: 128, 128>}, {pipeline_mode = #tpu.pipeline_mode<synchronous>, transform_indices = @transform_5, window_bounds = array<i64: 128, 128>}, {pipeline_mode = #tpu.pipeline_mode<synchronous>, transform_indices = @transform_6, window_bounds = array<i64: 1, 128>}, {transform_indices = @transform_7, window_bounds = array<i64: 1000, 128>}, {transform_indices = @transform_8, window_bounds = array<i64: 1000, 128>}]} {
    %get3A = arith.constant 0 : index
    %get3A_0 = arith.constant 0 : index
    %get3A_1 = vector.load %arg3[%get3A, %get3A_0] : memref<64x128xf32, #tpu.memory_space<vmem>>, vector<64x128xf32>
    %get3A_2 = arith.constant 0 : index
    %get3A_3 = arith.constant 0 : index
    %get3A_4 = vector.load %arg6[%get3A_2, %get3A_3] : memref<128x128xf32, #tpu.memory_space<vmem>>, vector<128x128xf32>
    %dot_general3A = arith.constant dense<0.000000e+00> : vector<64x128xf32>
    %dot_general3A_5 = tpu.matmul %get3A_1, %get3A_4, %dot_general3A {dimension_numbers = #tpu.dot_dimension_numbers<[1], [0], [0], [1], [0, 0, 1, 1], [], []>, transpose_lhs_hint = false} : vector<64x128xf32>, vector<128x128xf32>, vector<64x128xf32> -> vector<64x128xf32>
    %get3A_6 = arith.constant 0 : index
    %get3A_7 = arith.constant 0 : index
    %get3A_8 = arith.constant 0 : index
    %get3A_9 = vector.load %arg2[%get3A_6, %get3A_7, %get3A_8] : memref<1x1x1000xi32, #tpu.memory_space<vmem>>, vector<1x1x1000xi32>
    %get3A_10 = vector.shape_cast %get3A_9 : vector<1x1x1000xi32> to vector<1x1000xi32>
    %iota3A = tpu.iota {dimensions = array<i32: 0>} : vector<64x1000xi32>
    %eq3A = vector.broadcast %get3A_10 : vector<1x1000xi32> to vector<64x1000xi32>
    %eq3A_11 = arith.cmpi eq, %iota3A, %eq3A : vector<64x1000xi32>
    %convert_element_type3A = arith.extui %eq3A_11 : vector<64x1000xi1> to vector<64x1000xi32>
    %convert_element_type3A_12 = arith.sitofp %convert_element_type3A : vector<64x1000xi32> to vector<64x1000xf32>
    %dot_general3A_13 = arith.constant dense<0.000000e+00> : vector<1000x128xf32>
    %dot_general3A_14 = tpu.matmul %convert_element_type3A_12, %dot_general3A_5, %dot_general3A_13 {dimension_numbers = #tpu.dot_dimension_numbers<[0], [0], [1], [1], [0, 1, 1, 1], [], []>, transpose_lhs_hint = false} : vector<64x1000xf32>, vector<64x128xf32>, vector<1000x128xf32> -> vector<1000x128xf32>
    %get3A_15 = arith.constant 0 : index
    %get3A_16 = arith.constant 0 : index
    %get3A_17 = vector.load %arg1[%get3A_15, %get3A_16] : memref<1000x128xf32, #tpu.memory_space<vmem>>, vector<1000x128xf32>
    %get3A_18 = arith.constant 0 : index
    %get3A_19 = arith.constant 0 : index
    %get3A_20 = vector.load %arg4[%get3A_18, %get3A_19] : memref<128x128xf32, #tpu.memory_space<vmem>>, vector<128x128xf32>
    %dot_general3A_21 = arith.constant dense<0.000000e+00> : vector<1000x128xf32>
    %dot_general3A_22 = tpu.matmul %get3A_17, %get3A_20, %dot_general3A_21 {dimension_numbers = #tpu.dot_dimension_numbers<[1], [0], [0], [1], [0, 0, 1, 1], [], []>, transpose_lhs_hint = false} : vector<1000x128xf32>, vector<128x128xf32>, vector<1000x128xf32> -> vector<1000x128xf32>
    %add3A = arith.addf %dot_general3A_22, %dot_general3A_14 : vector<1000x128xf32>
    %get3A_23 = arith.constant 0 : index
    %get3A_24 = arith.constant 0 : index
    %get3A_25 = vector.load %arg7[%get3A_23, %get3A_24] : memref<1x128xf32, #tpu.memory_space<vmem>>, vector<1x128xf32>
    %add3A_26 = vector.broadcast %get3A_25 : vector<1x128xf32> to vector<1000x128xf32>
    %add3A_27 = arith.addf %add3A, %add3A_26 : vector<1000x128xf32>
    %swap3A = arith.constant 0 : index
    %swap3A_28 = arith.constant 0 : index
    %swap3A_29 = vector.load %arg8[%swap3A, %swap3A_28] : memref<1000x128xf32, #tpu.memory_space<vmem>>, vector<1000x128xf32>
    tpu.vector_store %arg8[%swap3A, %swap3A_28], %add3A_27 {strides = array<i32>} : memref<1000x128xf32, #tpu.memory_space<vmem>>, vector<1000x128xf32>,
    %get3A_30 = arith.constant 0 : index
    %get3A_31 = arith.constant 0 : index
    %get3A_32 = vector.load %arg5[%get3A_30, %get3A_31] : memref<128x128xf32, #tpu.memory_space<vmem>>, vector<128x128xf32>
    %dot_general3A_33 = arith.constant dense<0.000000e+00> : vector<1000x128xf32>
    %dot_general3A_34 = tpu.matmul %get3A_17, %get3A_32, %dot_general3A_33 {dimension_numbers = #tpu.dot_dimension_numbers<[1], [0], [0], [1], [0, 0, 1, 1], [], []>, transpose_lhs_hint = false} : vector<1000x128xf32>, vector<128x128xf32>, vector<1000x128xf32> -> vector<1000x128xf32>
    %swap3A_35 = arith.constant 0 : index
    %swap3A_36 = arith.constant 0 : index
    %swap3A_37 = vector.load %arg9[%swap3A_35, %swap3A_36] : memref<1000x128xf32, #tpu.memory_space<vmem>>, vector<1000x128xf32>
    tpu.vector_store %arg9[%swap3A_35, %swap3A_36], %dot_general3A_34 {strides = array<i32>} : memref<1000x128xf32, #tpu.memory_space<vmem>>, vector<1000x128xf32>,
    return
  }
  func.func @transform_0(%arg0: i32) -> (i32, i32) {
    %c0_i32 = arith.constant 0 : i32
    %c0_i32_0 = arith.constant 0 : i32
    return %arg0, %c0_i32 : i32, i32
  }
  func.func @transform_1(%arg0: i32) -> (i32, i32, i32) {
    %c0_i32 = arith.constant 0 : i32
    %c0_i32_0 = arith.constant 0 : i32
    %c0_i32_1 = arith.constant 0 : i32
    return %arg0, %c0_i32, %c0_i32_0 : i32, i32, i32
  }
  func.func @transform_2(%arg0: i32) -> (i32, i32) {
    %c0_i32 = arith.constant 0 : i32
    %c0_i32_0 = arith.constant 0 : i32
    %c0_i32_1 = arith.constant 0 : i32
    return %c0_i32, %c0_i32_0 : i32, i32
  }
  func.func @transform_3(%arg0: i32) -> (i32, i32) {
    %c0_i32 = arith.constant 0 : i32
    %c0_i32_0 = arith.constant 0 : i32
    %c0_i32_1 = arith.constant 0 : i32
    return %c0_i32, %c0_i32_0 : i32, i32
  }
  func.func @transform_4(%arg0: i32) -> (i32, i32) {
    %c0_i32 = arith.constant 0 : i32
    %c0_i32_0 = arith.constant 0 : i32
    %c0_i32_1 = arith.constant 0 : i32
    return %c0_i32, %c0_i32_0 : i32, i32
  }
  func.func @transform_5(%arg0: i32) -> (i32, i32) {
    %c0_i32 = arith.constant 0 : i32
    %c0_i32_0 = arith.constant 0 : i32
    %c0_i32_1 = arith.constant 0 : i32
    return %c0_i32, %c0_i32_0 : i32, i32
  }
  func.func @transform_6(%arg0: i32) -> (i32, i32) {
    %c0_i32 = arith.constant 0 : i32
    %c0_i32_0 = arith.constant 0 : i32
    %c0_i32_1 = arith.constant 0 : i32
    return %c0_i32, %c0_i32_0 : i32, i32
  }
  func.func @transform_7(%arg0: i32) -> (i32, i32) {
    %c0_i32 = arith.constant 0 : i32
    %c0_i32_0 = arith.constant 0 : i32
    return %arg0, %c0_i32 : i32, i32
  }
  func.func @transform_8(%arg0: i32) -> (i32, i32) {
    %c0_i32 = arith.constant 0 : i32
    %c0_i32_0 = arith.constant 0 : i32
    return %arg0, %c0_i32 : i32, i32
  }
}

module attributes {stable_mosaic.version = 14 : i64} {
  func.func @_edge_body(%arg0: i32, %arg1: memref<2000x128xf32, #tpu.memory_space<vmem>>, %arg2: memref<2000x128xf32, #tpu.memory_space<vmem>>, %arg3: memref<128x128xf32, #tpu.memory_space<vmem>>, %arg4: memref<128x128xf32, #tpu.memory_space<vmem>>, %arg5: memref<1x128xf32, #tpu.memory_space<vmem>>, %arg6: memref<2000x128xf32, #tpu.memory_space<vmem>>) attributes {dimension_semantics = [#tpu.dimension_semantics<arbitrary>], iteration_bounds = array<i64: 32>, scalar_prefetch = 0 : i64, scratch_operands = 0 : i64, tpu.core_type = #tpu.core_type<tc>, window_params = [{transform_indices = @transform_0, window_bounds = array<i64: 2000, 128>}, {transform_indices = @transform_1, window_bounds = array<i64: 2000, 128>}, {pipeline_mode = #tpu.pipeline_mode<synchronous>, transform_indices = @transform_2, window_bounds = array<i64: 128, 128>}, {pipeline_mode = #tpu.pipeline_mode<synchronous>, transform_indices = @transform_3, window_bounds = array<i64: 128, 128>}, {pipeline_mode = #tpu.pipeline_mode<synchronous>, transform_indices = @transform_4, window_bounds = array<i64: 1, 128>}, {transform_indices = @transform_5, window_bounds = array<i64: 2000, 128>}]} {
    %get3A = arith.constant 0 : index
    %get3A_0 = arith.constant 0 : index
    %get3A_1 = vector.load %arg1[%get3A, %get3A_0] : memref<2000x128xf32, #tpu.memory_space<vmem>>, vector<2000x128xf32>
    %get3A_2 = arith.constant 0 : index
    %get3A_3 = arith.constant 0 : index
    %get3A_4 = vector.load %arg3[%get3A_2, %get3A_3] : memref<128x128xf32, #tpu.memory_space<vmem>>, vector<128x128xf32>
    %dot_general3A = arith.constant dense<0.000000e+00> : vector<2000x128xf32>
    %dot_general3A_5 = tpu.matmul %get3A_1, %get3A_4, %dot_general3A {dimension_numbers = #tpu.dot_dimension_numbers<[1], [0], [0], [1], [0, 0, 1, 1], [], []>, transpose_lhs_hint = false} : vector<2000x128xf32>, vector<128x128xf32>, vector<2000x128xf32> -> vector<2000x128xf32>
    %get3A_6 = arith.constant 0 : index
    %get3A_7 = arith.constant 0 : index
    %get3A_8 = vector.load %arg2[%get3A_6, %get3A_7] : memref<2000x128xf32, #tpu.memory_space<vmem>>, vector<2000x128xf32>
    %add3A = arith.addf %dot_general3A_5, %get3A_8 : vector<2000x128xf32>
    %max3A = arith.constant 0.000000e+00 : f32
    %max3A_9 = vector.broadcast %max3A : f32 to vector<2000x128xf32>
    %max3A_10 = arith.maximumf %add3A, %max3A_9 : vector<2000x128xf32>
    %abs3A = math.absf %add3A : vector<2000x128xf32>
    %neg3A = arith.constant 0.000000e+00 : f32
    %neg3A_11 = vector.broadcast %neg3A : f32 to vector<2000x128xf32>
    %neg3A_12 = arith.subf %neg3A_11, %abs3A : vector<2000x128xf32>
    %exp3A = math.exp %neg3A_12 : vector<2000x128xf32>
    %log1p3A = math.log1p %exp3A : vector<2000x128xf32>
    %add3A_13 = arith.addf %max3A_10, %log1p3A : vector<2000x128xf32>
    %get3A_14 = arith.constant 0 : index
    %get3A_15 = arith.constant 0 : index
    %get3A_16 = vector.load %arg4[%get3A_14, %get3A_15] : memref<128x128xf32, #tpu.memory_space<vmem>>, vector<128x128xf32>
    %dot_general3A_17 = arith.constant dense<0.000000e+00> : vector<2000x128xf32>
    %dot_general3A_18 = tpu.matmul %add3A_13, %get3A_16, %dot_general3A_17 {dimension_numbers = #tpu.dot_dimension_numbers<[1], [0], [0], [1], [0, 0, 1, 1], [], []>, transpose_lhs_hint = false} : vector<2000x128xf32>, vector<128x128xf32>, vector<2000x128xf32> -> vector<2000x128xf32>
    %get3A_19 = arith.constant 0 : index
    %get3A_20 = arith.constant 0 : index
    %get3A_21 = vector.load %arg5[%get3A_19, %get3A_20] : memref<1x128xf32, #tpu.memory_space<vmem>>, vector<1x128xf32>
    %add3A_22 = vector.broadcast %get3A_21 : vector<1x128xf32> to vector<2000x128xf32>
    %add3A_23 = arith.addf %dot_general3A_18, %add3A_22 : vector<2000x128xf32>
    %max3A_24 = arith.constant 0.000000e+00 : f32
    %max3A_25 = vector.broadcast %max3A_24 : f32 to vector<2000x128xf32>
    %max3A_26 = arith.maximumf %add3A_23, %max3A_25 : vector<2000x128xf32>
    %abs3A_27 = math.absf %add3A_23 : vector<2000x128xf32>
    %neg3A_28 = arith.constant 0.000000e+00 : f32
    %neg3A_29 = vector.broadcast %neg3A_28 : f32 to vector<2000x128xf32>
    %neg3A_30 = arith.subf %neg3A_29, %abs3A_27 : vector<2000x128xf32>
    %exp3A_31 = math.exp %neg3A_30 : vector<2000x128xf32>
    %log1p3A_32 = math.log1p %exp3A_31 : vector<2000x128xf32>
    %add3A_33 = arith.addf %max3A_26, %log1p3A_32 : vector<2000x128xf32>
    %swap3A = arith.constant 0 : index
    %swap3A_34 = arith.constant 0 : index
    %swap3A_35 = vector.load %arg6[%swap3A, %swap3A_34] : memref<2000x128xf32, #tpu.memory_space<vmem>>, vector<2000x128xf32>
    tpu.vector_store %arg6[%swap3A, %swap3A_34], %add3A_33 {strides = array<i32>} : memref<2000x128xf32, #tpu.memory_space<vmem>>, vector<2000x128xf32>,
    return
  }
  func.func @transform_0(%arg0: i32) -> (i32, i32) {
    %add3A = arith.constant 32 : i32
    %add3A_0 = arith.addi %add3A, %arg0 : i32
    %c0_i32 = arith.constant 0 : i32
    %c0_i32_1 = arith.constant 0 : i32
    return %add3A_0, %c0_i32 : i32, i32
  }
  func.func @transform_1(%arg0: i32) -> (i32, i32) {
    %c0_i32 = arith.constant 0 : i32
    %c0_i32_0 = arith.constant 0 : i32
    return %arg0, %c0_i32 : i32, i32
  }
  func.func @transform_2(%arg0: i32) -> (i32, i32) {
    %c0_i32 = arith.constant 0 : i32
    %c0_i32_0 = arith.constant 0 : i32
    %c0_i32_1 = arith.constant 0 : i32
    return %c0_i32, %c0_i32_0 : i32, i32
  }
  func.func @transform_3(%arg0: i32) -> (i32, i32) {
    %c0_i32 = arith.constant 0 : i32
    %c0_i32_0 = arith.constant 0 : i32
    %c0_i32_1 = arith.constant 0 : i32
    return %c0_i32, %c0_i32_0 : i32, i32
  }
  func.func @transform_4(%arg0: i32) -> (i32, i32) {
    %c0_i32 = arith.constant 0 : i32
    %c0_i32_0 = arith.constant 0 : i32
    %c0_i32_1 = arith.constant 0 : i32
    return %c0_i32, %c0_i32_0 : i32, i32
  }
  func.func @transform_5(%arg0: i32) -> (i32, i32) {
    %c0_i32 = arith.constant 0 : i32
    %c0_i32_0 = arith.constant 0 : i32
    return %arg0, %c0_i32 : i32, i32
  }
}

module attributes {stable_mosaic.version = 14 : i64} {
  func.func @_edge_body(%arg0: i32, %arg1: memref<2000x128xf32, #tpu.memory_space<vmem>>, %arg2: memref<2000x128xf32, #tpu.memory_space<vmem>>, %arg3: memref<128x128xf32, #tpu.memory_space<vmem>>, %arg4: memref<128x128xf32, #tpu.memory_space<vmem>>, %arg5: memref<1x128xf32, #tpu.memory_space<vmem>>, %arg6: memref<2000x128xf32, #tpu.memory_space<vmem>>) attributes {dimension_semantics = [#tpu.dimension_semantics<arbitrary>], iteration_bounds = array<i64: 32>, scalar_prefetch = 0 : i64, scratch_operands = 0 : i64, tpu.core_type = #tpu.core_type<tc>, window_params = [{transform_indices = @transform_0, window_bounds = array<i64: 2000, 128>}, {transform_indices = @transform_1, window_bounds = array<i64: 2000, 128>}, {pipeline_mode = #tpu.pipeline_mode<synchronous>, transform_indices = @transform_2, window_bounds = array<i64: 128, 128>}, {pipeline_mode = #tpu.pipeline_mode<synchronous>, transform_indices = @transform_3, window_bounds = array<i64: 128, 128>}, {pipeline_mode = #tpu.pipeline_mode<synchronous>, transform_indices = @transform_4, window_bounds = array<i64: 1, 128>}, {transform_indices = @transform_5, window_bounds = array<i64: 2000, 128>}]} {
    %get3A = arith.constant 0 : index
    %get3A_0 = arith.constant 0 : index
    %get3A_1 = vector.load %arg1[%get3A, %get3A_0] : memref<2000x128xf32, #tpu.memory_space<vmem>>, vector<2000x128xf32>
    %get3A_2 = arith.constant 0 : index
    %get3A_3 = arith.constant 0 : index
    %get3A_4 = vector.load %arg3[%get3A_2, %get3A_3] : memref<128x128xf32, #tpu.memory_space<vmem>>, vector<128x128xf32>
    %dot_general3A = arith.constant dense<0.000000e+00> : vector<2000x128xf32>
    %dot_general3A_5 = tpu.matmul %get3A_1, %get3A_4, %dot_general3A {dimension_numbers = #tpu.dot_dimension_numbers<[1], [0], [0], [1], [0, 0, 1, 1], [], []>, transpose_lhs_hint = false} : vector<2000x128xf32>, vector<128x128xf32>, vector<2000x128xf32> -> vector<2000x128xf32>
    %get3A_6 = arith.constant 0 : index
    %get3A_7 = arith.constant 0 : index
    %get3A_8 = vector.load %arg2[%get3A_6, %get3A_7] : memref<2000x128xf32, #tpu.memory_space<vmem>>, vector<2000x128xf32>
    %add3A = arith.addf %dot_general3A_5, %get3A_8 : vector<2000x128xf32>
    %max3A = arith.constant 0.000000e+00 : f32
    %max3A_9 = vector.broadcast %max3A : f32 to vector<2000x128xf32>
    %max3A_10 = arith.maximumf %add3A, %max3A_9 : vector<2000x128xf32>
    %abs3A = math.absf %add3A : vector<2000x128xf32>
    %neg3A = arith.constant 0.000000e+00 : f32
    %neg3A_11 = vector.broadcast %neg3A : f32 to vector<2000x128xf32>
    %neg3A_12 = arith.subf %neg3A_11, %abs3A : vector<2000x128xf32>
    %exp3A = math.exp %neg3A_12 : vector<2000x128xf32>
    %log1p3A = math.log1p %exp3A : vector<2000x128xf32>
    %add3A_13 = arith.addf %max3A_10, %log1p3A : vector<2000x128xf32>
    %get3A_14 = arith.constant 0 : index
    %get3A_15 = arith.constant 0 : index
    %get3A_16 = vector.load %arg4[%get3A_14, %get3A_15] : memref<128x128xf32, #tpu.memory_space<vmem>>, vector<128x128xf32>
    %dot_general3A_17 = arith.constant dense<0.000000e+00> : vector<2000x128xf32>
    %dot_general3A_18 = tpu.matmul %add3A_13, %get3A_16, %dot_general3A_17 {dimension_numbers = #tpu.dot_dimension_numbers<[1], [0], [0], [1], [0, 0, 1, 1], [], []>, transpose_lhs_hint = false} : vector<2000x128xf32>, vector<128x128xf32>, vector<2000x128xf32> -> vector<2000x128xf32>
    %get3A_19 = arith.constant 0 : index
    %get3A_20 = arith.constant 0 : index
    %get3A_21 = vector.load %arg5[%get3A_19, %get3A_20] : memref<1x128xf32, #tpu.memory_space<vmem>>, vector<1x128xf32>
    %add3A_22 = vector.broadcast %get3A_21 : vector<1x128xf32> to vector<2000x128xf32>
    %add3A_23 = arith.addf %dot_general3A_18, %add3A_22 : vector<2000x128xf32>
    %max3A_24 = arith.constant 0.000000e+00 : f32
    %max3A_25 = vector.broadcast %max3A_24 : f32 to vector<2000x128xf32>
    %max3A_26 = arith.maximumf %add3A_23, %max3A_25 : vector<2000x128xf32>
    %abs3A_27 = math.absf %add3A_23 : vector<2000x128xf32>
    %neg3A_28 = arith.constant 0.000000e+00 : f32
    %neg3A_29 = vector.broadcast %neg3A_28 : f32 to vector<2000x128xf32>
    %neg3A_30 = arith.subf %neg3A_29, %abs3A_27 : vector<2000x128xf32>
    %exp3A_31 = math.exp %neg3A_30 : vector<2000x128xf32>
    %log1p3A_32 = math.log1p %exp3A_31 : vector<2000x128xf32>
    %add3A_33 = arith.addf %max3A_26, %log1p3A_32 : vector<2000x128xf32>
    %swap3A = arith.constant 0 : index
    %swap3A_34 = arith.constant 0 : index
    %swap3A_35 = vector.load %arg6[%swap3A, %swap3A_34] : memref<2000x128xf32, #tpu.memory_space<vmem>>, vector<2000x128xf32>
    tpu.vector_store %arg6[%swap3A, %swap3A_34], %add3A_33 {strides = array<i32>} : memref<2000x128xf32, #tpu.memory_space<vmem>>, vector<2000x128xf32>,
    return
  }
  func.func @transform_0(%arg0: i32) -> (i32, i32) {
    %add3A = arith.constant 0 : i32
    %add3A_0 = arith.addi %add3A, %arg0 : i32
    %c0_i32 = arith.constant 0 : i32
    %c0_i32_1 = arith.constant 0 : i32
    return %add3A_0, %c0_i32 : i32, i32
  }
  func.func @transform_1(%arg0: i32) -> (i32, i32) {
    %c0_i32 = arith.constant 0 : i32
    %c0_i32_0 = arith.constant 0 : i32
    return %arg0, %c0_i32 : i32, i32
  }
  func.func @transform_2(%arg0: i32) -> (i32, i32) {
    %c0_i32 = arith.constant 0 : i32
    %c0_i32_0 = arith.constant 0 : i32
    %c0_i32_1 = arith.constant 0 : i32
    return %c0_i32, %c0_i32_0 : i32, i32
  }
  func.func @transform_3(%arg0: i32) -> (i32, i32) {
    %c0_i32 = arith.constant 0 : i32
    %c0_i32_0 = arith.constant 0 : i32
    %c0_i32_1 = arith.constant 0 : i32
    return %c0_i32, %c0_i32_0 : i32, i32
  }
  func.func @transform_4(%arg0: i32) -> (i32, i32) {
    %c0_i32 = arith.constant 0 : i32
    %c0_i32_0 = arith.constant 0 : i32
    %c0_i32_1 = arith.constant 0 : i32
    return %c0_i32, %c0_i32_0 : i32, i32
  }
  func.func @transform_5(%arg0: i32) -> (i32, i32) {
    %c0_i32 = arith.constant 0 : i32
    %c0_i32_0 = arith.constant 0 : i32
    return %arg0, %c0_i32 : i32, i32
  }
}

module attributes {stable_mosaic.version = 14 : i64} {
  func.func @_edge_body(%arg0: i32, %arg1: memref<2000x128xf32, #tpu.memory_space<vmem>>, %arg2: memref<2000x128xf32, #tpu.memory_space<vmem>>, %arg3: memref<128x128xf32, #tpu.memory_space<vmem>>, %arg4: memref<128x128xf32, #tpu.memory_space<vmem>>, %arg5: memref<1x128xf32, #tpu.memory_space<vmem>>, %arg6: memref<2000x128xf32, #tpu.memory_space<vmem>>) attributes {dimension_semantics = [#tpu.dimension_semantics<arbitrary>], iteration_bounds = array<i64: 32>, scalar_prefetch = 0 : i64, scratch_operands = 0 : i64, tpu.core_type = #tpu.core_type<tc>, window_params = [{transform_indices = @transform_0, window_bounds = array<i64: 2000, 128>}, {transform_indices = @transform_1, window_bounds = array<i64: 2000, 128>}, {pipeline_mode = #tpu.pipeline_mode<synchronous>, transform_indices = @transform_2, window_bounds = array<i64: 128, 128>}, {pipeline_mode = #tpu.pipeline_mode<synchronous>, transform_indices = @transform_3, window_bounds = array<i64: 128, 128>}, {pipeline_mode = #tpu.pipeline_mode<synchronous>, transform_indices = @transform_4, window_bounds = array<i64: 1, 128>}, {transform_indices = @transform_5, window_bounds = array<i64: 2000, 128>}]} {
    %get3A = arith.constant 0 : index
    %get3A_0 = arith.constant 0 : index
    %get3A_1 = vector.load %arg1[%get3A, %get3A_0] : memref<2000x128xf32, #tpu.memory_space<vmem>>, vector<2000x128xf32>
    %get3A_2 = arith.constant 0 : index
    %get3A_3 = arith.constant 0 : index
    %get3A_4 = vector.load %arg3[%get3A_2, %get3A_3] : memref<128x128xf32, #tpu.memory_space<vmem>>, vector<128x128xf32>
    %dot_general3A = arith.constant dense<0.000000e+00> : vector<2000x128xf32>
    %dot_general3A_5 = tpu.matmul %get3A_1, %get3A_4, %dot_general3A {dimension_numbers = #tpu.dot_dimension_numbers<[1], [0], [0], [1], [0, 0, 1, 1], [], []>, transpose_lhs_hint = false} : vector<2000x128xf32>, vector<128x128xf32>, vector<2000x128xf32> -> vector<2000x128xf32>
    %get3A_6 = arith.constant 0 : index
    %get3A_7 = arith.constant 0 : index
    %get3A_8 = vector.load %arg2[%get3A_6, %get3A_7] : memref<2000x128xf32, #tpu.memory_space<vmem>>, vector<2000x128xf32>
    %add3A = arith.addf %dot_general3A_5, %get3A_8 : vector<2000x128xf32>
    %max3A = arith.constant 0.000000e+00 : f32
    %max3A_9 = vector.broadcast %max3A : f32 to vector<2000x128xf32>
    %max3A_10 = arith.maximumf %add3A, %max3A_9 : vector<2000x128xf32>
    %abs3A = math.absf %add3A : vector<2000x128xf32>
    %neg3A = arith.constant 0.000000e+00 : f32
    %neg3A_11 = vector.broadcast %neg3A : f32 to vector<2000x128xf32>
    %neg3A_12 = arith.subf %neg3A_11, %abs3A : vector<2000x128xf32>
    %exp3A = math.exp %neg3A_12 : vector<2000x128xf32>
    %log1p3A = math.log1p %exp3A : vector<2000x128xf32>
    %add3A_13 = arith.addf %max3A_10, %log1p3A : vector<2000x128xf32>
    %get3A_14 = arith.constant 0 : index
    %get3A_15 = arith.constant 0 : index
    %get3A_16 = vector.load %arg4[%get3A_14, %get3A_15] : memref<128x128xf32, #tpu.memory_space<vmem>>, vector<128x128xf32>
    %dot_general3A_17 = arith.constant dense<0.000000e+00> : vector<2000x128xf32>
    %dot_general3A_18 = tpu.matmul %add3A_13, %get3A_16, %dot_general3A_17 {dimension_numbers = #tpu.dot_dimension_numbers<[1], [0], [0], [1], [0, 0, 1, 1], [], []>, transpose_lhs_hint = false} : vector<2000x128xf32>, vector<128x128xf32>, vector<2000x128xf32> -> vector<2000x128xf32>
    %get3A_19 = arith.constant 0 : index
    %get3A_20 = arith.constant 0 : index
    %get3A_21 = vector.load %arg5[%get3A_19, %get3A_20] : memref<1x128xf32, #tpu.memory_space<vmem>>, vector<1x128xf32>
    %add3A_22 = vector.broadcast %get3A_21 : vector<1x128xf32> to vector<2000x128xf32>
    %add3A_23 = arith.addf %dot_general3A_18, %add3A_22 : vector<2000x128xf32>
    %max3A_24 = arith.constant 0.000000e+00 : f32
    %max3A_25 = vector.broadcast %max3A_24 : f32 to vector<2000x128xf32>
    %max3A_26 = arith.maximumf %add3A_23, %max3A_25 : vector<2000x128xf32>
    %abs3A_27 = math.absf %add3A_23 : vector<2000x128xf32>
    %neg3A_28 = arith.constant 0.000000e+00 : f32
    %neg3A_29 = vector.broadcast %neg3A_28 : f32 to vector<2000x128xf32>
    %neg3A_30 = arith.subf %neg3A_29, %abs3A_27 : vector<2000x128xf32>
    %exp3A_31 = math.exp %neg3A_30 : vector<2000x128xf32>
    %log1p3A_32 = math.log1p %exp3A_31 : vector<2000x128xf32>
    %add3A_33 = arith.addf %max3A_26, %log1p3A_32 : vector<2000x128xf32>
    %swap3A = arith.constant 0 : index
    %swap3A_34 = arith.constant 0 : index
    %swap3A_35 = vector.load %arg6[%swap3A, %swap3A_34] : memref<2000x128xf32, #tpu.memory_space<vmem>>, vector<2000x128xf32>
    tpu.vector_store %arg6[%swap3A, %swap3A_34], %add3A_33 {strides = array<i32>} : memref<2000x128xf32, #tpu.memory_space<vmem>>, vector<2000x128xf32>,
    return
  }
  func.func @transform_0(%arg0: i32) -> (i32, i32) {
    %add3A = arith.constant 64 : i32
    %add3A_0 = arith.addi %add3A, %arg0 : i32
    %c0_i32 = arith.constant 0 : i32
    %c0_i32_1 = arith.constant 0 : i32
    return %add3A_0, %c0_i32 : i32, i32
  }
  func.func @transform_1(%arg0: i32) -> (i32, i32) {
    %c0_i32 = arith.constant 0 : i32
    %c0_i32_0 = arith.constant 0 : i32
    return %arg0, %c0_i32 : i32, i32
  }
  func.func @transform_2(%arg0: i32) -> (i32, i32) {
    %c0_i32 = arith.constant 0 : i32
    %c0_i32_0 = arith.constant 0 : i32
    %c0_i32_1 = arith.constant 0 : i32
    return %c0_i32, %c0_i32_0 : i32, i32
  }
  func.func @transform_3(%arg0: i32) -> (i32, i32) {
    %c0_i32 = arith.constant 0 : i32
    %c0_i32_0 = arith.constant 0 : i32
    %c0_i32_1 = arith.constant 0 : i32
    return %c0_i32, %c0_i32_0 : i32, i32
  }
  func.func @transform_4(%arg0: i32) -> (i32, i32) {
    %c0_i32 = arith.constant 0 : i32
    %c0_i32_0 = arith.constant 0 : i32
    %c0_i32_1 = arith.constant 0 : i32
    return %c0_i32, %c0_i32_0 : i32, i32
  }
  func.func @transform_5(%arg0: i32) -> (i32, i32) {
    %c0_i32 = arith.constant 0 : i32
    %c0_i32_0 = arith.constant 0 : i32
    return %arg0, %c0_i32 : i32, i32
  }
}

module attributes {stable_mosaic.version = 14 : i64} {
  func.func @_edge_body(%arg0: i32, %arg1: memref<2000x128xf32, #tpu.memory_space<vmem>>, %arg2: memref<2000x128xf32, #tpu.memory_space<vmem>>, %arg3: memref<128x128xf32, #tpu.memory_space<vmem>>, %arg4: memref<128x128xf32, #tpu.memory_space<vmem>>, %arg5: memref<1x128xf32, #tpu.memory_space<vmem>>, %arg6: memref<2000x128xf32, #tpu.memory_space<vmem>>) attributes {dimension_semantics = [#tpu.dimension_semantics<arbitrary>], iteration_bounds = array<i64: 32>, scalar_prefetch = 0 : i64, scratch_operands = 0 : i64, tpu.core_type = #tpu.core_type<tc>, window_params = [{transform_indices = @transform_0, window_bounds = array<i64: 2000, 128>}, {transform_indices = @transform_1, window_bounds = array<i64: 2000, 128>}, {pipeline_mode = #tpu.pipeline_mode<synchronous>, transform_indices = @transform_2, window_bounds = array<i64: 128, 128>}, {pipeline_mode = #tpu.pipeline_mode<synchronous>, transform_indices = @transform_3, window_bounds = array<i64: 128, 128>}, {pipeline_mode = #tpu.pipeline_mode<synchronous>, transform_indices = @transform_4, window_bounds = array<i64: 1, 128>}, {transform_indices = @transform_5, window_bounds = array<i64: 2000, 128>}]} {
    %get3A = arith.constant 0 : index
    %get3A_0 = arith.constant 0 : index
    %get3A_1 = vector.load %arg1[%get3A, %get3A_0] : memref<2000x128xf32, #tpu.memory_space<vmem>>, vector<2000x128xf32>
    %get3A_2 = arith.constant 0 : index
    %get3A_3 = arith.constant 0 : index
    %get3A_4 = vector.load %arg3[%get3A_2, %get3A_3] : memref<128x128xf32, #tpu.memory_space<vmem>>, vector<128x128xf32>
    %dot_general3A = arith.constant dense<0.000000e+00> : vector<2000x128xf32>
    %dot_general3A_5 = tpu.matmul %get3A_1, %get3A_4, %dot_general3A {dimension_numbers = #tpu.dot_dimension_numbers<[1], [0], [0], [1], [0, 0, 1, 1], [], []>, transpose_lhs_hint = false} : vector<2000x128xf32>, vector<128x128xf32>, vector<2000x128xf32> -> vector<2000x128xf32>
    %get3A_6 = arith.constant 0 : index
    %get3A_7 = arith.constant 0 : index
    %get3A_8 = vector.load %arg2[%get3A_6, %get3A_7] : memref<2000x128xf32, #tpu.memory_space<vmem>>, vector<2000x128xf32>
    %add3A = arith.addf %dot_general3A_5, %get3A_8 : vector<2000x128xf32>
    %max3A = arith.constant 0.000000e+00 : f32
    %max3A_9 = vector.broadcast %max3A : f32 to vector<2000x128xf32>
    %max3A_10 = arith.maximumf %add3A, %max3A_9 : vector<2000x128xf32>
    %abs3A = math.absf %add3A : vector<2000x128xf32>
    %neg3A = arith.constant 0.000000e+00 : f32
    %neg3A_11 = vector.broadcast %neg3A : f32 to vector<2000x128xf32>
    %neg3A_12 = arith.subf %neg3A_11, %abs3A : vector<2000x128xf32>
    %exp3A = math.exp %neg3A_12 : vector<2000x128xf32>
    %log1p3A = math.log1p %exp3A : vector<2000x128xf32>
    %add3A_13 = arith.addf %max3A_10, %log1p3A : vector<2000x128xf32>
    %get3A_14 = arith.constant 0 : index
    %get3A_15 = arith.constant 0 : index
    %get3A_16 = vector.load %arg4[%get3A_14, %get3A_15] : memref<128x128xf32, #tpu.memory_space<vmem>>, vector<128x128xf32>
    %dot_general3A_17 = arith.constant dense<0.000000e+00> : vector<2000x128xf32>
    %dot_general3A_18 = tpu.matmul %add3A_13, %get3A_16, %dot_general3A_17 {dimension_numbers = #tpu.dot_dimension_numbers<[1], [0], [0], [1], [0, 0, 1, 1], [], []>, transpose_lhs_hint = false} : vector<2000x128xf32>, vector<128x128xf32>, vector<2000x128xf32> -> vector<2000x128xf32>
    %get3A_19 = arith.constant 0 : index
    %get3A_20 = arith.constant 0 : index
    %get3A_21 = vector.load %arg5[%get3A_19, %get3A_20] : memref<1x128xf32, #tpu.memory_space<vmem>>, vector<1x128xf32>
    %add3A_22 = vector.broadcast %get3A_21 : vector<1x128xf32> to vector<2000x128xf32>
    %add3A_23 = arith.addf %dot_general3A_18, %add3A_22 : vector<2000x128xf32>
    %max3A_24 = arith.constant 0.000000e+00 : f32
    %max3A_25 = vector.broadcast %max3A_24 : f32 to vector<2000x128xf32>
    %max3A_26 = arith.maximumf %add3A_23, %max3A_25 : vector<2000x128xf32>
    %abs3A_27 = math.absf %add3A_23 : vector<2000x128xf32>
    %neg3A_28 = arith.constant 0.000000e+00 : f32
    %neg3A_29 = vector.broadcast %neg3A_28 : f32 to vector<2000x128xf32>
    %neg3A_30 = arith.subf %neg3A_29, %abs3A_27 : vector<2000x128xf32>
    %exp3A_31 = math.exp %neg3A_30 : vector<2000x128xf32>
    %log1p3A_32 = math.log1p %exp3A_31 : vector<2000x128xf32>
    %add3A_33 = arith.addf %max3A_26, %log1p3A_32 : vector<2000x128xf32>
    %swap3A = arith.constant 0 : index
    %swap3A_34 = arith.constant 0 : index
    %swap3A_35 = vector.load %arg6[%swap3A, %swap3A_34] : memref<2000x128xf32, #tpu.memory_space<vmem>>, vector<2000x128xf32>
    tpu.vector_store %arg6[%swap3A, %swap3A_34], %add3A_33 {strides = array<i32>} : memref<2000x128xf32, #tpu.memory_space<vmem>>, vector<2000x128xf32>,
    return
  }
  func.func @transform_0(%arg0: i32) -> (i32, i32) {
    %add3A = arith.constant 96 : i32
    %add3A_0 = arith.addi %add3A, %arg0 : i32
    %c0_i32 = arith.constant 0 : i32
    %c0_i32_1 = arith.constant 0 : i32
    return %add3A_0, %c0_i32 : i32, i32
  }
  func.func @transform_1(%arg0: i32) -> (i32, i32) {
    %c0_i32 = arith.constant 0 : i32
    %c0_i32_0 = arith.constant 0 : i32
    return %arg0, %c0_i32 : i32, i32
  }
  func.func @transform_2(%arg0: i32) -> (i32, i32) {
    %c0_i32 = arith.constant 0 : i32
    %c0_i32_0 = arith.constant 0 : i32
    %c0_i32_1 = arith.constant 0 : i32
    return %c0_i32, %c0_i32_0 : i32, i32
  }
  func.func @transform_3(%arg0: i32) -> (i32, i32) {
    %c0_i32 = arith.constant 0 : i32
    %c0_i32_0 = arith.constant 0 : i32
    %c0_i32_1 = arith.constant 0 : i32
    return %c0_i32, %c0_i32_0 : i32, i32
  }
  func.func @transform_4(%arg0: i32) -> (i32, i32) {
    %c0_i32 = arith.constant 0 : i32
    %c0_i32_0 = arith.constant 0 : i32
    %c0_i32_1 = arith.constant 0 : i32
    return %c0_i32, %c0_i32_0 : i32, i32
  }
  func.func @transform_5(%arg0: i32) -> (i32, i32) {
    %c0_i32 = arith.constant 0 : i32
    %c0_i32_0 = arith.constant 0 : i32
    return %arg0, %c0_i32 : i32, i32
  }
}

module attributes {stable_mosaic.version = 14 : i64} {
  func.func @_edge_body(%arg0: i32, %arg1: memref<2000x128xf32, #tpu.memory_space<vmem>>, %arg2: memref<2000x128xf32, #tpu.memory_space<vmem>>, %arg3: memref<128x128xf32, #tpu.memory_space<vmem>>, %arg4: memref<128x128xf32, #tpu.memory_space<vmem>>, %arg5: memref<1x128xf32, #tpu.memory_space<vmem>>, %arg6: memref<2000x128xf32, #tpu.memory_space<vmem>>) attributes {dimension_semantics = [#tpu.dimension_semantics<arbitrary>], iteration_bounds = array<i64: 32>, scalar_prefetch = 0 : i64, scratch_operands = 0 : i64, tpu.core_type = #tpu.core_type<tc>, window_params = [{transform_indices = @transform_0, window_bounds = array<i64: 2000, 128>}, {transform_indices = @transform_1, window_bounds = array<i64: 2000, 128>}, {pipeline_mode = #tpu.pipeline_mode<synchronous>, transform_indices = @transform_2, window_bounds = array<i64: 128, 128>}, {pipeline_mode = #tpu.pipeline_mode<synchronous>, transform_indices = @transform_3, window_bounds = array<i64: 128, 128>}, {pipeline_mode = #tpu.pipeline_mode<synchronous>, transform_indices = @transform_4, window_bounds = array<i64: 1, 128>}, {transform_indices = @transform_5, window_bounds = array<i64: 2000, 128>}]} {
    %get3A = arith.constant 0 : index
    %get3A_0 = arith.constant 0 : index
    %get3A_1 = vector.load %arg1[%get3A, %get3A_0] : memref<2000x128xf32, #tpu.memory_space<vmem>>, vector<2000x128xf32>
    %get3A_2 = arith.constant 0 : index
    %get3A_3 = arith.constant 0 : index
    %get3A_4 = vector.load %arg3[%get3A_2, %get3A_3] : memref<128x128xf32, #tpu.memory_space<vmem>>, vector<128x128xf32>
    %dot_general3A = arith.constant dense<0.000000e+00> : vector<2000x128xf32>
    %dot_general3A_5 = tpu.matmul %get3A_1, %get3A_4, %dot_general3A {dimension_numbers = #tpu.dot_dimension_numbers<[1], [0], [0], [1], [0, 0, 1, 1], [], []>, transpose_lhs_hint = false} : vector<2000x128xf32>, vector<128x128xf32>, vector<2000x128xf32> -> vector<2000x128xf32>
    %get3A_6 = arith.constant 0 : index
    %get3A_7 = arith.constant 0 : index
    %get3A_8 = vector.load %arg2[%get3A_6, %get3A_7] : memref<2000x128xf32, #tpu.memory_space<vmem>>, vector<2000x128xf32>
    %add3A = arith.addf %dot_general3A_5, %get3A_8 : vector<2000x128xf32>
    %max3A = arith.constant 0.000000e+00 : f32
    %max3A_9 = vector.broadcast %max3A : f32 to vector<2000x128xf32>
    %max3A_10 = arith.maximumf %add3A, %max3A_9 : vector<2000x128xf32>
    %abs3A = math.absf %add3A : vector<2000x128xf32>
    %neg3A = arith.constant 0.000000e+00 : f32
    %neg3A_11 = vector.broadcast %neg3A : f32 to vector<2000x128xf32>
    %neg3A_12 = arith.subf %neg3A_11, %abs3A : vector<2000x128xf32>
    %exp3A = math.exp %neg3A_12 : vector<2000x128xf32>
    %log1p3A = math.log1p %exp3A : vector<2000x128xf32>
    %add3A_13 = arith.addf %max3A_10, %log1p3A : vector<2000x128xf32>
    %get3A_14 = arith.constant 0 : index
    %get3A_15 = arith.constant 0 : index
    %get3A_16 = vector.load %arg4[%get3A_14, %get3A_15] : memref<128x128xf32, #tpu.memory_space<vmem>>, vector<128x128xf32>
    %dot_general3A_17 = arith.constant dense<0.000000e+00> : vector<2000x128xf32>
    %dot_general3A_18 = tpu.matmul %add3A_13, %get3A_16, %dot_general3A_17 {dimension_numbers = #tpu.dot_dimension_numbers<[1], [0], [0], [1], [0, 0, 1, 1], [], []>, transpose_lhs_hint = false} : vector<2000x128xf32>, vector<128x128xf32>, vector<2000x128xf32> -> vector<2000x128xf32>
    %get3A_19 = arith.constant 0 : index
    %get3A_20 = arith.constant 0 : index
    %get3A_21 = vector.load %arg5[%get3A_19, %get3A_20] : memref<1x128xf32, #tpu.memory_space<vmem>>, vector<1x128xf32>
    %add3A_22 = vector.broadcast %get3A_21 : vector<1x128xf32> to vector<2000x128xf32>
    %add3A_23 = arith.addf %dot_general3A_18, %add3A_22 : vector<2000x128xf32>
    %max3A_24 = arith.constant 0.000000e+00 : f32
    %max3A_25 = vector.broadcast %max3A_24 : f32 to vector<2000x128xf32>
    %max3A_26 = arith.maximumf %add3A_23, %max3A_25 : vector<2000x128xf32>
    %abs3A_27 = math.absf %add3A_23 : vector<2000x128xf32>
    %neg3A_28 = arith.constant 0.000000e+00 : f32
    %neg3A_29 = vector.broadcast %neg3A_28 : f32 to vector<2000x128xf32>
    %neg3A_30 = arith.subf %neg3A_29, %abs3A_27 : vector<2000x128xf32>
    %exp3A_31 = math.exp %neg3A_30 : vector<2000x128xf32>
    %log1p3A_32 = math.log1p %exp3A_31 : vector<2000x128xf32>
    %add3A_33 = arith.addf %max3A_26, %log1p3A_32 : vector<2000x128xf32>
    %swap3A = arith.constant 0 : index
    %swap3A_34 = arith.constant 0 : index
    %swap3A_35 = vector.load %arg6[%swap3A, %swap3A_34] : memref<2000x128xf32, #tpu.memory_space<vmem>>, vector<2000x128xf32>
    tpu.vector_store %arg6[%swap3A, %swap3A_34], %add3A_33 {strides = array<i32>} : memref<2000x128xf32, #tpu.memory_space<vmem>>, vector<2000x128xf32>,
    return
  }
  func.func @transform_0(%arg0: i32) -> (i32, i32) {
    %add3A = arith.constant 128 : i32
    %add3A_0 = arith.addi %add3A, %arg0 : i32
    %c0_i32 = arith.constant 0 : i32
    %c0_i32_1 = arith.constant 0 : i32
    return %add3A_0, %c0_i32 : i32, i32
  }
  func.func @transform_1(%arg0: i32) -> (i32, i32) {
    %c0_i32 = arith.constant 0 : i32
    %c0_i32_0 = arith.constant 0 : i32
    return %arg0, %c0_i32 : i32, i32
  }
  func.func @transform_2(%arg0: i32) -> (i32, i32) {
    %c0_i32 = arith.constant 0 : i32
    %c0_i32_0 = arith.constant 0 : i32
    %c0_i32_1 = arith.constant 0 : i32
    return %c0_i32, %c0_i32_0 : i32, i32
  }
  func.func @transform_3(%arg0: i32) -> (i32, i32) {
    %c0_i32 = arith.constant 0 : i32
    %c0_i32_0 = arith.constant 0 : i32
    %c0_i32_1 = arith.constant 0 : i32
    return %c0_i32, %c0_i32_0 : i32, i32
  }
  func.func @transform_4(%arg0: i32) -> (i32, i32) {
    %c0_i32 = arith.constant 0 : i32
    %c0_i32_0 = arith.constant 0 : i32
    %c0_i32_1 = arith.constant 0 : i32
    return %c0_i32, %c0_i32_0 : i32, i32
  }
  func.func @transform_5(%arg0: i32) -> (i32, i32) {
    %c0_i32 = arith.constant 0 : i32
    %c0_i32_0 = arith.constant 0 : i32
    return %arg0, %c0_i32 : i32, i32
  }
}

module attributes {stable_mosaic.version = 14 : i64} {
  func.func @_node_body(%arg0: i32, %arg1: memref<1000x128xf32, #tpu.memory_space<vmem>>, %arg2: memref<2x1000x128xf32, #tpu.memory_space<vmem>>, %arg3: memref<2x1000x128xf32, #tpu.memory_space<vmem>>, %arg4: memref<64x128xf32, #tpu.memory_space<vmem>>, %arg5: memref<1x1x1000xi32, #tpu.memory_space<vmem>>, %arg6: memref<128x128xf32, #tpu.memory_space<vmem>>, %arg7: memref<128x128xf32, #tpu.memory_space<vmem>>, %arg8: memref<128x128xf32, #tpu.memory_space<vmem>>, %arg9: memref<1x128xf32, #tpu.memory_space<vmem>>, %arg10: memref<128x128xf32, #tpu.memory_space<vmem>>, %arg11: memref<1x128xf32, #tpu.memory_space<vmem>>, %arg12: memref<128x128xf32, #tpu.memory_space<vmem>>, %arg13: memref<128x128xf32, #tpu.memory_space<vmem>>, %arg14: memref<128x128xf32, #tpu.memory_space<vmem>>, %arg15: memref<1x128xf32, #tpu.memory_space<vmem>>, %arg16: memref<128x128xf32, #tpu.memory_space<vmem>>, %arg17: memref<1x128xf32, #tpu.memory_space<vmem>>, %arg18: memref<1000x128xf32, #tpu.memory_space<vmem>>, %arg19: memref<64x128xf32, #tpu.memory_space<vmem>>, %arg20: memref<64x128xf32, #tpu.memory_space<vmem>>, %arg21: memref<64x128xf32, #tpu.memory_space<vmem>>, %arg22: memref<64x128xf32, #tpu.memory_space<vmem>>, %arg23: memref<64x128xf32, #tpu.memory_space<vmem>>) attributes {dimension_semantics = [#tpu.dimension_semantics<arbitrary>], iteration_bounds = array<i64: 10>, scalar_prefetch = 0 : i64, scratch_operands = 4 : i64, tpu.core_type = #tpu.core_type<tc>, window_params = [{transform_indices = @transform_0, window_bounds = array<i64: 1000, 128>}, {transform_indices = @transform_1, window_bounds = array<i64: 2, 1000, 128>}, {transform_indices = @transform_2, window_bounds = array<i64: 2, 1000, 128>}, {pipeline_mode = #tpu.pipeline_mode<synchronous>, transform_indices = @transform_3, window_bounds = array<i64: 64, 128>}, {transform_indices = @transform_4, window_bounds = array<i64: 1, 1, 1000>}, {pipeline_mode = #tpu.pipeline_mode<synchronous>, transform_indices = @transform_5, window_bounds = array<i64: 128, 128>}, {pipeline_mode = #tpu.pipeline_mode<synchronous>, transform_indices = @transform_6, window_bounds = array<i64: 128, 128>}, {pipeline_mode = #tpu.pipeline_mode<synchronous>, transform_indices = @transform_7, window_bounds = array<i64: 128, 128>}, {pipeline_mode = #tpu.pipeline_mode<synchronous>, transform_indices = @transform_8, window_bounds = array<i64: 1, 128>}, {pipeline_mode = #tpu.pipeline_mode<synchronous>, transform_indices = @transform_9, window_bounds = array<i64: 128, 128>}, {pipeline_mode = #tpu.pipeline_mode<synchronous>, transform_indices = @transform_10, window_bounds = array<i64: 1, 128>}, {pipeline_mode = #tpu.pipeline_mode<synchronous>, transform_indices = @transform_11, window_bounds = array<i64: 128, 128>}, {pipeline_mode = #tpu.pipeline_mode<synchronous>, transform_indices = @transform_12, window_bounds = array<i64: 128, 128>}, {pipeline_mode = #tpu.pipeline_mode<synchronous>, transform_indices = @transform_13, window_bounds = array<i64: 128, 128>}, {pipeline_mode = #tpu.pipeline_mode<synchronous>, transform_indices = @transform_14, window_bounds = array<i64: 1, 128>}, {pipeline_mode = #tpu.pipeline_mode<synchronous>, transform_indices = @transform_15, window_bounds = array<i64: 128, 128>}, {pipeline_mode = #tpu.pipeline_mode<synchronous>, transform_indices = @transform_16, window_bounds = array<i64: 1, 128>}, {transform_indices = @transform_17, window_bounds = array<i64: 1000, 128>}, {pipeline_mode = #tpu.pipeline_mode<synchronous>, transform_indices = @transform_18, window_bounds = array<i64: 64, 128>}]} {
    %eq3A = arith.constant 0 : i32
    %eq3A_0 = arith.cmpi eq, %arg0, %eq3A : i32
    %convert_element_type3A = arith.extui %eq3A_0 : i1 to i32
    %cond3A = arith.constant 0 : i32
    %cond3A_1 = arith.cmpi ne, %convert_element_type3A, %cond3A : i32
    scf.if %cond3A_1 {
      %broadcast_in_dim3A_133 = arith.constant 0.000000e+00 : f32
      %broadcast_in_dim3A_134 = vector.broadcast %broadcast_in_dim3A_133 : f32 to vector<64x128xf32>
      %swap3A_135 = arith.constant 0 : index
      %swap3A_136 = arith.constant 0 : index
      %swap3A_137 = vector.load %arg20[%swap3A_135, %swap3A_136] : memref<64x128xf32, #tpu.memory_space<vmem>>, vector<64x128xf32>
      tpu.vector_store %arg20[%swap3A_135, %swap3A_136], %broadcast_in_dim3A_134 {strides = array<i32>} : memref<64x128xf32, #tpu.memory_space<vmem>>, vector<64x128xf32>,
      %broadcast_in_dim3A_138 = arith.constant 0.000000e+00 : f32
      %broadcast_in_dim3A_139 = vector.broadcast %broadcast_in_dim3A_138 : f32 to vector<64x128xf32>
      %swap3A_140 = arith.constant 0 : index
      %swap3A_141 = arith.constant 0 : index
      %swap3A_142 = vector.load %arg21[%swap3A_140, %swap3A_141] : memref<64x128xf32, #tpu.memory_space<vmem>>, vector<64x128xf32>
      tpu.vector_store %arg21[%swap3A_140, %swap3A_141], %broadcast_in_dim3A_139 {strides = array<i32>} : memref<64x128xf32, #tpu.memory_space<vmem>>, vector<64x128xf32>,
      %broadcast_in_dim3A_143 = arith.constant 0.000000e+00 : f32
      %broadcast_in_dim3A_144 = vector.broadcast %broadcast_in_dim3A_143 : f32 to vector<64x128xf32>
      %swap3A_145 = arith.constant 0 : index
      %swap3A_146 = arith.constant 0 : index
      %swap3A_147 = vector.load %arg22[%swap3A_145, %swap3A_146] : memref<64x128xf32, #tpu.memory_space<vmem>>, vector<64x128xf32>
      tpu.vector_store %arg22[%swap3A_145, %swap3A_146], %broadcast_in_dim3A_144 {strides = array<i32>} : memref<64x128xf32, #tpu.memory_space<vmem>>, vector<64x128xf32>,
      %broadcast_in_dim3A_148 = arith.constant 0.000000e+00 : f32
      %broadcast_in_dim3A_149 = vector.broadcast %broadcast_in_dim3A_148 : f32 to vector<64x128xf32>
      %swap3A_150 = arith.constant 0 : index
      %swap3A_151 = arith.constant 0 : index
      %swap3A_152 = vector.load %arg23[%swap3A_150, %swap3A_151] : memref<64x128xf32, #tpu.memory_space<vmem>>, vector<64x128xf32>
      tpu.vector_store %arg23[%swap3A_150, %swap3A_151], %broadcast_in_dim3A_149 {strides = array<i32>} : memref<64x128xf32, #tpu.memory_space<vmem>>, vector<64x128xf32>,
    } else {
    }
    %get3A = arith.constant 0 : index
    %get3A_2 = arith.constant 0 : index
    %get3A_3 = arith.constant 0 : index
    %get3A_4 = vector.load %arg2[%get3A, %get3A_2, %get3A_3] : memref<2x1000x128xf32, #tpu.memory_space<vmem>>, vector<1x1000x128xf32>
    %get3A_5 = vector.shape_cast %get3A_4 : vector<1x1000x128xf32> to vector<1000x128xf32>
    %get3A_6 = arith.constant 1 : index
    %get3A_7 = arith.constant 0 : index
    %get3A_8 = arith.constant 0 : index
    %get3A_9 = vector.load %arg2[%get3A_6, %get3A_7, %get3A_8] : memref<2x1000x128xf32, #tpu.memory_space<vmem>>, vector<1x1000x128xf32>
    %get3A_10 = vector.shape_cast %get3A_9 : vector<1x1000x128xf32> to vector<1000x128xf32>
    %add3A = arith.addf %get3A_5, %get3A_10 : vector<1000x128xf32>
    %get3A_11 = arith.constant 0 : index
    %get3A_12 = arith.constant 0 : index
    %get3A_13 = arith.constant 0 : index
    %get3A_14 = vector.load %arg3[%get3A_11, %get3A_12, %get3A_13] : memref<2x1000x128xf32, #tpu.memory_space<vmem>>, vector<1x1000x128xf32>
    %get3A_15 = vector.shape_cast %get3A_14 : vector<1x1000x128xf32> to vector<1000x128xf32>
    %get3A_16 = arith.constant 1 : index
    %get3A_17 = arith.constant 0 : index
    %get3A_18 = arith.constant 0 : index
    %get3A_19 = vector.load %arg3[%get3A_16, %get3A_17, %get3A_18] : memref<2x1000x128xf32, #tpu.memory_space<vmem>>, vector<1x1000x128xf32>
    %get3A_20 = vector.shape_cast %get3A_19 : vector<1x1000x128xf32> to vector<1000x128xf32>
    %add3A_21 = arith.addf %get3A_15, %get3A_20 : vector<1000x128xf32>
    %slice3A = vector.extract_strided_slice %add3A_21 {offsets = [0, 0], sizes = [1000, 1], strides = [1, 1]} : vector<1000x128xf32> to vector<1000x1xf32>
    %max3A = arith.constant 1.000000e+00 : f32
    %max3A_22 = vector.broadcast %max3A : f32 to vector<1000x1xf32>
    %max3A_23 = arith.maximumf %slice3A, %max3A_22 : vector<1000x1xf32>
    %div3A = vector.broadcast %max3A_23 : vector<1000x1xf32> to vector<1000x128xf32>
    %div3A_24 = arith.divf %add3A, %div3A : vector<1000x128xf32>
    %get3A_25 = arith.constant 0 : index
    %get3A_26 = arith.constant 0 : index
    %get3A_27 = arith.constant 0 : index
    %get3A_28 = vector.load %arg5[%get3A_25, %get3A_26, %get3A_27] : memref<1x1x1000xi32, #tpu.memory_space<vmem>>, vector<1x1x1000xi32>
    %get3A_29 = vector.shape_cast %get3A_28 : vector<1x1x1000xi32> to vector<1x1000xi32>
    %iota3A = tpu.iota {dimensions = array<i32: 0>} : vector<64x1000xi32>
    %eq3A_30 = vector.broadcast %get3A_29 : vector<1x1000xi32> to vector<64x1000xi32>
    %eq3A_31 = arith.cmpi eq, %iota3A, %eq3A_30 : vector<64x1000xi32>
    %convert_element_type3A_32 = arith.extui %eq3A_31 : vector<64x1000xi1> to vector<64x1000xi32>
    %convert_element_type3A_33 = arith.sitofp %convert_element_type3A_32 : vector<64x1000xi32> to vector<64x1000xf32>
    %get3A_34 = arith.constant 0 : index
    %get3A_35 = arith.constant 0 : index
    %get3A_36 = vector.load %arg4[%get3A_34, %get3A_35] : memref<64x128xf32, #tpu.memory_space<vmem>>, vector<64x128xf32>
    %get3A_37 = arith.constant 0 : index
    %get3A_38 = arith.constant 0 : index
    %get3A_39 = vector.load %arg8[%get3A_37, %get3A_38] : memref<128x128xf32, #tpu.memory_space<vmem>>, vector<128x128xf32>
    %dot_general3A = arith.constant dense<0.000000e+00> : vector<64x128xf32>
    %dot_general3A_40 = tpu.matmul %get3A_36, %get3A_39, %dot_general3A {dimension_numbers = #tpu.dot_dimension_numbers<[1], [0], [0], [1], [0, 0, 1, 1], [], []>, transpose_lhs_hint = false} : vector<64x128xf32>, vector<128x128xf32>, vector<64x128xf32> -> vector<64x128xf32>
    %get3A_41 = arith.constant 0 : index
    %get3A_42 = arith.constant 0 : index
    %get3A_43 = vector.load %arg1[%get3A_41, %get3A_42] : memref<1000x128xf32, #tpu.memory_space<vmem>>, vector<1000x128xf32>
    %get3A_44 = arith.constant 0 : index
    %get3A_45 = arith.constant 0 : index
    %get3A_46 = vector.load %arg6[%get3A_44, %get3A_45] : memref<128x128xf32, #tpu.memory_space<vmem>>, vector<128x128xf32>
    %dot_general3A_47 = arith.constant dense<0.000000e+00> : vector<1000x128xf32>
    %dot_general3A_48 = tpu.matmul %get3A_43, %get3A_46, %dot_general3A_47 {dimension_numbers = #tpu.dot_dimension_numbers<[1], [0], [0], [1], [0, 0, 1, 1], [], []>, transpose_lhs_hint = false} : vector<1000x128xf32>, vector<128x128xf32>, vector<1000x128xf32> -> vector<1000x128xf32>
    %get3A_49 = arith.constant 0 : index
    %get3A_50 = arith.constant 0 : index
    %get3A_51 = vector.load %arg7[%get3A_49, %get3A_50] : memref<128x128xf32, #tpu.memory_space<vmem>>, vector<128x128xf32>
    %dot_general3A_52 = arith.constant dense<0.000000e+00> : vector<1000x128xf32>
    %dot_general3A_53 = tpu.matmul %div3A_24, %get3A_51, %dot_general3A_52 {dimension_numbers = #tpu.dot_dimension_numbers<[1], [0], [0], [1], [0, 0, 1, 1], [], []>, transpose_lhs_hint = false} : vector<1000x128xf32>, vector<128x128xf32>, vector<1000x128xf32> -> vector<1000x128xf32>
    %add3A_54 = arith.addf %dot_general3A_48, %dot_general3A_53 : vector<1000x128xf32>
    %dot_general3A_55 = arith.constant dense<0.000000e+00> : vector<1000x128xf32>
    %dot_general3A_56 = tpu.matmul %convert_element_type3A_33, %dot_general3A_40, %dot_general3A_55 {dimension_numbers = #tpu.dot_dimension_numbers<[0], [0], [1], [1], [0, 1, 1, 1], [], []>, transpose_lhs_hint = false} : vector<64x1000xf32>, vector<64x128xf32>, vector<1000x128xf32> -> vector<1000x128xf32>
    %add3A_57 = arith.addf %add3A_54, %dot_general3A_56 : vector<1000x128xf32>
    %get3A_58 = arith.constant 0 : index
    %get3A_59 = arith.constant 0 : index
    %get3A_60 = vector.load %arg9[%get3A_58, %get3A_59] : memref<1x128xf32, #tpu.memory_space<vmem>>, vector<1x128xf32>
    %add3A_61 = vector.broadcast %get3A_60 : vector<1x128xf32> to vector<1000x128xf32>
    %add3A_62 = arith.addf %add3A_57, %add3A_61 : vector<1000x128xf32>
    %max3A_63 = arith.constant 0.000000e+00 : f32
    %max3A_64 = vector.broadcast %max3A_63 : f32 to vector<1000x128xf32>
    %max3A_65 = arith.maximumf %add3A_62, %max3A_64 : vector<1000x128xf32>
    %abs3A = math.absf %add3A_62 : vector<1000x128xf32>
    %neg3A = arith.constant 0.000000e+00 : f32
    %neg3A_66 = vector.broadcast %neg3A : f32 to vector<1000x128xf32>
    %neg3A_67 = arith.subf %neg3A_66, %abs3A : vector<1000x128xf32>
    %exp3A = math.exp %neg3A_67 : vector<1000x128xf32>
    %log1p3A = math.log1p %exp3A : vector<1000x128xf32>
    %add3A_68 = arith.addf %max3A_65, %log1p3A : vector<1000x128xf32>
    %get3A_69 = arith.constant 0 : index
    %get3A_70 = arith.constant 0 : index
    %get3A_71 = vector.load %arg10[%get3A_69, %get3A_70] : memref<128x128xf32, #tpu.memory_space<vmem>>, vector<128x128xf32>
    %dot_general3A_72 = arith.constant dense<0.000000e+00> : vector<1000x128xf32>
    %dot_general3A_73 = tpu.matmul %add3A_68, %get3A_71, %dot_general3A_72 {dimension_numbers = #tpu.dot_dimension_numbers<[1], [0], [0], [1], [0, 0, 1, 1], [], []>, transpose_lhs_hint = false} : vector<1000x128xf32>, vector<128x128xf32>, vector<1000x128xf32> -> vector<1000x128xf32>
    %get3A_74 = arith.constant 0 : index
    %get3A_75 = arith.constant 0 : index
    %get3A_76 = vector.load %arg11[%get3A_74, %get3A_75] : memref<1x128xf32, #tpu.memory_space<vmem>>, vector<1x128xf32>
    %add3A_77 = vector.broadcast %get3A_76 : vector<1x128xf32> to vector<1000x128xf32>
    %add3A_78 = arith.addf %dot_general3A_73, %add3A_77 : vector<1000x128xf32>
    %max3A_79 = arith.constant 0.000000e+00 : f32
    %max3A_80 = vector.broadcast %max3A_79 : f32 to vector<1000x128xf32>
    %max3A_81 = arith.maximumf %add3A_78, %max3A_80 : vector<1000x128xf32>
    %abs3A_82 = math.absf %add3A_78 : vector<1000x128xf32>
    %neg3A_83 = arith.constant 0.000000e+00 : f32
    %neg3A_84 = vector.broadcast %neg3A_83 : f32 to vector<1000x128xf32>
    %neg3A_85 = arith.subf %neg3A_84, %abs3A_82 : vector<1000x128xf32>
    %exp3A_86 = math.exp %neg3A_85 : vector<1000x128xf32>
    %log1p3A_87 = math.log1p %exp3A_86 : vector<1000x128xf32>
    %add3A_88 = arith.addf %max3A_81, %log1p3A_87 : vector<1000x128xf32>
    %swap3A = arith.constant 0 : index
    %swap3A_89 = arith.constant 0 : index
    %swap3A_90 = vector.load %arg18[%swap3A, %swap3A_89] : memref<1000x128xf32, #tpu.memory_space<vmem>>, vector<1000x128xf32>
    tpu.vector_store %arg18[%swap3A, %swap3A_89], %add3A_88 {strides = array<i32>} : memref<1000x128xf32, #tpu.memory_space<vmem>>, vector<1000x128xf32>,
    %get3A_91 = arith.constant 0 : index
    %get3A_92 = arith.constant 0 : index
    %get3A_93 = vector.load %arg20[%get3A_91, %get3A_92] : memref<64x128xf32, #tpu.memory_space<vmem>>, vector<64x128xf32>
    %dot_general3A_94 = arith.constant dense<0.000000e+00> : vector<64x128xf32>
    %dot_general3A_95 = tpu.matmul %convert_element_type3A_33, %add3A, %dot_general3A_94 {dimension_numbers = #tpu.dot_dimension_numbers<[1], [0], [0], [1], [0, 0, 1, 1], [], []>, transpose_lhs_hint = false} : vector<64x1000xf32>, vector<1000x128xf32>, vector<64x128xf32> -> vector<64x128xf32>
    %add3A_96 = arith.addf %get3A_93, %dot_general3A_95 : vector<64x128xf32>
    %swap3A_97 = arith.constant 0 : index
    %swap3A_98 = arith.constant 0 : index
    %swap3A_99 = vector.load %arg20[%swap3A_97, %swap3A_98] : memref<64x128xf32, #tpu.memory_space<vmem>>, vector<64x128xf32>
    tpu.vector_store %arg20[%swap3A_97, %swap3A_98], %add3A_96 {strides = array<i32>} : memref<64x128xf32, #tpu.memory_space<vmem>>, vector<64x128xf32>,
    %get3A_100 = arith.constant 0 : index
    %get3A_101 = arith.constant 0 : index
    %get3A_102 = vector.load %arg21[%get3A_100, %get3A_101] : memref<64x128xf32, #tpu.memory_space<vmem>>, vector<64x128xf32>
    %dot_general3A_103 = arith.constant dense<0.000000e+00> : vector<64x128xf32>
    %dot_general3A_104 = tpu.matmul %convert_element_type3A_33, %add3A_21, %dot_general3A_103 {dimension_numbers = #tpu.dot_dimension_numbers<[1], [0], [0], [1], [0, 0, 1, 1], [], []>, transpose_lhs_hint = false} : vector<64x1000xf32>, vector<1000x128xf32>, vector<64x128xf32> -> vector<64x128xf32>
    %add3A_105 = arith.addf %get3A_102, %dot_general3A_104 : vector<64x128xf32>
    %swap3A_106 = arith.constant 0 : index
    %swap3A_107 = arith.constant 0 : index
    %swap3A_108 = vector.load %arg21[%swap3A_106, %swap3A_107] : memref<64x128xf32, #tpu.memory_space<vmem>>, vector<64x128xf32>
    tpu.vector_store %arg21[%swap3A_106, %swap3A_107], %add3A_105 {strides = array<i32>} : memref<64x128xf32, #tpu.memory_space<vmem>>, vector<64x128xf32>,
    %get3A_109 = arith.constant 0 : index
    %get3A_110 = arith.constant 0 : index
    %get3A_111 = vector.load %arg22[%get3A_109, %get3A_110] : memref<64x128xf32, #tpu.memory_space<vmem>>, vector<64x128xf32>
    %dot_general3A_112 = arith.constant dense<0.000000e+00> : vector<64x128xf32>
    %dot_general3A_113 = tpu.matmul %convert_element_type3A_33, %add3A_88, %dot_general3A_112 {dimension_numbers = #tpu.dot_dimension_numbers<[1], [0], [0], [1], [0, 0, 1, 1], [], []>, transpose_lhs_hint = false} : vector<64x1000xf32>, vector<1000x128xf32>, vector<64x128xf32> -> vector<64x128xf32>
    %add3A_114 = arith.addf %get3A_111, %dot_general3A_113 : vector<64x128xf32>
    %swap3A_115 = arith.constant 0 : index
    %swap3A_116 = arith.constant 0 : index
    %swap3A_117 = vector.load %arg22[%swap3A_115, %swap3A_116] : memref<64x128xf32, #tpu.memory_space<vmem>>, vector<64x128xf32>
    tpu.vector_store %arg22[%swap3A_115, %swap3A_116], %add3A_114 {strides = array<i32>} : memref<64x128xf32, #tpu.memory_space<vmem>>, vector<64x128xf32>,
    %get3A_118 = arith.constant 0 : index
    %get3A_119 = arith.constant 0 : index
    %get3A_120 = vector.load %arg23[%get3A_118, %get3A_119] : memref<64x128xf32, #tpu.memory_space<vmem>>, vector<64x128xf32>
    %broadcast_in_dim3A = arith.constant 1.000000e+00 : f32
    %broadcast_in_dim3A_121 = vector.broadcast %broadcast_in_dim3A : f32 to vector<1000x128xf32>
    %dot_general3A_122 = arith.constant dense<0.000000e+00> : vector<64x128xf32>
    %dot_general3A_123 = tpu.matmul %convert_element_type3A_33, %broadcast_in_dim3A_121, %dot_general3A_122 {dimension_numbers = #tpu.dot_dimension_numbers<[1], [0], [0], [1], [0, 0, 1, 1], [], []>, transpose_lhs_hint = false} : vector<64x1000xf32>, vector<1000x128xf32>, vector<64x128xf32> -> vector<64x128xf32>
    %add3A_124 = arith.addf %get3A_120, %dot_general3A_123 : vector<64x128xf32>
    %swap3A_125 = arith.constant 0 : index
    %swap3A_126 = arith.constant 0 : index
    %swap3A_127 = vector.load %arg23[%swap3A_125, %swap3A_126] : memref<64x128xf32, #tpu.memory_space<vmem>>, vector<64x128xf32>
    tpu.vector_store %arg23[%swap3A_125, %swap3A_126], %add3A_124 {strides = array<i32>} : memref<64x128xf32, #tpu.memory_space<vmem>>, vector<64x128xf32>,
    %eq3A_128 = arith.constant 9 : i32
    %eq3A_129 = arith.cmpi eq, %arg0, %eq3A_128 : i32
    %convert_element_type3A_130 = arith.extui %eq3A_129 : i1 to i32
    %cond3A_131 = arith.constant 0 : i32
    %cond3A_132 = arith.cmpi ne, %convert_element_type3A_130, %cond3A_131 : i32
    scf.if %cond3A_132 {
      %get3A_133 = arith.constant 0 : index
      %get3A_134 = arith.constant 0 : index
      %get3A_135 = vector.load %arg20[%get3A_133, %get3A_134] : memref<64x128xf32, #tpu.memory_space<vmem>>, vector<64x128xf32>
      %get3A_136 = arith.constant 0 : index
      %get3A_137 = arith.constant 0 : index
      %get3A_138 = vector.load %arg21[%get3A_136, %get3A_137] : memref<64x128xf32, #tpu.memory_space<vmem>>, vector<64x1xf32>
      %max3A_139 = arith.constant 1.000000e+00 : f32
      %max3A_140 = vector.broadcast %max3A_139 : f32 to vector<64x1xf32>
      %max3A_141 = arith.maximumf %get3A_138, %max3A_140 : vector<64x1xf32>
      %div3A_142 = vector.broadcast %max3A_141 : vector<64x1xf32> to vector<64x128xf32>
      %div3A_143 = arith.divf %get3A_135, %div3A_142 : vector<64x128xf32>
      %get3A_144 = arith.constant 0 : index
      %get3A_145 = arith.constant 0 : index
      %get3A_146 = vector.load %arg22[%get3A_144, %get3A_145] : memref<64x128xf32, #tpu.memory_space<vmem>>, vector<64x128xf32>
      %get3A_147 = arith.constant 0 : index
      %get3A_148 = arith.constant 0 : index
      %get3A_149 = vector.load %arg23[%get3A_147, %get3A_148] : memref<64x128xf32, #tpu.memory_space<vmem>>, vector<64x1xf32>
      %max3A_150 = arith.constant 1.000000e+00 : f32
      %max3A_151 = vector.broadcast %max3A_150 : f32 to vector<64x1xf32>
      %max3A_152 = arith.maximumf %get3A_149, %max3A_151 : vector<64x1xf32>
      %div3A_153 = vector.broadcast %max3A_152 : vector<64x1xf32> to vector<64x128xf32>
      %div3A_154 = arith.divf %get3A_146, %div3A_153 : vector<64x128xf32>
      %get3A_155 = arith.constant 0 : index
      %get3A_156 = arith.constant 0 : index
      %get3A_157 = vector.load %arg4[%get3A_155, %get3A_156] : memref<64x128xf32, #tpu.memory_space<vmem>>, vector<64x128xf32>
      %get3A_158 = arith.constant 0 : index
      %get3A_159 = arith.constant 0 : index
      %get3A_160 = vector.load %arg12[%get3A_158, %get3A_159] : memref<128x128xf32, #tpu.memory_space<vmem>>, vector<128x128xf32>
      %dot_general3A_161 = arith.constant dense<0.000000e+00> : vector<64x128xf32>
      %dot_general3A_162 = tpu.matmul %get3A_157, %get3A_160, %dot_general3A_161 {dimension_numbers = #tpu.dot_dimension_numbers<[1], [0], [0], [1], [0, 0, 1, 1], [], []>, transpose_lhs_hint = false} : vector<64x128xf32>, vector<128x128xf32>, vector<64x128xf32> -> vector<64x128xf32>
      %get3A_163 = arith.constant 0 : index
      %get3A_164 = arith.constant 0 : index
      %get3A_165 = vector.load %arg13[%get3A_163, %get3A_164] : memref<128x128xf32, #tpu.memory_space<vmem>>, vector<128x128xf32>
      %dot_general3A_166 = arith.constant dense<0.000000e+00> : vector<64x128xf32>
      %dot_general3A_167 = tpu.matmul %div3A_143, %get3A_165, %dot_general3A_166 {dimension_numbers = #tpu.dot_dimension_numbers<[1], [0], [0], [1], [0, 0, 1, 1], [], []>, transpose_lhs_hint = false} : vector<64x128xf32>, vector<128x128xf32>, vector<64x128xf32> -> vector<64x128xf32>
      %add3A_168 = arith.addf %dot_general3A_162, %dot_general3A_167 : vector<64x128xf32>
      %get3A_169 = arith.constant 0 : index
      %get3A_170 = arith.constant 0 : index
      %get3A_171 = vector.load %arg14[%get3A_169, %get3A_170] : memref<128x128xf32, #tpu.memory_space<vmem>>, vector<128x128xf32>
      %dot_general3A_172 = arith.constant dense<0.000000e+00> : vector<64x128xf32>
      %dot_general3A_173 = tpu.matmul %div3A_154, %get3A_171, %dot_general3A_172 {dimension_numbers = #tpu.dot_dimension_numbers<[1], [0], [0], [1], [0, 0, 1, 1], [], []>, transpose_lhs_hint = false} : vector<64x128xf32>, vector<128x128xf32>, vector<64x128xf32> -> vector<64x128xf32>
      %add3A_174 = arith.addf %add3A_168, %dot_general3A_173 : vector<64x128xf32>
      %get3A_175 = arith.constant 0 : index
      %get3A_176 = arith.constant 0 : index
      %get3A_177 = vector.load %arg15[%get3A_175, %get3A_176] : memref<1x128xf32, #tpu.memory_space<vmem>>, vector<1x128xf32>
      %add3A_178 = vector.broadcast %get3A_177 : vector<1x128xf32> to vector<64x128xf32>
      %add3A_179 = arith.addf %add3A_174, %add3A_178 : vector<64x128xf32>
      %max3A_180 = arith.constant 0.000000e+00 : f32
      %max3A_181 = vector.broadcast %max3A_180 : f32 to vector<64x128xf32>
      %max3A_182 = arith.maximumf %add3A_179, %max3A_181 : vector<64x128xf32>
      %abs3A_183 = math.absf %add3A_179 : vector<64x128xf32>
      %neg3A_184 = arith.constant 0.000000e+00 : f32
      %neg3A_185 = vector.broadcast %neg3A_184 : f32 to vector<64x128xf32>
      %neg3A_186 = arith.subf %neg3A_185, %abs3A_183 : vector<64x128xf32>
      %exp3A_187 = math.exp %neg3A_186 : vector<64x128xf32>
      %log1p3A_188 = math.log1p %exp3A_187 : vector<64x128xf32>
      %add3A_189 = arith.addf %max3A_182, %log1p3A_188 : vector<64x128xf32>
      %get3A_190 = arith.constant 0 : index
      %get3A_191 = arith.constant 0 : index
      %get3A_192 = vector.load %arg16[%get3A_190, %get3A_191] : memref<128x128xf32, #tpu.memory_space<vmem>>, vector<128x128xf32>
      %dot_general3A_193 = arith.constant dense<0.000000e+00> : vector<64x128xf32>
      %dot_general3A_194 = tpu.matmul %add3A_189, %get3A_192, %dot_general3A_193 {dimension_numbers = #tpu.dot_dimension_numbers<[1], [0], [0], [1], [0, 0, 1, 1], [], []>, transpose_lhs_hint = false} : vector<64x128xf32>, vector<128x128xf32>, vector<64x128xf32> -> vector<64x128xf32>
      %get3A_195 = arith.constant 0 : index
      %get3A_196 = arith.constant 0 : index
      %get3A_197 = vector.load %arg17[%get3A_195, %get3A_196] : memref<1x128xf32, #tpu.memory_space<vmem>>, vector<1x128xf32>
      %add3A_198 = vector.broadcast %get3A_197 : vector<1x128xf32> to vector<64x128xf32>
      %add3A_199 = arith.addf %dot_general3A_194, %add3A_198 : vector<64x128xf32>
      %max3A_200 = arith.constant 0.000000e+00 : f32
      %max3A_201 = vector.broadcast %max3A_200 : f32 to vector<64x128xf32>
      %max3A_202 = arith.maximumf %add3A_199, %max3A_201 : vector<64x128xf32>
      %abs3A_203 = math.absf %add3A_199 : vector<64x128xf32>
      %neg3A_204 = arith.constant 0.000000e+00 : f32
      %neg3A_205 = vector.broadcast %neg3A_204 : f32 to vector<64x128xf32>
      %neg3A_206 = arith.subf %neg3A_205, %abs3A_203 : vector<64x128xf32>
      %exp3A_207 = math.exp %neg3A_206 : vector<64x128xf32>
      %log1p3A_208 = math.log1p %exp3A_207 : vector<64x128xf32>
      %add3A_209 = arith.addf %max3A_202, %log1p3A_208 : vector<64x128xf32>
      %swap3A_210 = arith.constant 0 : index
      %swap3A_211 = arith.constant 0 : index
      %swap3A_212 = vector.load %arg19[%swap3A_210, %swap3A_211] : memref<64x128xf32, #tpu.memory_space<vmem>>, vector<64x128xf32>
      tpu.vector_store %arg19[%swap3A_210, %swap3A_211], %add3A_209 {strides = array<i32>} : memref<64x128xf32, #tpu.memory_space<vmem>>, vector<64x128xf32>,
    } else {
    }
    return
  }
  func.func @transform_0(%arg0: i32) -> (i32, i32) {
    %c0_i32 = arith.constant 0 : i32
    %c0_i32_0 = arith.constant 0 : i32
    return %arg0, %c0_i32 : i32, i32
  }
  func.func @transform_1(%arg0: i32) -> (i32, i32, i32) {
    %c0_i32 = arith.constant 0 : i32
    %c0_i32_0 = arith.constant 0 : i32
    %c0_i32_1 = arith.constant 0 : i32
    return %c0_i32, %arg0, %c0_i32_0 : i32, i32, i32
  }
  func.func @transform_2(%arg0: i32) -> (i32, i32, i32) {
    %c0_i32 = arith.constant 0 : i32
    %c0_i32_0 = arith.constant 0 : i32
    %c0_i32_1 = arith.constant 0 : i32
    return %c0_i32, %arg0, %c0_i32_0 : i32, i32, i32
  }
  func.func @transform_3(%arg0: i32) -> (i32, i32) {
    %c0_i32 = arith.constant 0 : i32
    %c0_i32_0 = arith.constant 0 : i32
    %c0_i32_1 = arith.constant 0 : i32
    return %c0_i32, %c0_i32_0 : i32, i32
  }
  func.func @transform_4(%arg0: i32) -> (i32, i32, i32) {
    %c0_i32 = arith.constant 0 : i32
    %c0_i32_0 = arith.constant 0 : i32
    %c0_i32_1 = arith.constant 0 : i32
    return %arg0, %c0_i32, %c0_i32_0 : i32, i32, i32
  }
  func.func @transform_5(%arg0: i32) -> (i32, i32) {
    %c0_i32 = arith.constant 0 : i32
    %c0_i32_0 = arith.constant 0 : i32
    %c0_i32_1 = arith.constant 0 : i32
    return %c0_i32, %c0_i32_0 : i32, i32
  }
  func.func @transform_6(%arg0: i32) -> (i32, i32) {
    %c0_i32 = arith.constant 0 : i32
    %c0_i32_0 = arith.constant 0 : i32
    %c0_i32_1 = arith.constant 0 : i32
    return %c0_i32, %c0_i32_0 : i32, i32
  }
  func.func @transform_7(%arg0: i32) -> (i32, i32) {
    %c0_i32 = arith.constant 0 : i32
    %c0_i32_0 = arith.constant 0 : i32
    %c0_i32_1 = arith.constant 0 : i32
    return %c0_i32, %c0_i32_0 : i32, i32
  }
  func.func @transform_8(%arg0: i32) -> (i32, i32) {
    %c0_i32 = arith.constant 0 : i32
    %c0_i32_0 = arith.constant 0 : i32
    %c0_i32_1 = arith.constant 0 : i32
    return %c0_i32, %c0_i32_0 : i32, i32
  }
  func.func @transform_9(%arg0: i32) -> (i32, i32) {
    %c0_i32 = arith.constant 0 : i32
    %c0_i32_0 = arith.constant 0 : i32
    %c0_i32_1 = arith.constant 0 : i32
    return %c0_i32, %c0_i32_0 : i32, i32
  }
  func.func @transform_10(%arg0: i32) -> (i32, i32) {
    %c0_i32 = arith.constant 0 : i32
    %c0_i32_0 = arith.constant 0 : i32
    %c0_i32_1 = arith.constant 0 : i32
    return %c0_i32, %c0_i32_0 : i32, i32
  }
  func.func @transform_11(%arg0: i32) -> (i32, i32) {
    %c0_i32 = arith.constant 0 : i32
    %c0_i32_0 = arith.constant 0 : i32
    %c0_i32_1 = arith.constant 0 : i32
    return %c0_i32, %c0_i32_0 : i32, i32
  }
  func.func @transform_12(%arg0: i32) -> (i32, i32) {
    %c0_i32 = arith.constant 0 : i32
    %c0_i32_0 = arith.constant 0 : i32
    %c0_i32_1 = arith.constant 0 : i32
    return %c0_i32, %c0_i32_0 : i32, i32
  }
  func.func @transform_13(%arg0: i32) -> (i32, i32) {
    %c0_i32 = arith.constant 0 : i32
    %c0_i32_0 = arith.constant 0 : i32
    %c0_i32_1 = arith.constant 0 : i32
    return %c0_i32, %c0_i32_0 : i32, i32
  }
  func.func @transform_14(%arg0: i32) -> (i32, i32) {
    %c0_i32 = arith.constant 0 : i32
    %c0_i32_0 = arith.constant 0 : i32
    %c0_i32_1 = arith.constant 0 : i32
    return %c0_i32, %c0_i32_0 : i32, i32
  }
  func.func @transform_15(%arg0: i32) -> (i32, i32) {
    %c0_i32 = arith.constant 0 : i32
    %c0_i32_0 = arith.constant 0 : i32
    %c0_i32_1 = arith.constant 0 : i32
    return %c0_i32, %c0_i32_0 : i32, i32
  }
  func.func @transform_16(%arg0: i32) -> (i32, i32) {
    %c0_i32 = arith.constant 0 : i32
    %c0_i32_0 = arith.constant 0 : i32
    %c0_i32_1 = arith.constant 0 : i32
    return %c0_i32, %c0_i32_0 : i32, i32
  }
  func.func @transform_17(%arg0: i32) -> (i32, i32) {
    %c0_i32 = arith.constant 0 : i32
    %c0_i32_0 = arith.constant 0 : i32
    return %arg0, %c0_i32 : i32, i32
  }
  func.func @transform_18(%arg0: i32) -> (i32, i32) {
    %c0_i32 = arith.constant 0 : i32
    %c0_i32_0 = arith.constant 0 : i32
    %c0_i32_1 = arith.constant 0 : i32
    return %c0_i32, %c0_i32_0 : i32, i32
  }
}

</mosaic_0001>

<sc_bundles>
// kernel: kernel.16.cloned.1.call-start
scs
__scs_entry_jumppad:
0x0: {  	(pc) =	sbr.rel $0x88, $3  }
0x1: {  	(tag) =	ssettag $0x0;
	lr =	simm.s32 $0x1  }
0x2: {  	[smem:$0x3F90] =	sst lr;
	_ =	strace $0xD0000000  }
0x3: {  	_ = 	snop  }
0x4: {  	_ = 	snop  }
0x5: {  	_ = 	snop  }
0x6: {  	_ = 	snop  }
0x7: {  	_ = 	snop  }
__scs_overlays_trampoline_lowered:
0x8: {  	[smem:$0x3F9F] =	sst s0  }
0x9: {  	[smem:$0x3FA0] =	sst s1  }
0xa: {  	[smem:$0x3FA1] =	sst s2  }
0xb: {  	[smem:$0x3FA2] =	sst s3  }
0xc: {  	[smem:$0x3FA3] =	sst s4  }
0xd: {  	[smem:$0x3FA4] =	sst s5  }
0xe: {  	[smem:$0x3FA5] =	sst s6  }
0xf: {  	[smem:$0x3FA6] =	sst s7  }
0x10: {  	[smem:$0x3FA7] =	sst s8  }
0x11: {  	[smem:$0x3FA8] =	sst s9;
	s0 =	simm.s32 @!p0 $0x0  }
0x12: {  	s1 =	sld [smem:$0x3F8E];
	s0 =	simm.s32 @p0 $0x1  }
0x13: {  	[smem:$0x3FA9] =	sst s0;
	s0 =	simm.s32 @!p1 $0x0  }
0x14: {  	s2 =	sld [smem:$0x3F8D];
	s0 =	simm.s32 @p1 $0x1  }
0x15: {  	[smem:$0x3FAA] =	sst s0;
	s0 =	simm.s32 @!p2 $0x0  }
0x16: {  	s3 =	sld [smem:$0x3FDB];
	s0 =	simm.s32 @p2 $0x1  }
0x17: {  	s4 =	simm.s32 $0x1BF5;
	[smem:$0x3FAC] =	sst s0  }
0x18: {  	s0 =	sld [smem:$0x3F8F];
	_ =	swait.ge [sflag:s4], $0x0  }
0x19: {  	s7 =	sld [smem:$0x3F90]  }
0x1a: {  	s8 =	sadd.s32 $0xFFFFE003, lr  }
0x1b: {  	s9 =	sadd.s32 $0xFFFFFEF7, lr;
	s5 =	simm.s32 $0xFFFFFFFF;
	p2 =	slt.u32 s8, $0xFFFFF086  }
0x1c: {  	p1 =	slt.u32 s9, $0xF7A;
	s5 =	simm.s32 @!p2 $0x0  }
0x1d: {  	s5 =	simm.s32 @p1 $0x1;
	p0 =	seq.s32 s7, s2  }
0x1e: {  	s7 =	smul.u32 @!p0 $0xF7A, s2;
	p2 =	seq.s32 @!p0 s5, $0x0  }
0x1f: {  	s9 =	smul.u32 $0xF7A, s1;
	s8 =	simm.s32 @!p0 $0x1BF5;
	p2 =	por !p2, p0  }
0x20: {  	[sflag:s8] =	ssyncset.s32 @!p0 $0xFFFFF086;
	s6 =	sadd.s32 @!p0 s3, s7;
	s7 =	simm.s32 @!p0 $0x108  }
0x21: {  	s3 =	sadd.s32 s3, s9;
	s6 =	sadd.s32 @!p0 $0x88, s6;
	s7 =	simm.s32 @p2 $0x1082  }
0x22: {  	[simem:s7], [sflag:s8] =	dma.local @!p0 [hbm:s6], $0xF7A  }
0x23: {  	s9 =	sor.u32 $0xD0000000, s2;
	s6 =	simm.s32 $0x108;
	_ =	swait.ge @!p0 [sflag:s8], $0x0  }
0x24: {  	s3 =	sadd.s32 $0x88, s3;
	s6 =	simm.s32 @!p1 $0x1082;
	[sflag:s4] =	ssyncset.s32 $0xFFFFF086  }
0x25: {  	[simem:s6], [sflag:s4] =	dma.local [hbm:s3], $0xF7A  }
0x26: {  	[smem:$0x3F90] =	sst s1;
	(tag) =	ssettag s2;
	_ =	strace s9  }
0x27: {  	s1 =	sld [smem:$0x3FA0]  }
0x28: {  	s2 =	sld [smem:$0x3FA1]  }
0x29: {  	s4 =	sld [smem:$0x3FA3]  }
0x2a: {  	p0 =	seq.s32 s5, $0x0;
	s5 =	sld [smem:$0x3FA4]  }
0x2b: {  	s6 =	sld [smem:$0x3FA5]  }
0x2c: {  	s7 =	sld [smem:$0x3FA6]  }
0x2d: {  	s3 =	simm.s32 $0x108;
	s8 =	sld [smem:$0x3FA7]  }
0x2e: {  	s3 =	simm.s32 @!p0 $0x1082;
	s9 =	sld [smem:$0x3FA8]  }
0x2f: {  	lr =	sadd.s32 s0, s3;
	s0 =	sld [smem:$0x3F9F]  }
0x30: {  	s3 =	sld [smem:$0x3FA2]  }
0x31: {  	[smem:$0x3FAB] =	sst s10  }
0x32: {  	s10 =	sld [smem:$0x3FA9];
	_ =	sdelay $0x3  }
0x33: {  	p0 =	seq.s32 s10, $0x1;
	s10 =	sld [smem:$0x3FAB];
	_ =	sdelay $0x3  }
0x34: {  	[smem:$0x3FAB] =	sst s10  }
0x35: {  	s10 =	sld [smem:$0x3FAA];
	_ =	sdelay $0x3  }
0x36: {  	p1 =	seq.s32 s10, $0x1;
	s10 =	sld [smem:$0x3FAB];
	_ =	sdelay $0x3  }
0x37: {  	[smem:$0x3FAB] =	sst s10  }
0x38: {  	s10 =	sld [smem:$0x3FAC]  }
0x39: {  	_ = 	snop;
	(pc) =	sbr.ind lr, $3  }
0x3a: {  	_ = 	snop  }
0x3b: {  	_ = 	snop  }
0x3c: {  	p2 =	seq.s32 s10, $0x1;
	s10 =	sld [smem:$0x3FAB]  }
0x3d: {  	_ =	shalt  }
0x3e: {  	_ =	shalt  }
0x3f: {  	_ =	shalt  }
0x40: {  	_ =	shalt  }
0x41: {  	_ =	shalt  }
0x42: {  	_ =	shalt  }
0x43: {  	_ =	shalt  }
0x44: {  	_ =	shalt  }
0x45: {  	_ =	shalt  }
0x46: {  	_ =	shalt  }
0x47: {  	_ =	shalt  }
0x48: {  	_ =	shalt  }
0x49: {  	_ =	shalt  }
0x4a: {  	_ =	shalt  }
0x4b: {  	_ =	shalt  }
0x4c: {  	_ =	shalt  }
0x4d: {  	_ =	shalt  }
0x4e: {  	_ =	shalt  }
0x4f: {  	_ =	shalt  }
0x50: {  	_ =	shalt  }
0x51: {  	_ =	shalt  }
0x52: {  	_ =	shalt  }
0x53: {  	_ =	shalt  }
0x54: {  	_ =	shalt  }
0x55: {  	_ =	shalt  }
0x56: {  	_ =	shalt  }
0x57: {  	_ =	shalt  }
0x58: {  	_ =	shalt  }
0x59: {  	_ =	shalt  }
0x5a: {  	_ =	shalt  }
0x5b: {  	_ =	shalt  }
0x5c: {  	_ =	shalt  }
0x5d: {  	_ =	shalt  }
0x5e: {  	_ =	shalt  }
0x5f: {  	_ =	shalt  }
0x60: {  	_ =	shalt  }
0x61: {  	_ =	shalt  }
0x62: {  	_ =	shalt  }
0x63: {  	_ =	shalt  }
0x64: {  	_ =	shalt  }
0x65: {  	_ =	shalt  }
0x66: {  	_ =	shalt  }
0x67: {  	_ =	shalt  }
0x68: {  	_ =	shalt  }
0x69: {  	_ =	shalt  }
0x6a: {  	_ =	shalt  }
0x6b: {  	_ =	shalt  }
0x6c: {  	_ =	shalt  }
0x6d: {  	_ =	shalt  }
0x6e: {  	_ =	shalt  }
0x6f: {  	_ =	shalt  }
0x70: {  	_ =	shalt  }
0x71: {  	_ =	shalt  }
0x72: {  	_ =	shalt  }
0x73: {  	_ =	shalt  }
0x74: {  	_ =	shalt  }
0x75: {  	_ =	shalt  }
0x76: {  	_ =	shalt  }
0x77: {  	_ =	shalt  }
0x78: {  	_ =	shalt  }
0x79: {  	_ =	shalt  }
0x7a: {  	_ =	shalt  }
0x7b: {  	_ =	shalt  }
0x7c: {  	_ =	shalt  }
0x7d: {  	_ =	shalt  }
0x7e: {  	_ =	shalt  }
0x7f: {  	_ =	shalt  }
0x80: {  	_ =	shalt  }
0x81: {  	_ =	shalt  }
0x82: {  	_ =	shalt  }
0x83: {  	_ =	shalt  }
0x84: {  	_ =	shalt  }
0x85: {  	_ =	shalt  }
0x86: {  	_ =	shalt  }
0x87: {  	_ =	shalt  }
.Lfunc_end0:
.L_simem_size_0:
called_computation_lowered:
.L_overlay_start_0:
0x88: {  	s2 =	sld [smem:$0x3FD9]  }
0x89: {  	s3 =	sld [smem:$0x3FFE];
	_ =	sdelay $0x1  }
0x8a: {  	s1 =	srdreg.scid  }
0x8b: {  	s0 =	sand.u32 $0x1, s1  }
0x8c: {  	s15 =	sshll.u32 s0, $0xA;
	s2 =	sadd.s32 s3, s2  }
0x8d: {  	s2 =	sadd.s32 s2, s15  }
0x8e: {  	[smem:$0x3FB7] =	sst s2  }
0x8f: {  	_ = 	snop  }
0x90: {  	s2 =	sld [smem:$0x3FD0];
	_ =	sdelay $0x2  }
0x91: {  	s16 =	simm.s32 $0xF;
	s4 =	simm.s32 $0x10  }
0x92: {  	[smem:s4], [sflag:s16] =	dma.local [hbm:s2], $0x1  }
0x93: {  	_ =	swait.eq [sflag:s16], $0x1  }
0x94: {  	[sflag:s16] =	ssyncset.done $0x0  }
0x95: {  	[sflag:s16] =	ssyncadd.s32 $0xFFFFFFFF  }
0x96: {  	s17 =	sld [smem:$0x10];
	(tm) =	ssettm $0x1  }
0x97: {  	s18 =	sld [smem:$0x3FFB];
	_ =	sdelay $0x3  }
0x98: {  	_ =	strace s18  }
0x99: {  	s2 =	sld [smem:$0x3FFC];
	_ =	sdelay $0x3  }
0x9a: {  	_ =	strace s2  }
0x9b: {  	s2 =	sld [smem:$0x3FFD];
	_ =	sdelay $0x3  }
0x9c: {  	_ =	strace s2  }
0x9d: {  	_ =	strace $0x8FFFFFFF  }
0x9e: {  	s19 =	sld [smem:$0x3FDB];
	_ =	sdelay $0x1  }
0x9f: {  	s20 =	simm.s32 $_scs_section_size  }
0xa0: {  	s5 =	simm.s32 $_size__tile_overlayer_lowered;
	s6 =	simm.s32 $_tile_overlayer_lowered  }
0xa1: {  	s7 =	simm.s32 $0x1BFF;
	s21 =	sshll.u32 s6, $0x1;
	s4 =	sadd.s32 s20, s19  }
0xa2: {  	s22 =	simm.s32 $0x0;
	s5 =	sshll.u32 s5, $0x1;
	s6 =	sadd.s32 s21, s4  }
0xa3: {  	[timem:s22], [sflag:s7] =	dma.local [hbm:s6], s5  }
0xa4: {  	_ =	swait.ge [sflag:s7], s5  }
0xa5: {  	s5 =	ssub.s32 $0x0, s5;
	[sflag:s7] =	ssyncset.done $0x0  }
0xa6: {  	[sflag:s7] =	ssyncadd.s32 s5;
	_ =	sdelay $0x1  }
0xa7: {  	s23 =	simm.s32 $0x1B8B  }
0xa8: {  	_ =	swait.ge [sflag:s23], $0x1  }
0xa9: {  	[sflag:s23] =	ssyncset.done $0x0  }
0xaa: {  	[sflag:s23] =	ssyncadd.s32 $0xFFFFFFFF  }
0xab: {  	s5 =	sld [smem:$0x0]  }
0xac: {  	s6 =	sand.u32 $0xFFFFFFFE, s1  }
0xad: {  	p0 =	sne.s32 s1, s6  }
0xae: {  	s6 =	sshll.u32 @p0 s6, $0xE  }
0xaf: {  	s6 =	sadd.s32 @p0 $0x11B8D, s6;
	s7 =	sshll.u32 @p0 s5, $0x11  }
0xb0: {  	s6 =	sor.u32 @p0 s7, s6  }
0xb1: {  	[sflag:s6] =	ssyncadd.remote.s32 @p0 $0x1;
	_ =	sdelay $0x1  }
0xb2: {  	s6 =	simm.s32 @p0 $0x1B8D  }
0xb3: {  	_ =	swait.eq @p0 [sflag:s6], $0x1  }
0xb4: {  	[sflag:s6] =	ssyncadd.s32 @p0 $0xFFFFFFFF  }
0xb5: {  	s7 =	sshll.u32 @!p0 s1, $0xE  }
0xb6: {  	s7 =	sor.u32 @!p0 $0x4000, s7;
	s6 =	simm.s32 @!p0 $0x1B8D  }
0xb7: {  	s5 =	sshll.u32 @!p0 s5, $0x11;
	s7 =	sadd.s32 @!p0 $0x11B8D, s7;
	_ =	swait.eq @!p0 [sflag:s6], $0x1  }
0xb8: {  	s5 =	sor.u32 @!p0 s5, s7;
	[sflag:s6] =	ssyncadd.s32 @!p0 $0xFFFFFFFF  }
0xb9: {  	s25 =	simm.s32 $0x1B8E;
	s24 =	sld [smem:$0x3FFE];
	[sflag:s5] =	ssyncadd.remote.s32 @!p0 $0x1  }
0xba: {  	s26 =	simm.s32 $execute0_lowered;
	[smem:$0x3FD2] =	sst s25  }
0xbb: {  	s6 =	sshll.u32 s26, $0x1;
	_ =	strace $0x80000049;
	[dreg:$0x1] =	wrdreg $0xFFFFFFFF  }
0xbc: {  	s28 =	simm.s32 $_size_execute0_lowered;
	s4 =	sadd.s32 s4, s6;
	[dreg:$0x0] =	wrdreg $0x0  }
0xbd: {  	s6 =	sshll.u32 s28, $0x1;
	[dreg:$0x2] =	wrdreg s4  }
0xbe: {  	[dreg:$0x3] =	wrdreg s6  }
0xbf: {  	[dreg:$0x4] =	wrdreg $0xC0  }
0xc0: {  	_ =	task [dreg:s22], $0x5FFFF  }
0xc1: {  	[dreg:$0x1] =	wrdreg $0xFFFFFFFF  }
0xc2: {  	[dreg:$0x0] =	wrdreg $0x60  }
0xc3: {  	[dreg:$0x2] =	wrdreg s17  }
0xc4: {  	[dreg:$0x3] =	wrdreg s24  }
0xc5: {  	[dreg:$0x4] =	wrdreg $0xA  }
0xc6: {  	_ =	task.clear_ibuf [dreg:s22], $0x5FFFF;
	_ =	strace $0x90000049  }
0xc7: {  	s29 =	simm.s32 $0xA;
	_ =	strace $0x8000004B  }
0xc8: {  	_ =	swait.ge [sflag:s29], $0x1  }
0xc9: {  	[sflag:s29] =	ssyncadd.s32 $0xFFFFFFFF  }
0xca: {  	_ =	strace $0x9000004B  }
0xcb: {  	_ =	sfence  }
0xcc: {  	s30 =	sld [smem:$0x0];
	_ =	sdelay $0x2  }
0xcd: {  	s31 =	sshll.u32 s1, $0xD;
	s1 =	sshrl.u32 s1, $0x2  }
0xce: {  	s4 =	sand.u32 $0x4000, s31;
	s1 =	sadd.s32 s1, s30  }
0xcf: {  	s0 =	sor.u32 s4, s0;
	s1 =	sshll.u32 s1, $0x11  }
0xd0: {  	s0 =	sor.u32 s1, s0  }
0xd1: {  	s0 =	sadd.s32 $0x8F2B, s0  }
0xd2: {  	[sflag:s0] =	ssyncadd.remote.s32 $0x1  }
0xd3: {  	_ =	sfence.sel $0xFFFF  }
0xd4: {  	[dreg:$0x0] =	wrdreg $0xFFFFFFFF;
	(pc) =	sbr.abs _section_cstart, $3  }
0xd5: {  	[dreg:$0x1] =	wrdreg $0xFFFFFFFF  }
0xd6: {  	_ =	task.clear_ibuf [dreg:s22], $0x2FFFF;
	_ =	strace $0x9FFFFFFF  }
0xd7: {  	(tm) =	ssettm $0x7FFFFFFF  }
tec
execute0_lowered:
.L_overlay_start_1:
0x0: {  	(tag) =	ssettag $0x1  }
0x1: {  	s1 =	rddreg [dreg:$0x0]  }
0x2: {  	s5 =	rddreg [dreg:$0x1]  }
0x3: {  	s0 =	rddreg [dreg:$0x2]  }
0x4: {  	s3 =	simm.s32 $0x0;
	s4 =	srdreg.scid;
	s2 =	stileid.u32  }
0x5: {  	s13 =	simm.s32 $0x2000;
	s14 =	simm.s32 $0x4800;
	s15 =	simm.s32 $0x1  }
0x6: {  	s16 =	simm.s32 $0x2;
	s17 =	simm.s32 $0xC00;
	s18 =	simm.s32 $0x1C00  }
0x7: {  	s19 =	simm.s32 $0x0;
	[smem:$0x7FF] =	sst s3;
	s6 =	sand.u32 $0x1, s4  }
0x8: {  	s7 =	sshll.u32 s2, $0x1;
	s4 =	sadd.s32 $0x32E00, s5;
	s10 =	sadd.s32 $0x15C000, s5  }
0x9: {  	s11 =	smul.u32 $0xFA00, s2;
	_ =	strace $0x8000004A;
	s7 =	sor.u32 s6, s7  }
0xa: {  	s9 =	ssub.s32 $0x2, s6;
	s8 =	sshll.u32 s7, $0x9;
	s7 =	smul.u32 $0x3E800, s7  }
0xb: {  	s12 =	smul.u32 $0x7D00, s6;
	s31 =	sshrl.u32 s9, $0x1;
	s8 =	sadd.s32 s8, s5  }
0xc: {  	s9 =	ssub.s32 s9, s31;
	s7 =	sshrl.u32 s7, $0x3;
	s5 =	sadd.s32 $0x154000, s8  }
0xd: {  	s6 =	sadd.s32 $0x158000, s8;
	s8 =	smax.u32 s9, $0x1;
	s7 =	sadd.s32 s10, s7  }
0xe: {  	s10 =	sadd.s32 s11, s10;
	s11 =	simm.s32 $0x1000;
	s7 =	sadd.s32 $0x7800, s7  }
0xf: {  	s9 =	sadd.s32 s12, s10;
	s10 =	simm.s32 $0x3;
	s12 =	simm.s32 $0x50  }
.LBB2_1:
0x10: {  	[tilespmem:s3], [sflag:$0x3] =	stream.linear.gather [hbm4b:s5+s3], $0xC80, $0x38;
	[tilespmem:$0x7000] =	vst v63  }
0x11: {  	_ =	swait.ge [sflag:s10], $0xC80  }
0x12: {  	[sflag:s10] =	ssyncset.done $0x0  }
0x13: {  	[sflag:s10] =	ssyncadd.s32 $0xFFFFF380  }
0x14: {  	[tilespmem:s11], [sflag:$0x3] =	stream.linear.gather [hbm4b:s6+s3], $0xC80, $0x38;
	[tilespmem:$0x7000] =	vst v63  }
0x15: {  	_ =	swait.ge [sflag:s10], $0xC80  }
0x16: {  	[sflag:s10] =	ssyncset.done $0x0  }
0x17: {  	s20 =	simm.s32 $0x0;
	[sflag:s10] =	ssyncadd.s32 $0xFFFFF380  }
0x18: {  	[tilespmem:s13], [sflag:$0x1] =	stream.indirect.gather [hbm4b:s1+s12], $0x80, s20, s12, $0xb8;
	[tilespmem:$0x7000] =	vst v63  }
0x19: {  	s28 =	simm.s32 $0x80  }
0x1a: {  	[tilespmem:s14], [sflag:$0x2] =	stream.indirect.gather [hbm4b:s1+s12], $0x80, s28, s12, $0xb8;
	[tilespmem:$0x7000] =	vst v63  }
0x1b: {  	_ =	swait.ge [sflag:s15], $0x2800  }
0x1c: {  	[sflag:s15] =	ssyncset.done $0x0  }
0x1d: {  	s29 =	simm.s32 $0x1000;
	[sflag:s15] =	ssyncadd.s32 $0xFFFFD800  }
0x1e: {  	[tilespmem:s13], [sflag:$0x1] =	stream.indirect.gather.add.f32 [hbm:s4], $0x80, s29, s12, $0xb8;
	[tilespmem:$0x7000] =	vst v63  }
0x1f: {  	_ =	swait.ge [sflag:s16], $0x2800  }
0x20: {  	[sflag:s16] =	ssyncset.done $0x0  }
0x21: {  	s30 =	simm.s32 $0x1080;
	[sflag:s16] =	ssyncadd.s32 $0xFFFFD800  }
0x22: {  	[tilespmem:s14], [sflag:$0x2] =	stream.indirect.gather.add.f32 [hbm:s4], $0x80, s30, s12, $0xb8;
	[tilespmem:$0x7000] =	vst v63  }
0x23: {  	_ =	swait.ge [sflag:s15], $0x2800  }
0x24: {  	[sflag:s15] =	ssyncset.done $0x0  }
0x25: {  	[sflag:s15] =	ssyncadd.s32 $0xFFFFD800  }
0x26: {  	[hbm4b:s9+s3] =	stream.linear.scatter [tilespmem:s13], [sflag:$0x1], $0x2800, $0x38;
	[tilespmem:$0x7000] =	vst v63  }
0x27: {  	_ =	swait.ge [sflag:s16], $0x2800  }
0x28: {  	[sflag:s16] =	ssyncset.done $0x0  }
0x29: {  	s31 =	sadd.s32 $0x500, s9;
	[sflag:s16] =	ssyncadd.s32 $0xFFFFD800  }
0x2a: {  	[hbm4b:s31+s3] =	stream.linear.scatter [tilespmem:s14], [sflag:$0x2], $0x2800, $0x38;
	[tilespmem:$0x7000] =	vst v63  }
0x2b: {  	_ =	swait.ge [sflag:s15], $0x2800  }
0x2c: {  	[sflag:s15] =	ssyncset.done $0x0  }
0x2d: {  	[sflag:s15] =	ssyncadd.s32 $0xFFFFD800  }
0x2e: {  	s21 =	simm.s32 $0x400;
	_ =	swait.ge [sflag:s16], $0x2800  }
0x2f: {  	s22 =	simm.s32 $0x800;
	s20 =	sadd.s32 $0xA00, s9;
	[sflag:s16] =	ssyncset.done $0x0  }
.LBB2_2:
0x30: {  	s23 =	sshra.s32 s21, $0x2  }
0x31: {  	[sflag:s16] =	ssyncadd.s32 $0xFFFFD800;
	s21 =	smov.u32 s22;
	s24 =	sadd.s32 $0x400, s22  }
0x32: {  	[tilespmem:s13], [sflag:$0x1] =	stream.indirect.gather [hbm4b:s1+s12], $0x80, s23, s12, $0xb8;
	[tilespmem:$0x7000] =	vst v63  }
0x33: {  	p0 =	sne.s32 s22, $0x2C00;
	s22 =	sadd.s32 $0x80, s23  }
0x34: {  	[tilespmem:s14], [sflag:$0x2] =	stream.indirect.gather [hbm4b:s1+s12], $0x80, s22, s12, $0xb8;
	[tilespmem:$0x7000] =	vst v63  }
0x35: {  	_ =	swait.ge [sflag:s15], $0x2800  }
0x36: {  	[sflag:s15] =	ssyncset.done $0x0  }
0x37: {  	s22 =	sadd.s32 $0x1000, s23;
	[sflag:s15] =	ssyncadd.s32 $0xFFFFD800  }
0x38: {  	[tilespmem:s13], [sflag:$0x1] =	stream.indirect.gather.add.f32 [hbm:s4], $0x80, s22, s12, $0xb8;
	[tilespmem:$0x7000] =	vst v63  }
0x39: {  	_ =	swait.ge [sflag:s16], $0x2800  }
0x3a: {  	[sflag:s16] =	ssyncset.done $0x0  }
0x3b: {  	s22 =	sadd.s32 $0x1080, s23;
	[sflag:s16] =	ssyncadd.s32 $0xFFFFD800  }
0x3c: {  	[tilespmem:s14], [sflag:$0x2] =	stream.indirect.gather.add.f32 [hbm:s4], $0x80, s22, s12, $0xb8;
	[tilespmem:$0x7000] =	vst v63  }
0x3d: {  	_ =	swait.ge [sflag:s15], $0x2800  }
0x3e: {  	[sflag:s15] =	ssyncset.done $0x0  }
0x3f: {  	[sflag:s15] =	ssyncadd.s32 $0xFFFFD800  }
0x40: {  	[hbm4b:s20+s3] =	stream.linear.scatter [tilespmem:s13], [sflag:$0x1], $0x2800, $0x38;
	[tilespmem:$0x7000] =	vst v63  }
0x41: {  	_ =	swait.ge [sflag:s16], $0x2800  }
0x42: {  	[sflag:s16] =	ssyncset.done $0x0  }
0x43: {  	s22 =	sadd.s32 $0x500, s20;
	[sflag:s16] =	ssyncadd.s32 $0xFFFFD800  }
0x44: {  	[hbm4b:s22+s3] =	stream.linear.scatter [tilespmem:s14], [sflag:$0x2], $0x2800, $0x38;
	[tilespmem:$0x7000] =	vst v63  }
.Ltmp0:
0x45: {  	_ =	swait.ge [sflag:s15], $0x2800;
	(pc) =	sbr.rel @p0 .LBB2_2-.Ltmp0, $4  }
0x46: {  	[sflag:s15] =	ssyncset.done $0x0  }
0x47: {  	[sflag:s15] =	ssyncadd.s32 $0xFFFFD800  }
0x48: {  	_ =	swait.ge [sflag:s16], $0x2800  }
0x49: {  	s20 =	sadd.s32 $0xA00, s20;
	s22 =	smov.u32 s24;
	[sflag:s16] =	ssyncset.done $0x0  }
0x4a: {  	s21 =	sshra.s32 s21, $0x2;
	[sflag:s16] =	ssyncadd.s32 $0xFFFFD800  }
0x4b: {  	[tilespmem:s13], [sflag:$0x1] =	stream.indirect.gather [hbm4b:s1+s12], $0x80, s21, s12, $0xb8;
	[tilespmem:$0x7000] =	vst v63  }
0x4c: {  	s22 =	sadd.s32 $0x80, s21  }
0x4d: {  	[tilespmem:s14], [sflag:$0x2] =	stream.indirect.gather [hbm4b:s1+s12], $0x80, s22, s12, $0xb8;
	[tilespmem:$0x7000] =	vst v63  }
0x4e: {  	_ =	swait.ge [sflag:s15], $0x2800  }
0x4f: {  	[sflag:s15] =	ssyncset.done $0x0  }
0x50: {  	s30 =	sadd.s32 $0x1000, s21;
	[sflag:s15] =	ssyncadd.s32 $0xFFFFD800  }
0x51: {  	[tilespmem:s13], [sflag:$0x1] =	stream.indirect.gather.add.f32 [hbm:s4], $0x80, s30, s12, $0xb8;
	[tilespmem:$0x7000] =	vst v63  }
0x52: {  	_ =	swait.ge [sflag:s16], $0x2800  }
0x53: {  	[sflag:s16] =	ssyncset.done $0x0  }
0x54: {  	s21 =	sadd.s32 $0x1080, s21;
	[sflag:s16] =	ssyncadd.s32 $0xFFFFD800  }
0x55: {  	[tilespmem:s14], [sflag:$0x2] =	stream.indirect.gather.add.f32 [hbm:s4], $0x80, s21, s12, $0xb8;
	[tilespmem:$0x7000] =	vst v63  }
0x56: {  	_ =	swait.ge [sflag:s15], $0x2800  }
0x57: {  	[sflag:s15] =	ssyncset.done $0x0  }
0x58: {  	[sflag:s15] =	ssyncadd.s32 $0xFFFFD800  }
0x59: {  	[hbm4b:s20+s3] =	stream.linear.scatter [tilespmem:s13], [sflag:$0x1], $0x2800, $0x38;
	[tilespmem:$0x7000] =	vst v63  }
0x5a: {  	_ =	swait.ge [sflag:s16], $0x2800  }
0x5b: {  	[sflag:s16] =	ssyncset.done $0x0  }
0x5c: {  	s31 =	sadd.s32 $0x500, s20;
	[sflag:s16] =	ssyncadd.s32 $0xFFFFD800  }
0x5d: {  	[hbm4b:s31+s3] =	stream.linear.scatter [tilespmem:s14], [sflag:$0x2], $0x2800, $0x38;
	[tilespmem:$0x7000] =	vst v63  }
0x5e: {  	_ =	swait.ge [sflag:s15], $0x2800  }
0x5f: {  	[sflag:s15] =	ssyncset.done $0x0  }
0x60: {  	[sflag:s15] =	ssyncadd.s32 $0xFFFFD800  }
0x61: {  	_ =	swait.ge [sflag:s16], $0x2800  }
0x62: {  	[sflag:s16] =	ssyncset.done $0x0  }
0x63: {  	[sflag:s16] =	ssyncadd.s32 $0xFFFFD800  }
0x64: {  	[tilespmem:s13], [sflag:$0x1] =	stream.indirect.gather [hbm4b:s1+s12], $0x80, s17, s12, $0xb8;
	[tilespmem:$0x7000] =	vst v63  }
0x65: {  	_ =	swait.ge [sflag:s15], $0x2800  }
0x66: {  	[sflag:s15] =	ssyncset.done $0x0  }
0x67: {  	[sflag:s15] =	ssyncadd.s32 $0xFFFFD800  }
0x68: {  	[tilespmem:s13], [sflag:$0x1] =	stream.indirect.gather.add.f32 [hbm:s4], $0x80, s18, s12, $0xb8;
	[tilespmem:$0x7000] =	vst v63  }
0x69: {  	s19 =	sadd.s32 $0x1, s19;
	_ =	swait.ge [sflag:s15], $0x2800  }
0x6a: {  	p0 =	sne.s32 s19, s8;
	[sflag:s15] =	ssyncset.done $0x0  }
.Ltmp1:
0x6b: {  	[sflag:s15] =	ssyncadd.s32 $0xFFFFD800;
	(pc) =	sbr.rel @p0 .LBB2_1-.Ltmp1, $4  }
0x6c: {  	[hbm4b:s7+s3] =	stream.linear.scatter [tilespmem:s13], [sflag:$0x1], $0x2800, $0x38;
	[tilespmem:$0x7000] =	vst v63  }
0x6d: {  	_ =	swait.ge [sflag:s15], $0x2800  }
0x6e: {  	[sflag:s15] =	ssyncset.done $0x0  }
0x6f: {  	[sflag:s15] =	ssyncadd.s32 $0xFFFFD800  }
0x70: {  	_ =	sfence.sel $0x180000  }
0x71: {  	[bflag:$0x0] =	sbarrier.arrive $0xFFFF  }
0x72: {  	p0 =	sne.s32 s2, $0x0;
	_ =	strace $0x9000004A  }
0x73: {  	s0 =	sadd.s32 @!p0 $0x100000, s0;
	[bflag:$0x2] =	sbarrier.arrive $0xFFFF  }
0x74: {  	[sflag:s0] =	ssyncadd.tile.s32 @!p0 $0x1;
	_ =	shalt  }
.Lfunc_end2:
_tile_overlayer_lowered:
.L_overlay_start_2:
0x75: {  	(tag) =	ssettag $0x2  }
0x76: {  	s0 =	rddreg [dreg:$0x0];
	s2 =	stileid.u32  }
0x77: {  	s1 =	rddreg [dreg:$0x1];
	p0 =	sne.s32 s2, $0x0  }
0x78: {  	s3 =	rddreg [dreg:$0x2];
	[bflag:$0x3] =	sbarrier.arrive $0xFFFF;
	s2 =	simm.s32 @!p0 $0x1C03  }
0x79: {  	[timem:s3], [sflag:s2] =	dma.local @!p0 [hbm:s0], s1  }
0x7a: {  	s0 =	simm.s32 @!p0 $0x3  }
0x7b: {  	_ =	swait.ge @!p0 [sflag:s0], s1  }
0x7c: {  	s1 =	ssub.s32 @!p0 $0x0, s1;
	[sflag:s0] =	ssyncset.done @!p0 $0x0  }
0x7d: {  	[sflag:s0] =	ssyncadd.s32 @!p0 s1  }
0x7e: {  	[bflag:$0x3] =	sbarrier.arrive $0xFFFF  }
0x7f: {  	_ =	shalt  }

// kernel: kernel.19.cloned.1.call-start
scs
__scs_entry_jumppad:
0x0: {  	(pc) =	sbr.rel $0x88, $3  }
0x1: {  	(tag) =	ssettag $0x0;
	lr =	simm.s32 $0x1  }
0x2: {  	[smem:$0x3F90] =	sst lr;
	_ =	strace $0xD0000000  }
0x3: {  	_ = 	snop  }
0x4: {  	_ = 	snop  }
0x5: {  	_ = 	snop  }
0x6: {  	_ = 	snop  }
0x7: {  	_ = 	snop  }
__scs_overlays_trampoline_lowered:
0x8: {  	[smem:$0x3F9F] =	sst s0  }
0x9: {  	[smem:$0x3FA0] =	sst s1  }
0xa: {  	[smem:$0x3FA1] =	sst s2  }
0xb: {  	[smem:$0x3FA2] =	sst s3  }
0xc: {  	[smem:$0x3FA3] =	sst s4  }
0xd: {  	[smem:$0x3FA4] =	sst s5  }
0xe: {  	[smem:$0x3FA5] =	sst s6  }
0xf: {  	[smem:$0x3FA6] =	sst s7  }
0x10: {  	[smem:$0x3FA7] =	sst s8  }
0x11: {  	[smem:$0x3FA8] =	sst s9;
	s0 =	simm.s32 @!p0 $0x0  }
0x12: {  	s1 =	sld [smem:$0x3F8E];
	s0 =	simm.s32 @p0 $0x1  }
0x13: {  	[smem:$0x3FA9] =	sst s0;
	s0 =	simm.s32 @!p1 $0x0  }
0x14: {  	s2 =	sld [smem:$0x3F8D];
	s0 =	simm.s32 @p1 $0x1  }
0x15: {  	[smem:$0x3FAA] =	sst s0;
	s0 =	simm.s32 @!p2 $0x0  }
0x16: {  	s3 =	sld [smem:$0x3FDB];
	s0 =	simm.s32 @p2 $0x1  }
0x17: {  	s4 =	simm.s32 $0x1BF5;
	[smem:$0x3FAC] =	sst s0  }
0x18: {  	s0 =	sld [smem:$0x3F8F];
	_ =	swait.ge [sflag:s4], $0x0  }
0x19: {  	s7 =	sld [smem:$0x3F90]  }
0x1a: {  	s8 =	sadd.s32 $0xFFFFE003, lr  }
0x1b: {  	s9 =	sadd.s32 $0xFFFFFEF7, lr;
	s5 =	simm.s32 $0xFFFFFFFF;
	p2 =	slt.u32 s8, $0xFFFFF086  }
0x1c: {  	p1 =	slt.u32 s9, $0xF7A;
	s5 =	simm.s32 @!p2 $0x0  }
0x1d: {  	s5 =	simm.s32 @p1 $0x1;
	p0 =	seq.s32 s7, s2  }
0x1e: {  	s7 =	smul.u32 @!p0 $0xF7A, s2;
	p2 =	seq.s32 @!p0 s5, $0x0  }
0x1f: {  	s9 =	smul.u32 $0xF7A, s1;
	s8 =	simm.s32 @!p0 $0x1BF5;
	p2 =	por !p2, p0  }
0x20: {  	[sflag:s8] =	ssyncset.s32 @!p0 $0xFFFFF086;
	s6 =	sadd.s32 @!p0 s3, s7;
	s7 =	simm.s32 @!p0 $0x108  }
0x21: {  	s3 =	sadd.s32 s3, s9;
	s6 =	sadd.s32 @!p0 $0x88, s6;
	s7 =	simm.s32 @p2 $0x1082  }
0x22: {  	[simem:s7], [sflag:s8] =	dma.local @!p0 [hbm:s6], $0xF7A  }
0x23: {  	s9 =	sor.u32 $0xD0000000, s2;
	s6 =	simm.s32 $0x108;
	_ =	swait.ge @!p0 [sflag:s8], $0x0  }
0x24: {  	s3 =	sadd.s32 $0x88, s3;
	s6 =	simm.s32 @!p1 $0x1082;
	[sflag:s4] =	ssyncset.s32 $0xFFFFF086  }
0x25: {  	[simem:s6], [sflag:s4] =	dma.local [hbm:s3], $0xF7A  }
0x26: {  	[smem:$0x3F90] =	sst s1;
	(tag) =	ssettag s2;
	_ =	strace s9  }
0x27: {  	s1 =	sld [smem:$0x3FA0]  }
0x28: {  	s2 =	sld [smem:$0x3FA1]  }
0x29: {  	s4 =	sld [smem:$0x3FA3]  }
0x2a: {  	p0 =	seq.s32 s5, $0x0;
	s5 =	sld [smem:$0x3FA4]  }
0x2b: {  	s6 =	sld [smem:$0x3FA5]  }
0x2c: {  	s7 =	sld [smem:$0x3FA6]  }
0x2d: {  	s3 =	simm.s32 $0x108;
	s8 =	sld [smem:$0x3FA7]  }
0x2e: {  	s3 =	simm.s32 @!p0 $0x1082;
	s9 =	sld [smem:$0x3FA8]  }
0x2f: {  	lr =	sadd.s32 s0, s3;
	s0 =	sld [smem:$0x3F9F]  }
0x30: {  	s3 =	sld [smem:$0x3FA2]  }
0x31: {  	[smem:$0x3FAB] =	sst s10  }
0x32: {  	s10 =	sld [smem:$0x3FA9];
	_ =	sdelay $0x3  }
0x33: {  	p0 =	seq.s32 s10, $0x1;
	s10 =	sld [smem:$0x3FAB];
	_ =	sdelay $0x3  }
0x34: {  	[smem:$0x3FAB] =	sst s10  }
0x35: {  	s10 =	sld [smem:$0x3FAA];
	_ =	sdelay $0x3  }
0x36: {  	p1 =	seq.s32 s10, $0x1;
	s10 =	sld [smem:$0x3FAB];
	_ =	sdelay $0x3  }
0x37: {  	[smem:$0x3FAB] =	sst s10  }
0x38: {  	s10 =	sld [smem:$0x3FAC]  }
0x39: {  	_ = 	snop;
	(pc) =	sbr.ind lr, $3  }
0x3a: {  	_ = 	snop  }
0x3b: {  	_ = 	snop  }
0x3c: {  	p2 =	seq.s32 s10, $0x1;
	s10 =	sld [smem:$0x3FAB]  }
0x3d: {  	_ =	shalt  }
0x3e: {  	_ =	shalt  }
0x3f: {  	_ =	shalt  }
0x40: {  	_ =	shalt  }
0x41: {  	_ =	shalt  }
0x42: {  	_ =	shalt  }
0x43: {  	_ =	shalt  }
0x44: {  	_ =	shalt  }
0x45: {  	_ =	shalt  }
0x46: {  	_ =	shalt  }
0x47: {  	_ =	shalt  }
0x48: {  	_ =	shalt  }
0x49: {  	_ =	shalt  }
0x4a: {  	_ =	shalt  }
0x4b: {  	_ =	shalt  }
0x4c: {  	_ =	shalt  }
0x4d: {  	_ =	shalt  }
0x4e: {  	_ =	shalt  }
0x4f: {  	_ =	shalt  }
0x50: {  	_ =	shalt  }
0x51: {  	_ =	shalt  }
0x52: {  	_ =	shalt  }
0x53: {  	_ =	shalt  }
0x54: {  	_ =	shalt  }
0x55: {  	_ =	shalt  }
0x56: {  	_ =	shalt  }
0x57: {  	_ =	shalt  }
0x58: {  	_ =	shalt  }
0x59: {  	_ =	shalt  }
0x5a: {  	_ =	shalt  }
0x5b: {  	_ =	shalt  }
0x5c: {  	_ =	shalt  }
0x5d: {  	_ =	shalt  }
0x5e: {  	_ =	shalt  }
0x5f: {  	_ =	shalt  }
0x60: {  	_ =	shalt  }
0x61: {  	_ =	shalt  }
0x62: {  	_ =	shalt  }
0x63: {  	_ =	shalt  }
0x64: {  	_ =	shalt  }
0x65: {  	_ =	shalt  }
0x66: {  	_ =	shalt  }
0x67: {  	_ =	shalt  }
0x68: {  	_ =	shalt  }
0x69: {  	_ =	shalt  }
0x6a: {  	_ =	shalt  }
0x6b: {  	_ =	shalt  }
0x6c: {  	_ =	shalt  }
0x6d: {  	_ =	shalt  }
0x6e: {  	_ =	shalt  }
0x6f: {  	_ =	shalt  }
0x70: {  	_ =	shalt  }
0x71: {  	_ =	shalt  }
0x72: {  	_ =	shalt  }
0x73: {  	_ =	shalt  }
0x74: {  	_ =	shalt  }
0x75: {  	_ =	shalt  }
0x76: {  	_ =	shalt  }
0x77: {  	_ =	shalt  }
0x78: {  	_ =	shalt  }
0x79: {  	_ =	shalt  }
0x7a: {  	_ =	shalt  }
0x7b: {  	_ =	shalt  }
0x7c: {  	_ =	shalt  }
0x7d: {  	_ =	shalt  }
0x7e: {  	_ =	shalt  }
0x7f: {  	_ =	shalt  }
0x80: {  	_ =	shalt  }
0x81: {  	_ =	shalt  }
0x82: {  	_ =	shalt  }
0x83: {  	_ =	shalt  }
0x84: {  	_ =	shalt  }
0x85: {  	_ =	shalt  }
0x86: {  	_ =	shalt  }
0x87: {  	_ =	shalt  }
.Lfunc_end0:
.L_simem_size_0:
called_computation.1_lowered:
.L_overlay_start_0:
0x88: {  	s2 =	sld [smem:$0x3FD9]  }
0x89: {  	s3 =	sld [smem:$0x3FFE];
	_ =	sdelay $0x1  }
0x8a: {  	s1 =	srdreg.scid  }
0x8b: {  	s0 =	sand.u32 $0x1, s1  }
0x8c: {  	s14 =	sshll.u32 s0, $0xA;
	s2 =	sadd.s32 s3, s2  }
0x8d: {  	s2 =	sadd.s32 s2, s14  }
0x8e: {  	[smem:$0x3FB7] =	sst s2  }
0x8f: {  	_ = 	snop  }
0x90: {  	s2 =	sld [smem:$0x3FD0];
	_ =	sdelay $0x2  }
0x91: {  	s15 =	simm.s32 $0xF;
	s4 =	simm.s32 $0x10  }
0x92: {  	[smem:s4], [sflag:s15] =	dma.local [hbm:s2], $0x1  }
0x93: {  	_ =	swait.eq [sflag:s15], $0x1  }
0x94: {  	[sflag:s15] =	ssyncset.done $0x0  }
0x95: {  	[sflag:s15] =	ssyncadd.s32 $0xFFFFFFFF  }
0x96: {  	s16 =	sld [smem:$0x10];
	(tm) =	ssettm $0x1  }
0x97: {  	s17 =	sld [smem:$0x3FFB];
	_ =	sdelay $0x3  }
0x98: {  	_ =	strace s17  }
0x99: {  	s3 =	sld [smem:$0x3FFC];
	_ =	sdelay $0x3  }
0x9a: {  	_ =	strace s3  }
0x9b: {  	s3 =	sld [smem:$0x3FFD];
	_ =	sdelay $0x3  }
0x9c: {  	_ =	strace s3  }
0x9d: {  	_ =	strace $0x8FFFFFFF  }
0x9e: {  	s18 =	sld [smem:$0x3FDB];
	_ =	sdelay $0x1  }
0x9f: {  	s19 =	simm.s32 $_scs_section_size  }
0xa0: {  	s5 =	simm.s32 $_size__tile_overlayer_lowered;
	s6 =	simm.s32 $_tile_overlayer_lowered  }
0xa1: {  	s22 =	simm.s32 $0x1BFF;
	s21 =	sshll.u32 s6, $0x1;
	s3 =	sadd.s32 s19, s18  }
0xa2: {  	s7 =	simm.s32 $0x0;
	s20 =	sshll.u32 s5, $0x1;
	s5 =	sadd.s32 s21, s3  }
0xa3: {  	[timem:s7], [sflag:s22] =	dma.local [hbm:s5], s20  }
0xa4: {  	_ =	swait.ge [sflag:s22], s20  }
0xa5: {  	s4 =	ssub.s32 $0x0, s20;
	[sflag:s22] =	ssyncset.done $0x0  }
0xa6: {  	[sflag:s22] =	ssyncadd.s32 s4;
	_ =	sdelay $0x1  }
0xa7: {  	s23 =	simm.s32 $0x1B8B  }
0xa8: {  	_ =	swait.ge [sflag:s23], $0x1  }
0xa9: {  	[sflag:s23] =	ssyncset.done $0x0  }
0xaa: {  	s25 =	simm.s32 $0x1B8E;
	s24 =	sld [smem:$0x3FFE];
	[sflag:s23] =	ssyncadd.s32 $0xFFFFFFFF  }
0xab: {  	s26 =	simm.s32 $execute0_lowered;
	[smem:$0x3FD2] =	sst s25  }
0xac: {  	s5 =	sshll.u32 s26, $0x1;
	_ =	strace $0x80000046;
	[dreg:$0x1] =	wrdreg $0xFFFFFFFF  }
0xad: {  	s28 =	simm.s32 $_size_execute0_lowered;
	s3 =	sadd.s32 s3, s5;
	[dreg:$0x0] =	wrdreg $0x0  }
0xae: {  	s5 =	sshll.u32 s28, $0x1;
	[dreg:$0x2] =	wrdreg s3  }
0xaf: {  	[dreg:$0x3] =	wrdreg s5  }
0xb0: {  	[dreg:$0x4] =	wrdreg $0xC0  }
0xb1: {  	_ =	task [dreg:s7], $0x5FFFF  }
0xb2: {  	[dreg:$0x1] =	wrdreg $0xFFFFFFFF  }
0xb3: {  	[dreg:$0x0] =	wrdreg $0x60  }
0xb4: {  	[dreg:$0x2] =	wrdreg s16  }
0xb5: {  	[dreg:$0x3] =	wrdreg s24  }
0xb6: {  	[dreg:$0x4] =	wrdreg $0xB  }
0xb7: {  	_ =	task.clear_ibuf [dreg:s7], $0x5FFFF;
	_ =	strace $0x90000046  }
0xb8: {  	s29 =	simm.s32 $0xB;
	_ =	strace $0x80000048  }
0xb9: {  	_ =	swait.ge [sflag:s29], $0x1  }
0xba: {  	[sflag:s29] =	ssyncadd.s32 $0xFFFFFFFF  }
0xbb: {  	_ =	strace $0x90000048  }
0xbc: {  	_ =	sfence  }
0xbd: {  	s30 =	sld [smem:$0x0];
	_ =	sdelay $0x2  }
0xbe: {  	s31 =	sshll.u32 s1, $0xD;
	s1 =	sshrl.u32 s1, $0x2  }
0xbf: {  	s3 =	sand.u32 $0x4000, s31;
	s1 =	sadd.s32 s1, s30  }
0xc0: {  	s0 =	sor.u32 s3, s0;
	s1 =	sshll.u32 s1, $0x11  }
0xc1: {  	s0 =	sor.u32 s1, s0  }
0xc2: {  	s0 =	sadd.s32 $0x8F2B, s0  }
0xc3: {  	[sflag:s0] =	ssyncadd.remote.s32 $0x1  }
0xc4: {  	_ =	sfence.sel $0xFFFF  }
0xc5: {  	[dreg:$0x0] =	wrdreg $0xFFFFFFFF;
	(pc) =	sbr.abs _section_cstart, $3  }
0xc6: {  	[dreg:$0x1] =	wrdreg $0xFFFFFFFF  }
0xc7: {  	_ =	task.clear_ibuf [dreg:s7], $0x2FFFF;
	_ =	strace $0x9FFFFFFF  }
0xc8: {  	(tm) =	ssettm $0x7FFFFFFF  }
0xc9: {  	_ =	shalt  }
tec
execute0_lowered:
.L_overlay_start_1:
0x0: {  	(tag) =	ssettag $0x1  }
0x1: {  	s1 =	rddreg [dreg:$0x0]  }
0x2: {  	s5 =	rddreg [dreg:$0x1]  }
0x3: {  	s0 =	rddreg [dreg:$0x2]  }
0x4: {  	s3 =	simm.s32 $0x0;
	s4 =	srdreg.scid;
	s2 =	stileid.u32  }
0x5: {  	s13 =	simm.s32 $0x2000;
	s14 =	simm.s32 $0x4800;
	s15 =	simm.s32 $0x1  }
0x6: {  	s16 =	simm.s32 $0x2;
	s17 =	simm.s32 $0xC00;
	s18 =	simm.s32 $0x1C00  }
0x7: {  	s19 =	simm.s32 $0x0;
	[smem:$0x7FF] =	sst s3;
	s6 =	sand.u32 $0x1, s4  }
0x8: {  	s7 =	sshll.u32 s2, $0x1;
	s4 =	sadd.s32 $0x32E00, s5;
	s10 =	sadd.s32 $0x5A000, s5  }
0x9: {  	s11 =	smul.u32 $0xFA00, s2;
	_ =	strace $0x80000047;
	s7 =	sor.u32 s6, s7  }
0xa: {  	s9 =	ssub.s32 $0x2, s6;
	s8 =	sshll.u32 s7, $0x9;
	s7 =	smul.u32 $0x3E800, s7  }
0xb: {  	s12 =	smul.u32 $0x7D00, s6;
	s31 =	sshrl.u32 s9, $0x1;
	s8 =	sadd.s32 s8, s5  }
0xc: {  	s9 =	ssub.s32 s9, s31;
	s7 =	sshrl.u32 s7, $0x3;
	s5 =	sadd.s32 $0x16E00, s8  }
0xd: {  	s6 =	sadd.s32 $0x12E00, s8;
	s8 =	smax.u32 s9, $0x1;
	s7 =	sadd.s32 s10, s7  }
0xe: {  	s10 =	sadd.s32 s11, s10;
	s11 =	simm.s32 $0x1000;
	s7 =	sadd.s32 $0x7800, s7  }
0xf: {  	s9 =	sadd.s32 s12, s10;
	s10 =	simm.s32 $0x3;
	s12 =	simm.s32 $0x50  }
.LBB2_1:
0x10: {  	[tilespmem:s3], [sflag:$0x3] =	stream.linear.gather [hbm4b:s5+s3], $0xC80, $0x38;
	[tilespmem:$0x7000] =	vst v63  }
0x11: {  	_ =	swait.ge [sflag:s10], $0xC80  }
0x12: {  	[sflag:s10] =	ssyncset.done $0x0  }
0x13: {  	[sflag:s10] =	ssyncadd.s32 $0xFFFFF380  }
0x14: {  	[tilespmem:s11], [sflag:$0x3] =	stream.linear.gather [hbm4b:s6+s3], $0xC80, $0x38;
	[tilespmem:$0x7000] =	vst v63  }
0x15: {  	_ =	swait.ge [sflag:s10], $0xC80  }
0x16: {  	[sflag:s10] =	ssyncset.done $0x0  }
0x17: {  	s20 =	simm.s32 $0x0;
	[sflag:s10] =	ssyncadd.s32 $0xFFFFF380  }
0x18: {  	[tilespmem:s13], [sflag:$0x1] =	stream.indirect.gather [hbm4b:s1+s12], $0x80, s20, s12, $0xb8;
	[tilespmem:$0x7000] =	vst v63  }
0x19: {  	s28 =	simm.s32 $0x80  }
0x1a: {  	[tilespmem:s14], [sflag:$0x2] =	stream.indirect.gather [hbm4b:s1+s12], $0x80, s28, s12, $0xb8;
	[tilespmem:$0x7000] =	vst v63  }
0x1b: {  	_ =	swait.ge [sflag:s15], $0x2800  }
0x1c: {  	[sflag:s15] =	ssyncset.done $0x0  }
0x1d: {  	s29 =	simm.s32 $0x1000;
	[sflag:s15] =	ssyncadd.s32 $0xFFFFD800  }
0x1e: {  	[tilespmem:s13], [sflag:$0x1] =	stream.indirect.gather.add.f32 [hbm:s4], $0x80, s29, s12, $0xb8;
	[tilespmem:$0x7000] =	vst v63  }
0x1f: {  	_ =	swait.ge [sflag:s16], $0x2800  }
0x20: {  	[sflag:s16] =	ssyncset.done $0x0  }
0x21: {  	s30 =	simm.s32 $0x1080;
	[sflag:s16] =	ssyncadd.s32 $0xFFFFD800  }
0x22: {  	[tilespmem:s14], [sflag:$0x2] =	stream.indirect.gather.add.f32 [hbm:s4], $0x80, s30, s12, $0xb8;
	[tilespmem:$0x7000] =	vst v63  }
0x23: {  	_ =	swait.ge [sflag:s15], $0x2800  }
0x24: {  	[sflag:s15] =	ssyncset.done $0x0  }
0x25: {  	[sflag:s15] =	ssyncadd.s32 $0xFFFFD800  }
0x26: {  	[hbm4b:s9+s3] =	stream.linear.scatter [tilespmem:s13], [sflag:$0x1], $0x2800, $0x38;
	[tilespmem:$0x7000] =	vst v63  }
0x27: {  	_ =	swait.ge [sflag:s16], $0x2800  }
0x28: {  	[sflag:s16] =	ssyncset.done $0x0  }
0x29: {  	s31 =	sadd.s32 $0x500, s9;
	[sflag:s16] =	ssyncadd.s32 $0xFFFFD800  }
0x2a: {  	[hbm4b:s31+s3] =	stream.linear.scatter [tilespmem:s14], [sflag:$0x2], $0x2800, $0x38;
	[tilespmem:$0x7000] =	vst v63  }
0x2b: {  	_ =	swait.ge [sflag:s15], $0x2800  }
0x2c: {  	[sflag:s15] =	ssyncset.done $0x0  }
0x2d: {  	[sflag:s15] =	ssyncadd.s32 $0xFFFFD800  }
0x2e: {  	s21 =	simm.s32 $0x400;
	_ =	swait.ge [sflag:s16], $0x2800  }
0x2f: {  	s22 =	simm.s32 $0x800;
	s20 =	sadd.s32 $0xA00, s9;
	[sflag:s16] =	ssyncset.done $0x0  }
.LBB2_2:
0x30: {  	s23 =	sshra.s32 s21, $0x2  }
0x31: {  	[sflag:s16] =	ssyncadd.s32 $0xFFFFD800;
	s21 =	smov.u32 s22;
	s24 =	sadd.s32 $0x400, s22  }
0x32: {  	[tilespmem:s13], [sflag:$0x1] =	stream.indirect.gather [hbm4b:s1+s12], $0x80, s23, s12, $0xb8;
	[tilespmem:$0x7000] =	vst v63  }
0x33: {  	p0 =	sne.s32 s22, $0x2C00;
	s22 =	sadd.s32 $0x80, s23  }
0x34: {  	[tilespmem:s14], [sflag:$0x2] =	stream.indirect.gather [hbm4b:s1+s12], $0x80, s22, s12, $0xb8;
	[tilespmem:$0x7000] =	vst v63  }
0x35: {  	_ =	swait.ge [sflag:s15], $0x2800  }
0x36: {  	[sflag:s15] =	ssyncset.done $0x0  }
0x37: {  	s22 =	sadd.s32 $0x1000, s23;
	[sflag:s15] =	ssyncadd.s32 $0xFFFFD800  }
0x38: {  	[tilespmem:s13], [sflag:$0x1] =	stream.indirect.gather.add.f32 [hbm:s4], $0x80, s22, s12, $0xb8;
	[tilespmem:$0x7000] =	vst v63  }
0x39: {  	_ =	swait.ge [sflag:s16], $0x2800  }
0x3a: {  	[sflag:s16] =	ssyncset.done $0x0  }
0x3b: {  	s22 =	sadd.s32 $0x1080, s23;
	[sflag:s16] =	ssyncadd.s32 $0xFFFFD800  }
0x3c: {  	[tilespmem:s14], [sflag:$0x2] =	stream.indirect.gather.add.f32 [hbm:s4], $0x80, s22, s12, $0xb8;
	[tilespmem:$0x7000] =	vst v63  }
0x3d: {  	_ =	swait.ge [sflag:s15], $0x2800  }
0x3e: {  	[sflag:s15] =	ssyncset.done $0x0  }
0x3f: {  	[sflag:s15] =	ssyncadd.s32 $0xFFFFD800  }
0x40: {  	[hbm4b:s20+s3] =	stream.linear.scatter [tilespmem:s13], [sflag:$0x1], $0x2800, $0x38;
	[tilespmem:$0x7000] =	vst v63  }
0x41: {  	_ =	swait.ge [sflag:s16], $0x2800  }
0x42: {  	[sflag:s16] =	ssyncset.done $0x0  }
0x43: {  	s22 =	sadd.s32 $0x500, s20;
	[sflag:s16] =	ssyncadd.s32 $0xFFFFD800  }
0x44: {  	[hbm4b:s22+s3] =	stream.linear.scatter [tilespmem:s14], [sflag:$0x2], $0x2800, $0x38;
	[tilespmem:$0x7000] =	vst v63  }
.Ltmp0:
0x45: {  	_ =	swait.ge [sflag:s15], $0x2800;
	(pc) =	sbr.rel @p0 .LBB2_2-.Ltmp0, $4  }
0x46: {  	[sflag:s15] =	ssyncset.done $0x0  }
0x47: {  	[sflag:s15] =	ssyncadd.s32 $0xFFFFD800  }
0x48: {  	_ =	swait.ge [sflag:s16], $0x2800  }
0x49: {  	s20 =	sadd.s32 $0xA00, s20;
	s22 =	smov.u32 s24;
	[sflag:s16] =	ssyncset.done $0x0  }
0x4a: {  	s21 =	sshra.s32 s21, $0x2;
	[sflag:s16] =	ssyncadd.s32 $0xFFFFD800  }
0x4b: {  	[tilespmem:s13], [sflag:$0x1] =	stream.indirect.gather [hbm4b:s1+s12], $0x80, s21, s12, $0xb8;
	[tilespmem:$0x7000] =	vst v63  }
0x4c: {  	s22 =	sadd.s32 $0x80, s21  }
0x4d: {  	[tilespmem:s14], [sflag:$0x2] =	stream.indirect.gather [hbm4b:s1+s12], $0x80, s22, s12, $0xb8;
	[tilespmem:$0x7000] =	vst v63  }
0x4e: {  	_ =	swait.ge [sflag:s15], $0x2800  }
0x4f: {  	[sflag:s15] =	ssyncset.done $0x0  }
0x50: {  	s30 =	sadd.s32 $0x1000, s21;
	[sflag:s15] =	ssyncadd.s32 $0xFFFFD800  }
0x51: {  	[tilespmem:s13], [sflag:$0x1] =	stream.indirect.gather.add.f32 [hbm:s4], $0x80, s30, s12, $0xb8;
	[tilespmem:$0x7000] =	vst v63  }
0x52: {  	_ =	swait.ge [sflag:s16], $0x2800  }
0x53: {  	[sflag:s16] =	ssyncset.done $0x0  }
0x54: {  	s21 =	sadd.s32 $0x1080, s21;
	[sflag:s16] =	ssyncadd.s32 $0xFFFFD800  }
0x55: {  	[tilespmem:s14], [sflag:$0x2] =	stream.indirect.gather.add.f32 [hbm:s4], $0x80, s21, s12, $0xb8;
	[tilespmem:$0x7000] =	vst v63  }
0x56: {  	_ =	swait.ge [sflag:s15], $0x2800  }
0x57: {  	[sflag:s15] =	ssyncset.done $0x0  }
0x58: {  	[sflag:s15] =	ssyncadd.s32 $0xFFFFD800  }
0x59: {  	[hbm4b:s20+s3] =	stream.linear.scatter [tilespmem:s13], [sflag:$0x1], $0x2800, $0x38;
	[tilespmem:$0x7000] =	vst v63  }
0x5a: {  	_ =	swait.ge [sflag:s16], $0x2800  }
0x5b: {  	[sflag:s16] =	ssyncset.done $0x0  }
0x5c: {  	s31 =	sadd.s32 $0x500, s20;
	[sflag:s16] =	ssyncadd.s32 $0xFFFFD800  }
0x5d: {  	[hbm4b:s31+s3] =	stream.linear.scatter [tilespmem:s14], [sflag:$0x2], $0x2800, $0x38;
	[tilespmem:$0x7000] =	vst v63  }
0x5e: {  	_ =	swait.ge [sflag:s15], $0x2800  }
0x5f: {  	[sflag:s15] =	ssyncset.done $0x0  }
0x60: {  	[sflag:s15] =	ssyncadd.s32 $0xFFFFD800  }
0x61: {  	_ =	swait.ge [sflag:s16], $0x2800  }
0x62: {  	[sflag:s16] =	ssyncset.done $0x0  }
0x63: {  	[sflag:s16] =	ssyncadd.s32 $0xFFFFD800  }
0x64: {  	[tilespmem:s13], [sflag:$0x1] =	stream.indirect.gather [hbm4b:s1+s12], $0x80, s17, s12, $0xb8;
	[tilespmem:$0x7000] =	vst v63  }
0x65: {  	_ =	swait.ge [sflag:s15], $0x2800  }
0x66: {  	[sflag:s15] =	ssyncset.done $0x0  }
0x67: {  	[sflag:s15] =	ssyncadd.s32 $0xFFFFD800  }
0x68: {  	[tilespmem:s13], [sflag:$0x1] =	stream.indirect.gather.add.f32 [hbm:s4], $0x80, s18, s12, $0xb8;
	[tilespmem:$0x7000] =	vst v63  }
0x69: {  	s19 =	sadd.s32 $0x1, s19;
	_ =	swait.ge [sflag:s15], $0x2800  }
0x6a: {  	p0 =	sne.s32 s19, s8;
	[sflag:s15] =	ssyncset.done $0x0  }
.Ltmp1:
0x6b: {  	[sflag:s15] =	ssyncadd.s32 $0xFFFFD800;
	(pc) =	sbr.rel @p0 .LBB2_1-.Ltmp1, $4  }
0x6c: {  	[hbm4b:s7+s3] =	stream.linear.scatter [tilespmem:s13], [sflag:$0x1], $0x2800, $0x38;
	[tilespmem:$0x7000] =	vst v63  }
0x6d: {  	_ =	swait.ge [sflag:s15], $0x2800  }
0x6e: {  	[sflag:s15] =	ssyncset.done $0x0  }
0x6f: {  	[sflag:s15] =	ssyncadd.s32 $0xFFFFD800  }
0x70: {  	_ =	sfence.sel $0x180000  }
0x71: {  	[bflag:$0x0] =	sbarrier.arrive $0xFFFF  }
0x72: {  	p0 =	sne.s32 s2, $0x0;
	_ =	strace $0x90000047  }
0x73: {  	s0 =	sadd.s32 @!p0 $0x100000, s0;
	[bflag:$0x2] =	sbarrier.arrive $0xFFFF  }
0x74: {  	[sflag:s0] =	ssyncadd.tile.s32 @!p0 $0x1;
	_ =	shalt  }
.Lfunc_end2:
_tile_overlayer_lowered:
.L_overlay_start_2:
0x75: {  	(tag) =	ssettag $0x2  }
0x76: {  	s0 =	rddreg [dreg:$0x0];
	s2 =	stileid.u32  }
0x77: {  	s1 =	rddreg [dreg:$0x1];
	p0 =	sne.s32 s2, $0x0  }
0x78: {  	s3 =	rddreg [dreg:$0x2];
	[bflag:$0x3] =	sbarrier.arrive $0xFFFF;
	s2 =	simm.s32 @!p0 $0x1C03  }
0x79: {  	[timem:s3], [sflag:s2] =	dma.local @!p0 [hbm:s0], s1  }
0x7a: {  	s0 =	simm.s32 @!p0 $0x3  }
0x7b: {  	_ =	swait.ge @!p0 [sflag:s0], s1  }
0x7c: {  	s1 =	ssub.s32 @!p0 $0x0, s1;
	[sflag:s0] =	ssyncset.done @!p0 $0x0  }
0x7d: {  	[sflag:s0] =	ssyncadd.s32 @!p0 s1  }
0x7e: {  	[bflag:$0x3] =	sbarrier.arrive $0xFFFF  }
0x7f: {  	_ =	shalt  }

// kernel: kernel.22.cloned.1.call-start
scs
__scs_entry_jumppad:
0x0: {  	(pc) =	sbr.rel $0x88, $3  }
0x1: {  	(tag) =	ssettag $0x0;
	lr =	simm.s32 $0x1  }
0x2: {  	[smem:$0x3F90] =	sst lr;
	_ =	strace $0xD0000000  }
0x3: {  	_ = 	snop  }
0x4: {  	_ = 	snop  }
0x5: {  	_ = 	snop  }
0x6: {  	_ = 	snop  }
0x7: {  	_ = 	snop  }
__scs_overlays_trampoline_lowered:
0x8: {  	[smem:$0x3F9F] =	sst s0  }
0x9: {  	[smem:$0x3FA0] =	sst s1  }
0xa: {  	[smem:$0x3FA1] =	sst s2  }
0xb: {  	[smem:$0x3FA2] =	sst s3  }
0xc: {  	[smem:$0x3FA3] =	sst s4  }
0xd: {  	[smem:$0x3FA4] =	sst s5  }
0xe: {  	[smem:$0x3FA5] =	sst s6  }
0xf: {  	[smem:$0x3FA6] =	sst s7  }
0x10: {  	[smem:$0x3FA7] =	sst s8  }
0x11: {  	[smem:$0x3FA8] =	sst s9;
	s0 =	simm.s32 @!p0 $0x0  }
0x12: {  	s1 =	sld [smem:$0x3F8E];
	s0 =	simm.s32 @p0 $0x1  }
0x13: {  	[smem:$0x3FA9] =	sst s0;
	s0 =	simm.s32 @!p1 $0x0  }
0x14: {  	s2 =	sld [smem:$0x3F8D];
	s0 =	simm.s32 @p1 $0x1  }
0x15: {  	[smem:$0x3FAA] =	sst s0;
	s0 =	simm.s32 @!p2 $0x0  }
0x16: {  	s3 =	sld [smem:$0x3FDB];
	s0 =	simm.s32 @p2 $0x1  }
0x17: {  	s4 =	simm.s32 $0x1BF5;
	[smem:$0x3FAC] =	sst s0  }
0x18: {  	s0 =	sld [smem:$0x3F8F];
	_ =	swait.ge [sflag:s4], $0x0  }
0x19: {  	s7 =	sld [smem:$0x3F90]  }
0x1a: {  	s8 =	sadd.s32 $0xFFFFE003, lr  }
0x1b: {  	s9 =	sadd.s32 $0xFFFFFEF7, lr;
	s5 =	simm.s32 $0xFFFFFFFF;
	p2 =	slt.u32 s8, $0xFFFFF086  }
0x1c: {  	p1 =	slt.u32 s9, $0xF7A;
	s5 =	simm.s32 @!p2 $0x0  }
0x1d: {  	s5 =	simm.s32 @p1 $0x1;
	p0 =	seq.s32 s7, s2  }
0x1e: {  	s7 =	smul.u32 @!p0 $0xF7A, s2;
	p2 =	seq.s32 @!p0 s5, $0x0  }
0x1f: {  	s9 =	smul.u32 $0xF7A, s1;
	s8 =	simm.s32 @!p0 $0x1BF5;
	p2 =	por !p2, p0  }
0x20: {  	[sflag:s8] =	ssyncset.s32 @!p0 $0xFFFFF086;
	s6 =	sadd.s32 @!p0 s3, s7;
	s7 =	simm.s32 @!p0 $0x108  }
0x21: {  	s3 =	sadd.s32 s3, s9;
	s6 =	sadd.s32 @!p0 $0x88, s6;
	s7 =	simm.s32 @p2 $0x1082  }
0x22: {  	[simem:s7], [sflag:s8] =	dma.local @!p0 [hbm:s6], $0xF7A  }
0x23: {  	s9 =	sor.u32 $0xD0000000, s2;
	s6 =	simm.s32 $0x108;
	_ =	swait.ge @!p0 [sflag:s8], $0x0  }
0x24: {  	s3 =	sadd.s32 $0x88, s3;
	s6 =	simm.s32 @!p1 $0x1082;
	[sflag:s4] =	ssyncset.s32 $0xFFFFF086  }
0x25: {  	[simem:s6], [sflag:s4] =	dma.local [hbm:s3], $0xF7A  }
0x26: {  	[smem:$0x3F90] =	sst s1;
	(tag) =	ssettag s2;
	_ =	strace s9  }
0x27: {  	s1 =	sld [smem:$0x3FA0]  }
0x28: {  	s2 =	sld [smem:$0x3FA1]  }
0x29: {  	s4 =	sld [smem:$0x3FA3]  }
0x2a: {  	p0 =	seq.s32 s5, $0x0;
	s5 =	sld [smem:$0x3FA4]  }
0x2b: {  	s6 =	sld [smem:$0x3FA5]  }
0x2c: {  	s7 =	sld [smem:$0x3FA6]  }
0x2d: {  	s3 =	simm.s32 $0x108;
	s8 =	sld [smem:$0x3FA7]  }
0x2e: {  	s3 =	simm.s32 @!p0 $0x1082;
	s9 =	sld [smem:$0x3FA8]  }
0x2f: {  	lr =	sadd.s32 s0, s3;
	s0 =	sld [smem:$0x3F9F]  }
0x30: {  	s3 =	sld [smem:$0x3FA2]  }
0x31: {  	[smem:$0x3FAB] =	sst s10  }
0x32: {  	s10 =	sld [smem:$0x3FA9];
	_ =	sdelay $0x3  }
0x33: {  	p0 =	seq.s32 s10, $0x1;
	s10 =	sld [smem:$0x3FAB];
	_ =	sdelay $0x3  }
0x34: {  	[smem:$0x3FAB] =	sst s10  }
0x35: {  	s10 =	sld [smem:$0x3FAA];
	_ =	sdelay $0x3  }
0x36: {  	p1 =	seq.s32 s10, $0x1;
	s10 =	sld [smem:$0x3FAB];
	_ =	sdelay $0x3  }
0x37: {  	[smem:$0x3FAB] =	sst s10  }
0x38: {  	s10 =	sld [smem:$0x3FAC]  }
0x39: {  	_ = 	snop;
	(pc) =	sbr.ind lr, $3  }
0x3a: {  	_ = 	snop  }
0x3b: {  	_ = 	snop  }
0x3c: {  	p2 =	seq.s32 s10, $0x1;
	s10 =	sld [smem:$0x3FAB]  }
0x3d: {  	_ =	shalt  }
0x3e: {  	_ =	shalt  }
0x3f: {  	_ =	shalt  }
0x40: {  	_ =	shalt  }
0x41: {  	_ =	shalt  }
0x42: {  	_ =	shalt  }
0x43: {  	_ =	shalt  }
0x44: {  	_ =	shalt  }
0x45: {  	_ =	shalt  }
0x46: {  	_ =	shalt  }
0x47: {  	_ =	shalt  }
0x48: {  	_ =	shalt  }
0x49: {  	_ =	shalt  }
0x4a: {  	_ =	shalt  }
0x4b: {  	_ =	shalt  }
0x4c: {  	_ =	shalt  }
0x4d: {  	_ =	shalt  }
0x4e: {  	_ =	shalt  }
0x4f: {  	_ =	shalt  }
0x50: {  	_ =	shalt  }
0x51: {  	_ =	shalt  }
0x52: {  	_ =	shalt  }
0x53: {  	_ =	shalt  }
0x54: {  	_ =	shalt  }
0x55: {  	_ =	shalt  }
0x56: {  	_ =	shalt  }
0x57: {  	_ =	shalt  }
0x58: {  	_ =	shalt  }
0x59: {  	_ =	shalt  }
0x5a: {  	_ =	shalt  }
0x5b: {  	_ =	shalt  }
0x5c: {  	_ =	shalt  }
0x5d: {  	_ =	shalt  }
0x5e: {  	_ =	shalt  }
0x5f: {  	_ =	shalt  }
0x60: {  	_ =	shalt  }
0x61: {  	_ =	shalt  }
0x62: {  	_ =	shalt  }
0x63: {  	_ =	shalt  }
0x64: {  	_ =	shalt  }
0x65: {  	_ =	shalt  }
0x66: {  	_ =	shalt  }
0x67: {  	_ =	shalt  }
0x68: {  	_ =	shalt  }
0x69: {  	_ =	shalt  }
0x6a: {  	_ =	shalt  }
0x6b: {  	_ =	shalt  }
0x6c: {  	_ =	shalt  }
0x6d: {  	_ =	shalt  }
0x6e: {  	_ =	shalt  }
0x6f: {  	_ =	shalt  }
0x70: {  	_ =	shalt  }
0x71: {  	_ =	shalt  }
0x72: {  	_ =	shalt  }
0x73: {  	_ =	shalt  }
0x74: {  	_ =	shalt  }
0x75: {  	_ =	shalt  }
0x76: {  	_ =	shalt  }
0x77: {  	_ =	shalt  }
0x78: {  	_ =	shalt  }
0x79: {  	_ =	shalt  }
0x7a: {  	_ =	shalt  }
0x7b: {  	_ =	shalt  }
0x7c: {  	_ =	shalt  }
0x7d: {  	_ =	shalt  }
0x7e: {  	_ =	shalt  }
0x7f: {  	_ =	shalt  }
0x80: {  	_ =	shalt  }
0x81: {  	_ =	shalt  }
0x82: {  	_ =	shalt  }
0x83: {  	_ =	shalt  }
0x84: {  	_ =	shalt  }
0x85: {  	_ =	shalt  }
0x86: {  	_ =	shalt  }
0x87: {  	_ =	shalt  }
.Lfunc_end0:
.L_simem_size_0:
called_computation.2_lowered:
.L_overlay_start_0:
0x88: {  	s2 =	sld [smem:$0x3FD9]  }
0x89: {  	s3 =	sld [smem:$0x3FFE];
	_ =	sdelay $0x1  }
0x8a: {  	s1 =	srdreg.scid  }
0x8b: {  	s0 =	sand.u32 $0x1, s1  }
0x8c: {  	s15 =	sshll.u32 s0, $0xA;
	s2 =	sadd.s32 s3, s2  }
0x8d: {  	s2 =	sadd.s32 s2, s15  }
0x8e: {  	[smem:$0x3FB7] =	sst s2  }
0x8f: {  	_ = 	snop  }
0x90: {  	s2 =	sld [smem:$0x3FD0];
	_ =	sdelay $0x2  }
0x91: {  	s16 =	simm.s32 $0xF;
	s4 =	simm.s32 $0x10  }
0x92: {  	[smem:s4], [sflag:s16] =	dma.local [hbm:s2], $0x1  }
0x93: {  	_ =	swait.eq [sflag:s16], $0x1  }
0x94: {  	[sflag:s16] =	ssyncset.done $0x0  }
0x95: {  	[sflag:s16] =	ssyncadd.s32 $0xFFFFFFFF  }
0x96: {  	s17 =	sld [smem:$0x10];
	(tm) =	ssettm $0x1  }
0x97: {  	s18 =	sld [smem:$0x3FFB];
	_ =	sdelay $0x3  }
0x98: {  	_ =	strace s18  }
0x99: {  	s2 =	sld [smem:$0x3FFC];
	_ =	sdelay $0x3  }
0x9a: {  	_ =	strace s2  }
0x9b: {  	s2 =	sld [smem:$0x3FFD];
	_ =	sdelay $0x3  }
0x9c: {  	_ =	strace s2  }
0x9d: {  	_ =	strace $0x8FFFFFFF  }
0x9e: {  	s19 =	sld [smem:$0x3FDB];
	_ =	sdelay $0x1  }
0x9f: {  	s20 =	simm.s32 $_scs_section_size  }
0xa0: {  	s5 =	simm.s32 $_size__tile_overlayer_lowered;
	s6 =	simm.s32 $_tile_overlayer_lowered  }
0xa1: {  	s7 =	simm.s32 $0x1BFF;
	s21 =	sshll.u32 s6, $0x1;
	s4 =	sadd.s32 s20, s19  }
0xa2: {  	s22 =	simm.s32 $0x0;
	s5 =	sshll.u32 s5, $0x1;
	s6 =	sadd.s32 s21, s4  }
0xa3: {  	[timem:s22], [sflag:s7] =	dma.local [hbm:s6], s5  }
0xa4: {  	_ =	swait.ge [sflag:s7], s5  }
0xa5: {  	s5 =	ssub.s32 $0x0, s5;
	[sflag:s7] =	ssyncset.done $0x0  }
0xa6: {  	[sflag:s7] =	ssyncadd.s32 s5;
	_ =	sdelay $0x1  }
0xa7: {  	s23 =	simm.s32 $0x1B8B  }
0xa8: {  	_ =	swait.ge [sflag:s23], $0x1  }
0xa9: {  	[sflag:s23] =	ssyncset.done $0x0  }
0xaa: {  	[sflag:s23] =	ssyncadd.s32 $0xFFFFFFFF  }
0xab: {  	s5 =	sld [smem:$0x0]  }
0xac: {  	s6 =	sand.u32 $0xFFFFFFFE, s1  }
0xad: {  	p0 =	sne.s32 s1, s6  }
0xae: {  	s6 =	sshll.u32 @p0 s6, $0xE  }
0xaf: {  	s6 =	sadd.s32 @p0 $0x11B8D, s6;
	s7 =	sshll.u32 @p0 s5, $0x11  }
0xb0: {  	s6 =	sor.u32 @p0 s7, s6  }
0xb1: {  	[sflag:s6] =	ssyncadd.remote.s32 @p0 $0x1;
	_ =	sdelay $0x1  }
0xb2: {  	s6 =	simm.s32 @p0 $0x1B8D  }
0xb3: {  	_ =	swait.eq @p0 [sflag:s6], $0x1  }
0xb4: {  	[sflag:s6] =	ssyncadd.s32 @p0 $0xFFFFFFFF  }
0xb5: {  	s7 =	sshll.u32 @!p0 s1, $0xE  }
0xb6: {  	s7 =	sor.u32 @!p0 $0x4000, s7;
	s6 =	simm.s32 @!p0 $0x1B8D  }
0xb7: {  	s5 =	sshll.u32 @!p0 s5, $0x11;
	s7 =	sadd.s32 @!p0 $0x11B8D, s7;
	_ =	swait.eq @!p0 [sflag:s6], $0x1  }
0xb8: {  	s5 =	sor.u32 @!p0 s5, s7;
	[sflag:s6] =	ssyncadd.s32 @!p0 $0xFFFFFFFF  }
0xb9: {  	s25 =	simm.s32 $0x1B8E;
	s24 =	sld [smem:$0x3FFE];
	[sflag:s5] =	ssyncadd.remote.s32 @!p0 $0x1  }
0xba: {  	s26 =	simm.s32 $execute0_lowered;
	[smem:$0x3FD2] =	sst s25  }
0xbb: {  	s6 =	sshll.u32 s26, $0x1;
	_ =	strace $0x8000004C;
	[dreg:$0x1] =	wrdreg $0xFFFFFFFF  }
0xbc: {  	s28 =	simm.s32 $_size_execute0_lowered;
	s4 =	sadd.s32 s4, s6;
	[dreg:$0x0] =	wrdreg $0x0  }
0xbd: {  	s6 =	sshll.u32 s28, $0x1;
	[dreg:$0x2] =	wrdreg s4  }
0xbe: {  	[dreg:$0x3] =	wrdreg s6  }
0xbf: {  	[dreg:$0x4] =	wrdreg $0xC0  }
0xc0: {  	_ =	task [dreg:s22], $0x5FFFF  }
0xc1: {  	[dreg:$0x1] =	wrdreg $0xFFFFFFFF  }
0xc2: {  	[dreg:$0x0] =	wrdreg $0x60  }
0xc3: {  	[dreg:$0x2] =	wrdreg s17  }
0xc4: {  	[dreg:$0x3] =	wrdreg s24  }
0xc5: {  	[dreg:$0x4] =	wrdreg $0xC  }
0xc6: {  	_ =	task.clear_ibuf [dreg:s22], $0x5FFFF;
	_ =	strace $0x9000004C  }
0xc7: {  	s29 =	simm.s32 $0xC;
	_ =	strace $0x8000004E  }
0xc8: {  	_ =	swait.ge [sflag:s29], $0x1  }
0xc9: {  	[sflag:s29] =	ssyncadd.s32 $0xFFFFFFFF  }
0xca: {  	_ =	strace $0x9000004E  }
0xcb: {  	_ =	sfence  }
0xcc: {  	s30 =	sld [smem:$0x0];
	_ =	sdelay $0x2  }
0xcd: {  	s31 =	sshll.u32 s1, $0xD;
	s1 =	sshrl.u32 s1, $0x2  }
0xce: {  	s4 =	sand.u32 $0x4000, s31;
	s1 =	sadd.s32 s1, s30  }
0xcf: {  	s0 =	sor.u32 s4, s0;
	s1 =	sshll.u32 s1, $0x11  }
0xd0: {  	s0 =	sor.u32 s1, s0  }
0xd1: {  	s0 =	sadd.s32 $0x8F2B, s0  }
0xd2: {  	[sflag:s0] =	ssyncadd.remote.s32 $0x1  }
0xd3: {  	_ =	sfence.sel $0xFFFF  }
0xd4: {  	[dreg:$0x0] =	wrdreg $0xFFFFFFFF;
	(pc) =	sbr.abs _section_cstart, $3  }
0xd5: {  	[dreg:$0x1] =	wrdreg $0xFFFFFFFF  }
0xd6: {  	_ =	task.clear_ibuf [dreg:s22], $0x2FFFF;
	_ =	strace $0x9FFFFFFF  }
0xd7: {  	(tm) =	ssettm $0x7FFFFFFF  }
tec
execute0_lowered:
.L_overlay_start_1:
0x0: {  	(tag) =	ssettag $0x1  }
0x1: {  	s1 =	rddreg [dreg:$0x0]  }
0x2: {  	s5 =	rddreg [dreg:$0x1]  }
0x3: {  	s0 =	rddreg [dreg:$0x2]  }
0x4: {  	s3 =	simm.s32 $0x0;
	s4 =	srdreg.scid;
	s2 =	stileid.u32  }
0x5: {  	s13 =	simm.s32 $0x2000;
	s14 =	simm.s32 $0x4800;
	s15 =	simm.s32 $0x1  }
0x6: {  	s16 =	simm.s32 $0x2;
	s17 =	simm.s32 $0xC00;
	s18 =	simm.s32 $0x1C00  }
0x7: {  	s19 =	simm.s32 $0x0;
	[smem:$0x7FF] =	sst s3;
	s6 =	sand.u32 $0x1, s4  }
0x8: {  	s7 =	sshll.u32 s2, $0x1;
	s4 =	sadd.s32 $0x32E00, s5;
	s10 =	sadd.s32 $0x256000, s5  }
0x9: {  	s11 =	smul.u32 $0xFA00, s2;
	_ =	strace $0x8000004D;
	s7 =	sor.u32 s6, s7  }
0xa: {  	s9 =	ssub.s32 $0x2, s6;
	s8 =	sshll.u32 s7, $0x9;
	s7 =	smul.u32 $0x3E800, s7  }
0xb: {  	s12 =	smul.u32 $0x7D00, s6;
	s31 =	sshrl.u32 s9, $0x1;
	s8 =	sadd.s32 s8, s5  }
0xc: {  	s9 =	ssub.s32 s9, s31;
	s7 =	sshrl.u32 s7, $0x3;
	s5 =	sadd.s32 $0x1EE00, s8  }
0xd: {  	s6 =	sadd.s32 $0x1AE00, s8;
	s8 =	smax.u32 s9, $0x1;
	s7 =	sadd.s32 s10, s7  }
0xe: {  	s10 =	sadd.s32 s11, s10;
	s11 =	simm.s32 $0x1000;
	s7 =	sadd.s32 $0x7800, s7  }
0xf: {  	s9 =	sadd.s32 s12, s10;
	s10 =	simm.s32 $0x3;
	s12 =	simm.s32 $0x50  }
.LBB2_1:
0x10: {  	[tilespmem:s3], [sflag:$0x3] =	stream.linear.gather [hbm4b:s5+s3], $0xC80, $0x38;
	[tilespmem:$0x7000] =	vst v63  }
0x11: {  	_ =	swait.ge [sflag:s10], $0xC80  }
0x12: {  	[sflag:s10] =	ssyncset.done $0x0  }
0x13: {  	[sflag:s10] =	ssyncadd.s32 $0xFFFFF380  }
0x14: {  	[tilespmem:s11], [sflag:$0x3] =	stream.linear.gather [hbm4b:s6+s3], $0xC80, $0x38;
	[tilespmem:$0x7000] =	vst v63  }
0x15: {  	_ =	swait.ge [sflag:s10], $0xC80  }
0x16: {  	[sflag:s10] =	ssyncset.done $0x0  }
0x17: {  	s20 =	simm.s32 $0x0;
	[sflag:s10] =	ssyncadd.s32 $0xFFFFF380  }
0x18: {  	[tilespmem:s13], [sflag:$0x1] =	stream.indirect.gather [hbm4b:s1+s12], $0x80, s20, s12, $0xb8;
	[tilespmem:$0x7000] =	vst v63  }
0x19: {  	s28 =	simm.s32 $0x80  }
0x1a: {  	[tilespmem:s14], [sflag:$0x2] =	stream.indirect.gather [hbm4b:s1+s12], $0x80, s28, s12, $0xb8;
	[tilespmem:$0x7000] =	vst v63  }
0x1b: {  	_ =	swait.ge [sflag:s15], $0x2800  }
0x1c: {  	[sflag:s15] =	ssyncset.done $0x0  }
0x1d: {  	s29 =	simm.s32 $0x1000;
	[sflag:s15] =	ssyncadd.s32 $0xFFFFD800  }
0x1e: {  	[tilespmem:s13], [sflag:$0x1] =	stream.indirect.gather.add.f32 [hbm:s4], $0x80, s29, s12, $0xb8;
	[tilespmem:$0x7000] =	vst v63  }
0x1f: {  	_ =	swait.ge [sflag:s16], $0x2800  }
0x20: {  	[sflag:s16] =	ssyncset.done $0x0  }
0x21: {  	s30 =	simm.s32 $0x1080;
	[sflag:s16] =	ssyncadd.s32 $0xFFFFD800  }
0x22: {  	[tilespmem:s14], [sflag:$0x2] =	stream.indirect.gather.add.f32 [hbm:s4], $0x80, s30, s12, $0xb8;
	[tilespmem:$0x7000] =	vst v63  }
0x23: {  	_ =	swait.ge [sflag:s15], $0x2800  }
0x24: {  	[sflag:s15] =	ssyncset.done $0x0  }
0x25: {  	[sflag:s15] =	ssyncadd.s32 $0xFFFFD800  }
0x26: {  	[hbm4b:s9+s3] =	stream.linear.scatter [tilespmem:s13], [sflag:$0x1], $0x2800, $0x38;
	[tilespmem:$0x7000] =	vst v63  }
0x27: {  	_ =	swait.ge [sflag:s16], $0x2800  }
0x28: {  	[sflag:s16] =	ssyncset.done $0x0  }
0x29: {  	s31 =	sadd.s32 $0x500, s9;
	[sflag:s16] =	ssyncadd.s32 $0xFFFFD800  }
0x2a: {  	[hbm4b:s31+s3] =	stream.linear.scatter [tilespmem:s14], [sflag:$0x2], $0x2800, $0x38;
	[tilespmem:$0x7000] =	vst v63  }
0x2b: {  	_ =	swait.ge [sflag:s15], $0x2800  }
0x2c: {  	[sflag:s15] =	ssyncset.done $0x0  }
0x2d: {  	[sflag:s15] =	ssyncadd.s32 $0xFFFFD800  }
0x2e: {  	s21 =	simm.s32 $0x400;
	_ =	swait.ge [sflag:s16], $0x2800  }
0x2f: {  	s22 =	simm.s32 $0x800;
	s20 =	sadd.s32 $0xA00, s9;
	[sflag:s16] =	ssyncset.done $0x0  }
.LBB2_2:
0x30: {  	s23 =	sshra.s32 s21, $0x2  }
0x31: {  	[sflag:s16] =	ssyncadd.s32 $0xFFFFD800;
	s21 =	smov.u32 s22;
	s24 =	sadd.s32 $0x400, s22  }
0x32: {  	[tilespmem:s13], [sflag:$0x1] =	stream.indirect.gather [hbm4b:s1+s12], $0x80, s23, s12, $0xb8;
	[tilespmem:$0x7000] =	vst v63  }
0x33: {  	p0 =	sne.s32 s22, $0x2C00;
	s22 =	sadd.s32 $0x80, s23  }
0x34: {  	[tilespmem:s14], [sflag:$0x2] =	stream.indirect.gather [hbm4b:s1+s12], $0x80, s22, s12, $0xb8;
	[tilespmem:$0x7000] =	vst v63  }
0x35: {  	_ =	swait.ge [sflag:s15], $0x2800  }
0x36: {  	[sflag:s15] =	ssyncset.done $0x0  }
0x37: {  	s22 =	sadd.s32 $0x1000, s23;
	[sflag:s15] =	ssyncadd.s32 $0xFFFFD800  }
0x38: {  	[tilespmem:s13], [sflag:$0x1] =	stream.indirect.gather.add.f32 [hbm:s4], $0x80, s22, s12, $0xb8;
	[tilespmem:$0x7000] =	vst v63  }
0x39: {  	_ =	swait.ge [sflag:s16], $0x2800  }
0x3a: {  	[sflag:s16] =	ssyncset.done $0x0  }
0x3b: {  	s22 =	sadd.s32 $0x1080, s23;
	[sflag:s16] =	ssyncadd.s32 $0xFFFFD800  }
0x3c: {  	[tilespmem:s14], [sflag:$0x2] =	stream.indirect.gather.add.f32 [hbm:s4], $0x80, s22, s12, $0xb8;
	[tilespmem:$0x7000] =	vst v63  }
0x3d: {  	_ =	swait.ge [sflag:s15], $0x2800  }
0x3e: {  	[sflag:s15] =	ssyncset.done $0x0  }
0x3f: {  	[sflag:s15] =	ssyncadd.s32 $0xFFFFD800  }
0x40: {  	[hbm4b:s20+s3] =	stream.linear.scatter [tilespmem:s13], [sflag:$0x1], $0x2800, $0x38;
	[tilespmem:$0x7000] =	vst v63  }
0x41: {  	_ =	swait.ge [sflag:s16], $0x2800  }
0x42: {  	[sflag:s16] =	ssyncset.done $0x0  }
0x43: {  	s22 =	sadd.s32 $0x500, s20;
	[sflag:s16] =	ssyncadd.s32 $0xFFFFD800  }
0x44: {  	[hbm4b:s22+s3] =	stream.linear.scatter [tilespmem:s14], [sflag:$0x2], $0x2800, $0x38;
	[tilespmem:$0x7000] =	vst v63  }
.Ltmp0:
0x45: {  	_ =	swait.ge [sflag:s15], $0x2800;
	(pc) =	sbr.rel @p0 .LBB2_2-.Ltmp0, $4  }
0x46: {  	[sflag:s15] =	ssyncset.done $0x0  }
0x47: {  	[sflag:s15] =	ssyncadd.s32 $0xFFFFD800  }
0x48: {  	_ =	swait.ge [sflag:s16], $0x2800  }
0x49: {  	s20 =	sadd.s32 $0xA00, s20;
	s22 =	smov.u32 s24;
	[sflag:s16] =	ssyncset.done $0x0  }
0x4a: {  	s21 =	sshra.s32 s21, $0x2;
	[sflag:s16] =	ssyncadd.s32 $0xFFFFD800  }
0x4b: {  	[tilespmem:s13], [sflag:$0x1] =	stream.indirect.gather [hbm4b:s1+s12], $0x80, s21, s12, $0xb8;
	[tilespmem:$0x7000] =	vst v63  }
0x4c: {  	s22 =	sadd.s32 $0x80, s21  }
0x4d: {  	[tilespmem:s14], [sflag:$0x2] =	stream.indirect.gather [hbm4b:s1+s12], $0x80, s22, s12, $0xb8;
	[tilespmem:$0x7000] =	vst v63  }
0x4e: {  	_ =	swait.ge [sflag:s15], $0x2800  }
0x4f: {  	[sflag:s15] =	ssyncset.done $0x0  }
0x50: {  	s30 =	sadd.s32 $0x1000, s21;
	[sflag:s15] =	ssyncadd.s32 $0xFFFFD800  }
0x51: {  	[tilespmem:s13], [sflag:$0x1] =	stream.indirect.gather.add.f32 [hbm:s4], $0x80, s30, s12, $0xb8;
	[tilespmem:$0x7000] =	vst v63  }
0x52: {  	_ =	swait.ge [sflag:s16], $0x2800  }
0x53: {  	[sflag:s16] =	ssyncset.done $0x0  }
0x54: {  	s21 =	sadd.s32 $0x1080, s21;
	[sflag:s16] =	ssyncadd.s32 $0xFFFFD800  }
0x55: {  	[tilespmem:s14], [sflag:$0x2] =	stream.indirect.gather.add.f32 [hbm:s4], $0x80, s21, s12, $0xb8;
	[tilespmem:$0x7000] =	vst v63  }
0x56: {  	_ =	swait.ge [sflag:s15], $0x2800  }
0x57: {  	[sflag:s15] =	ssyncset.done $0x0  }
0x58: {  	[sflag:s15] =	ssyncadd.s32 $0xFFFFD800  }
0x59: {  	[hbm4b:s20+s3] =	stream.linear.scatter [tilespmem:s13], [sflag:$0x1], $0x2800, $0x38;
	[tilespmem:$0x7000] =	vst v63  }
0x5a: {  	_ =	swait.ge [sflag:s16], $0x2800  }
0x5b: {  	[sflag:s16] =	ssyncset.done $0x0  }
0x5c: {  	s31 =	sadd.s32 $0x500, s20;
	[sflag:s16] =	ssyncadd.s32 $0xFFFFD800  }
0x5d: {  	[hbm4b:s31+s3] =	stream.linear.scatter [tilespmem:s14], [sflag:$0x2], $0x2800, $0x38;
	[tilespmem:$0x7000] =	vst v63  }
0x5e: {  	_ =	swait.ge [sflag:s15], $0x2800  }
0x5f: {  	[sflag:s15] =	ssyncset.done $0x0  }
0x60: {  	[sflag:s15] =	ssyncadd.s32 $0xFFFFD800  }
0x61: {  	_ =	swait.ge [sflag:s16], $0x2800  }
0x62: {  	[sflag:s16] =	ssyncset.done $0x0  }
0x63: {  	[sflag:s16] =	ssyncadd.s32 $0xFFFFD800  }
0x64: {  	[tilespmem:s13], [sflag:$0x1] =	stream.indirect.gather [hbm4b:s1+s12], $0x80, s17, s12, $0xb8;
	[tilespmem:$0x7000] =	vst v63  }
0x65: {  	_ =	swait.ge [sflag:s15], $0x2800  }
0x66: {  	[sflag:s15] =	ssyncset.done $0x0  }
0x67: {  	[sflag:s15] =	ssyncadd.s32 $0xFFFFD800  }
0x68: {  	[tilespmem:s13], [sflag:$0x1] =	stream.indirect.gather.add.f32 [hbm:s4], $0x80, s18, s12, $0xb8;
	[tilespmem:$0x7000] =	vst v63  }
0x69: {  	s19 =	sadd.s32 $0x1, s19;
	_ =	swait.ge [sflag:s15], $0x2800  }
0x6a: {  	p0 =	sne.s32 s19, s8;
	[sflag:s15] =	ssyncset.done $0x0  }
.Ltmp1:
0x6b: {  	[sflag:s15] =	ssyncadd.s32 $0xFFFFD800;
	(pc) =	sbr.rel @p0 .LBB2_1-.Ltmp1, $4  }
0x6c: {  	[hbm4b:s7+s3] =	stream.linear.scatter [tilespmem:s13], [sflag:$0x1], $0x2800, $0x38;
	[tilespmem:$0x7000] =	vst v63  }
0x6d: {  	_ =	swait.ge [sflag:s15], $0x2800  }
0x6e: {  	[sflag:s15] =	ssyncset.done $0x0  }
0x6f: {  	[sflag:s15] =	ssyncadd.s32 $0xFFFFD800  }
0x70: {  	_ =	sfence.sel $0x180000  }
0x71: {  	[bflag:$0x0] =	sbarrier.arrive $0xFFFF  }
0x72: {  	p0 =	sne.s32 s2, $0x0;
	_ =	strace $0x9000004D  }
0x73: {  	s0 =	sadd.s32 @!p0 $0x100000, s0;
	[bflag:$0x2] =	sbarrier.arrive $0xFFFF  }
0x74: {  	[sflag:s0] =	ssyncadd.tile.s32 @!p0 $0x1;
	_ =	shalt  }
.Lfunc_end2:
_tile_overlayer_lowered:
.L_overlay_start_2:
0x75: {  	(tag) =	ssettag $0x2  }
0x76: {  	s0 =	rddreg [dreg:$0x0];
	s2 =	stileid.u32  }
0x77: {  	s1 =	rddreg [dreg:$0x1];
	p0 =	sne.s32 s2, $0x0  }
0x78: {  	s3 =	rddreg [dreg:$0x2];
	[bflag:$0x3] =	sbarrier.arrive $0xFFFF;
	s2 =	simm.s32 @!p0 $0x1C03  }
0x79: {  	[timem:s3], [sflag:s2] =	dma.local @!p0 [hbm:s0], s1  }
0x7a: {  	s0 =	simm.s32 @!p0 $0x3  }
0x7b: {  	_ =	swait.ge @!p0 [sflag:s0], s1  }
0x7c: {  	s1 =	ssub.s32 @!p0 $0x0, s1;
	[sflag:s0] =	ssyncset.done @!p0 $0x0  }
0x7d: {  	[sflag:s0] =	ssyncadd.s32 @!p0 s1  }
0x7e: {  	[bflag:$0x3] =	sbarrier.arrive $0xFFFF  }
0x7f: {  	_ =	shalt  }

// kernel: kernel.25.cloned.1.call-start
scs
__scs_entry_jumppad:
0x0: {  	(pc) =	sbr.rel $0x88, $3  }
0x1: {  	(tag) =	ssettag $0x0;
	lr =	simm.s32 $0x1  }
0x2: {  	[smem:$0x3F90] =	sst lr;
	_ =	strace $0xD0000000  }
0x3: {  	_ = 	snop  }
0x4: {  	_ = 	snop  }
0x5: {  	_ = 	snop  }
0x6: {  	_ = 	snop  }
0x7: {  	_ = 	snop  }
__scs_overlays_trampoline_lowered:
0x8: {  	[smem:$0x3F9F] =	sst s0  }
0x9: {  	[smem:$0x3FA0] =	sst s1  }
0xa: {  	[smem:$0x3FA1] =	sst s2  }
0xb: {  	[smem:$0x3FA2] =	sst s3  }
0xc: {  	[smem:$0x3FA3] =	sst s4  }
0xd: {  	[smem:$0x3FA4] =	sst s5  }
0xe: {  	[smem:$0x3FA5] =	sst s6  }
0xf: {  	[smem:$0x3FA6] =	sst s7  }
0x10: {  	[smem:$0x3FA7] =	sst s8  }
0x11: {  	[smem:$0x3FA8] =	sst s9;
	s0 =	simm.s32 @!p0 $0x0  }
0x12: {  	s1 =	sld [smem:$0x3F8E];
	s0 =	simm.s32 @p0 $0x1  }
0x13: {  	[smem:$0x3FA9] =	sst s0;
	s0 =	simm.s32 @!p1 $0x0  }
0x14: {  	s2 =	sld [smem:$0x3F8D];
	s0 =	simm.s32 @p1 $0x1  }
0x15: {  	[smem:$0x3FAA] =	sst s0;
	s0 =	simm.s32 @!p2 $0x0  }
0x16: {  	s3 =	sld [smem:$0x3FDB];
	s0 =	simm.s32 @p2 $0x1  }
0x17: {  	s4 =	simm.s32 $0x1BF5;
	[smem:$0x3FAC] =	sst s0  }
0x18: {  	s0 =	sld [smem:$0x3F8F];
	_ =	swait.ge [sflag:s4], $0x0  }
0x19: {  	s7 =	sld [smem:$0x3F90]  }
0x1a: {  	s8 =	sadd.s32 $0xFFFFE003, lr  }
0x1b: {  	s9 =	sadd.s32 $0xFFFFFEF7, lr;
	s5 =	simm.s32 $0xFFFFFFFF;
	p2 =	slt.u32 s8, $0xFFFFF086  }
0x1c: {  	p1 =	slt.u32 s9, $0xF7A;
	s5 =	simm.s32 @!p2 $0x0  }
0x1d: {  	s5 =	simm.s32 @p1 $0x1;
	p0 =	seq.s32 s7, s2  }
0x1e: {  	s7 =	smul.u32 @!p0 $0xF7A, s2;
	p2 =	seq.s32 @!p0 s5, $0x0  }
0x1f: {  	s9 =	smul.u32 $0xF7A, s1;
	s8 =	simm.s32 @!p0 $0x1BF5;
	p2 =	por !p2, p0  }
0x20: {  	[sflag:s8] =	ssyncset.s32 @!p0 $0xFFFFF086;
	s6 =	sadd.s32 @!p0 s3, s7;
	s7 =	simm.s32 @!p0 $0x108  }
0x21: {  	s3 =	sadd.s32 s3, s9;
	s6 =	sadd.s32 @!p0 $0x88, s6;
	s7 =	simm.s32 @p2 $0x1082  }
0x22: {  	[simem:s7], [sflag:s8] =	dma.local @!p0 [hbm:s6], $0xF7A  }
0x23: {  	s9 =	sor.u32 $0xD0000000, s2;
	s6 =	simm.s32 $0x108;
	_ =	swait.ge @!p0 [sflag:s8], $0x0  }
0x24: {  	s3 =	sadd.s32 $0x88, s3;
	s6 =	simm.s32 @!p1 $0x1082;
	[sflag:s4] =	ssyncset.s32 $0xFFFFF086  }
0x25: {  	[simem:s6], [sflag:s4] =	dma.local [hbm:s3], $0xF7A  }
0x26: {  	[smem:$0x3F90] =	sst s1;
	(tag) =	ssettag s2;
	_ =	strace s9  }
0x27: {  	s1 =	sld [smem:$0x3FA0]  }
0x28: {  	s2 =	sld [smem:$0x3FA1]  }
0x29: {  	s4 =	sld [smem:$0x3FA3]  }
0x2a: {  	p0 =	seq.s32 s5, $0x0;
	s5 =	sld [smem:$0x3FA4]  }
0x2b: {  	s6 =	sld [smem:$0x3FA5]  }
0x2c: {  	s7 =	sld [smem:$0x3FA6]  }
0x2d: {  	s3 =	simm.s32 $0x108;
	s8 =	sld [smem:$0x3FA7]  }
0x2e: {  	s3 =	simm.s32 @!p0 $0x1082;
	s9 =	sld [smem:$0x3FA8]  }
0x2f: {  	lr =	sadd.s32 s0, s3;
	s0 =	sld [smem:$0x3F9F]  }
0x30: {  	s3 =	sld [smem:$0x3FA2]  }
0x31: {  	[smem:$0x3FAB] =	sst s10  }
0x32: {  	s10 =	sld [smem:$0x3FA9];
	_ =	sdelay $0x3  }
0x33: {  	p0 =	seq.s32 s10, $0x1;
	s10 =	sld [smem:$0x3FAB];
	_ =	sdelay $0x3  }
0x34: {  	[smem:$0x3FAB] =	sst s10  }
0x35: {  	s10 =	sld [smem:$0x3FAA];
	_ =	sdelay $0x3  }
0x36: {  	p1 =	seq.s32 s10, $0x1;
	s10 =	sld [smem:$0x3FAB];
	_ =	sdelay $0x3  }
0x37: {  	[smem:$0x3FAB] =	sst s10  }
0x38: {  	s10 =	sld [smem:$0x3FAC]  }
0x39: {  	_ = 	snop;
	(pc) =	sbr.ind lr, $3  }
0x3a: {  	_ = 	snop  }
0x3b: {  	_ = 	snop  }
0x3c: {  	p2 =	seq.s32 s10, $0x1;
	s10 =	sld [smem:$0x3FAB]  }
0x3d: {  	_ =	shalt  }
0x3e: {  	_ =	shalt  }
0x3f: {  	_ =	shalt  }
0x40: {  	_ =	shalt  }
0x41: {  	_ =	shalt  }
0x42: {  	_ =	shalt  }
0x43: {  	_ =	shalt  }
0x44: {  	_ =	shalt  }
0x45: {  	_ =	shalt  }
0x46: {  	_ =	shalt  }
0x47: {  	_ =	shalt  }
0x48: {  	_ =	shalt  }
0x49: {  	_ =	shalt  }
0x4a: {  	_ =	shalt  }
0x4b: {  	_ =	shalt  }
0x4c: {  	_ =	shalt  }
0x4d: {  	_ =	shalt  }
0x4e: {  	_ =	shalt  }
0x4f: {  	_ =	shalt  }
0x50: {  	_ =	shalt  }
0x51: {  	_ =	shalt  }
0x52: {  	_ =	shalt  }
0x53: {  	_ =	shalt  }
0x54: {  	_ =	shalt  }
0x55: {  	_ =	shalt  }
0x56: {  	_ =	shalt  }
0x57: {  	_ =	shalt  }
0x58: {  	_ =	shalt  }
0x59: {  	_ =	shalt  }
0x5a: {  	_ =	shalt  }
0x5b: {  	_ =	shalt  }
0x5c: {  	_ =	shalt  }
0x5d: {  	_ =	shalt  }
0x5e: {  	_ =	shalt  }
0x5f: {  	_ =	shalt  }
0x60: {  	_ =	shalt  }
0x61: {  	_ =	shalt  }
0x62: {  	_ =	shalt  }
0x63: {  	_ =	shalt  }
0x64: {  	_ =	shalt  }
0x65: {  	_ =	shalt  }
0x66: {  	_ =	shalt  }
0x67: {  	_ =	shalt  }
0x68: {  	_ =	shalt  }
0x69: {  	_ =	shalt  }
0x6a: {  	_ =	shalt  }
0x6b: {  	_ =	shalt  }
0x6c: {  	_ =	shalt  }
0x6d: {  	_ =	shalt  }
0x6e: {  	_ =	shalt  }
0x6f: {  	_ =	shalt  }
0x70: {  	_ =	shalt  }
0x71: {  	_ =	shalt  }
0x72: {  	_ =	shalt  }
0x73: {  	_ =	shalt  }
0x74: {  	_ =	shalt  }
0x75: {  	_ =	shalt  }
0x76: {  	_ =	shalt  }
0x77: {  	_ =	shalt  }
0x78: {  	_ =	shalt  }
0x79: {  	_ =	shalt  }
0x7a: {  	_ =	shalt  }
0x7b: {  	_ =	shalt  }
0x7c: {  	_ =	shalt  }
0x7d: {  	_ =	shalt  }
0x7e: {  	_ =	shalt  }
0x7f: {  	_ =	shalt  }
0x80: {  	_ =	shalt  }
0x81: {  	_ =	shalt  }
0x82: {  	_ =	shalt  }
0x83: {  	_ =	shalt  }
0x84: {  	_ =	shalt  }
0x85: {  	_ =	shalt  }
0x86: {  	_ =	shalt  }
0x87: {  	_ =	shalt  }
.Lfunc_end0:
.L_simem_size_0:
called_computation.3_lowered:
.L_overlay_start_0:
0x88: {  	s2 =	sld [smem:$0x3FD9]  }
0x89: {  	s3 =	sld [smem:$0x3FFE];
	_ =	sdelay $0x1  }
0x8a: {  	s1 =	srdreg.scid  }
0x8b: {  	s0 =	sand.u32 $0x1, s1  }
0x8c: {  	s15 =	sshll.u32 s0, $0xA;
	s2 =	sadd.s32 s3, s2  }
0x8d: {  	s2 =	sadd.s32 s2, s15  }
0x8e: {  	[smem:$0x3FB7] =	sst s2  }
0x8f: {  	_ = 	snop  }
0x90: {  	s2 =	sld [smem:$0x3FD0];
	_ =	sdelay $0x2  }
0x91: {  	s16 =	simm.s32 $0xF;
	s4 =	simm.s32 $0x10  }
0x92: {  	[smem:s4], [sflag:s16] =	dma.local [hbm:s2], $0x1  }
0x93: {  	_ =	swait.eq [sflag:s16], $0x1  }
0x94: {  	[sflag:s16] =	ssyncset.done $0x0  }
0x95: {  	[sflag:s16] =	ssyncadd.s32 $0xFFFFFFFF  }
0x96: {  	s17 =	sld [smem:$0x10];
	(tm) =	ssettm $0x1  }
0x97: {  	s18 =	sld [smem:$0x3FFB];
	_ =	sdelay $0x3  }
0x98: {  	_ =	strace s18  }
0x99: {  	s2 =	sld [smem:$0x3FFC];
	_ =	sdelay $0x3  }
0x9a: {  	_ =	strace s2  }
0x9b: {  	s2 =	sld [smem:$0x3FFD];
	_ =	sdelay $0x3  }
0x9c: {  	_ =	strace s2  }
0x9d: {  	_ =	strace $0x8FFFFFFF  }
0x9e: {  	s19 =	sld [smem:$0x3FDB];
	_ =	sdelay $0x1  }
0x9f: {  	s20 =	simm.s32 $_scs_section_size  }
0xa0: {  	s5 =	simm.s32 $_size__tile_overlayer_lowered;
	s6 =	simm.s32 $_tile_overlayer_lowered  }
0xa1: {  	s7 =	simm.s32 $0x1BFF;
	s21 =	sshll.u32 s6, $0x1;
	s4 =	sadd.s32 s20, s19  }
0xa2: {  	s22 =	simm.s32 $0x0;
	s5 =	sshll.u32 s5, $0x1;
	s6 =	sadd.s32 s21, s4  }
0xa3: {  	[timem:s22], [sflag:s7] =	dma.local [hbm:s6], s5  }
0xa4: {  	_ =	swait.ge [sflag:s7], s5  }
0xa5: {  	s5 =	ssub.s32 $0x0, s5;
	[sflag:s7] =	ssyncset.done $0x0  }
0xa6: {  	[sflag:s7] =	ssyncadd.s32 s5;
	_ =	sdelay $0x1  }
0xa7: {  	s23 =	simm.s32 $0x1B8B  }
0xa8: {  	_ =	swait.ge [sflag:s23], $0x1  }
0xa9: {  	[sflag:s23] =	ssyncset.done $0x0  }
0xaa: {  	[sflag:s23] =	ssyncadd.s32 $0xFFFFFFFF  }
0xab: {  	s5 =	sld [smem:$0x0]  }
0xac: {  	s6 =	sand.u32 $0xFFFFFFFE, s1  }
0xad: {  	p0 =	sne.s32 s1, s6  }
0xae: {  	s6 =	sshll.u32 @p0 s6, $0xE  }
0xaf: {  	s6 =	sadd.s32 @p0 $0x11B8D, s6;
	s7 =	sshll.u32 @p0 s5, $0x11  }
0xb0: {  	s6 =	sor.u32 @p0 s7, s6  }
0xb1: {  	[sflag:s6] =	ssyncadd.remote.s32 @p0 $0x1;
	_ =	sdelay $0x1  }
0xb2: {  	s6 =	simm.s32 @p0 $0x1B8D  }
0xb3: {  	_ =	swait.eq @p0 [sflag:s6], $0x1  }
0xb4: {  	[sflag:s6] =	ssyncadd.s32 @p0 $0xFFFFFFFF  }
0xb5: {  	s7 =	sshll.u32 @!p0 s1, $0xE  }
0xb6: {  	s7 =	sor.u32 @!p0 $0x4000, s7;
	s6 =	simm.s32 @!p0 $0x1B8D  }
0xb7: {  	s5 =	sshll.u32 @!p0 s5, $0x11;
	s7 =	sadd.s32 @!p0 $0x11B8D, s7;
	_ =	swait.eq @!p0 [sflag:s6], $0x1  }
0xb8: {  	s5 =	sor.u32 @!p0 s5, s7;
	[sflag:s6] =	ssyncadd.s32 @!p0 $0xFFFFFFFF  }
0xb9: {  	s25 =	simm.s32 $0x1B8E;
	s24 =	sld [smem:$0x3FFE];
	[sflag:s5] =	ssyncadd.remote.s32 @!p0 $0x1  }
0xba: {  	s26 =	simm.s32 $execute0_lowered;
	[smem:$0x3FD2] =	sst s25  }
0xbb: {  	s6 =	sshll.u32 s26, $0x1;
	_ =	strace $0x8000004F;
	[dreg:$0x1] =	wrdreg $0xFFFFFFFF  }
0xbc: {  	s28 =	simm.s32 $_size_execute0_lowered;
	s4 =	sadd.s32 s4, s6;
	[dreg:$0x0] =	wrdreg $0x0  }
0xbd: {  	s6 =	sshll.u32 s28, $0x1;
	[dreg:$0x2] =	wrdreg s4  }
0xbe: {  	[dreg:$0x3] =	wrdreg s6  }
0xbf: {  	[dreg:$0x4] =	wrdreg $0xC0  }
0xc0: {  	_ =	task [dreg:s22], $0x5FFFF  }
0xc1: {  	[dreg:$0x1] =	wrdreg $0xFFFFFFFF  }
0xc2: {  	[dreg:$0x0] =	wrdreg $0x60  }
0xc3: {  	[dreg:$0x2] =	wrdreg s17  }
0xc4: {  	[dreg:$0x3] =	wrdreg s24  }
0xc5: {  	[dreg:$0x4] =	wrdreg $0xD  }
0xc6: {  	_ =	task.clear_ibuf [dreg:s22], $0x5FFFF;
	_ =	strace $0x9000004F  }
0xc7: {  	s29 =	simm.s32 $0xD;
	_ =	strace $0x80000051  }
0xc8: {  	_ =	swait.ge [sflag:s29], $0x1  }
0xc9: {  	[sflag:s29] =	ssyncadd.s32 $0xFFFFFFFF  }
0xca: {  	_ =	strace $0x90000051  }
0xcb: {  	_ =	sfence  }
0xcc: {  	s30 =	sld [smem:$0x0];
	_ =	sdelay $0x2  }
0xcd: {  	s31 =	sshll.u32 s1, $0xD;
	s1 =	sshrl.u32 s1, $0x2  }
0xce: {  	s4 =	sand.u32 $0x4000, s31;
	s1 =	sadd.s32 s1, s30  }
0xcf: {  	s0 =	sor.u32 s4, s0;
	s1 =	sshll.u32 s1, $0x11  }
0xd0: {  	s0 =	sor.u32 s1, s0  }
0xd1: {  	s0 =	sadd.s32 $0x8F2B, s0  }
0xd2: {  	[sflag:s0] =	ssyncadd.remote.s32 $0x1  }
0xd3: {  	_ =	sfence.sel $0xFFFF  }
0xd4: {  	[dreg:$0x0] =	wrdreg $0xFFFFFFFF;
	(pc) =	sbr.abs _section_cstart, $3  }
0xd5: {  	[dreg:$0x1] =	wrdreg $0xFFFFFFFF  }
0xd6: {  	_ =	task.clear_ibuf [dreg:s22], $0x2FFFF;
	_ =	strace $0x9FFFFFFF  }
0xd7: {  	(tm) =	ssettm $0x7FFFFFFF  }
tec
execute0_lowered:
.L_overlay_start_1:
0x0: {  	(tag) =	ssettag $0x1  }
0x1: {  	s1 =	rddreg [dreg:$0x0]  }
0x2: {  	s5 =	rddreg [dreg:$0x1]  }
0x3: {  	s0 =	rddreg [dreg:$0x2]  }
0x4: {  	s3 =	simm.s32 $0x0;
	s4 =	srdreg.scid;
	s2 =	stileid.u32  }
0x5: {  	s13 =	simm.s32 $0x2000;
	s14 =	simm.s32 $0x4800;
	s15 =	simm.s32 $0x1  }
0x6: {  	s16 =	simm.s32 $0x2;
	s17 =	simm.s32 $0xC00;
	s18 =	simm.s32 $0x1C00  }
0x7: {  	s19 =	simm.s32 $0x0;
	[smem:$0x7FF] =	sst s3;
	s6 =	sand.u32 $0x1, s4  }
0x8: {  	s7 =	sshll.u32 s2, $0x1;
	s4 =	sadd.s32 $0x32E00, s5;
	s10 =	sadd.s32 $0x350000, s5  }
0x9: {  	s11 =	smul.u32 $0xFA00, s2;
	_ =	strace $0x80000050;
	s7 =	sor.u32 s6, s7  }
0xa: {  	s9 =	ssub.s32 $0x2, s6;
	s8 =	sshll.u32 s7, $0x9;
	s7 =	smul.u32 $0x3E800, s7  }
0xb: {  	s12 =	smul.u32 $0x7D00, s6;
	s31 =	sshrl.u32 s9, $0x1;
	s8 =	sadd.s32 s8, s5  }
0xc: {  	s9 =	ssub.s32 s9, s31;
	s7 =	sshrl.u32 s7, $0x3;
	s5 =	sadd.s32 $0x26E00, s8  }
0xd: {  	s6 =	sadd.s32 $0x22E00, s8;
	s8 =	smax.u32 s9, $0x1;
	s7 =	sadd.s32 s10, s7  }
0xe: {  	s10 =	sadd.s32 s11, s10;
	s11 =	simm.s32 $0x1000;
	s7 =	sadd.s32 $0x7800, s7  }
0xf: {  	s9 =	sadd.s32 s12, s10;
	s10 =	simm.s32 $0x3;
	s12 =	simm.s32 $0x50  }
.LBB2_1:
0x10: {  	[tilespmem:s3], [sflag:$0x3] =	stream.linear.gather [hbm4b:s5+s3], $0xC80, $0x38;
	[tilespmem:$0x7000] =	vst v63  }
0x11: {  	_ =	swait.ge [sflag:s10], $0xC80  }
0x12: {  	[sflag:s10] =	ssyncset.done $0x0  }
0x13: {  	[sflag:s10] =	ssyncadd.s32 $0xFFFFF380  }
0x14: {  	[tilespmem:s11], [sflag:$0x3] =	stream.linear.gather [hbm4b:s6+s3], $0xC80, $0x38;
	[tilespmem:$0x7000] =	vst v63  }
0x15: {  	_ =	swait.ge [sflag:s10], $0xC80  }
0x16: {  	[sflag:s10] =	ssyncset.done $0x0  }
0x17: {  	s20 =	simm.s32 $0x0;
	[sflag:s10] =	ssyncadd.s32 $0xFFFFF380  }
0x18: {  	[tilespmem:s13], [sflag:$0x1] =	stream.indirect.gather [hbm4b:s1+s12], $0x80, s20, s12, $0xb8;
	[tilespmem:$0x7000] =	vst v63  }
0x19: {  	s28 =	simm.s32 $0x80  }
0x1a: {  	[tilespmem:s14], [sflag:$0x2] =	stream.indirect.gather [hbm4b:s1+s12], $0x80, s28, s12, $0xb8;
	[tilespmem:$0x7000] =	vst v63  }
0x1b: {  	_ =	swait.ge [sflag:s15], $0x2800  }
0x1c: {  	[sflag:s15] =	ssyncset.done $0x0  }
0x1d: {  	s29 =	simm.s32 $0x1000;
	[sflag:s15] =	ssyncadd.s32 $0xFFFFD800  }
0x1e: {  	[tilespmem:s13], [sflag:$0x1] =	stream.indirect.gather.add.f32 [hbm:s4], $0x80, s29, s12, $0xb8;
	[tilespmem:$0x7000] =	vst v63  }
0x1f: {  	_ =	swait.ge [sflag:s16], $0x2800  }
0x20: {  	[sflag:s16] =	ssyncset.done $0x0  }
0x21: {  	s30 =	simm.s32 $0x1080;
	[sflag:s16] =	ssyncadd.s32 $0xFFFFD800  }
0x22: {  	[tilespmem:s14], [sflag:$0x2] =	stream.indirect.gather.add.f32 [hbm:s4], $0x80, s30, s12, $0xb8;
	[tilespmem:$0x7000] =	vst v63  }
0x23: {  	_ =	swait.ge [sflag:s15], $0x2800  }
0x24: {  	[sflag:s15] =	ssyncset.done $0x0  }
0x25: {  	[sflag:s15] =	ssyncadd.s32 $0xFFFFD800  }
0x26: {  	[hbm4b:s9+s3] =	stream.linear.scatter [tilespmem:s13], [sflag:$0x1], $0x2800, $0x38;
	[tilespmem:$0x7000] =	vst v63  }
0x27: {  	_ =	swait.ge [sflag:s16], $0x2800  }
0x28: {  	[sflag:s16] =	ssyncset.done $0x0  }
0x29: {  	s31 =	sadd.s32 $0x500, s9;
	[sflag:s16] =	ssyncadd.s32 $0xFFFFD800  }
0x2a: {  	[hbm4b:s31+s3] =	stream.linear.scatter [tilespmem:s14], [sflag:$0x2], $0x2800, $0x38;
	[tilespmem:$0x7000] =	vst v63  }
0x2b: {  	_ =	swait.ge [sflag:s15], $0x2800  }
0x2c: {  	[sflag:s15] =	ssyncset.done $0x0  }
0x2d: {  	[sflag:s15] =	ssyncadd.s32 $0xFFFFD800  }
0x2e: {  	s21 =	simm.s32 $0x400;
	_ =	swait.ge [sflag:s16], $0x2800  }
0x2f: {  	s22 =	simm.s32 $0x800;
	s20 =	sadd.s32 $0xA00, s9;
	[sflag:s16] =	ssyncset.done $0x0  }
.LBB2_2:
0x30: {  	s23 =	sshra.s32 s21, $0x2  }
0x31: {  	[sflag:s16] =	ssyncadd.s32 $0xFFFFD800;
	s21 =	smov.u32 s22;
	s24 =	sadd.s32 $0x400, s22  }
0x32: {  	[tilespmem:s13], [sflag:$0x1] =	stream.indirect.gather [hbm4b:s1+s12], $0x80, s23, s12, $0xb8;
	[tilespmem:$0x7000] =	vst v63  }
0x33: {  	p0 =	sne.s32 s22, $0x2C00;
	s22 =	sadd.s32 $0x80, s23  }
0x34: {  	[tilespmem:s14], [sflag:$0x2] =	stream.indirect.gather [hbm4b:s1+s12], $0x80, s22, s12, $0xb8;
	[tilespmem:$0x7000] =	vst v63  }
0x35: {  	_ =	swait.ge [sflag:s15], $0x2800  }
0x36: {  	[sflag:s15] =	ssyncset.done $0x0  }
0x37: {  	s22 =	sadd.s32 $0x1000, s23;
	[sflag:s15] =	ssyncadd.s32 $0xFFFFD800  }
0x38: {  	[tilespmem:s13], [sflag:$0x1] =	stream.indirect.gather.add.f32 [hbm:s4], $0x80, s22, s12, $0xb8;
	[tilespmem:$0x7000] =	vst v63  }
0x39: {  	_ =	swait.ge [sflag:s16], $0x2800  }
0x3a: {  	[sflag:s16] =	ssyncset.done $0x0  }
0x3b: {  	s22 =	sadd.s32 $0x1080, s23;
	[sflag:s16] =	ssyncadd.s32 $0xFFFFD800  }
0x3c: {  	[tilespmem:s14], [sflag:$0x2] =	stream.indirect.gather.add.f32 [hbm:s4], $0x80, s22, s12, $0xb8;
	[tilespmem:$0x7000] =	vst v63  }
0x3d: {  	_ =	swait.ge [sflag:s15], $0x2800  }
0x3e: {  	[sflag:s15] =	ssyncset.done $0x0  }
0x3f: {  	[sflag:s15] =	ssyncadd.s32 $0xFFFFD800  }
0x40: {  	[hbm4b:s20+s3] =	stream.linear.scatter [tilespmem:s13], [sflag:$0x1], $0x2800, $0x38;
	[tilespmem:$0x7000] =	vst v63  }
0x41: {  	_ =	swait.ge [sflag:s16], $0x2800  }
0x42: {  	[sflag:s16] =	ssyncset.done $0x0  }
0x43: {  	s22 =	sadd.s32 $0x500, s20;
	[sflag:s16] =	ssyncadd.s32 $0xFFFFD800  }
0x44: {  	[hbm4b:s22+s3] =	stream.linear.scatter [tilespmem:s14], [sflag:$0x2], $0x2800, $0x38;
	[tilespmem:$0x7000] =	vst v63  }
.Ltmp0:
0x45: {  	_ =	swait.ge [sflag:s15], $0x2800;
	(pc) =	sbr.rel @p0 .LBB2_2-.Ltmp0, $4  }
0x46: {  	[sflag:s15] =	ssyncset.done $0x0  }
0x47: {  	[sflag:s15] =	ssyncadd.s32 $0xFFFFD800  }
0x48: {  	_ =	swait.ge [sflag:s16], $0x2800  }
0x49: {  	s20 =	sadd.s32 $0xA00, s20;
	s22 =	smov.u32 s24;
	[sflag:s16] =	ssyncset.done $0x0  }
0x4a: {  	s21 =	sshra.s32 s21, $0x2;
	[sflag:s16] =	ssyncadd.s32 $0xFFFFD800  }
0x4b: {  	[tilespmem:s13], [sflag:$0x1] =	stream.indirect.gather [hbm4b:s1+s12], $0x80, s21, s12, $0xb8;
	[tilespmem:$0x7000] =	vst v63  }
0x4c: {  	s22 =	sadd.s32 $0x80, s21  }
0x4d: {  	[tilespmem:s14], [sflag:$0x2] =	stream.indirect.gather [hbm4b:s1+s12], $0x80, s22, s12, $0xb8;
	[tilespmem:$0x7000] =	vst v63  }
0x4e: {  	_ =	swait.ge [sflag:s15], $0x2800  }
0x4f: {  	[sflag:s15] =	ssyncset.done $0x0  }
0x50: {  	s30 =	sadd.s32 $0x1000, s21;
	[sflag:s15] =	ssyncadd.s32 $0xFFFFD800  }
0x51: {  	[tilespmem:s13], [sflag:$0x1] =	stream.indirect.gather.add.f32 [hbm:s4], $0x80, s30, s12, $0xb8;
	[tilespmem:$0x7000] =	vst v63  }
0x52: {  	_ =	swait.ge [sflag:s16], $0x2800  }
0x53: {  	[sflag:s16] =	ssyncset.done $0x0  }
0x54: {  	s21 =	sadd.s32 $0x1080, s21;
	[sflag:s16] =	ssyncadd.s32 $0xFFFFD800  }
0x55: {  	[tilespmem:s14], [sflag:$0x2] =	stream.indirect.gather.add.f32 [hbm:s4], $0x80, s21, s12, $0xb8;
	[tilespmem:$0x7000] =	vst v63  }
0x56: {  	_ =	swait.ge [sflag:s15], $0x2800  }
0x57: {  	[sflag:s15] =	ssyncset.done $0x0  }
0x58: {  	[sflag:s15] =	ssyncadd.s32 $0xFFFFD800  }
0x59: {  	[hbm4b:s20+s3] =	stream.linear.scatter [tilespmem:s13], [sflag:$0x1], $0x2800, $0x38;
	[tilespmem:$0x7000] =	vst v63  }
0x5a: {  	_ =	swait.ge [sflag:s16], $0x2800  }
0x5b: {  	[sflag:s16] =	ssyncset.done $0x0  }
0x5c: {  	s31 =	sadd.s32 $0x500, s20;
	[sflag:s16] =	ssyncadd.s32 $0xFFFFD800  }
0x5d: {  	[hbm4b:s31+s3] =	stream.linear.scatter [tilespmem:s14], [sflag:$0x2], $0x2800, $0x38;
	[tilespmem:$0x7000] =	vst v63  }
0x5e: {  	_ =	swait.ge [sflag:s15], $0x2800  }
0x5f: {  	[sflag:s15] =	ssyncset.done $0x0  }
0x60: {  	[sflag:s15] =	ssyncadd.s32 $0xFFFFD800  }
0x61: {  	_ =	swait.ge [sflag:s16], $0x2800  }
0x62: {  	[sflag:s16] =	ssyncset.done $0x0  }
0x63: {  	[sflag:s16] =	ssyncadd.s32 $0xFFFFD800  }
0x64: {  	[tilespmem:s13], [sflag:$0x1] =	stream.indirect.gather [hbm4b:s1+s12], $0x80, s17, s12, $0xb8;
	[tilespmem:$0x7000] =	vst v63  }
0x65: {  	_ =	swait.ge [sflag:s15], $0x2800  }
0x66: {  	[sflag:s15] =	ssyncset.done $0x0  }
0x67: {  	[sflag:s15] =	ssyncadd.s32 $0xFFFFD800  }
0x68: {  	[tilespmem:s13], [sflag:$0x1] =	stream.indirect.gather.add.f32 [hbm:s4], $0x80, s18, s12, $0xb8;
	[tilespmem:$0x7000] =	vst v63  }
0x69: {  	s19 =	sadd.s32 $0x1, s19;
	_ =	swait.ge [sflag:s15], $0x2800  }
0x6a: {  	p0 =	sne.s32 s19, s8;
	[sflag:s15] =	ssyncset.done $0x0  }
.Ltmp1:
0x6b: {  	[sflag:s15] =	ssyncadd.s32 $0xFFFFD800;
	(pc) =	sbr.rel @p0 .LBB2_1-.Ltmp1, $4  }
0x6c: {  	[hbm4b:s7+s3] =	stream.linear.scatter [tilespmem:s13], [sflag:$0x1], $0x2800, $0x38;
	[tilespmem:$0x7000] =	vst v63  }
0x6d: {  	_ =	swait.ge [sflag:s15], $0x2800  }
0x6e: {  	[sflag:s15] =	ssyncset.done $0x0  }
0x6f: {  	[sflag:s15] =	ssyncadd.s32 $0xFFFFD800  }
0x70: {  	_ =	sfence.sel $0x180000  }
0x71: {  	[bflag:$0x0] =	sbarrier.arrive $0xFFFF  }
0x72: {  	p0 =	sne.s32 s2, $0x0;
	_ =	strace $0x90000050  }
0x73: {  	s0 =	sadd.s32 @!p0 $0x100000, s0;
	[bflag:$0x2] =	sbarrier.arrive $0xFFFF  }
0x74: {  	[sflag:s0] =	ssyncadd.tile.s32 @!p0 $0x1;
	_ =	shalt  }
.Lfunc_end2:
_tile_overlayer_lowered:
.L_overlay_start_2:
0x75: {  	(tag) =	ssettag $0x2  }
0x76: {  	s0 =	rddreg [dreg:$0x0];
	s2 =	stileid.u32  }
0x77: {  	s1 =	rddreg [dreg:$0x1];
	p0 =	sne.s32 s2, $0x0  }
0x78: {  	s3 =	rddreg [dreg:$0x2];
	[bflag:$0x3] =	sbarrier.arrive $0xFFFF;
	s2 =	simm.s32 @!p0 $0x1C03  }
0x79: {  	[timem:s3], [sflag:s2] =	dma.local @!p0 [hbm:s0], s1  }
0x7a: {  	s0 =	simm.s32 @!p0 $0x3  }
0x7b: {  	_ =	swait.ge @!p0 [sflag:s0], s1  }
0x7c: {  	s1 =	ssub.s32 @!p0 $0x0, s1;
	[sflag:s0] =	ssyncset.done @!p0 $0x0  }
0x7d: {  	[sflag:s0] =	ssyncadd.s32 @!p0 s1  }
0x7e: {  	[bflag:$0x3] =	sbarrier.arrive $0xFFFF  }
0x7f: {  	_ =	shalt  }

// kernel: kernel.28.cloned.1.call-start
scs
__scs_entry_jumppad:
0x0: {  	(pc) =	sbr.rel $0x88, $3  }
0x1: {  	(tag) =	ssettag $0x0;
	lr =	simm.s32 $0x1  }
0x2: {  	[smem:$0x3F90] =	sst lr;
	_ =	strace $0xD0000000  }
0x3: {  	_ = 	snop  }
0x4: {  	_ = 	snop  }
0x5: {  	_ = 	snop  }
0x6: {  	_ = 	snop  }
0x7: {  	_ = 	snop  }
__scs_overlays_trampoline_lowered:
0x8: {  	[smem:$0x3F9F] =	sst s0  }
0x9: {  	[smem:$0x3FA0] =	sst s1  }
0xa: {  	[smem:$0x3FA1] =	sst s2  }
0xb: {  	[smem:$0x3FA2] =	sst s3  }
0xc: {  	[smem:$0x3FA3] =	sst s4  }
0xd: {  	[smem:$0x3FA4] =	sst s5  }
0xe: {  	[smem:$0x3FA5] =	sst s6  }
0xf: {  	[smem:$0x3FA6] =	sst s7  }
0x10: {  	[smem:$0x3FA7] =	sst s8  }
0x11: {  	[smem:$0x3FA8] =	sst s9;
	s0 =	simm.s32 @!p0 $0x0  }
0x12: {  	s1 =	sld [smem:$0x3F8E];
	s0 =	simm.s32 @p0 $0x1  }
0x13: {  	[smem:$0x3FA9] =	sst s0;
	s0 =	simm.s32 @!p1 $0x0  }
0x14: {  	s2 =	sld [smem:$0x3F8D];
	s0 =	simm.s32 @p1 $0x1  }
0x15: {  	[smem:$0x3FAA] =	sst s0;
	s0 =	simm.s32 @!p2 $0x0  }
0x16: {  	s3 =	sld [smem:$0x3FDB];
	s0 =	simm.s32 @p2 $0x1  }
0x17: {  	s4 =	simm.s32 $0x1BF5;
	[smem:$0x3FAC] =	sst s0  }
0x18: {  	s0 =	sld [smem:$0x3F8F];
	_ =	swait.ge [sflag:s4], $0x0  }
0x19: {  	s7 =	sld [smem:$0x3F90]  }
0x1a: {  	s8 =	sadd.s32 $0xFFFFE003, lr  }
0x1b: {  	s9 =	sadd.s32 $0xFFFFFEF7, lr;
	s5 =	simm.s32 $0xFFFFFFFF;
	p2 =	slt.u32 s8, $0xFFFFF086  }
0x1c: {  	p1 =	slt.u32 s9, $0xF7A;
	s5 =	simm.s32 @!p2 $0x0  }
0x1d: {  	s5 =	simm.s32 @p1 $0x1;
	p0 =	seq.s32 s7, s2  }
0x1e: {  	s7 =	smul.u32 @!p0 $0xF7A, s2;
	p2 =	seq.s32 @!p0 s5, $0x0  }
0x1f: {  	s9 =	smul.u32 $0xF7A, s1;
	s8 =	simm.s32 @!p0 $0x1BF5;
	p2 =	por !p2, p0  }
0x20: {  	[sflag:s8] =	ssyncset.s32 @!p0 $0xFFFFF086;
	s6 =	sadd.s32 @!p0 s3, s7;
	s7 =	simm.s32 @!p0 $0x108  }
0x21: {  	s3 =	sadd.s32 s3, s9;
	s6 =	sadd.s32 @!p0 $0x88, s6;
	s7 =	simm.s32 @p2 $0x1082  }
0x22: {  	[simem:s7], [sflag:s8] =	dma.local @!p0 [hbm:s6], $0xF7A  }
0x23: {  	s9 =	sor.u32 $0xD0000000, s2;
	s6 =	simm.s32 $0x108;
	_ =	swait.ge @!p0 [sflag:s8], $0x0  }
0x24: {  	s3 =	sadd.s32 $0x88, s3;
	s6 =	simm.s32 @!p1 $0x1082;
	[sflag:s4] =	ssyncset.s32 $0xFFFFF086  }
0x25: {  	[simem:s6], [sflag:s4] =	dma.local [hbm:s3], $0xF7A  }
0x26: {  	[smem:$0x3F90] =	sst s1;
	(tag) =	ssettag s2;
	_ =	strace s9  }
0x27: {  	s1 =	sld [smem:$0x3FA0]  }
0x28: {  	s2 =	sld [smem:$0x3FA1]  }
0x29: {  	s4 =	sld [smem:$0x3FA3]  }
0x2a: {  	p0 =	seq.s32 s5, $0x0;
	s5 =	sld [smem:$0x3FA4]  }
0x2b: {  	s6 =	sld [smem:$0x3FA5]  }
0x2c: {  	s7 =	sld [smem:$0x3FA6]  }
0x2d: {  	s3 =	simm.s32 $0x108;
	s8 =	sld [smem:$0x3FA7]  }
0x2e: {  	s3 =	simm.s32 @!p0 $0x1082;
	s9 =	sld [smem:$0x3FA8]  }
0x2f: {  	lr =	sadd.s32 s0, s3;
	s0 =	sld [smem:$0x3F9F]  }
0x30: {  	s3 =	sld [smem:$0x3FA2]  }
0x31: {  	[smem:$0x3FAB] =	sst s10  }
0x32: {  	s10 =	sld [smem:$0x3FA9];
	_ =	sdelay $0x3  }
0x33: {  	p0 =	seq.s32 s10, $0x1;
	s10 =	sld [smem:$0x3FAB];
	_ =	sdelay $0x3  }
0x34: {  	[smem:$0x3FAB] =	sst s10  }
0x35: {  	s10 =	sld [smem:$0x3FAA];
	_ =	sdelay $0x3  }
0x36: {  	p1 =	seq.s32 s10, $0x1;
	s10 =	sld [smem:$0x3FAB];
	_ =	sdelay $0x3  }
0x37: {  	[smem:$0x3FAB] =	sst s10  }
0x38: {  	s10 =	sld [smem:$0x3FAC]  }
0x39: {  	_ = 	snop;
	(pc) =	sbr.ind lr, $3  }
0x3a: {  	_ = 	snop  }
0x3b: {  	_ = 	snop  }
0x3c: {  	p2 =	seq.s32 s10, $0x1;
	s10 =	sld [smem:$0x3FAB]  }
0x3d: {  	_ =	shalt  }
0x3e: {  	_ =	shalt  }
0x3f: {  	_ =	shalt  }
0x40: {  	_ =	shalt  }
0x41: {  	_ =	shalt  }
0x42: {  	_ =	shalt  }
0x43: {  	_ =	shalt  }
0x44: {  	_ =	shalt  }
0x45: {  	_ =	shalt  }
0x46: {  	_ =	shalt  }
0x47: {  	_ =	shalt  }
0x48: {  	_ =	shalt  }
0x49: {  	_ =	shalt  }
0x4a: {  	_ =	shalt  }
0x4b: {  	_ =	shalt  }
0x4c: {  	_ =	shalt  }
0x4d: {  	_ =	shalt  }
0x4e: {  	_ =	shalt  }
0x4f: {  	_ =	shalt  }
0x50: {  	_ =	shalt  }
0x51: {  	_ =	shalt  }
0x52: {  	_ =	shalt  }
0x53: {  	_ =	shalt  }
0x54: {  	_ =	shalt  }
0x55: {  	_ =	shalt  }
0x56: {  	_ =	shalt  }
0x57: {  	_ =	shalt  }
0x58: {  	_ =	shalt  }
0x59: {  	_ =	shalt  }
0x5a: {  	_ =	shalt  }
0x5b: {  	_ =	shalt  }
0x5c: {  	_ =	shalt  }
0x5d: {  	_ =	shalt  }
0x5e: {  	_ =	shalt  }
0x5f: {  	_ =	shalt  }
0x60: {  	_ =	shalt  }
0x61: {  	_ =	shalt  }
0x62: {  	_ =	shalt  }
0x63: {  	_ =	shalt  }
0x64: {  	_ =	shalt  }
0x65: {  	_ =	shalt  }
0x66: {  	_ =	shalt  }
0x67: {  	_ =	shalt  }
0x68: {  	_ =	shalt  }
0x69: {  	_ =	shalt  }
0x6a: {  	_ =	shalt  }
0x6b: {  	_ =	shalt  }
0x6c: {  	_ =	shalt  }
0x6d: {  	_ =	shalt  }
0x6e: {  	_ =	shalt  }
0x6f: {  	_ =	shalt  }
0x70: {  	_ =	shalt  }
0x71: {  	_ =	shalt  }
0x72: {  	_ =	shalt  }
0x73: {  	_ =	shalt  }
0x74: {  	_ =	shalt  }
0x75: {  	_ =	shalt  }
0x76: {  	_ =	shalt  }
0x77: {  	_ =	shalt  }
0x78: {  	_ =	shalt  }
0x79: {  	_ =	shalt  }
0x7a: {  	_ =	shalt  }
0x7b: {  	_ =	shalt  }
0x7c: {  	_ =	shalt  }
0x7d: {  	_ =	shalt  }
0x7e: {  	_ =	shalt  }
0x7f: {  	_ =	shalt  }
0x80: {  	_ =	shalt  }
0x81: {  	_ =	shalt  }
0x82: {  	_ =	shalt  }
0x83: {  	_ =	shalt  }
0x84: {  	_ =	shalt  }
0x85: {  	_ =	shalt  }
0x86: {  	_ =	shalt  }
0x87: {  	_ =	shalt  }
.Lfunc_end0:
.L_simem_size_0:
called_computation.4_lowered:
.L_overlay_start_0:
0x88: {  	s2 =	sld [smem:$0x3FD9]  }
0x89: {  	s3 =	sld [smem:$0x3FFE];
	_ =	sdelay $0x1  }
0x8a: {  	s1 =	srdreg.scid  }
0x8b: {  	s0 =	sand.u32 $0x1, s1  }
0x8c: {  	s15 =	sshll.u32 s0, $0xA;
	s2 =	sadd.s32 s3, s2  }
0x8d: {  	s2 =	sadd.s32 s2, s15  }
0x8e: {  	[smem:$0x3FB7] =	sst s2  }
0x8f: {  	_ = 	snop  }
0x90: {  	s2 =	sld [smem:$0x3FD0];
	_ =	sdelay $0x2  }
0x91: {  	s16 =	simm.s32 $0xF;
	s4 =	simm.s32 $0x10  }
0x92: {  	[smem:s4], [sflag:s16] =	dma.local [hbm:s2], $0x1  }
0x93: {  	_ =	swait.eq [sflag:s16], $0x1  }
0x94: {  	[sflag:s16] =	ssyncset.done $0x0  }
0x95: {  	s17 =	sld [smem:$0x10];
	[sflag:s16] =	ssyncadd.s32 $0xFFFFFFFF  }
0x96: {  	s18 =	sld [smem:$0x11];
	(tm) =	ssettm $0x1  }
0x97: {  	s19 =	sld [smem:$0x3FFB];
	_ =	sdelay $0x3  }
0x98: {  	_ =	strace s19  }
0x99: {  	s2 =	sld [smem:$0x3FFC];
	_ =	sdelay $0x3  }
0x9a: {  	_ =	strace s2  }
0x9b: {  	s2 =	sld [smem:$0x3FFD];
	_ =	sdelay $0x3  }
0x9c: {  	_ =	strace s2  }
0x9d: {  	_ =	strace $0x8FFFFFFF  }
0x9e: {  	s20 =	sld [smem:$0x3FDB];
	_ =	sdelay $0x1  }
0x9f: {  	s5 =	simm.s32 $_scs_section_size  }
0xa0: {  	s6 =	simm.s32 $_size__tile_overlayer_lowered;
	s7 =	simm.s32 $_tile_overlayer_lowered  }
0xa1: {  	s8 =	simm.s32 $0x1BFF;
	s21 =	sshll.u32 s7, $0x1;
	s5 =	sadd.s32 s5, s20  }
0xa2: {  	s22 =	simm.s32 $0x0;
	s6 =	sshll.u32 s6, $0x1;
	s7 =	sadd.s32 s21, s5  }
0xa3: {  	[timem:s22], [sflag:s8] =	dma.local [hbm:s7], s6  }
0xa4: {  	_ =	swait.ge [sflag:s8], s6  }
0xa5: {  	s6 =	ssub.s32 $0x0, s6;
	[sflag:s8] =	ssyncset.done $0x0  }
0xa6: {  	[sflag:s8] =	ssyncadd.s32 s6;
	_ =	sdelay $0x1  }
0xa7: {  	s23 =	simm.s32 $0x1B8B  }
0xa8: {  	_ =	swait.ge [sflag:s23], $0x1  }
0xa9: {  	[sflag:s23] =	ssyncset.done $0x0  }
0xaa: {  	[sflag:s23] =	ssyncadd.s32 $0xFFFFFFFF  }
0xab: {  	s6 =	sld [smem:$0x0]  }
0xac: {  	s7 =	sand.u32 $0xFFFFFFFE, s1  }
0xad: {  	p0 =	sne.s32 s1, s7  }
0xae: {  	s7 =	sshll.u32 @p0 s7, $0xE  }
0xaf: {  	s7 =	sadd.s32 @p0 $0x11B8D, s7;
	s8 =	sshll.u32 @p0 s6, $0x11  }
0xb0: {  	s7 =	sor.u32 @p0 s8, s7  }
0xb1: {  	[sflag:s7] =	ssyncadd.remote.s32 @p0 $0x1;
	_ =	sdelay $0x1  }
0xb2: {  	s7 =	simm.s32 @p0 $0x1B8D  }
0xb3: {  	_ =	swait.eq @p0 [sflag:s7], $0x1  }
0xb4: {  	[sflag:s7] =	ssyncadd.s32 @p0 $0xFFFFFFFF  }
0xb5: {  	s8 =	sshll.u32 @!p0 s1, $0xE  }
0xb6: {  	s8 =	sor.u32 @!p0 $0x4000, s8;
	s7 =	simm.s32 @!p0 $0x1B8D  }
0xb7: {  	s6 =	sshll.u32 @!p0 s6, $0x11;
	s8 =	sadd.s32 @!p0 $0x11B8D, s8;
	_ =	swait.eq @!p0 [sflag:s7], $0x1  }
0xb8: {  	s6 =	sor.u32 @!p0 s6, s8;
	[sflag:s7] =	ssyncadd.s32 @!p0 $0xFFFFFFFF  }
0xb9: {  	s25 =	simm.s32 $0x1B8E;
	s24 =	sld [smem:$0x3FFE];
	[sflag:s6] =	ssyncadd.remote.s32 @!p0 $0x1  }
0xba: {  	s26 =	simm.s32 $execute0_lowered;
	[smem:$0x3FD2] =	sst s25  }
0xbb: {  	s7 =	sshll.u32 s26, $0x1;
	_ =	strace $0x80000052;
	[dreg:$0x1] =	wrdreg $0xFFFFFFFF  }
0xbc: {  	s28 =	simm.s32 $_size_execute0_lowered;
	s5 =	sadd.s32 s5, s7;
	[dreg:$0x0] =	wrdreg $0x0  }
0xbd: {  	s7 =	sshll.u32 s28, $0x1;
	[dreg:$0x2] =	wrdreg s5  }
0xbe: {  	[dreg:$0x3] =	wrdreg s7  }
0xbf: {  	[dreg:$0x4] =	wrdreg $0xC0  }
0xc0: {  	_ =	task [dreg:s22], $0x5FFFF  }
0xc1: {  	[dreg:$0x1] =	wrdreg $0xFFFFFFFF  }
0xc2: {  	[dreg:$0x0] =	wrdreg $0x60  }
0xc3: {  	[dreg:$0x2] =	wrdreg s17  }
0xc4: {  	[dreg:$0x3] =	wrdreg s24  }
0xc5: {  	[dreg:$0x4] =	wrdreg s18  }
0xc6: {  	[dreg:$0x5] =	wrdreg $0xE  }
0xc7: {  	_ =	task.clear_ibuf [dreg:s22], $0x6FFFF;
	_ =	strace $0x90000052  }
0xc8: {  	s29 =	simm.s32 $0xE;
	_ =	strace $0x80000054  }
0xc9: {  	_ =	swait.ge [sflag:s29], $0x1  }
0xca: {  	[sflag:s29] =	ssyncadd.s32 $0xFFFFFFFF  }
0xcb: {  	_ =	strace $0x90000054  }
0xcc: {  	_ =	sfence  }
0xcd: {  	s30 =	sld [smem:$0x0];
	_ =	sdelay $0x2  }
0xce: {  	s31 =	sshll.u32 s1, $0xD;
	s1 =	sshrl.u32 s1, $0x2  }
0xcf: {  	s4 =	sand.u32 $0x4000, s31;
	s1 =	sadd.s32 s1, s30  }
0xd0: {  	s0 =	sor.u32 s4, s0;
	s1 =	sshll.u32 s1, $0x11  }
0xd1: {  	s0 =	sor.u32 s1, s0  }
0xd2: {  	s0 =	sadd.s32 $0x8F2B, s0  }
0xd3: {  	[sflag:s0] =	ssyncadd.remote.s32 $0x1  }
0xd4: {  	_ =	sfence.sel $0xFFFF  }
0xd5: {  	[dreg:$0x0] =	wrdreg $0xFFFFFFFF;
	(pc) =	sbr.abs _section_cstart, $3  }
0xd6: {  	[dreg:$0x1] =	wrdreg $0xFFFFFFFF  }
0xd7: {  	_ =	task.clear_ibuf [dreg:s22], $0x2FFFF;
	_ =	strace $0x9FFFFFFF  }
0xd8: {  	(tm) =	ssettm $0x7FFFFFFF  }
0xd9: {  	_ =	shalt  }
tec
execute0_lowered:
.L_overlay_start_1:
0x0: {  	(tag) =	ssettag $0x1  }
0x1: {  	s1 =	rddreg [dreg:$0x0]  }
0x2: {  	s5 =	rddreg [dreg:$0x1]  }
0x3: {  	s8 =	rddreg [dreg:$0x2]  }
0x4: {  	s0 =	rddreg [dreg:$0x3];
	s3 =	simm.s32 $0x0;
	s4 =	srdreg.scid  }
0x5: {  	s2 =	stileid.u32;
	s13 =	simm.s32 $0x2000;
	s14 =	simm.s32 $0x4800  }
0x6: {  	s15 =	simm.s32 $0x1;
	s16 =	simm.s32 $0x2;
	s17 =	simm.s32 $0xC00  }
0x7: {  	s18 =	simm.s32 $0x1C00;
	s19 =	simm.s32 $0x0;
	[smem:$0x7FF] =	sst s3  }
0x8: {  	s6 =	sand.u32 $0x1, s4;
	s29 =	sshll.u32 s2, $0x1;
	s11 =	smul.u32 $0xFA00, s2  }
0x9: {  	_ =	strace $0x80000053;
	s4 =	sor.u32 s6, s29;
	s12 =	smul.u32 $0x7D00, s6  }
0xa: {  	s9 =	ssub.s32 $0x2, s6;
	s7 =	sshll.u32 s4, $0x9;
	s10 =	smul.u32 $0x3E800, s4  }
0xb: {  	s4 =	sadd.s32 $0x32E00, s5;
	s30 =	sshrl.u32 s9, $0x1;
	s31 =	sadd.s32 s11, s8  }
0xc: {  	s11 =	simm.s32 $0x1000;
	s7 =	sadd.s32 s7, s5;
	s9 =	ssub.s32 s9, s30  }
0xd: {  	s10 =	sshrl.u32 s10, $0x3;
	s5 =	sadd.s32 $0x2EE00, s7;
	s6 =	sadd.s32 $0x2AE00, s7  }
0xe: {  	s10 =	sadd.s32 s8, s10;
	s8 =	smax.u32 s9, $0x1;
	s9 =	sadd.s32 s12, s31  }
0xf: {  	s12 =	simm.s32 $0x50;
	s7 =	sadd.s32 $0x7800, s10;
	s10 =	simm.s32 $0x3  }
.LBB2_1:
0x10: {  	[tilespmem:s3], [sflag:$0x3] =	stream.linear.gather [hbm4b:s5+s3], $0xC80, $0x38;
	[tilespmem:$0x7000] =	vst v63  }
0x11: {  	_ =	swait.ge [sflag:s10], $0xC80  }
0x12: {  	[sflag:s10] =	ssyncset.done $0x0  }
0x13: {  	[sflag:s10] =	ssyncadd.s32 $0xFFFFF380  }
0x14: {  	[tilespmem:s11], [sflag:$0x3] =	stream.linear.gather [hbm4b:s6+s3], $0xC80, $0x38;
	[tilespmem:$0x7000] =	vst v63  }
0x15: {  	_ =	swait.ge [sflag:s10], $0xC80  }
0x16: {  	[sflag:s10] =	ssyncset.done $0x0  }
0x17: {  	s20 =	simm.s32 $0x0;
	[sflag:s10] =	ssyncadd.s32 $0xFFFFF380  }
0x18: {  	[tilespmem:s13], [sflag:$0x1] =	stream.indirect.gather [hbm4b:s1+s12], $0x80, s20, s12, $0xb8;
	[tilespmem:$0x7000] =	vst v63  }
0x19: {  	s28 =	simm.s32 $0x80  }
0x1a: {  	[tilespmem:s14], [sflag:$0x2] =	stream.indirect.gather [hbm4b:s1+s12], $0x80, s28, s12, $0xb8;
	[tilespmem:$0x7000] =	vst v63  }
0x1b: {  	_ =	swait.ge [sflag:s15], $0x2800  }
0x1c: {  	[sflag:s15] =	ssyncset.done $0x0  }
0x1d: {  	s29 =	simm.s32 $0x1000;
	[sflag:s15] =	ssyncadd.s32 $0xFFFFD800  }
0x1e: {  	[tilespmem:s13], [sflag:$0x1] =	stream.indirect.gather.add.f32 [hbm:s4], $0x80, s29, s12, $0xb8;
	[tilespmem:$0x7000] =	vst v63  }
0x1f: {  	_ =	swait.ge [sflag:s16], $0x2800  }
0x20: {  	[sflag:s16] =	ssyncset.done $0x0  }
0x21: {  	s30 =	simm.s32 $0x1080;
	[sflag:s16] =	ssyncadd.s32 $0xFFFFD800  }
0x22: {  	[tilespmem:s14], [sflag:$0x2] =	stream.indirect.gather.add.f32 [hbm:s4], $0x80, s30, s12, $0xb8;
	[tilespmem:$0x7000] =	vst v63  }
0x23: {  	_ =	swait.ge [sflag:s15], $0x2800  }
0x24: {  	[sflag:s15] =	ssyncset.done $0x0  }
0x25: {  	[sflag:s15] =	ssyncadd.s32 $0xFFFFD800  }
0x26: {  	[hbm4b:s9+s3] =	stream.linear.scatter [tilespmem:s13], [sflag:$0x1], $0x2800, $0x38;
	[tilespmem:$0x7000] =	vst v63  }
0x27: {  	_ =	swait.ge [sflag:s16], $0x2800  }
0x28: {  	[sflag:s16] =	ssyncset.done $0x0  }
0x29: {  	s31 =	sadd.s32 $0x500, s9;
	[sflag:s16] =	ssyncadd.s32 $0xFFFFD800  }
0x2a: {  	[hbm4b:s31+s3] =	stream.linear.scatter [tilespmem:s14], [sflag:$0x2], $0x2800, $0x38;
	[tilespmem:$0x7000] =	vst v63  }
0x2b: {  	_ =	swait.ge [sflag:s15], $0x2800  }
0x2c: {  	[sflag:s15] =	ssyncset.done $0x0  }
0x2d: {  	[sflag:s15] =	ssyncadd.s32 $0xFFFFD800  }
0x2e: {  	s21 =	simm.s32 $0x400;
	_ =	swait.ge [sflag:s16], $0x2800  }
0x2f: {  	s22 =	simm.s32 $0x800;
	s20 =	sadd.s32 $0xA00, s9;
	[sflag:s16] =	ssyncset.done $0x0  }
.LBB2_2:
0x30: {  	s23 =	sshra.s32 s21, $0x2  }
0x31: {  	[sflag:s16] =	ssyncadd.s32 $0xFFFFD800;
	s21 =	smov.u32 s22;
	s24 =	sadd.s32 $0x400, s22  }
0x32: {  	[tilespmem:s13], [sflag:$0x1] =	stream.indirect.gather [hbm4b:s1+s12], $0x80, s23, s12, $0xb8;
	[tilespmem:$0x7000] =	vst v63  }
0x33: {  	p0 =	sne.s32 s22, $0x2C00;
	s22 =	sadd.s32 $0x80, s23  }
0x34: {  	[tilespmem:s14], [sflag:$0x2] =	stream.indirect.gather [hbm4b:s1+s12], $0x80, s22, s12, $0xb8;
	[tilespmem:$0x7000] =	vst v63  }
0x35: {  	_ =	swait.ge [sflag:s15], $0x2800  }
0x36: {  	[sflag:s15] =	ssyncset.done $0x0  }
0x37: {  	s22 =	sadd.s32 $0x1000, s23;
	[sflag:s15] =	ssyncadd.s32 $0xFFFFD800  }
0x38: {  	[tilespmem:s13], [sflag:$0x1] =	stream.indirect.gather.add.f32 [hbm:s4], $0x80, s22, s12, $0xb8;
	[tilespmem:$0x7000] =	vst v63  }
0x39: {  	_ =	swait.ge [sflag:s16], $0x2800  }
0x3a: {  	[sflag:s16] =	ssyncset.done $0x0  }
0x3b: {  	s22 =	sadd.s32 $0x1080, s23;
	[sflag:s16] =	ssyncadd.s32 $0xFFFFD800  }
0x3c: {  	[tilespmem:s14], [sflag:$0x2] =	stream.indirect.gather.add.f32 [hbm:s4], $0x80, s22, s12, $0xb8;
	[tilespmem:$0x7000] =	vst v63  }
0x3d: {  	_ =	swait.ge [sflag:s15], $0x2800  }
0x3e: {  	[sflag:s15] =	ssyncset.done $0x0  }
0x3f: {  	[sflag:s15] =	ssyncadd.s32 $0xFFFFD800  }
0x40: {  	[hbm4b:s20+s3] =	stream.linear.scatter [tilespmem:s13], [sflag:$0x1], $0x2800, $0x38;
	[tilespmem:$0x7000] =	vst v63  }
0x41: {  	_ =	swait.ge [sflag:s16], $0x2800  }
0x42: {  	[sflag:s16] =	ssyncset.done $0x0  }
0x43: {  	s22 =	sadd.s32 $0x500, s20;
	[sflag:s16] =	ssyncadd.s32 $0xFFFFD800  }
0x44: {  	[hbm4b:s22+s3] =	stream.linear.scatter [tilespmem:s14], [sflag:$0x2], $0x2800, $0x38;
	[tilespmem:$0x7000] =	vst v63  }
.Ltmp0:
0x45: {  	_ =	swait.ge [sflag:s15], $0x2800;
	(pc) =	sbr.rel @p0 .LBB2_2-.Ltmp0, $4  }
0x46: {  	[sflag:s15] =	ssyncset.done $0x0  }
0x47: {  	[sflag:s15] =	ssyncadd.s32 $0xFFFFD800  }
0x48: {  	_ =	swait.ge [sflag:s16], $0x2800  }
0x49: {  	s20 =	sadd.s32 $0xA00, s20;
	s22 =	smov.u32 s24;
	[sflag:s16] =	ssyncset.done $0x0  }
0x4a: {  	s21 =	sshra.s32 s21, $0x2;
	[sflag:s16] =	ssyncadd.s32 $0xFFFFD800  }
0x4b: {  	[tilespmem:s13], [sflag:$0x1] =	stream.indirect.gather [hbm4b:s1+s12], $0x80, s21, s12, $0xb8;
	[tilespmem:$0x7000] =	vst v63  }
0x4c: {  	s22 =	sadd.s32 $0x80, s21  }
0x4d: {  	[tilespmem:s14], [sflag:$0x2] =	stream.indirect.gather [hbm4b:s1+s12], $0x80, s22, s12, $0xb8;
	[tilespmem:$0x7000] =	vst v63  }
0x4e: {  	_ =	swait.ge [sflag:s15], $0x2800  }
0x4f: {  	[sflag:s15] =	ssyncset.done $0x0  }
0x50: {  	s30 =	sadd.s32 $0x1000, s21;
	[sflag:s15] =	ssyncadd.s32 $0xFFFFD800  }
0x51: {  	[tilespmem:s13], [sflag:$0x1] =	stream.indirect.gather.add.f32 [hbm:s4], $0x80, s30, s12, $0xb8;
	[tilespmem:$0x7000] =	vst v63  }
0x52: {  	_ =	swait.ge [sflag:s16], $0x2800  }
0x53: {  	[sflag:s16] =	ssyncset.done $0x0  }
0x54: {  	s21 =	sadd.s32 $0x1080, s21;
	[sflag:s16] =	ssyncadd.s32 $0xFFFFD800  }
0x55: {  	[tilespmem:s14], [sflag:$0x2] =	stream.indirect.gather.add.f32 [hbm:s4], $0x80, s21, s12, $0xb8;
	[tilespmem:$0x7000] =	vst v63  }
0x56: {  	_ =	swait.ge [sflag:s15], $0x2800  }
0x57: {  	[sflag:s15] =	ssyncset.done $0x0  }
0x58: {  	[sflag:s15] =	ssyncadd.s32 $0xFFFFD800  }
0x59: {  	[hbm4b:s20+s3] =	stream.linear.scatter [tilespmem:s13], [sflag:$0x1], $0x2800, $0x38;
	[tilespmem:$0x7000] =	vst v63  }
0x5a: {  	_ =	swait.ge [sflag:s16], $0x2800  }
0x5b: {  	[sflag:s16] =	ssyncset.done $0x0  }
0x5c: {  	s31 =	sadd.s32 $0x500, s20;
	[sflag:s16] =	ssyncadd.s32 $0xFFFFD800  }
0x5d: {  	[hbm4b:s31+s3] =	stream.linear.scatter [tilespmem:s14], [sflag:$0x2], $0x2800, $0x38;
	[tilespmem:$0x7000] =	vst v63  }
0x5e: {  	_ =	swait.ge [sflag:s15], $0x2800  }
0x5f: {  	[sflag:s15] =	ssyncset.done $0x0  }
0x60: {  	[sflag:s15] =	ssyncadd.s32 $0xFFFFD800  }
0x61: {  	_ =	swait.ge [sflag:s16], $0x2800  }
0x62: {  	[sflag:s16] =	ssyncset.done $0x0  }
0x63: {  	[sflag:s16] =	ssyncadd.s32 $0xFFFFD800  }
0x64: {  	[tilespmem:s13], [sflag:$0x1] =	stream.indirect.gather [hbm4b:s1+s12], $0x80, s17, s12, $0xb8;
	[tilespmem:$0x7000] =	vst v63  }
0x65: {  	_ =	swait.ge [sflag:s15], $0x2800  }
0x66: {  	[sflag:s15] =	ssyncset.done $0x0  }
0x67: {  	[sflag:s15] =	ssyncadd.s32 $0xFFFFD800  }
0x68: {  	[tilespmem:s13], [sflag:$0x1] =	stream.indirect.gather.add.f32 [hbm:s4], $0x80, s18, s12, $0xb8;
	[tilespmem:$0x7000] =	vst v63  }
0x69: {  	s19 =	sadd.s32 $0x1, s19;
	_ =	swait.ge [sflag:s15], $0x2800  }
0x6a: {  	p0 =	sne.s32 s19, s8;
	[sflag:s15] =	ssyncset.done $0x0  }
.Ltmp1:
0x6b: {  	[sflag:s15] =	ssyncadd.s32 $0xFFFFD800;
	(pc) =	sbr.rel @p0 .LBB2_1-.Ltmp1, $4  }
0x6c: {  	[hbm4b:s7+s3] =	stream.linear.scatter [tilespmem:s13], [sflag:$0x1], $0x2800, $0x38;
	[tilespmem:$0x7000] =	vst v63  }
0x6d: {  	_ =	swait.ge [sflag:s15], $0x2800  }
0x6e: {  	[sflag:s15] =	ssyncset.done $0x0  }
0x6f: {  	[sflag:s15] =	ssyncadd.s32 $0xFFFFD800  }
0x70: {  	_ =	sfence.sel $0x180000  }
0x71: {  	[bflag:$0x0] =	sbarrier.arrive $0xFFFF  }
0x72: {  	p0 =	sne.s32 s2, $0x0;
	_ =	strace $0x90000053  }
0x73: {  	s0 =	sadd.s32 @!p0 $0x100000, s0;
	[bflag:$0x2] =	sbarrier.arrive $0xFFFF  }
0x74: {  	[sflag:s0] =	ssyncadd.tile.s32 @!p0 $0x1;
	_ =	shalt  }
.Lfunc_end2:
_tile_overlayer_lowered:
.L_overlay_start_2:
0x75: {  	(tag) =	ssettag $0x2  }
0x76: {  	s0 =	rddreg [dreg:$0x0];
	s2 =	stileid.u32  }
0x77: {  	s1 =	rddreg [dreg:$0x1];
	p0 =	sne.s32 s2, $0x0  }
0x78: {  	s3 =	rddreg [dreg:$0x2];
	[bflag:$0x3] =	sbarrier.arrive $0xFFFF;
	s2 =	simm.s32 @!p0 $0x1C03  }
0x79: {  	[timem:s3], [sflag:s2] =	dma.local @!p0 [hbm:s0], s1  }
0x7a: {  	s0 =	simm.s32 @!p0 $0x3  }
0x7b: {  	_ =	swait.ge @!p0 [sflag:s0], s1  }
0x7c: {  	s1 =	ssub.s32 @!p0 $0x0, s1;
	[sflag:s0] =	ssyncset.done @!p0 $0x0  }
0x7d: {  	[sflag:s0] =	ssyncadd.s32 @!p0 s1  }
0x7e: {  	[bflag:$0x3] =	sbarrier.arrive $0xFFFF  }
0x7f: {  	_ =	shalt  }

// kernel: kernel.31.cloned.1.call-start
scs
__scs_entry_jumppad:
0x0: {  	(pc) =	sbr.rel $0x88, $3  }
0x1: {  	(tag) =	ssettag $0x0;
	lr =	simm.s32 $0x1  }
0x2: {  	[smem:$0x3F90] =	sst lr;
	_ =	strace $0xD0000000  }
0x3: {  	_ = 	snop  }
0x4: {  	_ = 	snop  }
0x5: {  	_ = 	snop  }
0x6: {  	_ = 	snop  }
0x7: {  	_ = 	snop  }
__scs_overlays_trampoline_lowered:
0x8: {  	[smem:$0x3F9F] =	sst s0  }
0x9: {  	[smem:$0x3FA0] =	sst s1  }
0xa: {  	[smem:$0x3FA1] =	sst s2  }
0xb: {  	[smem:$0x3FA2] =	sst s3  }
0xc: {  	[smem:$0x3FA3] =	sst s4  }
0xd: {  	[smem:$0x3FA4] =	sst s5  }
0xe: {  	[smem:$0x3FA5] =	sst s6  }
0xf: {  	[smem:$0x3FA6] =	sst s7  }
0x10: {  	[smem:$0x3FA7] =	sst s8  }
0x11: {  	[smem:$0x3FA8] =	sst s9;
	s0 =	simm.s32 @!p0 $0x0  }
0x12: {  	s1 =	sld [smem:$0x3F8E];
	s0 =	simm.s32 @p0 $0x1  }
0x13: {  	[smem:$0x3FA9] =	sst s0;
	s0 =	simm.s32 @!p1 $0x0  }
0x14: {  	s2 =	sld [smem:$0x3F8D];
	s0 =	simm.s32 @p1 $0x1  }
0x15: {  	[smem:$0x3FAA] =	sst s0;
	s0 =	simm.s32 @!p2 $0x0  }
0x16: {  	s3 =	sld [smem:$0x3FDB];
	s0 =	simm.s32 @p2 $0x1  }
0x17: {  	s4 =	simm.s32 $0x1BF5;
	[smem:$0x3FAC] =	sst s0  }
0x18: {  	s0 =	sld [smem:$0x3F8F];
	_ =	swait.ge [sflag:s4], $0x0  }
0x19: {  	s7 =	sld [smem:$0x3F90]  }
0x1a: {  	s8 =	sadd.s32 $0xFFFFE003, lr  }
0x1b: {  	s9 =	sadd.s32 $0xFFFFFEF7, lr;
	s5 =	simm.s32 $0xFFFFFFFF;
	p2 =	slt.u32 s8, $0xFFFFF086  }
0x1c: {  	p1 =	slt.u32 s9, $0xF7A;
	s5 =	simm.s32 @!p2 $0x0  }
0x1d: {  	s5 =	simm.s32 @p1 $0x1;
	p0 =	seq.s32 s7, s2  }
0x1e: {  	s7 =	smul.u32 @!p0 $0xF7A, s2;
	p2 =	seq.s32 @!p0 s5, $0x0  }
0x1f: {  	s9 =	smul.u32 $0xF7A, s1;
	s8 =	simm.s32 @!p0 $0x1BF5;
	p2 =	por !p2, p0  }
0x20: {  	[sflag:s8] =	ssyncset.s32 @!p0 $0xFFFFF086;
	s6 =	sadd.s32 @!p0 s3, s7;
	s7 =	simm.s32 @!p0 $0x108  }
0x21: {  	s3 =	sadd.s32 s3, s9;
	s6 =	sadd.s32 @!p0 $0x88, s6;
	s7 =	simm.s32 @p2 $0x1082  }
0x22: {  	[simem:s7], [sflag:s8] =	dma.local @!p0 [hbm:s6], $0xF7A  }
0x23: {  	s9 =	sor.u32 $0xD0000000, s2;
	s6 =	simm.s32 $0x108;
	_ =	swait.ge @!p0 [sflag:s8], $0x0  }
0x24: {  	s3 =	sadd.s32 $0x88, s3;
	s6 =	simm.s32 @!p1 $0x1082;
	[sflag:s4] =	ssyncset.s32 $0xFFFFF086  }
0x25: {  	[simem:s6], [sflag:s4] =	dma.local [hbm:s3], $0xF7A  }
0x26: {  	[smem:$0x3F90] =	sst s1;
	(tag) =	ssettag s2;
	_ =	strace s9  }
0x27: {  	s1 =	sld [smem:$0x3FA0]  }
0x28: {  	s2 =	sld [smem:$0x3FA1]  }
0x29: {  	s4 =	sld [smem:$0x3FA3]  }
0x2a: {  	p0 =	seq.s32 s5, $0x0;
	s5 =	sld [smem:$0x3FA4]  }
0x2b: {  	s6 =	sld [smem:$0x3FA5]  }
0x2c: {  	s7 =	sld [smem:$0x3FA6]  }
0x2d: {  	s3 =	simm.s32 $0x108;
	s8 =	sld [smem:$0x3FA7]  }
0x2e: {  	s3 =	simm.s32 @!p0 $0x1082;
	s9 =	sld [smem:$0x3FA8]  }
0x2f: {  	lr =	sadd.s32 s0, s3;
	s0 =	sld [smem:$0x3F9F]  }
0x30: {  	s3 =	sld [smem:$0x3FA2]  }
0x31: {  	[smem:$0x3FAB] =	sst s10  }
0x32: {  	s10 =	sld [smem:$0x3FA9];
	_ =	sdelay $0x3  }
0x33: {  	p0 =	seq.s32 s10, $0x1;
	s10 =	sld [smem:$0x3FAB];
	_ =	sdelay $0x3  }
0x34: {  	[smem:$0x3FAB] =	sst s10  }
0x35: {  	s10 =	sld [smem:$0x3FAA];
	_ =	sdelay $0x3  }
0x36: {  	p1 =	seq.s32 s10, $0x1;
	s10 =	sld [smem:$0x3FAB];
	_ =	sdelay $0x3  }
0x37: {  	[smem:$0x3FAB] =	sst s10  }
0x38: {  	s10 =	sld [smem:$0x3FAC]  }
0x39: {  	_ = 	snop;
	(pc) =	sbr.ind lr, $3  }
0x3a: {  	_ = 	snop  }
0x3b: {  	_ = 	snop  }
0x3c: {  	p2 =	seq.s32 s10, $0x1;
	s10 =	sld [smem:$0x3FAB]  }
0x3d: {  	_ =	shalt  }
0x3e: {  	_ =	shalt  }
0x3f: {  	_ =	shalt  }
0x40: {  	_ =	shalt  }
0x41: {  	_ =	shalt  }
0x42: {  	_ =	shalt  }
0x43: {  	_ =	shalt  }
0x44: {  	_ =	shalt  }
0x45: {  	_ =	shalt  }
0x46: {  	_ =	shalt  }
0x47: {  	_ =	shalt  }
0x48: {  	_ =	shalt  }
0x49: {  	_ =	shalt  }
0x4a: {  	_ =	shalt  }
0x4b: {  	_ =	shalt  }
0x4c: {  	_ =	shalt  }
0x4d: {  	_ =	shalt  }
0x4e: {  	_ =	shalt  }
0x4f: {  	_ =	shalt  }
0x50: {  	_ =	shalt  }
0x51: {  	_ =	shalt  }
0x52: {  	_ =	shalt  }
0x53: {  	_ =	shalt  }
0x54: {  	_ =	shalt  }
0x55: {  	_ =	shalt  }
0x56: {  	_ =	shalt  }
0x57: {  	_ =	shalt  }
0x58: {  	_ =	shalt  }
0x59: {  	_ =	shalt  }
0x5a: {  	_ =	shalt  }
0x5b: {  	_ =	shalt  }
0x5c: {  	_ =	shalt  }
0x5d: {  	_ =	shalt  }
0x5e: {  	_ =	shalt  }
0x5f: {  	_ =	shalt  }
0x60: {  	_ =	shalt  }
0x61: {  	_ =	shalt  }
0x62: {  	_ =	shalt  }
0x63: {  	_ =	shalt  }
0x64: {  	_ =	shalt  }
0x65: {  	_ =	shalt  }
0x66: {  	_ =	shalt  }
0x67: {  	_ =	shalt  }
0x68: {  	_ =	shalt  }
0x69: {  	_ =	shalt  }
0x6a: {  	_ =	shalt  }
0x6b: {  	_ =	shalt  }
0x6c: {  	_ =	shalt  }
0x6d: {  	_ =	shalt  }
0x6e: {  	_ =	shalt  }
0x6f: {  	_ =	shalt  }
0x70: {  	_ =	shalt  }
0x71: {  	_ =	shalt  }
0x72: {  	_ =	shalt  }
0x73: {  	_ =	shalt  }
0x74: {  	_ =	shalt  }
0x75: {  	_ =	shalt  }
0x76: {  	_ =	shalt  }
0x77: {  	_ =	shalt  }
0x78: {  	_ =	shalt  }
0x79: {  	_ =	shalt  }
0x7a: {  	_ =	shalt  }
0x7b: {  	_ =	shalt  }
0x7c: {  	_ =	shalt  }
0x7d: {  	_ =	shalt  }
0x7e: {  	_ =	shalt  }
0x7f: {  	_ =	shalt  }
0x80: {  	_ =	shalt  }
0x81: {  	_ =	shalt  }
0x82: {  	_ =	shalt  }
0x83: {  	_ =	shalt  }
0x84: {  	_ =	shalt  }
0x85: {  	_ =	shalt  }
0x86: {  	_ =	shalt  }
0x87: {  	_ =	shalt  }
.Lfunc_end0:
.L_simem_size_0:
called_computation.5_lowered:
.L_overlay_start_0:
0x88: {  	s2 =	sld [smem:$0x3FD9]  }
0x89: {  	s3 =	sld [smem:$0x3FFE];
	_ =	sdelay $0x1  }
0x8a: {  	s1 =	srdreg.scid  }
0x8b: {  	s0 =	sand.u32 $0x1, s1  }
0x8c: {  	s17 =	sshll.u32 s0, $0xA;
	s2 =	sadd.s32 s3, s2  }
0x8d: {  	s2 =	sadd.s32 s2, s17  }
0x8e: {  	[smem:$0x3FB7] =	sst s2  }
0x8f: {  	_ = 	snop  }
0x90: {  	(tm) =	ssettm $0x1  }
0x91: {  	s18 =	sld [smem:$0x3FFB];
	_ =	sdelay $0x3  }
0x92: {  	_ =	strace s18  }
0x93: {  	s2 =	sld [smem:$0x3FFC];
	_ =	sdelay $0x3  }
0x94: {  	_ =	strace s2  }
0x95: {  	s2 =	sld [smem:$0x3FFD];
	_ =	sdelay $0x3  }
0x96: {  	_ =	strace s2  }
0x97: {  	_ =	strace $0x8FFFFFFF  }
0x98: {  	s19 =	sld [smem:$0x3FDB];
	_ =	sdelay $0x1  }
0x99: {  	s20 =	simm.s32 $_scs_section_size  }
0x9a: {  	s4 =	simm.s32 $_size__tile_overlayer_lowered;
	s5 =	simm.s32 $_tile_overlayer_lowered  }
0x9b: {  	s6 =	simm.s32 $0x1BFF;
	s21 =	sshll.u32 s5, $0x1;
	s3 =	sadd.s32 s20, s19  }
0x9c: {  	s22 =	simm.s32 $0x0;
	s4 =	sshll.u32 s4, $0x1;
	s5 =	sadd.s32 s21, s3  }
0x9d: {  	[timem:s22], [sflag:s6] =	dma.local [hbm:s5], s4  }
0x9e: {  	_ =	swait.ge [sflag:s6], s4  }
0x9f: {  	s4 =	ssub.s32 $0x0, s4;
	[sflag:s6] =	ssyncset.done $0x0  }
0xa0: {  	[sflag:s6] =	ssyncadd.s32 s4;
	_ =	sdelay $0x1  }
0xa1: {  	s23 =	simm.s32 $0x1B8B  }
0xa2: {  	_ =	swait.ge [sflag:s23], $0x1  }
0xa3: {  	[sflag:s23] =	ssyncset.done $0x0  }
0xa4: {  	[sflag:s23] =	ssyncadd.s32 $0xFFFFFFFF  }
0xa5: {  	s4 =	sld [smem:$0x0]  }
0xa6: {  	s5 =	sand.u32 $0xFFFFFFFE, s1  }
0xa7: {  	p0 =	sne.s32 s1, s5  }
0xa8: {  	s5 =	sshll.u32 @p0 s5, $0xE  }
0xa9: {  	s5 =	sadd.s32 @p0 $0x11B8D, s5;
	s6 =	sshll.u32 @p0 s4, $0x11  }
0xaa: {  	s5 =	sor.u32 @p0 s6, s5  }
0xab: {  	[sflag:s5] =	ssyncadd.remote.s32 @p0 $0x1;
	_ =	sdelay $0x1  }
0xac: {  	s5 =	simm.s32 @p0 $0x1B8D  }
0xad: {  	_ =	swait.eq @p0 [sflag:s5], $0x1  }
0xae: {  	[sflag:s5] =	ssyncadd.s32 @p0 $0xFFFFFFFF  }
0xaf: {  	s6 =	sshll.u32 @!p0 s1, $0xE  }
0xb0: {  	s6 =	sor.u32 @!p0 $0x4000, s6;
	s5 =	simm.s32 @!p0 $0x1B8D  }
0xb1: {  	s4 =	sshll.u32 @!p0 s4, $0x11;
	s6 =	sadd.s32 @!p0 $0x11B8D, s6;
	_ =	swait.eq @!p0 [sflag:s5], $0x1  }
0xb2: {  	s4 =	sor.u32 @!p0 s4, s6;
	[sflag:s5] =	ssyncadd.s32 @!p0 $0xFFFFFFFF  }
0xb3: {  	s25 =	simm.s32 $0x1B8E;
	s24 =	sld [smem:$0x3FFE];
	[sflag:s4] =	ssyncadd.remote.s32 @!p0 $0x1  }
0xb4: {  	s26 =	simm.s32 $execute0_lowered;
	[smem:$0x3FD2] =	sst s25  }
0xb5: {  	s5 =	sshll.u32 s26, $0x1;
	_ =	strace $0x80000055;
	[dreg:$0x1] =	wrdreg $0xFFFFFFFF  }
0xb6: {  	s28 =	simm.s32 $_size_execute0_lowered;
	s3 =	sadd.s32 s3, s5;
	[dreg:$0x0] =	wrdreg $0x0  }
0xb7: {  	s5 =	sshll.u32 s28, $0x1;
	[dreg:$0x2] =	wrdreg s3  }
0xb8: {  	[dreg:$0x3] =	wrdreg s5  }
0xb9: {  	[dreg:$0x4] =	wrdreg $0xC0  }
0xba: {  	_ =	task [dreg:s22], $0x5FFFF  }
0xbb: {  	[dreg:$0x1] =	wrdreg $0xFFFFFFFF  }
0xbc: {  	[dreg:$0x0] =	wrdreg $0x60  }
0xbd: {  	[dreg:$0x2] =	wrdreg s24  }
0xbe: {  	[dreg:$0x3] =	wrdreg $0x0  }
0xbf: {  	[dreg:$0x4] =	wrdreg $0x9  }
0xc0: {  	_ =	task.clear_ibuf [dreg:s22], $0x5FFFF;
	_ =	strace $0x90000055  }
0xc1: {  	s29 =	simm.s32 $0x9;
	_ =	strace $0x80000057  }
0xc2: {  	_ =	swait.ge [sflag:s29], $0x1  }
0xc3: {  	[sflag:s29] =	ssyncadd.s32 $0xFFFFFFFF  }
0xc4: {  	_ =	strace $0x90000057  }
0xc5: {  	_ =	sfence  }
0xc6: {  	s30 =	sld [smem:$0x0];
	_ =	sdelay $0x2  }
0xc7: {  	s31 =	sshll.u32 s1, $0xD;
	s1 =	sshrl.u32 s1, $0x2  }
0xc8: {  	s4 =	sand.u32 $0x4000, s31;
	s1 =	sadd.s32 s1, s30  }
0xc9: {  	s0 =	sor.u32 s4, s0;
	s1 =	sshll.u32 s1, $0x11  }
0xca: {  	s0 =	sor.u32 s1, s0  }
0xcb: {  	s0 =	sadd.s32 $0x8F2B, s0  }
0xcc: {  	[sflag:s0] =	ssyncadd.remote.s32 $0x1  }
0xcd: {  	_ =	sfence.sel $0xFFFF  }
0xce: {  	[dreg:$0x0] =	wrdreg $0xFFFFFFFF;
	(pc) =	sbr.abs _section_cstart, $3  }
0xcf: {  	[dreg:$0x1] =	wrdreg $0xFFFFFFFF  }
0xd0: {  	_ =	task.clear_ibuf [dreg:s22], $0x2FFFF;
	_ =	strace $0x9FFFFFFF  }
0xd1: {  	(tm) =	ssettm $0x7FFFFFFF  }
tec
execute0_lowered:
.L_overlay_start_1:
0x0: {  	(tag) =	ssettag $0x1  }
0x1: {  	s5 =	rddreg [dreg:$0x0]  }
0x2: {  	s1 =	rddreg [dreg:$0x1];
	s2 =	srdreg.scid  }
0x3: {  	s0 =	rddreg [dreg:$0x2];
	s3 =	simm.s32 $0x0;
	s12 =	simm.s32 $0x1  }
0x4: {  	s13 =	simm.s32 $0x50;
	s14 =	simm.s32 $0x18000;
	s15 =	simm.s32 $0x2  }
0x5: {  	s16 =	simm.s32 $0x17E00;
	s4 =	sand.u32 $0x1, s2;
	s2 =	stileid.u32  }
0x6: {  	s17 =	simm.s32 $0x0;
	[smem:$0x7FF] =	sst s3;
	s6 =	smul.u32 $0x140000, s4  }
0x7: {  	s7 =	smul.u32 $0x14000, s2;
	_ =	strace $0x80000056;
	s8 =	sshll.u32 s4, $0xB  }
0x8: {  	s26 =	ssub.s32 $0x2, s4;
	s10 =	smul.u32 $0x50000, s2;
	s4 =	sadd.s32 $0x9000, s5  }
0x9: {  	s29 =	sshll.u32 s2, $0x6;
	s30 =	sshll.u32 s2, $0xC;
	s9 =	sshrl.u32 s26, $0x1  }
0xa: {  	s8 =	sadd.s32 s8, s5;
	s6 =	sadd.s32 s7, s6;
	s9 =	ssub.s32 s26, s9  }
0xb: {  	s28 =	sshrl.u32 s10, $0x2;
	s31 =	sadd.s32 s30, s8;
	s6 =	sshrl.u32 s6, $0x3  }
0xc: {  	s10 =	sadd.s32 s28, s1;
	s8 =	smax.u32 s9, $0x1;
	s11 =	sadd.s32 s6, s5  }
0xd: {  	s5 =	sor.u32 $0x1C01, s29;
	s6 =	sadd.s32 $0x44A000, s31;
	s9 =	sshrl.u32 s10, $0x3  }
0xe: {  	v0 =	vimm.f32 $1.000000000e+00;
	s10 =	simm.s32 $0x14000;
	s7 =	sadd.s32 $0x45A000, s11;
	s11 =	simm.s32 $0x3  }
.LBB2_1:
0xf: {  	[spmem:s9], [sflag:s5] =	dma.local [hbm:s4], $0x2800  }
0x10: {  	[tilespmem:s10], [sflag:$0x3] =	stream.linear.gather [hbm4b:s6+s3], $0x3E80, $0x38;
	[tilespmem:$0x1A800] =	vst v63  }
0x11: {  	_ =	swait.ge [sflag:s11], $0x3E80  }
0x12: {  	[sflag:s11] =	ssyncset.done $0x0  }
0x13: {  	s18 =	simm.s32 $0x0;
	s19 =	simm.s32 $0x200;
	[sflag:s11] =	ssyncadd.s32 $0xFFFFC180  }
.LBB2_2:
0x14: {  	p0 =	sne.s32 s19, $0x9E00;
	[tilespmem:s18+$0x18070] =	vst v0  }
0x15: {  	[tilespmem:s18+$0x18000] =	vst v0  }
0x16: {  	[tilespmem:s18+$0x18010] =	vst v0  }
.Ltmp0:
0x17: {  	[tilespmem:s18+$0x18020] =	vst v0;
	(pc) =	sbr.rel @p0 .LBB2_2-.Ltmp0, $4  }
0x18: {  	[tilespmem:s18+$0x18030] =	vst v0  }
0x19: {  	[tilespmem:s18+$0x18040] =	vst v0  }
0x1a: {  	[tilespmem:s18+$0x18050] =	vst v0  }
0x1b: {  	[tilespmem:s18+$0x18060] =	vst v0;
	s18 =	sshra.s32 s19, $0x2;
	s19 =	sadd.s32 $0x200, s19  }
0x1c: {  	[tilespmem:s18+$0x18070] =	vst v0  }
0x1d: {  	[tilespmem:s18+$0x18000] =	vst v0  }
0x1e: {  	[tilespmem:s18+$0x18010] =	vst v0  }
0x1f: {  	[tilespmem:s18+$0x18020] =	vst v0  }
0x20: {  	[tilespmem:s18+$0x18030] =	vst v0  }
0x21: {  	[tilespmem:s18+$0x18040] =	vst v0  }
0x22: {  	[tilespmem:s18+$0x18050] =	vst v0  }
0x23: {  	[tilespmem:s18+$0x18060] =	vst v0  }
0x24: {  	_ =	swait.ge [sflag:s12], $0x2800  }
0x25: {  	[sflag:s12] =	ssyncset.done $0x0  }
0x26: {  	[sflag:s12] =	ssyncadd.s32 $0xFFFFD800  }
0x27: {  	s30 =	simm.s32 $0x14000;
	[bflag:$0x0] =	sbarrier.arrive $0xFFFF  }
0x28: {  	[spmem:s1] =	stream.indirect.scatter.add.f32 [tilespmem:s14], [sflag:$0x1], $0x80, s30, s13, $0xb8;
	[tilespmem:$0x1A800] =	vst v63  }
0x29: {  	s31 =	simm.s32 $0x14080  }
0x2a: {  	[spmem:s1] =	stream.indirect.scatter.add.f32 [tilespmem:s14], [sflag:$0x2], $0x80, s31, s13, $0xb8;
	[tilespmem:$0x1A800] =	vst v63  }
0x2b: {  	_ =	swait.ge [sflag:s12], $0x2800  }
0x2c: {  	[sflag:s12] =	ssyncset.done $0x0  }
0x2d: {  	[sflag:s12] =	ssyncadd.s32 $0xFFFFD800  }
0x2e: {  	_ =	swait.ge [sflag:s15], $0x2800  }
0x2f: {  	s19 =	simm.s32 $0x800;
	s18 =	simm.s32 $0x100;
	[sflag:s15] =	ssyncset.done $0x0  }
.LBB2_4:
0x30: {  	s20 =	sadd.s32 $0x14000, s18  }
0x31: {  	[sflag:s15] =	ssyncadd.s32 $0xFFFFD800;
	s21 =	smov.u32 s19;
	s22 =	sadd.s32 $0x400, s19  }
0x32: {  	[spmem:s1] =	stream.indirect.scatter.add.f32 [tilespmem:s14], [sflag:$0x1], $0x80, s20, s13, $0xb8;
	[tilespmem:$0x1A800] =	vst v63  }
0x33: {  	p0 =	sne.s32 s19, $0xF400;
	s18 =	sadd.s32 $0x14080, s18  }
0x34: {  	[spmem:s1] =	stream.indirect.scatter.add.f32 [tilespmem:s14], [sflag:$0x2], $0x80, s18, s13, $0xb8;
	[tilespmem:$0x1A800] =	vst v63  }
.Ltmp1:
0x35: {  	_ =	swait.ge [sflag:s12], $0x2800;
	(pc) =	sbr.rel @p0 .LBB2_4-.Ltmp1, $4  }
0x36: {  	[sflag:s12] =	ssyncset.done $0x0  }
0x37: {  	[sflag:s12] =	ssyncadd.s32 $0xFFFFD800  }
0x38: {  	_ =	swait.ge [sflag:s15], $0x2800  }
0x39: {  	s19 =	smov.u32 s22;
	s18 =	sshra.s32 s21, $0x2;
	[sflag:s15] =	ssyncset.done $0x0  }
0x3a: {  	s19 =	sadd.s32 $0x14000, s18;
	[sflag:s15] =	ssyncadd.s32 $0xFFFFD800  }
0x3b: {  	[spmem:s1] =	stream.indirect.scatter.add.f32 [tilespmem:s14], [sflag:$0x1], $0x80, s19, s13, $0xb8;
	[tilespmem:$0x1A800] =	vst v63  }
0x3c: {  	s31 =	sadd.s32 $0x14080, s18  }
0x3d: {  	[spmem:s1] =	stream.indirect.scatter.add.f32 [tilespmem:s14], [sflag:$0x2], $0x80, s31, s13, $0xb8;
	[tilespmem:$0x1A800] =	vst v63  }
0x3e: {  	_ =	swait.ge [sflag:s12], $0x2800  }
0x3f: {  	[sflag:s12] =	ssyncset.done $0x0  }
0x40: {  	[sflag:s12] =	ssyncadd.s32 $0xFFFFD800  }
0x41: {  	_ =	swait.ge [sflag:s15], $0x2800  }
0x42: {  	[sflag:s15] =	ssyncset.done $0x0  }
0x43: {  	[sflag:s15] =	ssyncadd.s32 $0xFFFFD800  }
0x44: {  	[spmem:s1] =	stream.indirect.scatter.add.f32 [tilespmem:s14], [sflag:$0x1], $0x80, s16, s13, $0xb8;
	[tilespmem:$0x1A800] =	vst v63  }
0x45: {  	_ =	swait.ge [sflag:s12], $0x2800  }
0x46: {  	s17 =	sadd.s32 $0x1, s17;
	[sflag:s12] =	ssyncset.done $0x0  }
0x47: {  	p0 =	sne.s32 s17, s8;
	[sflag:s12] =	ssyncadd.s32 $0xFFFFD800  }
.Ltmp2:
0x48: {  	[bflag:$0x0] =	sbarrier.arrive $0xFFFF;
	(pc) =	sbr.rel @p0 .LBB2_1-.Ltmp2, $4  }
0x49: {  	[hbm:s7], [sflag:s5] =	dma.local [spmem:s9], $0x2800  }
0x4a: {  	_ =	swait.ge [sflag:s12], $0x2800  }
0x4b: {  	[sflag:s12] =	ssyncset.done $0x0  }
0x4c: {  	[sflag:s12] =	ssyncadd.s32 $0xFFFFD800  }
0x4d: {  	_ =	sfence.sel $0x180000  }
0x4e: {  	[bflag:$0x0] =	sbarrier.arrive $0xFFFF  }
0x4f: {  	p0 =	sne.s32 s2, $0x0;
	_ =	strace $0x90000056  }
0x50: {  	s0 =	sadd.s32 @!p0 $0x100000, s0;
	[bflag:$0x2] =	sbarrier.arrive $0xFFFF  }
0x51: {  	[sflag:s0] =	ssyncadd.tile.s32 @!p0 $0x1;
	_ =	shalt  }
.Lfunc_end2:
_tile_overlayer_lowered:
.L_overlay_start_2:
0x52: {  	(tag) =	ssettag $0x2  }
0x53: {  	s0 =	rddreg [dreg:$0x0];
	s2 =	stileid.u32  }
0x54: {  	s1 =	rddreg [dreg:$0x1];
	p0 =	sne.s32 s2, $0x0  }
0x55: {  	s3 =	rddreg [dreg:$0x2];
	[bflag:$0x3] =	sbarrier.arrive $0xFFFF;
	s2 =	simm.s32 @!p0 $0x1C03  }
0x56: {  	[timem:s3], [sflag:s2] =	dma.local @!p0 [hbm:s0], s1  }
0x57: {  	s0 =	simm.s32 @!p0 $0x3  }
0x58: {  	_ =	swait.ge @!p0 [sflag:s0], s1  }
0x59: {  	s1 =	ssub.s32 @!p0 $0x0, s1;
	[sflag:s0] =	ssyncset.done @!p0 $0x0  }
0x5a: {  	[sflag:s0] =	ssyncadd.s32 @!p0 s1  }
0x5b: {  	[bflag:$0x3] =	sbarrier.arrive $0xFFFF  }
0x5c: {  	_ =	shalt  }

// kernel: kernel.34.cloned.1.call-start
scs
__scs_entry_jumppad:
0x0: {  	(pc) =	sbr.rel $0x88, $3  }
0x1: {  	(tag) =	ssettag $0x0;
	lr =	simm.s32 $0x1  }
0x2: {  	[smem:$0x3F90] =	sst lr;
	_ =	strace $0xD0000000  }
0x3: {  	_ = 	snop  }
0x4: {  	_ = 	snop  }
0x5: {  	_ = 	snop  }
0x6: {  	_ = 	snop  }
0x7: {  	_ = 	snop  }
__scs_overlays_trampoline_lowered:
0x8: {  	[smem:$0x3F9F] =	sst s0  }
0x9: {  	[smem:$0x3FA0] =	sst s1  }
0xa: {  	[smem:$0x3FA1] =	sst s2  }
0xb: {  	[smem:$0x3FA2] =	sst s3  }
0xc: {  	[smem:$0x3FA3] =	sst s4  }
0xd: {  	[smem:$0x3FA4] =	sst s5  }
0xe: {  	[smem:$0x3FA5] =	sst s6  }
0xf: {  	[smem:$0x3FA6] =	sst s7  }
0x10: {  	[smem:$0x3FA7] =	sst s8  }
0x11: {  	[smem:$0x3FA8] =	sst s9;
	s0 =	simm.s32 @!p0 $0x0  }
0x12: {  	s1 =	sld [smem:$0x3F8E];
	s0 =	simm.s32 @p0 $0x1  }
0x13: {  	[smem:$0x3FA9] =	sst s0;
	s0 =	simm.s32 @!p1 $0x0  }
0x14: {  	s2 =	sld [smem:$0x3F8D];
	s0 =	simm.s32 @p1 $0x1  }
0x15: {  	[smem:$0x3FAA] =	sst s0;
	s0 =	simm.s32 @!p2 $0x0  }
0x16: {  	s3 =	sld [smem:$0x3FDB];
	s0 =	simm.s32 @p2 $0x1  }
0x17: {  	s4 =	simm.s32 $0x1BF5;
	[smem:$0x3FAC] =	sst s0  }
0x18: {  	s0 =	sld [smem:$0x3F8F];
	_ =	swait.ge [sflag:s4], $0x0  }
0x19: {  	s7 =	sld [smem:$0x3F90]  }
0x1a: {  	s8 =	sadd.s32 $0xFFFFE003, lr  }
0x1b: {  	s9 =	sadd.s32 $0xFFFFFEF7, lr;
	s5 =	simm.s32 $0xFFFFFFFF;
	p2 =	slt.u32 s8, $0xFFFFF086  }
0x1c: {  	p1 =	slt.u32 s9, $0xF7A;
	s5 =	simm.s32 @!p2 $0x0  }
0x1d: {  	s5 =	simm.s32 @p1 $0x1;
	p0 =	seq.s32 s7, s2  }
0x1e: {  	s7 =	smul.u32 @!p0 $0xF7A, s2;
	p2 =	seq.s32 @!p0 s5, $0x0  }
0x1f: {  	s9 =	smul.u32 $0xF7A, s1;
	s8 =	simm.s32 @!p0 $0x1BF5;
	p2 =	por !p2, p0  }
0x20: {  	[sflag:s8] =	ssyncset.s32 @!p0 $0xFFFFF086;
	s6 =	sadd.s32 @!p0 s3, s7;
	s7 =	simm.s32 @!p0 $0x108  }
0x21: {  	s3 =	sadd.s32 s3, s9;
	s6 =	sadd.s32 @!p0 $0x88, s6;
	s7 =	simm.s32 @p2 $0x1082  }
0x22: {  	[simem:s7], [sflag:s8] =	dma.local @!p0 [hbm:s6], $0xF7A  }
0x23: {  	s9 =	sor.u32 $0xD0000000, s2;
	s6 =	simm.s32 $0x108;
	_ =	swait.ge @!p0 [sflag:s8], $0x0  }
0x24: {  	s3 =	sadd.s32 $0x88, s3;
	s6 =	simm.s32 @!p1 $0x1082;
	[sflag:s4] =	ssyncset.s32 $0xFFFFF086  }
0x25: {  	[simem:s6], [sflag:s4] =	dma.local [hbm:s3], $0xF7A  }
0x26: {  	[smem:$0x3F90] =	sst s1;
	(tag) =	ssettag s2;
	_ =	strace s9  }
0x27: {  	s1 =	sld [smem:$0x3FA0]  }
0x28: {  	s2 =	sld [smem:$0x3FA1]  }
0x29: {  	s4 =	sld [smem:$0x3FA3]  }
0x2a: {  	p0 =	seq.s32 s5, $0x0;
	s5 =	sld [smem:$0x3FA4]  }
0x2b: {  	s6 =	sld [smem:$0x3FA5]  }
0x2c: {  	s7 =	sld [smem:$0x3FA6]  }
0x2d: {  	s3 =	simm.s32 $0x108;
	s8 =	sld [smem:$0x3FA7]  }
0x2e: {  	s3 =	simm.s32 @!p0 $0x1082;
	s9 =	sld [smem:$0x3FA8]  }
0x2f: {  	lr =	sadd.s32 s0, s3;
	s0 =	sld [smem:$0x3F9F]  }
0x30: {  	s3 =	sld [smem:$0x3FA2]  }
0x31: {  	[smem:$0x3FAB] =	sst s10  }
0x32: {  	s10 =	sld [smem:$0x3FA9];
	_ =	sdelay $0x3  }
0x33: {  	p0 =	seq.s32 s10, $0x1;
	s10 =	sld [smem:$0x3FAB];
	_ =	sdelay $0x3  }
0x34: {  	[smem:$0x3FAB] =	sst s10  }
0x35: {  	s10 =	sld [smem:$0x3FAA];
	_ =	sdelay $0x3  }
0x36: {  	p1 =	seq.s32 s10, $0x1;
	s10 =	sld [smem:$0x3FAB];
	_ =	sdelay $0x3  }
0x37: {  	[smem:$0x3FAB] =	sst s10  }
0x38: {  	s10 =	sld [smem:$0x3FAC]  }
0x39: {  	_ = 	snop;
	(pc) =	sbr.ind lr, $3  }
0x3a: {  	_ = 	snop  }
0x3b: {  	_ = 	snop  }
0x3c: {  	p2 =	seq.s32 s10, $0x1;
	s10 =	sld [smem:$0x3FAB]  }
0x3d: {  	_ =	shalt  }
0x3e: {  	_ =	shalt  }
0x3f: {  	_ =	shalt  }
0x40: {  	_ =	shalt  }
0x41: {  	_ =	shalt  }
0x42: {  	_ =	shalt  }
0x43: {  	_ =	shalt  }
0x44: {  	_ =	shalt  }
0x45: {  	_ =	shalt  }
0x46: {  	_ =	shalt  }
0x47: {  	_ =	shalt  }
0x48: {  	_ =	shalt  }
0x49: {  	_ =	shalt  }
0x4a: {  	_ =	shalt  }
0x4b: {  	_ =	shalt  }
0x4c: {  	_ =	shalt  }
0x4d: {  	_ =	shalt  }
0x4e: {  	_ =	shalt  }
0x4f: {  	_ =	shalt  }
0x50: {  	_ =	shalt  }
0x51: {  	_ =	shalt  }
0x52: {  	_ =	shalt  }
0x53: {  	_ =	shalt  }
0x54: {  	_ =	shalt  }
0x55: {  	_ =	shalt  }
0x56: {  	_ =	shalt  }
0x57: {  	_ =	shalt  }
0x58: {  	_ =	shalt  }
0x59: {  	_ =	shalt  }
0x5a: {  	_ =	shalt  }
0x5b: {  	_ =	shalt  }
0x5c: {  	_ =	shalt  }
0x5d: {  	_ =	shalt  }
0x5e: {  	_ =	shalt  }
0x5f: {  	_ =	shalt  }
0x60: {  	_ =	shalt  }
0x61: {  	_ =	shalt  }
0x62: {  	_ =	shalt  }
0x63: {  	_ =	shalt  }
0x64: {  	_ =	shalt  }
0x65: {  	_ =	shalt  }
0x66: {  	_ =	shalt  }
0x67: {  	_ =	shalt  }
0x68: {  	_ =	shalt  }
0x69: {  	_ =	shalt  }
0x6a: {  	_ =	shalt  }
0x6b: {  	_ =	shalt  }
0x6c: {  	_ =	shalt  }
0x6d: {  	_ =	shalt  }
0x6e: {  	_ =	shalt  }
0x6f: {  	_ =	shalt  }
0x70: {  	_ =	shalt  }
0x71: {  	_ =	shalt  }
0x72: {  	_ =	shalt  }
0x73: {  	_ =	shalt  }
0x74: {  	_ =	shalt  }
0x75: {  	_ =	shalt  }
0x76: {  	_ =	shalt  }
0x77: {  	_ =	shalt  }
0x78: {  	_ =	shalt  }
0x79: {  	_ =	shalt  }
0x7a: {  	_ =	shalt  }
0x7b: {  	_ =	shalt  }
0x7c: {  	_ =	shalt  }
0x7d: {  	_ =	shalt  }
0x7e: {  	_ =	shalt  }
0x7f: {  	_ =	shalt  }
0x80: {  	_ =	shalt  }
0x81: {  	_ =	shalt  }
0x82: {  	_ =	shalt  }
0x83: {  	_ =	shalt  }
0x84: {  	_ =	shalt  }
0x85: {  	_ =	shalt  }
0x86: {  	_ =	shalt  }
0x87: {  	_ =	shalt  }
.Lfunc_end0:
.L_simem_size_0:
called_computation.6_lowered:
.L_overlay_start_0:
0x88: {  	s2 =	sld [smem:$0x3FD9]  }
0x89: {  	s3 =	sld [smem:$0x3FFE];
	_ =	sdelay $0x1  }
0x8a: {  	s1 =	srdreg.scid  }
0x8b: {  	s0 =	sand.u32 $0x1, s1  }
0x8c: {  	s15 =	sshll.u32 s0, $0xA;
	s2 =	sadd.s32 s3, s2  }
0x8d: {  	s2 =	sadd.s32 s2, s15  }
0x8e: {  	[smem:$0x3FB7] =	sst s2  }
0x8f: {  	_ = 	snop  }
0x90: {  	s2 =	sld [smem:$0x3FD0];
	_ =	sdelay $0x2  }
0x91: {  	s16 =	simm.s32 $0xF;
	s4 =	simm.s32 $0x10  }
0x92: {  	[smem:s4], [sflag:s16] =	dma.local [hbm:s2], $0x1  }
0x93: {  	_ =	swait.eq [sflag:s16], $0x1  }
0x94: {  	[sflag:s16] =	ssyncset.done $0x0  }
0x95: {  	[sflag:s16] =	ssyncadd.s32 $0xFFFFFFFF  }
0x96: {  	s17 =	sld [smem:$0x11];
	(tm) =	ssettm $0x1  }
0x97: {  	s18 =	sld [smem:$0x3FFB];
	_ =	sdelay $0x3  }
0x98: {  	_ =	strace s18  }
0x99: {  	s2 =	sld [smem:$0x3FFC];
	_ =	sdelay $0x3  }
0x9a: {  	_ =	strace s2  }
0x9b: {  	s2 =	sld [smem:$0x3FFD];
	_ =	sdelay $0x3  }
0x9c: {  	_ =	strace s2  }
0x9d: {  	_ =	strace $0x8FFFFFFF  }
0x9e: {  	s19 =	sld [smem:$0x3FDB];
	_ =	sdelay $0x1  }
0x9f: {  	s20 =	simm.s32 $_scs_section_size  }
0xa0: {  	s5 =	simm.s32 $_size__tile_overlayer_lowered;
	s6 =	simm.s32 $_tile_overlayer_lowered  }
0xa1: {  	s7 =	simm.s32 $0x1BFF;
	s21 =	sshll.u32 s6, $0x1;
	s4 =	sadd.s32 s20, s19  }
0xa2: {  	s22 =	simm.s32 $0x0;
	s5 =	sshll.u32 s5, $0x1;
	s6 =	sadd.s32 s21, s4  }
0xa3: {  	[timem:s22], [sflag:s7] =	dma.local [hbm:s6], s5  }
0xa4: {  	_ =	swait.ge [sflag:s7], s5  }
0xa5: {  	s5 =	ssub.s32 $0x0, s5;
	[sflag:s7] =	ssyncset.done $0x0  }
0xa6: {  	[sflag:s7] =	ssyncadd.s32 s5;
	_ =	sdelay $0x1  }
0xa7: {  	s23 =	simm.s32 $0x1B8B  }
0xa8: {  	_ =	swait.ge [sflag:s23], $0x1  }
0xa9: {  	[sflag:s23] =	ssyncset.done $0x0  }
0xaa: {  	[sflag:s23] =	ssyncadd.s32 $0xFFFFFFFF  }
0xab: {  	s5 =	sld [smem:$0x0]  }
0xac: {  	s6 =	sand.u32 $0xFFFFFFFE, s1  }
0xad: {  	p0 =	sne.s32 s1, s6  }
0xae: {  	s6 =	sshll.u32 @p0 s6, $0xE  }
0xaf: {  	s6 =	sadd.s32 @p0 $0x11B8D, s6;
	s7 =	sshll.u32 @p0 s5, $0x11  }
0xb0: {  	s6 =	sor.u32 @p0 s7, s6  }
0xb1: {  	[sflag:s6] =	ssyncadd.remote.s32 @p0 $0x1;
	_ =	sdelay $0x1  }
0xb2: {  	s6 =	simm.s32 @p0 $0x1B8D  }
0xb3: {  	_ =	swait.eq @p0 [sflag:s6], $0x1  }
0xb4: {  	[sflag:s6] =	ssyncadd.s32 @p0 $0xFFFFFFFF  }
0xb5: {  	s7 =	sshll.u32 @!p0 s1, $0xE  }
0xb6: {  	s7 =	sor.u32 @!p0 $0x4000, s7;
	s6 =	simm.s32 @!p0 $0x1B8D  }
0xb7: {  	s5 =	sshll.u32 @!p0 s5, $0x11;
	s7 =	sadd.s32 @!p0 $0x11B8D, s7;
	_ =	swait.eq @!p0 [sflag:s6], $0x1  }
0xb8: {  	s5 =	sor.u32 @!p0 s5, s7;
	[sflag:s6] =	ssyncadd.s32 @!p0 $0xFFFFFFFF  }
0xb9: {  	s25 =	simm.s32 $0x1B8E;
	s24 =	sld [smem:$0x3FFE];
	[sflag:s5] =	ssyncadd.remote.s32 @!p0 $0x1  }
0xba: {  	s26 =	simm.s32 $execute0_lowered;
	[smem:$0x3FD2] =	sst s25  }
0xbb: {  	s6 =	sshll.u32 s26, $0x1;
	_ =	strace $0x80000058;
	[dreg:$0x1] =	wrdreg $0xFFFFFFFF  }
0xbc: {  	s28 =	simm.s32 $_size_execute0_lowered;
	s4 =	sadd.s32 s4, s6;
	[dreg:$0x0] =	wrdreg $0x0  }
0xbd: {  	s6 =	sshll.u32 s28, $0x1;
	[dreg:$0x2] =	wrdreg s4  }
0xbe: {  	[dreg:$0x3] =	wrdreg s6  }
0xbf: {  	[dreg:$0x4] =	wrdreg $0xC0  }
0xc0: {  	_ =	task [dreg:s22], $0x5FFFF  }
0xc1: {  	[dreg:$0x1] =	wrdreg $0xFFFFFFFF  }
0xc2: {  	[dreg:$0x0] =	wrdreg $0x60  }
0xc3: {  	[dreg:$0x2] =	wrdreg s17  }
0xc4: {  	[dreg:$0x3] =	wrdreg s24  }
0xc5: {  	[dreg:$0x4] =	wrdreg $0x0  }
0xc6: {  	[dreg:$0x5] =	wrdreg $0xA  }
0xc7: {  	_ =	task.clear_ibuf [dreg:s22], $0x6FFFF;
	_ =	strace $0x90000058  }
0xc8: {  	s29 =	simm.s32 $0xA;
	_ =	strace $0x8000005A  }
0xc9: {  	_ =	swait.ge [sflag:s29], $0x1  }
0xca: {  	[sflag:s29] =	ssyncadd.s32 $0xFFFFFFFF  }
0xcb: {  	_ =	strace $0x9000005A  }
0xcc: {  	_ =	sfence  }
0xcd: {  	s30 =	sld [smem:$0x0];
	_ =	sdelay $0x2  }
0xce: {  	s31 =	sshll.u32 s1, $0xD;
	s1 =	sshrl.u32 s1, $0x2  }
0xcf: {  	s4 =	sand.u32 $0x4000, s31;
	s1 =	sadd.s32 s1, s30  }
0xd0: {  	s0 =	sor.u32 s4, s0;
	s1 =	sshll.u32 s1, $0x11  }
0xd1: {  	s0 =	sor.u32 s1, s0  }
0xd2: {  	s0 =	sadd.s32 $0x8F2B, s0  }
0xd3: {  	[sflag:s0] =	ssyncadd.remote.s32 $0x1  }
0xd4: {  	_ =	sfence.sel $0xFFFF  }
0xd5: {  	[dreg:$0x0] =	wrdreg $0xFFFFFFFF;
	(pc) =	sbr.abs _section_cstart, $3  }
0xd6: {  	[dreg:$0x1] =	wrdreg $0xFFFFFFFF  }
0xd7: {  	_ =	task.clear_ibuf [dreg:s22], $0x2FFFF;
	_ =	strace $0x9FFFFFFF  }
0xd8: {  	(tm) =	ssettm $0x7FFFFFFF  }
0xd9: {  	_ =	shalt  }
tec
execute0_lowered:
.L_overlay_start_1:
0x0: {  	(tag) =	ssettag $0x1  }
0x1: {  	s9 =	rddreg [dreg:$0x0]  }
0x2: {  	s5 =	rddreg [dreg:$0x1]  }
0x3: {  	s2 =	rddreg [dreg:$0x2];
	s1 =	srdreg.scid  }
0x4: {  	s0 =	rddreg [dreg:$0x3];
	s3 =	simm.s32 $0x0;
	s15 =	simm.s32 $0x18000  }
0x5: {  	s16 =	simm.s32 $0x1A800;
	s17 =	simm.s32 $0x50;
	s7 =	sand.u32 $0x1, s1  }
0x6: {  	s18 =	simm.s32 $0x2;
	s1 =	stileid.u32;
	s4 =	smul.u32 $0x140000, s7  }
0x7: {  	s19 =	simm.s32 $0x17E00;
	s20 =	simm.s32 $0x0;
	s8 =	smul.u32 $0x14000, s1  }
0x8: {  	[smem:$0x7FF] =	sst s3;
	s6 =	sshll.u32 s1, $0x1;
	s11 =	smul.u32 $0x50000, s1  }
0x9: {  	_ =	strace $0x80000059;
	s26 =	ssub.s32 $0x2, s7;
	s14 =	smul.u32 $0x4E200, s1  }
0xa: {  	s28 =	sshll.u32 s1, $0x6;
	s30 =	smul.u32 $0x27100, s7;
	s6 =	sor.u32 s7, s6  }
0xb: {  	s12 =	sshrl.u32 s26, $0x1;
	s10 =	sshll.u32 s6, $0xB;
	s4 =	sadd.s32 s8, s4  }
0xc: {  	s11 =	sshrl.u32 s11, $0x2;
	s6 =	smul.u32 $0x138800, s6;
	s12 =	ssub.s32 s26, s12  }
0xd: {  	s31 =	sadd.s32 s14, s9;
	s14 =	simm.s32 $0x1;
	s24 =	sadd.s32 s10, s5  }
0xe: {  	s25 =	sshrl.u32 s4, $0x3;
	s4 =	sadd.s32 $0x9000, s5;
	s11 =	sadd.s32 s11, s2  }
0xf: {  	s10 =	sadd.s32 s25, s5;
	s5 =	sor.u32 $0x1C01, s28;
	s13 =	sshrl.u32 s6, $0x3  }
0x10: {  	s6 =	sadd.s32 $0x44A000, s24;
	s11 =	sshrl.u32 s11, $0x3;
	s29 =	sadd.s32 s9, s13  }
0x11: {  	s8 =	sadd.s32 $0xB800, s10;
	s9 =	smax.u32 s12, $0x1;
	s10 =	sadd.s32 s30, s31  }
0x12: {  	s12 =	simm.s32 $0x14000;
	s13 =	simm.s32 $0x3;
	s7 =	sadd.s32 $0x26C00, s29  }
.LBB2_1:
0x13: {  	[spmem:s11], [sflag:s5] =	dma.local [hbm:s4], $0x2800  }
0x14: {  	[tilespmem:s12], [sflag:$0x3] =	stream.linear.gather [hbm4b:s6+s3], $0x3E80, $0x38;
	[tilespmem:$0x1D000] =	vst v63  }
0x15: {  	_ =	swait.ge [sflag:s13], $0x3E80  }
0x16: {  	[sflag:s13] =	ssyncset.done $0x0  }
0x17: {  	[sflag:s13] =	ssyncadd.s32 $0xFFFFC180  }
0x18: {  	_ =	swait.ge [sflag:s14], $0x2800  }
0x19: {  	[sflag:s14] =	ssyncset.done $0x0  }
0x1a: {  	[sflag:s14] =	ssyncadd.s32 $0xFFFFD800  }
0x1b: {  	[bflag:$0x0] =	sbarrier.arrive $0xFFFF  }
0x1c: {  	[tilespmem:s15], [sflag:$0x1] =	stream.linear.gather [hbm4b:s10+s3], $0x2800, $0x38;
	[tilespmem:$0x1D000] =	vst v63  }
0x1d: {  	s21 =	sadd.s32 $0x500, s10  }
0x1e: {  	[tilespmem:s16], [sflag:$0x2] =	stream.linear.gather [hbm4b:s21+s3], $0x2800, $0x38;
	[tilespmem:$0x1D000] =	vst v63  }
0x1f: {  	_ =	swait.ge [sflag:s14], $0x2800  }
0x20: {  	[sflag:s14] =	ssyncset.done $0x0  }
0x21: {  	s30 =	simm.s32 $0x14000;
	[sflag:s14] =	ssyncadd.s32 $0xFFFFD800  }
0x22: {  	[spmem:s2] =	stream.indirect.scatter.add.f32 [tilespmem:s15], [sflag:$0x1], $0x80, s30, s17, $0xb8;
	[tilespmem:$0x1D000] =	vst v63  }
0x23: {  	_ =	swait.ge [sflag:s18], $0x2800  }
0x24: {  	[sflag:s18] =	ssyncset.done $0x0  }
0x25: {  	s31 =	simm.s32 $0x14080;
	[sflag:s18] =	ssyncadd.s32 $0xFFFFD800  }
0x26: {  	[spmem:s2] =	stream.indirect.scatter.add.f32 [tilespmem:s16], [sflag:$0x2], $0x80, s31, s17, $0xb8;
	[tilespmem:$0x1D000] =	vst v63  }
0x27: {  	_ =	swait.ge [sflag:s14], $0x2800  }
0x28: {  	[sflag:s14] =	ssyncset.done $0x0  }
0x29: {  	[sflag:s14] =	ssyncadd.s32 $0xFFFFD800  }
0x2a: {  	_ =	swait.ge [sflag:s18], $0x2800  }
0x2b: {  	s22 =	smov.u32 s10;
	s21 =	simm.s32 $0x400;
	[sflag:s18] =	ssyncset.done $0x0  }
.LBB2_2:
0x2c: {  	p0 =	sne.s32 s21, $0xF400;
	[sflag:s18] =	ssyncadd.s32 $0xFFFFD800;
	s22 =	sadd.s32 $0xA00, s22  }
0x2d: {  	[tilespmem:s15], [sflag:$0x1] =	stream.linear.gather [hbm4b:s22+s3], $0x2800, $0x38;
	[tilespmem:$0x1D000] =	vst v63  }
0x2e: {  	s24 =	smov.u32 s21;
	s21 =	sadd.s32 $0x400, s21;
	s23 =	sadd.s32 $0x500, s22  }
0x2f: {  	[tilespmem:s16], [sflag:$0x2] =	stream.linear.gather [hbm4b:s23+s3], $0x2800, $0x38;
	[tilespmem:$0x1D000] =	vst v63  }
0x30: {  	_ =	swait.ge [sflag:s14], $0x2800  }
0x31: {  	s23 =	sshra.s32 s24, $0x2;
	[sflag:s14] =	ssyncset.done $0x0  }
0x32: {  	s24 =	sadd.s32 $0x14000, s23;
	[sflag:s14] =	ssyncadd.s32 $0xFFFFD800  }
0x33: {  	[spmem:s2] =	stream.indirect.scatter.add.f32 [tilespmem:s15], [sflag:$0x1], $0x80, s24, s17, $0xb8;
	[tilespmem:$0x1D000] =	vst v63  }
0x34: {  	_ =	swait.ge [sflag:s18], $0x2800  }
0x35: {  	[sflag:s18] =	ssyncset.done $0x0  }
0x36: {  	s23 =	sadd.s32 $0x14080, s23;
	[sflag:s18] =	ssyncadd.s32 $0xFFFFD800  }
0x37: {  	[spmem:s2] =	stream.indirect.scatter.add.f32 [tilespmem:s16], [sflag:$0x2], $0x80, s23, s17, $0xb8;
	[tilespmem:$0x1D000] =	vst v63  }
.Ltmp0:
0x38: {  	_ =	swait.ge [sflag:s14], $0x2800;
	(pc) =	sbr.rel @p0 .LBB2_2-.Ltmp0, $4  }
0x39: {  	[sflag:s14] =	ssyncset.done $0x0  }
0x3a: {  	[sflag:s14] =	ssyncadd.s32 $0xFFFFD800  }
0x3b: {  	_ =	swait.ge [sflag:s18], $0x2800  }
0x3c: {  	[sflag:s18] =	ssyncset.done $0x0  }
0x3d: {  	[sflag:s18] =	ssyncadd.s32 $0xFFFFD800  }
0x3e: {  	[tilespmem:s15], [sflag:$0x1] =	stream.linear.gather [hbm4b:s7+s3], $0x2800, $0x38;
	[tilespmem:$0x1D000] =	vst v63  }
0x3f: {  	_ =	swait.ge [sflag:s14], $0x2800  }
0x40: {  	[sflag:s14] =	ssyncset.done $0x0  }
0x41: {  	[sflag:s14] =	ssyncadd.s32 $0xFFFFD800  }
0x42: {  	[spmem:s2] =	stream.indirect.scatter.add.f32 [tilespmem:s15], [sflag:$0x1], $0x80, s19, s17, $0xb8;
	[tilespmem:$0x1D000] =	vst v63  }
0x43: {  	_ =	swait.ge [sflag:s14], $0x2800  }
0x44: {  	s20 =	sadd.s32 $0x1, s20;
	[sflag:s14] =	ssyncset.done $0x0  }
0x45: {  	p0 =	sne.s32 s20, s9;
	[sflag:s14] =	ssyncadd.s32 $0xFFFFD800  }
.Ltmp1:
0x46: {  	[bflag:$0x0] =	sbarrier.arrive $0xFFFF;
	(pc) =	sbr.rel @p0 .LBB2_1-.Ltmp1, $4  }
0x47: {  	[hbm:s8], [sflag:s5] =	dma.local [spmem:s11], $0x2800  }
0x48: {  	_ =	swait.ge [sflag:s14], $0x2800  }
0x49: {  	[sflag:s14] =	ssyncset.done $0x0  }
0x4a: {  	[sflag:s14] =	ssyncadd.s32 $0xFFFFD800  }
0x4b: {  	_ =	sfence.sel $0x180000  }
0x4c: {  	[bflag:$0x0] =	sbarrier.arrive $0xFFFF  }
0x4d: {  	p0 =	sne.s32 s1, $0x0;
	_ =	strace $0x90000059  }
0x4e: {  	s0 =	sadd.s32 @!p0 $0x100000, s0;
	[bflag:$0x2] =	sbarrier.arrive $0xFFFF  }
0x4f: {  	[sflag:s0] =	ssyncadd.tile.s32 @!p0 $0x1;
	_ =	shalt  }
.Lfunc_end2:
_tile_overlayer_lowered:
.L_overlay_start_2:
0x50: {  	(tag) =	ssettag $0x2  }
0x51: {  	s0 =	rddreg [dreg:$0x0];
	s2 =	stileid.u32  }
0x52: {  	s1 =	rddreg [dreg:$0x1];
	p0 =	sne.s32 s2, $0x0  }
0x53: {  	s3 =	rddreg [dreg:$0x2];
	[bflag:$0x3] =	sbarrier.arrive $0xFFFF;
	s2 =	simm.s32 @!p0 $0x1C03  }
0x54: {  	[timem:s3], [sflag:s2] =	dma.local @!p0 [hbm:s0], s1  }
0x55: {  	s0 =	simm.s32 @!p0 $0x3  }
0x56: {  	_ =	swait.ge @!p0 [sflag:s0], s1  }
0x57: {  	s1 =	ssub.s32 @!p0 $0x0, s1;
	[sflag:s0] =	ssyncset.done @!p0 $0x0  }
0x58: {  	[sflag:s0] =	ssyncadd.s32 @!p0 s1  }
0x59: {  	[bflag:$0x3] =	sbarrier.arrive $0xFFFF  }
0x5a: {  	_ =	shalt  }

</sc_bundles>
